<compile_context>
chip_gen: v7x
topology: tpu7x:2x2x1
jax: 0.10.2.dev20260603
libtpu: 0.0.44.dev20260713+nightly
codegen_flags: <defaults>
</compile_context>

<pallas_src>
import functools

import jax
import jax.numpy as jnp
from jax import lax
from jax.experimental import pallas as pl
from jax.experimental.pallas import tpu as pltpu
from jax.experimental.pallas import tpu_sc as plsc

N = 10000
E = 320000
D = 128
G = 100
GP = 104
NC = 2
NS = 16
NW = NC * NS
CH = 128
CPT = 80
EPT = CPT * CH
EPAD = EPT * NW
ZRM = 632
NPADM = NS * ZRM
RLASTM = N - 15 * ZRM
ZRD = 640
NPADD = NS * ZRD
BK = 1000
NB = N // BK

_mesh = plsc.VectorSubcoreMesh(core_axis_name="c", subcore_axis_name="s")


@functools.partial(
    pl.kernel,
    mesh=_mesh,
    out_type=jax.ShapeDtypeStruct((NC * NPADD,), jnp.float32),
    scratch_types=[
        pltpu.VMEM((CPT, CH), jnp.int32),
        pltpu.VMEM((CH,), jnp.float32),
        pltpu.VMEM((ZRD,), jnp.float32),
        pltpu.VMEM_SHARED((NPADD,), jnp.float32),
    ],
)
def _deg_call(dst_hbm, out_hbm, dst_v, ones_v, zbuf, hist):
    c = lax.axis_index("c")
    s = lax.axis_index("s")
    wid = c * NS + s

    for i in range(ZRD // 16):
        zbuf[pl.ds(i * 16, 16)] = jnp.zeros((16,), jnp.float32)
    for i in range(CH // 16):
        ones_v[pl.ds(i * 16, 16)] = jnp.ones((16,), jnp.float32)

    pltpu.sync_copy(dst_hbm.at[wid], dst_v)
    pltpu.sync_copy(zbuf, hist.at[pl.ds(s * ZRD, ZRD)])
    plsc.subcore_barrier()

    def body(j, _):
        pltpu.sync_copy(ones_v, hist.at[dst_v.at[j]], add=True)
        return _

    lax.fori_loop(0, CPT, body, None)
    plsc.subcore_barrier()

    pltpu.sync_copy(hist.at[pl.ds(s * ZRD, ZRD)], zbuf)
    pltpu.sync_copy(zbuf, out_hbm.at[pl.ds(c * NPADD + s * ZRD, ZRD)])


@functools.partial(
    pl.kernel,
    mesh=_mesh,
    out_type=jax.ShapeDtypeStruct((NC * N, D), jnp.float32),
    scratch_types=[
        pltpu.VMEM((CPT, CH), jnp.int32),
        pltpu.VMEM((CH,), jnp.int32),
        pltpu.VMEM((CH,), jnp.int32),
        pltpu.VMEM((CH, D), jnp.float32),
        pltpu.VMEM((CH, D), jnp.float32),
        pltpu.VMEM((8, D), jnp.float32),
        pltpu.VMEM_SHARED((NPADM, D), jnp.float32),
        pltpu.SemaphoreType.DMA,
        pltpu.SemaphoreType.DMA,
        pltpu.SemaphoreType.DMA,
        pltpu.SemaphoreType.DMA,
    ],
)
def _msg_call(hws_hbm, src_hbm, dst_hbm, out_hbm,
              src_v, didx0, didx1, rows0, rows1, zbuf, acc,
              sem0, sem1, dsem0, dsem1):
    c = lax.axis_index("c")
    s = lax.axis_index("s")
    wid = c * NS + s

    for i in range(8):
        for j in range(D // 16):
            zbuf[i, pl.ds(j * 16, 16)] = jnp.zeros((16,), jnp.float32)

    pltpu.sync_copy(src_hbm.at[wid], src_v)

    def zero_body(k, _):
        pltpu.sync_copy(zbuf, acc.at[pl.ds(s * ZRM + k * 8, 8)])
        return _

    lax.fori_loop(0, ZRM // 8, zero_body, None)
    plsc.subcore_barrier()

    pltpu.async_copy(dst_hbm.at[wid, 0], didx0, dsem0)
    pltpu.async_copy(hws_hbm.at[src_v.at[0]], rows0, sem0)

    def body(k, _):
        j0 = 2 * k
        pltpu.async_copy(dst_hbm.at[wid, j0 + 1], didx1, dsem1)
        pltpu.async_copy(hws_hbm.at[src_v.at[j0 + 1]], rows1, sem1)
        pltpu.make_async_copy(dst_hbm.at[wid, j0], didx0, dsem0).wait()
        pltpu.make_async_copy(hws_hbm.at[src_v.at[j0]], rows0, sem0).wait()
        pltpu.sync_copy(rows0, acc.at[didx0], add=True)

        @pl.when(k < CPT // 2 - 1)
        def _():
            pltpu.async_copy(dst_hbm.at[wid, j0 + 2], didx0, dsem0)
            pltpu.async_copy(hws_hbm.at[src_v.at[j0 + 2]], rows0, sem0)

        pltpu.make_async_copy(dst_hbm.at[wid, j0 + 1], didx1, dsem1).wait()
        pltpu.make_async_copy(hws_hbm.at[src_v.at[j0 + 1]], rows1, sem1).wait()
        pltpu.sync_copy(rows1, acc.at[didx1], add=True)
        return _

    lax.fori_loop(0, CPT // 2, body, None)
    plsc.subcore_barrier()

    @pl.when(s < NS - 1)
    def _wb():
        pltpu.sync_copy(acc.at[pl.ds(s * ZRM, ZRM)],
                        out_hbm.at[pl.ds(c * N + s * ZRM, ZRM)])

    @pl.when(s == NS - 1)
    def _wb_last():
        pltpu.sync_copy(acc.at[pl.ds(s * ZRM, RLASTM)],
                        out_hbm.at[pl.ds(c * N + s * ZRM, RLASTM)])


def _matmul1_body(x_ref, w_ref, hw_ref):
    hw_ref[...] = jnp.dot(x_ref[...], w_ref[...],
                          preferred_element_type=jnp.float32)


def _matmul1(x, w):
    return pl.pallas_call(
        _matmul1_body,
        grid=(NB,),
        in_specs=[
            pl.BlockSpec((BK, D), lambda i: (i, 0)),
            pl.BlockSpec((D, D), lambda i: (0, 0)),
        ],
        out_specs=pl.BlockSpec((BK, D), lambda i: (i, 0)),
        out_shape=jax.ShapeDtypeStruct((N, D), jnp.float32),
    )(x, w)


def _scale_body(d0_ref, d1_ref, hw_ref, hws_ref):
    deg = d0_ref[...] + d1_ref[...] + 1.0
    hws_ref[...] = hw_ref[...] * lax.rsqrt(deg)


def _scale(d0, d1, hw):
    return pl.pallas_call(
        _scale_body,
        grid=(NB,),
        in_specs=[
            pl.BlockSpec((BK, 1), lambda i: (i, 0)),
            pl.BlockSpec((BK, 1), lambda i: (i, 0)),
            pl.BlockSpec((BK, D), lambda i: (i, 0)),
        ],
        out_specs=pl.BlockSpec((BK, D), lambda i: (i, 0)),
        out_shape=jax.ShapeDtypeStruct((N, D), jnp.float32),
    )(d0, d1, hw)


def _mid_body(d0_ref, d1_ref, p0_ref, p1_ref, hwsp_ref, b_ref, w_ref,
              hws_ref):
    deg = d0_ref[...] + d1_ref[...] + 1.0
    dis = lax.rsqrt(deg)
    agg = dis * (p0_ref[...] + p1_ref[...] + hwsp_ref[...])
    h = jnp.maximum(agg + b_ref[...], 0.0)
    hw = jnp.dot(h, w_ref[...], preferred_element_type=jnp.float32)
    hws_ref[...] = hw * dis


def _mid(d0, d1, p0, p1, hwp, b, w):
    return pl.pallas_call(
        _mid_body,
        grid=(NB,),
        in_specs=[
            pl.BlockSpec((BK, 1), lambda i: (i, 0)),
            pl.BlockSpec((BK, 1), lambda i: (i, 0)),
            pl.BlockSpec((BK, D), lambda i: (i, 0)),
            pl.BlockSpec((BK, D), lambda i: (i + NB, 0)),
            pl.BlockSpec((BK, D), lambda i: (i, 0)),
            pl.BlockSpec((1, D), lambda i: (0, 0)),
            pl.BlockSpec((D, D), lambda i: (0, 0)),
        ],
        out_specs=pl.BlockSpec((BK, D), lambda i: (i, 0)),
        out_shape=jax.ShapeDtypeStruct((N, D), jnp.float32),
    )(d0, d1, p0, p1, hwp, b, w)


def _head_body(d0_ref, d1_ref, p0_ref, p1_ref, hwp_ref, b_ref, batch_ref,
               demo_ref, fw1a_ref, fw1b_ref, fb1_ref, fw2_ref, fb2_ref,
               fw3_ref, fb3_ref, out_ref, sum_acc, cnt_acc):
    i = pl.program_id(0)

    @pl.when(i == 0)
    def _init():
        sum_acc[...] = jnp.zeros_like(sum_acc)
        cnt_acc[...] = jnp.zeros_like(cnt_acc)

    deg = d0_ref[...] + d1_ref[...] + 1.0
    dis = lax.rsqrt(deg)
    agg = dis * (p0_ref[...] + p1_ref[...] + hwp_ref[...])
    h = jnp.maximum(agg + b_ref[...], 0.0)

    gid = lax.broadcasted_iota(jnp.int32, (GP, 1), 0)
    mask = (gid == batch_ref[...].reshape(1, BK)).astype(jnp.float32)
    sum_acc[...] += jnp.dot(mask, h, preferred_element_type=jnp.float32)
    cnt_acc[...] += jnp.sum(mask, axis=1, keepdims=True)

    @pl.when(i == NB - 1)
    def _fin():
        pooled = sum_acc[...] / jnp.maximum(cnt_acc[...], 1.0)
        z = jnp.dot(pooled, fw1a_ref[...], preferred_element_type=jnp.float32)
        z += jnp.dot(demo_ref[...], fw1b_ref[...],
                     preferred_element_type=jnp.float32)
        z = jnp.maximum(z + fb1_ref[...], 0.0)
        z = jnp.maximum(
            jnp.dot(z, fw2_ref[...], preferred_element_type=jnp.float32)
            + fb2_ref[...], 0.0)
        z = jnp.dot(z, fw3_ref[...],
                    preferred_element_type=jnp.float32) + fb3_ref[...]
        out_ref[...] = z[:G]


def _head(d0, d1, p0, p1, hwp, b, batch2d, demo,
          fw1a, fw1b, fb1, fw2, fb2, fw3, fb3):
    return pl.pallas_call(
        _head_body,
        grid=(NB,),
        in_specs=[
            pl.BlockSpec((BK, 1), lambda i: (i, 0)),
            pl.BlockSpec((BK, 1), lambda i: (i, 0)),
            pl.BlockSpec((BK, D), lambda i: (i, 0)),
            pl.BlockSpec((BK, D), lambda i: (i + NB, 0)),
            pl.BlockSpec((BK, D), lambda i: (i, 0)),
            pl.BlockSpec((1, D), lambda i: (0, 0)),
            pl.BlockSpec((1, 1, BK), lambda i: (i, 0, 0)),
            pl.BlockSpec((GP, 8), lambda i: (0, 0)),
            pl.BlockSpec((D, 64), lambda i: (0, 0)),
            pl.BlockSpec((8, 64), lambda i: (0, 0)),
            pl.BlockSpec((1, 64), lambda i: (0, 0)),
            pl.BlockSpec((64, 32), lambda i: (0, 0)),
            pl.BlockSpec((1, 32), lambda i: (0, 0)),
            pl.BlockSpec((32, 2), lambda i: (0, 0)),
            pl.BlockSpec((1, 2), lambda i: (0, 0)),
        ],
        out_specs=pl.BlockSpec((G, 2), lambda i: (0, 0)),
        out_shape=jax.ShapeDtypeStruct((G, 2), jnp.float32),
        scratch_shapes=[
            pltpu.VMEM((GP, D), jnp.float32),
            pltpu.VMEM((GP, 1), jnp.float32),
        ],
    )(d0, d1, p0, p1, hwp, b, batch2d, demo,
      fw1a, fw1b, fb1, fw2, fb2, fw3, fb3)


def kernel(x, edge_index, batch, demographic,
           W1, b1, W2, b2, W3, b3, fw1, fb1, fw2, fb2, fw3, fb3):
    src = edge_index[0].astype(jnp.int32)
    dst = edge_index[1].astype(jnp.int32)
    pad = EPAD - E
    pad_i = jnp.arange(pad, dtype=jnp.int32)
    src_p = jnp.concatenate(
        [src, pad_i % N]).reshape(NW, CPT, CH)
    dst_p = jnp.concatenate(
        [dst, N + pad_i % (NPADM - N)]).reshape(NW, CPT, CH)

    degp = _deg_call(dst_p)
    d0 = degp[:N].reshape(N, 1)
    d1 = degp[NPADD:NPADD + N].reshape(N, 1)

    hws1 = _scale(d0, d1, _matmul1(x, W1))
    s1 = _msg_call(hws1, src_p, dst_p)
    hws2 = _mid(d0, d1, s1, s1, hws1, b1.reshape(1, D), W2)
    s2 = _msg_call(hws2, src_p, dst_p)
    hws3 = _mid(d0, d1, s2, s2, hws2, b2.reshape(1, D), W3)
    s3 = _msg_call(hws3, src_p, dst_p)

    batch2d = batch.reshape(NB, 1, BK).astype(jnp.int32)
    demo = jnp.zeros((GP, 8), jnp.float32).at[:G].set(demographic)
    return _head(d0, d1, s3, s3, hws3, b3.reshape(1, D), batch2d,
                 demo, fw1[:D], fw1[D:], fb1.reshape(1, 64),
                 fw2, fb2.reshape(1, 32), fw3, fb3.reshape(1, 2))

# --- scband reference (transcript-rebuilt; emitter-appended) ---
"""Pipeline reference for scband-roiaware-gcn-48077863911624 (READ-ONLY COPY).

The authoritative reference and input builder live on the scoring server;
editing this copy changes nothing except your own understanding.
"""

import jax, jax.numpy as jnp
import numpy as np

N = 10000
E = 320000
D_IN = 128
D_H = 128
D_OUT = 128
G = 100
DEMO = 8

def setup_inputs(seed: int = 0) -> dict:
    key = jax.random.key(seed)
    ks = jax.random.split(key, 20)
    x = jax.random.normal(ks[0], (N, D_IN), jnp.float32)
    edge_index = jax.random.randint(ks[1], (2, E), 0, N, jnp.int32)
    batch = jnp.sort(jax.random.randint(ks[2], (N,), 0, G, jnp.int32))
    demographic = jax.random.normal(ks[3], (G, DEMO), jnp.float32)
    def lin(k, fi, fo):
        return jax.random.normal(k, (fi, fo), jnp.float32) / jnp.sqrt(fi)
    W1 = lin(ks[4], D_IN, D_H); b1 = jnp.zeros((D_H,), jnp.float32)
    W2 = lin(ks[5], D_H, D_H); b2 = jnp.zeros((D_H,), jnp.float32)
    W3 = lin(ks[6], D_H, D_OUT); b3 = jnp.zeros((D_OUT,), jnp.float32)
    fw1 = lin(ks[7], D_OUT + DEMO, 64); fb1 = jnp.zeros((64,), jnp.float32)
    fw2 = lin(ks[8], 64, 32); fb2 = jnp.zeros((32,), jnp.float32)
    fw3 = lin(ks[9], 32, 2); fb3 = jnp.zeros((2,), jnp.float32)
    return {"x": x, "edge_index": edge_index, "batch": batch, "demographic": demographic,
            "W1": W1, "b1": b1, "W2": W2, "b2": b2, "W3": W3, "b3": b3,
            "fw1": fw1, "fb1": fb1, "fw2": fw2, "fb2": fb2, "fw3": fw3, "fb3": fb3}

def reference(x, edge_index, batch, demographic, W1, b1, W2, b2, W3, b3, fw1, fb1, fw2, fb2, fw3, fb3):
    # GCNConv with added self-loops and symmetric normalization (PyG semantics)
    loop = jnp.arange(N, dtype=edge_index.dtype)
    src = jnp.concatenate([edge_index[0], loop])
    dst = jnp.concatenate([edge_index[1], loop])
    deg = jnp.zeros((N,), jnp.float32).at[dst].add(1.0)
    dis = 1.0 / jnp.sqrt(jnp.maximum(deg, 1.0))
    norm = dis[src] * dis[dst]

    def gcn(h, W, b):
        hw = h @ W
        msg = hw[src] * norm[:, None]
        agg = jnp.zeros((N, W.shape[1]), hw.dtype).at[dst].add(msg)
        return agg + b

    h = jax.nn.relu(gcn(x, W1, b1))
    h = jax.nn.relu(gcn(h, W2, b2))
    h = jax.nn.relu(gcn(h, W3, b3))
    sums = jax.ops.segment_sum(h, batch, num_segments=G)
    cnt = jax.ops.segment_sum(jnp.ones((N, 1), jnp.float32), batch, num_segments=G)
    pooled = sums / jnp.maximum(cnt, 1.0)
    z = jnp.concatenate([pooled, demographic], axis=1)
    z = jax.nn.relu(z @ fw1 + fb1)
    z = jax.nn.relu(z @ fw2 + fb2)
    return z @ fw3 + fb3

if __name__ == "__main__":
    import jax
    _d = setup_inputs()
    print(jax.jit(kernel)(*tuple(_d.values())))

</pallas_src>

<mosaic_0001>
#map = affine_map<(d0, d1) -> (0, 0)>
#map1 = affine_map<(d0, d1) -> (0, 0, 0)>
module attributes {stable_mosaic.version = 14 : i64} {
  func.func @_msg_call(%arg0: i32, %arg1: i32, %arg2: memref<10000x128xf32, #tpu.memory_space<hbm>>, %arg3: memref<32x80x128xi32, #tpu.memory_space<hbm>>, %arg4: memref<32x80x128xi32, #tpu.memory_space<hbm>>, %arg5: memref<20000x128xf32, #tpu.memory_space<hbm>>, %arg6: memref<80x128xi32, #tpu.memory_space<vmem>>, %arg7: memref<128xi32, #tpu.memory_space<vmem>>, %arg8: memref<128xi32, #tpu.memory_space<vmem>>, %arg9: memref<128x128xf32, #tpu.memory_space<vmem>>, %arg10: memref<128x128xf32, #tpu.memory_space<vmem>>, %arg11: memref<8x128xf32, #tpu.memory_space<vmem>>, %arg12: memref<10112x128xf32, #tpu.memory_space<vmem_shared>>, %arg13: memref<!tpu.dma_semaphore, #tpu.memory_space<semaphore_mem>>, %arg14: memref<!tpu.dma_semaphore, #tpu.memory_space<semaphore_mem>>, %arg15: memref<!tpu.dma_semaphore, #tpu.memory_space<semaphore_mem>>, %arg16: memref<!tpu.dma_semaphore, #tpu.memory_space<semaphore_mem>>) attributes {dimension_semantics = [#tpu.dimension_semantics<core_parallel>, #tpu.dimension_semantics<subcore_parallel>], iteration_bounds = array<i64: 2, 16>, scalar_prefetch = 0 : i64, scratch_operands = 11 : i64, tpu.core_type = #tpu.core_type<sc_vector_subcore>, window_params = [{transform_indices = #map}, {transform_indices = #map1}, {transform_indices = #map1}, {transform_indices = #map}]} {
    %mul3A = arith.constant 16 : i32
    %mul3A_0 = arith.muli %arg0, %mul3A : i32
    %add3A = arith.addi %mul3A_0, %arg1 : i32
    %broadcast_in_dim3A = arith.constant 0.000000e+00 : f32
    %broadcast_in_dim3A_1 = vector.broadcast %broadcast_in_dim3A : f32 to vector<16xf32>
    %swap3A = arith.constant 0 : i32
    %swap3A_2 = arith.index_cast %swap3A : i32 to index
    %swap3A_3 = arith.constant 0 : index
    %swap3A_4 = tpu.vector_load %arg11[%swap3A_2, %swap3A_3] {strides = array<i32>} : memref<8x128xf32, #tpu.memory_space<vmem>>, vector<1x16xf32>,
    %swap3A_5 = vector.shape_cast %swap3A_4 : vector<1x16xf32> to vector<16xf32>
    %swap3A_6 = vector.shape_cast %broadcast_in_dim3A_1 : vector<16xf32> to vector<1x16xf32>
    tpu.vector_store %arg11[%swap3A_2, %swap3A_3], %swap3A_6 {strides = array<i32>} : memref<8x128xf32, #tpu.memory_space<vmem>>, vector<1x16xf32>,
    %broadcast_in_dim3A_7 = arith.constant 0.000000e+00 : f32
    %broadcast_in_dim3A_8 = vector.broadcast %broadcast_in_dim3A_7 : f32 to vector<16xf32>
    %swap3A_9 = arith.constant 0 : i32
    %swap3A_10 = arith.index_cast %swap3A_9 : i32 to index
    %swap3A_11 = arith.constant 16 : index
    %swap3A_12 = tpu.vector_load %arg11[%swap3A_10, %swap3A_11] {strides = array<i32>} : memref<8x128xf32, #tpu.memory_space<vmem>>, vector<1x16xf32>,
    %swap3A_13 = vector.shape_cast %swap3A_12 : vector<1x16xf32> to vector<16xf32>
    %swap3A_14 = vector.shape_cast %broadcast_in_dim3A_8 : vector<16xf32> to vector<1x16xf32>
    tpu.vector_store %arg11[%swap3A_10, %swap3A_11], %swap3A_14 {strides = array<i32>} : memref<8x128xf32, #tpu.memory_space<vmem>>, vector<1x16xf32>,
    %broadcast_in_dim3A_15 = arith.constant 0.000000e+00 : f32
    %broadcast_in_dim3A_16 = vector.broadcast %broadcast_in_dim3A_15 : f32 to vector<16xf32>
    %swap3A_17 = arith.constant 0 : i32
    %swap3A_18 = arith.index_cast %swap3A_17 : i32 to index
    %swap3A_19 = arith.constant 32 : index
    %swap3A_20 = tpu.vector_load %arg11[%swap3A_18, %swap3A_19] {strides = array<i32>} : memref<8x128xf32, #tpu.memory_space<vmem>>, vector<1x16xf32>,
    %swap3A_21 = vector.shape_cast %swap3A_20 : vector<1x16xf32> to vector<16xf32>
    %swap3A_22 = vector.shape_cast %broadcast_in_dim3A_16 : vector<16xf32> to vector<1x16xf32>
    tpu.vector_store %arg11[%swap3A_18, %swap3A_19], %swap3A_22 {strides = array<i32>} : memref<8x128xf32, #tpu.memory_space<vmem>>, vector<1x16xf32>,
    %broadcast_in_dim3A_23 = arith.constant 0.000000e+00 : f32
    %broadcast_in_dim3A_24 = vector.broadcast %broadcast_in_dim3A_23 : f32 to vector<16xf32>
    %swap3A_25 = arith.constant 0 : i32
    %swap3A_26 = arith.index_cast %swap3A_25 : i32 to index
    %swap3A_27 = arith.constant 48 : index
    %swap3A_28 = tpu.vector_load %arg11[%swap3A_26, %swap3A_27] {strides = array<i32>} : memref<8x128xf32, #tpu.memory_space<vmem>>, vector<1x16xf32>,
    %swap3A_29 = vector.shape_cast %swap3A_28 : vector<1x16xf32> to vector<16xf32>
    %swap3A_30 = vector.shape_cast %broadcast_in_dim3A_24 : vector<16xf32> to vector<1x16xf32>
    tpu.vector_store %arg11[%swap3A_26, %swap3A_27], %swap3A_30 {strides = array<i32>} : memref<8x128xf32, #tpu.memory_space<vmem>>, vector<1x16xf32>,
    %broadcast_in_dim3A_31 = arith.constant 0.000000e+00 : f32
    %broadcast_in_dim3A_32 = vector.broadcast %broadcast_in_dim3A_31 : f32 to vector<16xf32>
    %swap3A_33 = arith.constant 0 : i32
    %swap3A_34 = arith.index_cast %swap3A_33 : i32 to index
    %swap3A_35 = arith.constant 64 : index
    %swap3A_36 = tpu.vector_load %arg11[%swap3A_34, %swap3A_35] {strides = array<i32>} : memref<8x128xf32, #tpu.memory_space<vmem>>, vector<1x16xf32>,
    %swap3A_37 = vector.shape_cast %swap3A_36 : vector<1x16xf32> to vector<16xf32>
    %swap3A_38 = vector.shape_cast %broadcast_in_dim3A_32 : vector<16xf32> to vector<1x16xf32>
    tpu.vector_store %arg11[%swap3A_34, %swap3A_35], %swap3A_38 {strides = array<i32>} : memref<8x128xf32, #tpu.memory_space<vmem>>, vector<1x16xf32>,
    %broadcast_in_dim3A_39 = arith.constant 0.000000e+00 : f32
    %broadcast_in_dim3A_40 = vector.broadcast %broadcast_in_dim3A_39 : f32 to vector<16xf32>
    %swap3A_41 = arith.constant 0 : i32
    %swap3A_42 = arith.index_cast %swap3A_41 : i32 to index
    %swap3A_43 = arith.constant 80 : index
    %swap3A_44 = tpu.vector_load %arg11[%swap3A_42, %swap3A_43] {strides = array<i32>} : memref<8x128xf32, #tpu.memory_space<vmem>>, vector<1x16xf32>,
    %swap3A_45 = vector.shape_cast %swap3A_44 : vector<1x16xf32> to vector<16xf32>
    %swap3A_46 = vector.shape_cast %broadcast_in_dim3A_40 : vector<16xf32> to vector<1x16xf32>
    tpu.vector_store %arg11[%swap3A_42, %swap3A_43], %swap3A_46 {strides = array<i32>} : memref<8x128xf32, #tpu.memory_space<vmem>>, vector<1x16xf32>,
    %broadcast_in_dim3A_47 = arith.constant 0.000000e+00 : f32
    %broadcast_in_dim3A_48 = vector.broadcast %broadcast_in_dim3A_47 : f32 to vector<16xf32>
    %swap3A_49 = arith.constant 0 : i32
    %swap3A_50 = arith.index_cast %swap3A_49 : i32 to index
    %swap3A_51 = arith.constant 96 : index
    %swap3A_52 = tpu.vector_load %arg11[%swap3A_50, %swap3A_51] {strides = array<i32>} : memref<8x128xf32, #tpu.memory_space<vmem>>, vector<1x16xf32>,
    %swap3A_53 = vector.shape_cast %swap3A_52 : vector<1x16xf32> to vector<16xf32>
    %swap3A_54 = vector.shape_cast %broadcast_in_dim3A_48 : vector<16xf32> to vector<1x16xf32>
    tpu.vector_store %arg11[%swap3A_50, %swap3A_51], %swap3A_54 {strides = array<i32>} : memref<8x128xf32, #tpu.memory_space<vmem>>, vector<1x16xf32>,
    %broadcast_in_dim3A_55 = arith.constant 0.000000e+00 : f32
    %broadcast_in_dim3A_56 = vector.broadcast %broadcast_in_dim3A_55 : f32 to vector<16xf32>
    %swap3A_57 = arith.constant 0 : i32
    %swap3A_58 = arith.index_cast %swap3A_57 : i32 to index
    %swap3A_59 = arith.constant 112 : index
    %swap3A_60 = tpu.vector_load %arg11[%swap3A_58, %swap3A_59] {strides = array<i32>} : memref<8x128xf32, #tpu.memory_space<vmem>>, vector<1x16xf32>,
    %swap3A_61 = vector.shape_cast %swap3A_60 : vector<1x16xf32> to vector<16xf32>
    %swap3A_62 = vector.shape_cast %broadcast_in_dim3A_56 : vector<16xf32> to vector<1x16xf32>
    tpu.vector_store %arg11[%swap3A_58, %swap3A_59], %swap3A_62 {strides = array<i32>} : memref<8x128xf32, #tpu.memory_space<vmem>>, vector<1x16xf32>,
    %broadcast_in_dim3A_63 = arith.constant 0.000000e+00 : f32
    %broadcast_in_dim3A_64 = vector.broadcast %broadcast_in_dim3A_63 : f32 to vector<16xf32>
    %swap3A_65 = arith.constant 1 : i32
    %swap3A_66 = arith.index_cast %swap3A_65 : i32 to index
    %swap3A_67 = arith.constant 0 : index
    %swap3A_68 = tpu.vector_load %arg11[%swap3A_66, %swap3A_67] {strides = array<i32>} : memref<8x128xf32, #tpu.memory_space<vmem>>, vector<1x16xf32>,
    %swap3A_69 = vector.shape_cast %swap3A_68 : vector<1x16xf32> to vector<16xf32>
    %swap3A_70 = vector.shape_cast %broadcast_in_dim3A_64 : vector<16xf32> to vector<1x16xf32>
    tpu.vector_store %arg11[%swap3A_66, %swap3A_67], %swap3A_70 {strides = array<i32>} : memref<8x128xf32, #tpu.memory_space<vmem>>, vector<1x16xf32>,
    %broadcast_in_dim3A_71 = arith.constant 0.000000e+00 : f32
    %broadcast_in_dim3A_72 = vector.broadcast %broadcast_in_dim3A_71 : f32 to vector<16xf32>
    %swap3A_73 = arith.constant 1 : i32
    %swap3A_74 = arith.index_cast %swap3A_73 : i32 to index
    %swap3A_75 = arith.constant 16 : index
    %swap3A_76 = tpu.vector_load %arg11[%swap3A_74, %swap3A_75] {strides = array<i32>} : memref<8x128xf32, #tpu.memory_space<vmem>>, vector<1x16xf32>,
    %swap3A_77 = vector.shape_cast %swap3A_76 : vector<1x16xf32> to vector<16xf32>
    %swap3A_78 = vector.shape_cast %broadcast_in_dim3A_72 : vector<16xf32> to vector<1x16xf32>
    tpu.vector_store %arg11[%swap3A_74, %swap3A_75], %swap3A_78 {strides = array<i32>} : memref<8x128xf32, #tpu.memory_space<vmem>>, vector<1x16xf32>,
    %broadcast_in_dim3A_79 = arith.constant 0.000000e+00 : f32
    %broadcast_in_dim3A_80 = vector.broadcast %broadcast_in_dim3A_79 : f32 to vector<16xf32>
    %swap3A_81 = arith.constant 1 : i32
    %swap3A_82 = arith.index_cast %swap3A_81 : i32 to index
    %swap3A_83 = arith.constant 32 : index
    %swap3A_84 = tpu.vector_load %arg11[%swap3A_82, %swap3A_83] {strides = array<i32>} : memref<8x128xf32, #tpu.memory_space<vmem>>, vector<1x16xf32>,
    %swap3A_85 = vector.shape_cast %swap3A_84 : vector<1x16xf32> to vector<16xf32>
    %swap3A_86 = vector.shape_cast %broadcast_in_dim3A_80 : vector<16xf32> to vector<1x16xf32>
    tpu.vector_store %arg11[%swap3A_82, %swap3A_83], %swap3A_86 {strides = array<i32>} : memref<8x128xf32, #tpu.memory_space<vmem>>, vector<1x16xf32>,
    %broadcast_in_dim3A_87 = arith.constant 0.000000e+00 : f32
    %broadcast_in_dim3A_88 = vector.broadcast %broadcast_in_dim3A_87 : f32 to vector<16xf32>
    %swap3A_89 = arith.constant 1 : i32
    %swap3A_90 = arith.index_cast %swap3A_89 : i32 to index
    %swap3A_91 = arith.constant 48 : index
    %swap3A_92 = tpu.vector_load %arg11[%swap3A_90, %swap3A_91] {strides = array<i32>} : memref<8x128xf32, #tpu.memory_space<vmem>>, vector<1x16xf32>,
    %swap3A_93 = vector.shape_cast %swap3A_92 : vector<1x16xf32> to vector<16xf32>
    %swap3A_94 = vector.shape_cast %broadcast_in_dim3A_88 : vector<16xf32> to vector<1x16xf32>
    tpu.vector_store %arg11[%swap3A_90, %swap3A_91], %swap3A_94 {strides = array<i32>} : memref<8x128xf32, #tpu.memory_space<vmem>>, vector<1x16xf32>,
    %broadcast_in_dim3A_95 = arith.constant 0.000000e+00 : f32
    %broadcast_in_dim3A_96 = vector.broadcast %broadcast_in_dim3A_95 : f32 to vector<16xf32>
    %swap3A_97 = arith.constant 1 : i32
    %swap3A_98 = arith.index_cast %swap3A_97 : i32 to index
    %swap3A_99 = arith.constant 64 : index
    %swap3A_100 = tpu.vector_load %arg11[%swap3A_98, %swap3A_99] {strides = array<i32>} : memref<8x128xf32, #tpu.memory_space<vmem>>, vector<1x16xf32>,
    %swap3A_101 = vector.shape_cast %swap3A_100 : vector<1x16xf32> to vector<16xf32>
    %swap3A_102 = vector.shape_cast %broadcast_in_dim3A_96 : vector<16xf32> to vector<1x16xf32>
    tpu.vector_store %arg11[%swap3A_98, %swap3A_99], %swap3A_102 {strides = array<i32>} : memref<8x128xf32, #tpu.memory_space<vmem>>, vector<1x16xf32>,
    %broadcast_in_dim3A_103 = arith.constant 0.000000e+00 : f32
    %broadcast_in_dim3A_104 = vector.broadcast %broadcast_in_dim3A_103 : f32 to vector<16xf32>
    %swap3A_105 = arith.constant 1 : i32
    %swap3A_106 = arith.index_cast %swap3A_105 : i32 to index
    %swap3A_107 = arith.constant 80 : index
    %swap3A_108 = tpu.vector_load %arg11[%swap3A_106, %swap3A_107] {strides = array<i32>} : memref<8x128xf32, #tpu.memory_space<vmem>>, vector<1x16xf32>,
    %swap3A_109 = vector.shape_cast %swap3A_108 : vector<1x16xf32> to vector<16xf32>
    %swap3A_110 = vector.shape_cast %broadcast_in_dim3A_104 : vector<16xf32> to vector<1x16xf32>
    tpu.vector_store %arg11[%swap3A_106, %swap3A_107], %swap3A_110 {strides = array<i32>} : memref<8x128xf32, #tpu.memory_space<vmem>>, vector<1x16xf32>,
    %broadcast_in_dim3A_111 = arith.constant 0.000000e+00 : f32
    %broadcast_in_dim3A_112 = vector.broadcast %broadcast_in_dim3A_111 : f32 to vector<16xf32>
    %swap3A_113 = arith.constant 1 : i32
    %swap3A_114 = arith.index_cast %swap3A_113 : i32 to index
    %swap3A_115 = arith.constant 96 : index
    %swap3A_116 = tpu.vector_load %arg11[%swap3A_114, %swap3A_115] {strides = array<i32>} : memref<8x128xf32, #tpu.memory_space<vmem>>, vector<1x16xf32>,
    %swap3A_117 = vector.shape_cast %swap3A_116 : vector<1x16xf32> to vector<16xf32>
    %swap3A_118 = vector.shape_cast %broadcast_in_dim3A_112 : vector<16xf32> to vector<1x16xf32>
    tpu.vector_store %arg11[%swap3A_114, %swap3A_115], %swap3A_118 {strides = array<i32>} : memref<8x128xf32, #tpu.memory_space<vmem>>, vector<1x16xf32>,
    %broadcast_in_dim3A_119 = arith.constant 0.000000e+00 : f32
    %broadcast_in_dim3A_120 = vector.broadcast %broadcast_in_dim3A_119 : f32 to vector<16xf32>
    %swap3A_121 = arith.constant 1 : i32
    %swap3A_122 = arith.index_cast %swap3A_121 : i32 to index
    %swap3A_123 = arith.constant 112 : index
    %swap3A_124 = tpu.vector_load %arg11[%swap3A_122, %swap3A_123] {strides = array<i32>} : memref<8x128xf32, #tpu.memory_space<vmem>>, vector<1x16xf32>,
    %swap3A_125 = vector.shape_cast %swap3A_124 : vector<1x16xf32> to vector<16xf32>
    %swap3A_126 = vector.shape_cast %broadcast_in_dim3A_120 : vector<16xf32> to vector<1x16xf32>
    tpu.vector_store %arg11[%swap3A_122, %swap3A_123], %swap3A_126 {strides = array<i32>} : memref<8x128xf32, #tpu.memory_space<vmem>>, vector<1x16xf32>,
    %broadcast_in_dim3A_127 = arith.constant 0.000000e+00 : f32
    %broadcast_in_dim3A_128 = vector.broadcast %broadcast_in_dim3A_127 : f32 to vector<16xf32>
    %swap3A_129 = arith.constant 2 : i32
    %swap3A_130 = arith.index_cast %swap3A_129 : i32 to index
    %swap3A_131 = arith.constant 0 : index
    %swap3A_132 = tpu.vector_load %arg11[%swap3A_130, %swap3A_131] {strides = array<i32>} : memref<8x128xf32, #tpu.memory_space<vmem>>, vector<1x16xf32>,
    %swap3A_133 = vector.shape_cast %swap3A_132 : vector<1x16xf32> to vector<16xf32>
    %swap3A_134 = vector.shape_cast %broadcast_in_dim3A_128 : vector<16xf32> to vector<1x16xf32>
    tpu.vector_store %arg11[%swap3A_130, %swap3A_131], %swap3A_134 {strides = array<i32>} : memref<8x128xf32, #tpu.memory_space<vmem>>, vector<1x16xf32>,
    %broadcast_in_dim3A_135 = arith.constant 0.000000e+00 : f32
    %broadcast_in_dim3A_136 = vector.broadcast %broadcast_in_dim3A_135 : f32 to vector<16xf32>
    %swap3A_137 = arith.constant 2 : i32
    %swap3A_138 = arith.index_cast %swap3A_137 : i32 to index
    %swap3A_139 = arith.constant 16 : index
    %swap3A_140 = tpu.vector_load %arg11[%swap3A_138, %swap3A_139] {strides = array<i32>} : memref<8x128xf32, #tpu.memory_space<vmem>>, vector<1x16xf32>,
    %swap3A_141 = vector.shape_cast %swap3A_140 : vector<1x16xf32> to vector<16xf32>
    %swap3A_142 = vector.shape_cast %broadcast_in_dim3A_136 : vector<16xf32> to vector<1x16xf32>
    tpu.vector_store %arg11[%swap3A_138, %swap3A_139], %swap3A_142 {strides = array<i32>} : memref<8x128xf32, #tpu.memory_space<vmem>>, vector<1x16xf32>,
    %broadcast_in_dim3A_143 = arith.constant 0.000000e+00 : f32
    %broadcast_in_dim3A_144 = vector.broadcast %broadcast_in_dim3A_143 : f32 to vector<16xf32>
    %swap3A_145 = arith.constant 2 : i32
    %swap3A_146 = arith.index_cast %swap3A_145 : i32 to index
    %swap3A_147 = arith.constant 32 : index
    %swap3A_148 = tpu.vector_load %arg11[%swap3A_146, %swap3A_147] {strides = array<i32>} : memref<8x128xf32, #tpu.memory_space<vmem>>, vector<1x16xf32>,
    %swap3A_149 = vector.shape_cast %swap3A_148 : vector<1x16xf32> to vector<16xf32>
    %swap3A_150 = vector.shape_cast %broadcast_in_dim3A_144 : vector<16xf32> to vector<1x16xf32>
    tpu.vector_store %arg11[%swap3A_146, %swap3A_147], %swap3A_150 {strides = array<i32>} : memref<8x128xf32, #tpu.memory_space<vmem>>, vector<1x16xf32>,
    %broadcast_in_dim3A_151 = arith.constant 0.000000e+00 : f32
    %broadcast_in_dim3A_152 = vector.broadcast %broadcast_in_dim3A_151 : f32 to vector<16xf32>
    %swap3A_153 = arith.constant 2 : i32
    %swap3A_154 = arith.index_cast %swap3A_153 : i32 to index
    %swap3A_155 = arith.constant 48 : index
    %swap3A_156 = tpu.vector_load %arg11[%swap3A_154, %swap3A_155] {strides = array<i32>} : memref<8x128xf32, #tpu.memory_space<vmem>>, vector<1x16xf32>,
    %swap3A_157 = vector.shape_cast %swap3A_156 : vector<1x16xf32> to vector<16xf32>
    %swap3A_158 = vector.shape_cast %broadcast_in_dim3A_152 : vector<16xf32> to vector<1x16xf32>
    tpu.vector_store %arg11[%swap3A_154, %swap3A_155], %swap3A_158 {strides = array<i32>} : memref<8x128xf32, #tpu.memory_space<vmem>>, vector<1x16xf32>,
    %broadcast_in_dim3A_159 = arith.constant 0.000000e+00 : f32
    %broadcast_in_dim3A_160 = vector.broadcast %broadcast_in_dim3A_159 : f32 to vector<16xf32>
    %swap3A_161 = arith.constant 2 : i32
    %swap3A_162 = arith.index_cast %swap3A_161 : i32 to index
    %swap3A_163 = arith.constant 64 : index
    %swap3A_164 = tpu.vector_load %arg11[%swap3A_162, %swap3A_163] {strides = array<i32>} : memref<8x128xf32, #tpu.memory_space<vmem>>, vector<1x16xf32>,
    %swap3A_165 = vector.shape_cast %swap3A_164 : vector<1x16xf32> to vector<16xf32>
    %swap3A_166 = vector.shape_cast %broadcast_in_dim3A_160 : vector<16xf32> to vector<1x16xf32>
    tpu.vector_store %arg11[%swap3A_162, %swap3A_163], %swap3A_166 {strides = array<i32>} : memref<8x128xf32, #tpu.memory_space<vmem>>, vector<1x16xf32>,
    %broadcast_in_dim3A_167 = arith.constant 0.000000e+00 : f32
    %broadcast_in_dim3A_168 = vector.broadcast %broadcast_in_dim3A_167 : f32 to vector<16xf32>
    %swap3A_169 = arith.constant 2 : i32
    %swap3A_170 = arith.index_cast %swap3A_169 : i32 to index
    %swap3A_171 = arith.constant 80 : index
    %swap3A_172 = tpu.vector_load %arg11[%swap3A_170, %swap3A_171] {strides = array<i32>} : memref<8x128xf32, #tpu.memory_space<vmem>>, vector<1x16xf32>,
    %swap3A_173 = vector.shape_cast %swap3A_172 : vector<1x16xf32> to vector<16xf32>
    %swap3A_174 = vector.shape_cast %broadcast_in_dim3A_168 : vector<16xf32> to vector<1x16xf32>
    tpu.vector_store %arg11[%swap3A_170, %swap3A_171], %swap3A_174 {strides = array<i32>} : memref<8x128xf32, #tpu.memory_space<vmem>>, vector<1x16xf32>,
    %broadcast_in_dim3A_175 = arith.constant 0.000000e+00 : f32
    %broadcast_in_dim3A_176 = vector.broadcast %broadcast_in_dim3A_175 : f32 to vector<16xf32>
    %swap3A_177 = arith.constant 2 : i32
    %swap3A_178 = arith.index_cast %swap3A_177 : i32 to index
    %swap3A_179 = arith.constant 96 : index
    %swap3A_180 = tpu.vector_load %arg11[%swap3A_178, %swap3A_179] {strides = array<i32>} : memref<8x128xf32, #tpu.memory_space<vmem>>, vector<1x16xf32>,
    %swap3A_181 = vector.shape_cast %swap3A_180 : vector<1x16xf32> to vector<16xf32>
    %swap3A_182 = vector.shape_cast %broadcast_in_dim3A_176 : vector<16xf32> to vector<1x16xf32>
    tpu.vector_store %arg11[%swap3A_178, %swap3A_179], %swap3A_182 {strides = array<i32>} : memref<8x128xf32, #tpu.memory_space<vmem>>, vector<1x16xf32>,
    %broadcast_in_dim3A_183 = arith.constant 0.000000e+00 : f32
    %broadcast_in_dim3A_184 = vector.broadcast %broadcast_in_dim3A_183 : f32 to vector<16xf32>
    %swap3A_185 = arith.constant 2 : i32
    %swap3A_186 = arith.index_cast %swap3A_185 : i32 to index
    %swap3A_187 = arith.constant 112 : index
    %swap3A_188 = tpu.vector_load %arg11[%swap3A_186, %swap3A_187] {strides = array<i32>} : memref<8x128xf32, #tpu.memory_space<vmem>>, vector<1x16xf32>,
    %swap3A_189 = vector.shape_cast %swap3A_188 : vector<1x16xf32> to vector<16xf32>
    %swap3A_190 = vector.shape_cast %broadcast_in_dim3A_184 : vector<16xf32> to vector<1x16xf32>
    tpu.vector_store %arg11[%swap3A_186, %swap3A_187], %swap3A_190 {strides = array<i32>} : memref<8x128xf32, #tpu.memory_space<vmem>>, vector<1x16xf32>,
    %broadcast_in_dim3A_191 = arith.constant 0.000000e+00 : f32
    %broadcast_in_dim3A_192 = vector.broadcast %broadcast_in_dim3A_191 : f32 to vector<16xf32>
    %swap3A_193 = arith.constant 3 : i32
    %swap3A_194 = arith.index_cast %swap3A_193 : i32 to index
    %swap3A_195 = arith.constant 0 : index
    %swap3A_196 = tpu.vector_load %arg11[%swap3A_194, %swap3A_195] {strides = array<i32>} : memref<8x128xf32, #tpu.memory_space<vmem>>, vector<1x16xf32>,
    %swap3A_197 = vector.shape_cast %swap3A_196 : vector<1x16xf32> to vector<16xf32>
    %swap3A_198 = vector.shape_cast %broadcast_in_dim3A_192 : vector<16xf32> to vector<1x16xf32>
    tpu.vector_store %arg11[%swap3A_194, %swap3A_195], %swap3A_198 {strides = array<i32>} : memref<8x128xf32, #tpu.memory_space<vmem>>, vector<1x16xf32>,
    %broadcast_in_dim3A_199 = arith.constant 0.000000e+00 : f32
    %broadcast_in_dim3A_200 = vector.broadcast %broadcast_in_dim3A_199 : f32 to vector<16xf32>
    %swap3A_201 = arith.constant 3 : i32
    %swap3A_202 = arith.index_cast %swap3A_201 : i32 to index
    %swap3A_203 = arith.constant 16 : index
    %swap3A_204 = tpu.vector_load %arg11[%swap3A_202, %swap3A_203] {strides = array<i32>} : memref<8x128xf32, #tpu.memory_space<vmem>>, vector<1x16xf32>,
    %swap3A_205 = vector.shape_cast %swap3A_204 : vector<1x16xf32> to vector<16xf32>
    %swap3A_206 = vector.shape_cast %broadcast_in_dim3A_200 : vector<16xf32> to vector<1x16xf32>
    tpu.vector_store %arg11[%swap3A_202, %swap3A_203], %swap3A_206 {strides = array<i32>} : memref<8x128xf32, #tpu.memory_space<vmem>>, vector<1x16xf32>,
    %broadcast_in_dim3A_207 = arith.constant 0.000000e+00 : f32
    %broadcast_in_dim3A_208 = vector.broadcast %broadcast_in_dim3A_207 : f32 to vector<16xf32>
    %swap3A_209 = arith.constant 3 : i32
    %swap3A_210 = arith.index_cast %swap3A_209 : i32 to index
    %swap3A_211 = arith.constant 32 : index
    %swap3A_212 = tpu.vector_load %arg11[%swap3A_210, %swap3A_211] {strides = array<i32>} : memref<8x128xf32, #tpu.memory_space<vmem>>, vector<1x16xf32>,
    %swap3A_213 = vector.shape_cast %swap3A_212 : vector<1x16xf32> to vector<16xf32>
    %swap3A_214 = vector.shape_cast %broadcast_in_dim3A_208 : vector<16xf32> to vector<1x16xf32>
    tpu.vector_store %arg11[%swap3A_210, %swap3A_211], %swap3A_214 {strides = array<i32>} : memref<8x128xf32, #tpu.memory_space<vmem>>, vector<1x16xf32>,
    %broadcast_in_dim3A_215 = arith.constant 0.000000e+00 : f32
    %broadcast_in_dim3A_216 = vector.broadcast %broadcast_in_dim3A_215 : f32 to vector<16xf32>
    %swap3A_217 = arith.constant 3 : i32
    %swap3A_218 = arith.index_cast %swap3A_217 : i32 to index
    %swap3A_219 = arith.constant 48 : index
    %swap3A_220 = tpu.vector_load %arg11[%swap3A_218, %swap3A_219] {strides = array<i32>} : memref<8x128xf32, #tpu.memory_space<vmem>>, vector<1x16xf32>,
    %swap3A_221 = vector.shape_cast %swap3A_220 : vector<1x16xf32> to vector<16xf32>
    %swap3A_222 = vector.shape_cast %broadcast_in_dim3A_216 : vector<16xf32> to vector<1x16xf32>
    tpu.vector_store %arg11[%swap3A_218, %swap3A_219], %swap3A_222 {strides = array<i32>} : memref<8x128xf32, #tpu.memory_space<vmem>>, vector<1x16xf32>,
    %broadcast_in_dim3A_223 = arith.constant 0.000000e+00 : f32
    %broadcast_in_dim3A_224 = vector.broadcast %broadcast_in_dim3A_223 : f32 to vector<16xf32>
    %swap3A_225 = arith.constant 3 : i32
    %swap3A_226 = arith.index_cast %swap3A_225 : i32 to index
    %swap3A_227 = arith.constant 64 : index
    %swap3A_228 = tpu.vector_load %arg11[%swap3A_226, %swap3A_227] {strides = array<i32>} : memref<8x128xf32, #tpu.memory_space<vmem>>, vector<1x16xf32>,
    %swap3A_229 = vector.shape_cast %swap3A_228 : vector<1x16xf32> to vector<16xf32>
    %swap3A_230 = vector.shape_cast %broadcast_in_dim3A_224 : vector<16xf32> to vector<1x16xf32>
    tpu.vector_store %arg11[%swap3A_226, %swap3A_227], %swap3A_230 {strides = array<i32>} : memref<8x128xf32, #tpu.memory_space<vmem>>, vector<1x16xf32>,
    %broadcast_in_dim3A_231 = arith.constant 0.000000e+00 : f32
    %broadcast_in_dim3A_232 = vector.broadcast %broadcast_in_dim3A_231 : f32 to vector<16xf32>
    %swap3A_233 = arith.constant 3 : i32
    %swap3A_234 = arith.index_cast %swap3A_233 : i32 to index
    %swap3A_235 = arith.constant 80 : index
    %swap3A_236 = tpu.vector_load %arg11[%swap3A_234, %swap3A_235] {strides = array<i32>} : memref<8x128xf32, #tpu.memory_space<vmem>>, vector<1x16xf32>,
    %swap3A_237 = vector.shape_cast %swap3A_236 : vector<1x16xf32> to vector<16xf32>
    %swap3A_238 = vector.shape_cast %broadcast_in_dim3A_232 : vector<16xf32> to vector<1x16xf32>
    tpu.vector_store %arg11[%swap3A_234, %swap3A_235], %swap3A_238 {strides = array<i32>} : memref<8x128xf32, #tpu.memory_space<vmem>>, vector<1x16xf32>,
    %broadcast_in_dim3A_239 = arith.constant 0.000000e+00 : f32
    %broadcast_in_dim3A_240 = vector.broadcast %broadcast_in_dim3A_239 : f32 to vector<16xf32>
    %swap3A_241 = arith.constant 3 : i32
    %swap3A_242 = arith.index_cast %swap3A_241 : i32 to index
    %swap3A_243 = arith.constant 96 : index
    %swap3A_244 = tpu.vector_load %arg11[%swap3A_242, %swap3A_243] {strides = array<i32>} : memref<8x128xf32, #tpu.memory_space<vmem>>, vector<1x16xf32>,
    %swap3A_245 = vector.shape_cast %swap3A_244 : vector<1x16xf32> to vector<16xf32>
    %swap3A_246 = vector.shape_cast %broadcast_in_dim3A_240 : vector<16xf32> to vector<1x16xf32>
    tpu.vector_store %arg11[%swap3A_242, %swap3A_243], %swap3A_246 {strides = array<i32>} : memref<8x128xf32, #tpu.memory_space<vmem>>, vector<1x16xf32>,
    %broadcast_in_dim3A_247 = arith.constant 0.000000e+00 : f32
    %broadcast_in_dim3A_248 = vector.broadcast %broadcast_in_dim3A_247 : f32 to vector<16xf32>
    %swap3A_249 = arith.constant 3 : i32
    %swap3A_250 = arith.index_cast %swap3A_249 : i32 to index
    %swap3A_251 = arith.constant 112 : index
    %swap3A_252 = tpu.vector_load %arg11[%swap3A_250, %swap3A_251] {strides = array<i32>} : memref<8x128xf32, #tpu.memory_space<vmem>>, vector<1x16xf32>,
    %swap3A_253 = vector.shape_cast %swap3A_252 : vector<1x16xf32> to vector<16xf32>
    %swap3A_254 = vector.shape_cast %broadcast_in_dim3A_248 : vector<16xf32> to vector<1x16xf32>
    tpu.vector_store %arg11[%swap3A_250, %swap3A_251], %swap3A_254 {strides = array<i32>} : memref<8x128xf32, #tpu.memory_space<vmem>>, vector<1x16xf32>,
    %broadcast_in_dim3A_255 = arith.constant 0.000000e+00 : f32
    %broadcast_in_dim3A_256 = vector.broadcast %broadcast_in_dim3A_255 : f32 to vector<16xf32>
    %swap3A_257 = arith.constant 4 : i32
    %swap3A_258 = arith.index_cast %swap3A_257 : i32 to index
    %swap3A_259 = arith.constant 0 : index
    %swap3A_260 = tpu.vector_load %arg11[%swap3A_258, %swap3A_259] {strides = array<i32>} : memref<8x128xf32, #tpu.memory_space<vmem>>, vector<1x16xf32>,
    %swap3A_261 = vector.shape_cast %swap3A_260 : vector<1x16xf32> to vector<16xf32>
    %swap3A_262 = vector.shape_cast %broadcast_in_dim3A_256 : vector<16xf32> to vector<1x16xf32>
    tpu.vector_store %arg11[%swap3A_258, %swap3A_259], %swap3A_262 {strides = array<i32>} : memref<8x128xf32, #tpu.memory_space<vmem>>, vector<1x16xf32>,
    %broadcast_in_dim3A_263 = arith.constant 0.000000e+00 : f32
    %broadcast_in_dim3A_264 = vector.broadcast %broadcast_in_dim3A_263 : f32 to vector<16xf32>
    %swap3A_265 = arith.constant 4 : i32
    %swap3A_266 = arith.index_cast %swap3A_265 : i32 to index
    %swap3A_267 = arith.constant 16 : index
    %swap3A_268 = tpu.vector_load %arg11[%swap3A_266, %swap3A_267] {strides = array<i32>} : memref<8x128xf32, #tpu.memory_space<vmem>>, vector<1x16xf32>,
    %swap3A_269 = vector.shape_cast %swap3A_268 : vector<1x16xf32> to vector<16xf32>
    %swap3A_270 = vector.shape_cast %broadcast_in_dim3A_264 : vector<16xf32> to vector<1x16xf32>
    tpu.vector_store %arg11[%swap3A_266, %swap3A_267], %swap3A_270 {strides = array<i32>} : memref<8x128xf32, #tpu.memory_space<vmem>>, vector<1x16xf32>,
    %broadcast_in_dim3A_271 = arith.constant 0.000000e+00 : f32
    %broadcast_in_dim3A_272 = vector.broadcast %broadcast_in_dim3A_271 : f32 to vector<16xf32>
    %swap3A_273 = arith.constant 4 : i32
    %swap3A_274 = arith.index_cast %swap3A_273 : i32 to index
    %swap3A_275 = arith.constant 32 : index
    %swap3A_276 = tpu.vector_load %arg11[%swap3A_274, %swap3A_275] {strides = array<i32>} : memref<8x128xf32, #tpu.memory_space<vmem>>, vector<1x16xf32>,
    %swap3A_277 = vector.shape_cast %swap3A_276 : vector<1x16xf32> to vector<16xf32>
    %swap3A_278 = vector.shape_cast %broadcast_in_dim3A_272 : vector<16xf32> to vector<1x16xf32>
    tpu.vector_store %arg11[%swap3A_274, %swap3A_275], %swap3A_278 {strides = array<i32>} : memref<8x128xf32, #tpu.memory_space<vmem>>, vector<1x16xf32>,
    %broadcast_in_dim3A_279 = arith.constant 0.000000e+00 : f32
    %broadcast_in_dim3A_280 = vector.broadcast %broadcast_in_dim3A_279 : f32 to vector<16xf32>
    %swap3A_281 = arith.constant 4 : i32
    %swap3A_282 = arith.index_cast %swap3A_281 : i32 to index
    %swap3A_283 = arith.constant 48 : index
    %swap3A_284 = tpu.vector_load %arg11[%swap3A_282, %swap3A_283] {strides = array<i32>} : memref<8x128xf32, #tpu.memory_space<vmem>>, vector<1x16xf32>,
    %swap3A_285 = vector.shape_cast %swap3A_284 : vector<1x16xf32> to vector<16xf32>
    %swap3A_286 = vector.shape_cast %broadcast_in_dim3A_280 : vector<16xf32> to vector<1x16xf32>
    tpu.vector_store %arg11[%swap3A_282, %swap3A_283], %swap3A_286 {strides = array<i32>} : memref<8x128xf32, #tpu.memory_space<vmem>>, vector<1x16xf32>,
    %broadcast_in_dim3A_287 = arith.constant 0.000000e+00 : f32
    %broadcast_in_dim3A_288 = vector.broadcast %broadcast_in_dim3A_287 : f32 to vector<16xf32>
    %swap3A_289 = arith.constant 4 : i32
    %swap3A_290 = arith.index_cast %swap3A_289 : i32 to index
    %swap3A_291 = arith.constant 64 : index
    %swap3A_292 = tpu.vector_load %arg11[%swap3A_290, %swap3A_291] {strides = array<i32>} : memref<8x128xf32, #tpu.memory_space<vmem>>, vector<1x16xf32>,
    %swap3A_293 = vector.shape_cast %swap3A_292 : vector<1x16xf32> to vector<16xf32>
    %swap3A_294 = vector.shape_cast %broadcast_in_dim3A_288 : vector<16xf32> to vector<1x16xf32>
    tpu.vector_store %arg11[%swap3A_290, %swap3A_291], %swap3A_294 {strides = array<i32>} : memref<8x128xf32, #tpu.memory_space<vmem>>, vector<1x16xf32>,
    %broadcast_in_dim3A_295 = arith.constant 0.000000e+00 : f32
    %broadcast_in_dim3A_296 = vector.broadcast %broadcast_in_dim3A_295 : f32 to vector<16xf32>
    %swap3A_297 = arith.constant 4 : i32
    %swap3A_298 = arith.index_cast %swap3A_297 : i32 to index
    %swap3A_299 = arith.constant 80 : index
    %swap3A_300 = tpu.vector_load %arg11[%swap3A_298, %swap3A_299] {strides = array<i32>} : memref<8x128xf32, #tpu.memory_space<vmem>>, vector<1x16xf32>,
    %swap3A_301 = vector.shape_cast %swap3A_300 : vector<1x16xf32> to vector<16xf32>
    %swap3A_302 = vector.shape_cast %broadcast_in_dim3A_296 : vector<16xf32> to vector<1x16xf32>
    tpu.vector_store %arg11[%swap3A_298, %swap3A_299], %swap3A_302 {strides = array<i32>} : memref<8x128xf32, #tpu.memory_space<vmem>>, vector<1x16xf32>,
    %broadcast_in_dim3A_303 = arith.constant 0.000000e+00 : f32
    %broadcast_in_dim3A_304 = vector.broadcast %broadcast_in_dim3A_303 : f32 to vector<16xf32>
    %swap3A_305 = arith.constant 4 : i32
    %swap3A_306 = arith.index_cast %swap3A_305 : i32 to index
    %swap3A_307 = arith.constant 96 : index
    %swap3A_308 = tpu.vector_load %arg11[%swap3A_306, %swap3A_307] {strides = array<i32>} : memref<8x128xf32, #tpu.memory_space<vmem>>, vector<1x16xf32>,
    %swap3A_309 = vector.shape_cast %swap3A_308 : vector<1x16xf32> to vector<16xf32>
    %swap3A_310 = vector.shape_cast %broadcast_in_dim3A_304 : vector<16xf32> to vector<1x16xf32>
    tpu.vector_store %arg11[%swap3A_306, %swap3A_307], %swap3A_310 {strides = array<i32>} : memref<8x128xf32, #tpu.memory_space<vmem>>, vector<1x16xf32>,
    %broadcast_in_dim3A_311 = arith.constant 0.000000e+00 : f32
    %broadcast_in_dim3A_312 = vector.broadcast %broadcast_in_dim3A_311 : f32 to vector<16xf32>
    %swap3A_313 = arith.constant 4 : i32
    %swap3A_314 = arith.index_cast %swap3A_313 : i32 to index
    %swap3A_315 = arith.constant 112 : index
    %swap3A_316 = tpu.vector_load %arg11[%swap3A_314, %swap3A_315] {strides = array<i32>} : memref<8x128xf32, #tpu.memory_space<vmem>>, vector<1x16xf32>,
    %swap3A_317 = vector.shape_cast %swap3A_316 : vector<1x16xf32> to vector<16xf32>
    %swap3A_318 = vector.shape_cast %broadcast_in_dim3A_312 : vector<16xf32> to vector<1x16xf32>
    tpu.vector_store %arg11[%swap3A_314, %swap3A_315], %swap3A_318 {strides = array<i32>} : memref<8x128xf32, #tpu.memory_space<vmem>>, vector<1x16xf32>,
    %broadcast_in_dim3A_319 = arith.constant 0.000000e+00 : f32
    %broadcast_in_dim3A_320 = vector.broadcast %broadcast_in_dim3A_319 : f32 to vector<16xf32>
    %swap3A_321 = arith.constant 5 : i32
    %swap3A_322 = arith.index_cast %swap3A_321 : i32 to index
    %swap3A_323 = arith.constant 0 : index
    %swap3A_324 = tpu.vector_load %arg11[%swap3A_322, %swap3A_323] {strides = array<i32>} : memref<8x128xf32, #tpu.memory_space<vmem>>, vector<1x16xf32>,
    %swap3A_325 = vector.shape_cast %swap3A_324 : vector<1x16xf32> to vector<16xf32>
    %swap3A_326 = vector.shape_cast %broadcast_in_dim3A_320 : vector<16xf32> to vector<1x16xf32>
    tpu.vector_store %arg11[%swap3A_322, %swap3A_323], %swap3A_326 {strides = array<i32>} : memref<8x128xf32, #tpu.memory_space<vmem>>, vector<1x16xf32>,
    %broadcast_in_dim3A_327 = arith.constant 0.000000e+00 : f32
    %broadcast_in_dim3A_328 = vector.broadcast %broadcast_in_dim3A_327 : f32 to vector<16xf32>
    %swap3A_329 = arith.constant 5 : i32
    %swap3A_330 = arith.index_cast %swap3A_329 : i32 to index
    %swap3A_331 = arith.constant 16 : index
    %swap3A_332 = tpu.vector_load %arg11[%swap3A_330, %swap3A_331] {strides = array<i32>} : memref<8x128xf32, #tpu.memory_space<vmem>>, vector<1x16xf32>,
    %swap3A_333 = vector.shape_cast %swap3A_332 : vector<1x16xf32> to vector<16xf32>
    %swap3A_334 = vector.shape_cast %broadcast_in_dim3A_328 : vector<16xf32> to vector<1x16xf32>
    tpu.vector_store %arg11[%swap3A_330, %swap3A_331], %swap3A_334 {strides = array<i32>} : memref<8x128xf32, #tpu.memory_space<vmem>>, vector<1x16xf32>,
    %broadcast_in_dim3A_335 = arith.constant 0.000000e+00 : f32
    %broadcast_in_dim3A_336 = vector.broadcast %broadcast_in_dim3A_335 : f32 to vector<16xf32>
    %swap3A_337 = arith.constant 5 : i32
    %swap3A_338 = arith.index_cast %swap3A_337 : i32 to index
    %swap3A_339 = arith.constant 32 : index
    %swap3A_340 = tpu.vector_load %arg11[%swap3A_338, %swap3A_339] {strides = array<i32>} : memref<8x128xf32, #tpu.memory_space<vmem>>, vector<1x16xf32>,
    %swap3A_341 = vector.shape_cast %swap3A_340 : vector<1x16xf32> to vector<16xf32>
    %swap3A_342 = vector.shape_cast %broadcast_in_dim3A_336 : vector<16xf32> to vector<1x16xf32>
    tpu.vector_store %arg11[%swap3A_338, %swap3A_339], %swap3A_342 {strides = array<i32>} : memref<8x128xf32, #tpu.memory_space<vmem>>, vector<1x16xf32>,
    %broadcast_in_dim3A_343 = arith.constant 0.000000e+00 : f32
    %broadcast_in_dim3A_344 = vector.broadcast %broadcast_in_dim3A_343 : f32 to vector<16xf32>
    %swap3A_345 = arith.constant 5 : i32
    %swap3A_346 = arith.index_cast %swap3A_345 : i32 to index
    %swap3A_347 = arith.constant 48 : index
    %swap3A_348 = tpu.vector_load %arg11[%swap3A_346, %swap3A_347] {strides = array<i32>} : memref<8x128xf32, #tpu.memory_space<vmem>>, vector<1x16xf32>,
    %swap3A_349 = vector.shape_cast %swap3A_348 : vector<1x16xf32> to vector<16xf32>
    %swap3A_350 = vector.shape_cast %broadcast_in_dim3A_344 : vector<16xf32> to vector<1x16xf32>
    tpu.vector_store %arg11[%swap3A_346, %swap3A_347], %swap3A_350 {strides = array<i32>} : memref<8x128xf32, #tpu.memory_space<vmem>>, vector<1x16xf32>,
    %broadcast_in_dim3A_351 = arith.constant 0.000000e+00 : f32
    %broadcast_in_dim3A_352 = vector.broadcast %broadcast_in_dim3A_351 : f32 to vector<16xf32>
    %swap3A_353 = arith.constant 5 : i32
    %swap3A_354 = arith.index_cast %swap3A_353 : i32 to index
    %swap3A_355 = arith.constant 64 : index
    %swap3A_356 = tpu.vector_load %arg11[%swap3A_354, %swap3A_355] {strides = array<i32>} : memref<8x128xf32, #tpu.memory_space<vmem>>, vector<1x16xf32>,
    %swap3A_357 = vector.shape_cast %swap3A_356 : vector<1x16xf32> to vector<16xf32>
    %swap3A_358 = vector.shape_cast %broadcast_in_dim3A_352 : vector<16xf32> to vector<1x16xf32>
    tpu.vector_store %arg11[%swap3A_354, %swap3A_355], %swap3A_358 {strides = array<i32>} : memref<8x128xf32, #tpu.memory_space<vmem>>, vector<1x16xf32>,
    %broadcast_in_dim3A_359 = arith.constant 0.000000e+00 : f32
    %broadcast_in_dim3A_360 = vector.broadcast %broadcast_in_dim3A_359 : f32 to vector<16xf32>
    %swap3A_361 = arith.constant 5 : i32
    %swap3A_362 = arith.index_cast %swap3A_361 : i32 to index
    %swap3A_363 = arith.constant 80 : index
    %swap3A_364 = tpu.vector_load %arg11[%swap3A_362, %swap3A_363] {strides = array<i32>} : memref<8x128xf32, #tpu.memory_space<vmem>>, vector<1x16xf32>,
    %swap3A_365 = vector.shape_cast %swap3A_364 : vector<1x16xf32> to vector<16xf32>
    %swap3A_366 = vector.shape_cast %broadcast_in_dim3A_360 : vector<16xf32> to vector<1x16xf32>
    tpu.vector_store %arg11[%swap3A_362, %swap3A_363], %swap3A_366 {strides = array<i32>} : memref<8x128xf32, #tpu.memory_space<vmem>>, vector<1x16xf32>,
    %broadcast_in_dim3A_367 = arith.constant 0.000000e+00 : f32
    %broadcast_in_dim3A_368 = vector.broadcast %broadcast_in_dim3A_367 : f32 to vector<16xf32>
    %swap3A_369 = arith.constant 5 : i32
    %swap3A_370 = arith.index_cast %swap3A_369 : i32 to index
    %swap3A_371 = arith.constant 96 : index
    %swap3A_372 = tpu.vector_load %arg11[%swap3A_370, %swap3A_371] {strides = array<i32>} : memref<8x128xf32, #tpu.memory_space<vmem>>, vector<1x16xf32>,
    %swap3A_373 = vector.shape_cast %swap3A_372 : vector<1x16xf32> to vector<16xf32>
    %swap3A_374 = vector.shape_cast %broadcast_in_dim3A_368 : vector<16xf32> to vector<1x16xf32>
    tpu.vector_store %arg11[%swap3A_370, %swap3A_371], %swap3A_374 {strides = array<i32>} : memref<8x128xf32, #tpu.memory_space<vmem>>, vector<1x16xf32>,
    %broadcast_in_dim3A_375 = arith.constant 0.000000e+00 : f32
    %broadcast_in_dim3A_376 = vector.broadcast %broadcast_in_dim3A_375 : f32 to vector<16xf32>
    %swap3A_377 = arith.constant 5 : i32
    %swap3A_378 = arith.index_cast %swap3A_377 : i32 to index
    %swap3A_379 = arith.constant 112 : index
    %swap3A_380 = tpu.vector_load %arg11[%swap3A_378, %swap3A_379] {strides = array<i32>} : memref<8x128xf32, #tpu.memory_space<vmem>>, vector<1x16xf32>,
    %swap3A_381 = vector.shape_cast %swap3A_380 : vector<1x16xf32> to vector<16xf32>
    %swap3A_382 = vector.shape_cast %broadcast_in_dim3A_376 : vector<16xf32> to vector<1x16xf32>
    tpu.vector_store %arg11[%swap3A_378, %swap3A_379], %swap3A_382 {strides = array<i32>} : memref<8x128xf32, #tpu.memory_space<vmem>>, vector<1x16xf32>,
    %broadcast_in_dim3A_383 = arith.constant 0.000000e+00 : f32
    %broadcast_in_dim3A_384 = vector.broadcast %broadcast_in_dim3A_383 : f32 to vector<16xf32>
    %swap3A_385 = arith.constant 6 : i32
    %swap3A_386 = arith.index_cast %swap3A_385 : i32 to index
    %swap3A_387 = arith.constant 0 : index
    %swap3A_388 = tpu.vector_load %arg11[%swap3A_386, %swap3A_387] {strides = array<i32>} : memref<8x128xf32, #tpu.memory_space<vmem>>, vector<1x16xf32>,
    %swap3A_389 = vector.shape_cast %swap3A_388 : vector<1x16xf32> to vector<16xf32>
    %swap3A_390 = vector.shape_cast %broadcast_in_dim3A_384 : vector<16xf32> to vector<1x16xf32>
    tpu.vector_store %arg11[%swap3A_386, %swap3A_387], %swap3A_390 {strides = array<i32>} : memref<8x128xf32, #tpu.memory_space<vmem>>, vector<1x16xf32>,
    %broadcast_in_dim3A_391 = arith.constant 0.000000e+00 : f32
    %broadcast_in_dim3A_392 = vector.broadcast %broadcast_in_dim3A_391 : f32 to vector<16xf32>
    %swap3A_393 = arith.constant 6 : i32
    %swap3A_394 = arith.index_cast %swap3A_393 : i32 to index
    %swap3A_395 = arith.constant 16 : index
    %swap3A_396 = tpu.vector_load %arg11[%swap3A_394, %swap3A_395] {strides = array<i32>} : memref<8x128xf32, #tpu.memory_space<vmem>>, vector<1x16xf32>,
    %swap3A_397 = vector.shape_cast %swap3A_396 : vector<1x16xf32> to vector<16xf32>
    %swap3A_398 = vector.shape_cast %broadcast_in_dim3A_392 : vector<16xf32> to vector<1x16xf32>
    tpu.vector_store %arg11[%swap3A_394, %swap3A_395], %swap3A_398 {strides = array<i32>} : memref<8x128xf32, #tpu.memory_space<vmem>>, vector<1x16xf32>,
    %broadcast_in_dim3A_399 = arith.constant 0.000000e+00 : f32
    %broadcast_in_dim3A_400 = vector.broadcast %broadcast_in_dim3A_399 : f32 to vector<16xf32>
    %swap3A_401 = arith.constant 6 : i32
    %swap3A_402 = arith.index_cast %swap3A_401 : i32 to index
    %swap3A_403 = arith.constant 32 : index
    %swap3A_404 = tpu.vector_load %arg11[%swap3A_402, %swap3A_403] {strides = array<i32>} : memref<8x128xf32, #tpu.memory_space<vmem>>, vector<1x16xf32>,
    %swap3A_405 = vector.shape_cast %swap3A_404 : vector<1x16xf32> to vector<16xf32>
    %swap3A_406 = vector.shape_cast %broadcast_in_dim3A_400 : vector<16xf32> to vector<1x16xf32>
    tpu.vector_store %arg11[%swap3A_402, %swap3A_403], %swap3A_406 {strides = array<i32>} : memref<8x128xf32, #tpu.memory_space<vmem>>, vector<1x16xf32>,
    %broadcast_in_dim3A_407 = arith.constant 0.000000e+00 : f32
    %broadcast_in_dim3A_408 = vector.broadcast %broadcast_in_dim3A_407 : f32 to vector<16xf32>
    %swap3A_409 = arith.constant 6 : i32
    %swap3A_410 = arith.index_cast %swap3A_409 : i32 to index
    %swap3A_411 = arith.constant 48 : index
    %swap3A_412 = tpu.vector_load %arg11[%swap3A_410, %swap3A_411] {strides = array<i32>} : memref<8x128xf32, #tpu.memory_space<vmem>>, vector<1x16xf32>,
    %swap3A_413 = vector.shape_cast %swap3A_412 : vector<1x16xf32> to vector<16xf32>
    %swap3A_414 = vector.shape_cast %broadcast_in_dim3A_408 : vector<16xf32> to vector<1x16xf32>
    tpu.vector_store %arg11[%swap3A_410, %swap3A_411], %swap3A_414 {strides = array<i32>} : memref<8x128xf32, #tpu.memory_space<vmem>>, vector<1x16xf32>,
    %broadcast_in_dim3A_415 = arith.constant 0.000000e+00 : f32
    %broadcast_in_dim3A_416 = vector.broadcast %broadcast_in_dim3A_415 : f32 to vector<16xf32>
    %swap3A_417 = arith.constant 6 : i32
    %swap3A_418 = arith.index_cast %swap3A_417 : i32 to index
    %swap3A_419 = arith.constant 64 : index
    %swap3A_420 = tpu.vector_load %arg11[%swap3A_418, %swap3A_419] {strides = array<i32>} : memref<8x128xf32, #tpu.memory_space<vmem>>, vector<1x16xf32>,
    %swap3A_421 = vector.shape_cast %swap3A_420 : vector<1x16xf32> to vector<16xf32>
    %swap3A_422 = vector.shape_cast %broadcast_in_dim3A_416 : vector<16xf32> to vector<1x16xf32>
    tpu.vector_store %arg11[%swap3A_418, %swap3A_419], %swap3A_422 {strides = array<i32>} : memref<8x128xf32, #tpu.memory_space<vmem>>, vector<1x16xf32>,
    %broadcast_in_dim3A_423 = arith.constant 0.000000e+00 : f32
    %broadcast_in_dim3A_424 = vector.broadcast %broadcast_in_dim3A_423 : f32 to vector<16xf32>
    %swap3A_425 = arith.constant 6 : i32
    %swap3A_426 = arith.index_cast %swap3A_425 : i32 to index
    %swap3A_427 = arith.constant 80 : index
    %swap3A_428 = tpu.vector_load %arg11[%swap3A_426, %swap3A_427] {strides = array<i32>} : memref<8x128xf32, #tpu.memory_space<vmem>>, vector<1x16xf32>,
    %swap3A_429 = vector.shape_cast %swap3A_428 : vector<1x16xf32> to vector<16xf32>
    %swap3A_430 = vector.shape_cast %broadcast_in_dim3A_424 : vector<16xf32> to vector<1x16xf32>
    tpu.vector_store %arg11[%swap3A_426, %swap3A_427], %swap3A_430 {strides = array<i32>} : memref<8x128xf32, #tpu.memory_space<vmem>>, vector<1x16xf32>,
    %broadcast_in_dim3A_431 = arith.constant 0.000000e+00 : f32
    %broadcast_in_dim3A_432 = vector.broadcast %broadcast_in_dim3A_431 : f32 to vector<16xf32>
    %swap3A_433 = arith.constant 6 : i32
    %swap3A_434 = arith.index_cast %swap3A_433 : i32 to index
    %swap3A_435 = arith.constant 96 : index
    %swap3A_436 = tpu.vector_load %arg11[%swap3A_434, %swap3A_435] {strides = array<i32>} : memref<8x128xf32, #tpu.memory_space<vmem>>, vector<1x16xf32>,
    %swap3A_437 = vector.shape_cast %swap3A_436 : vector<1x16xf32> to vector<16xf32>
    %swap3A_438 = vector.shape_cast %broadcast_in_dim3A_432 : vector<16xf32> to vector<1x16xf32>
    tpu.vector_store %arg11[%swap3A_434, %swap3A_435], %swap3A_438 {strides = array<i32>} : memref<8x128xf32, #tpu.memory_space<vmem>>, vector<1x16xf32>,
    %broadcast_in_dim3A_439 = arith.constant 0.000000e+00 : f32
    %broadcast_in_dim3A_440 = vector.broadcast %broadcast_in_dim3A_439 : f32 to vector<16xf32>
    %swap3A_441 = arith.constant 6 : i32
    %swap3A_442 = arith.index_cast %swap3A_441 : i32 to index
    %swap3A_443 = arith.constant 112 : index
    %swap3A_444 = tpu.vector_load %arg11[%swap3A_442, %swap3A_443] {strides = array<i32>} : memref<8x128xf32, #tpu.memory_space<vmem>>, vector<1x16xf32>,
    %swap3A_445 = vector.shape_cast %swap3A_444 : vector<1x16xf32> to vector<16xf32>
    %swap3A_446 = vector.shape_cast %broadcast_in_dim3A_440 : vector<16xf32> to vector<1x16xf32>
    tpu.vector_store %arg11[%swap3A_442, %swap3A_443], %swap3A_446 {strides = array<i32>} : memref<8x128xf32, #tpu.memory_space<vmem>>, vector<1x16xf32>,
    %broadcast_in_dim3A_447 = arith.constant 0.000000e+00 : f32
    %broadcast_in_dim3A_448 = vector.broadcast %broadcast_in_dim3A_447 : f32 to vector<16xf32>
    %swap3A_449 = arith.constant 7 : i32
    %swap3A_450 = arith.index_cast %swap3A_449 : i32 to index
    %swap3A_451 = arith.constant 0 : index
    %swap3A_452 = tpu.vector_load %arg11[%swap3A_450, %swap3A_451] {strides = array<i32>} : memref<8x128xf32, #tpu.memory_space<vmem>>, vector<1x16xf32>,
    %swap3A_453 = vector.shape_cast %swap3A_452 : vector<1x16xf32> to vector<16xf32>
    %swap3A_454 = vector.shape_cast %broadcast_in_dim3A_448 : vector<16xf32> to vector<1x16xf32>
    tpu.vector_store %arg11[%swap3A_450, %swap3A_451], %swap3A_454 {strides = array<i32>} : memref<8x128xf32, #tpu.memory_space<vmem>>, vector<1x16xf32>,
    %broadcast_in_dim3A_455 = arith.constant 0.000000e+00 : f32
    %broadcast_in_dim3A_456 = vector.broadcast %broadcast_in_dim3A_455 : f32 to vector<16xf32>
    %swap3A_457 = arith.constant 7 : i32
    %swap3A_458 = arith.index_cast %swap3A_457 : i32 to index
    %swap3A_459 = arith.constant 16 : index
    %swap3A_460 = tpu.vector_load %arg11[%swap3A_458, %swap3A_459] {strides = array<i32>} : memref<8x128xf32, #tpu.memory_space<vmem>>, vector<1x16xf32>,
    %swap3A_461 = vector.shape_cast %swap3A_460 : vector<1x16xf32> to vector<16xf32>
    %swap3A_462 = vector.shape_cast %broadcast_in_dim3A_456 : vector<16xf32> to vector<1x16xf32>
    tpu.vector_store %arg11[%swap3A_458, %swap3A_459], %swap3A_462 {strides = array<i32>} : memref<8x128xf32, #tpu.memory_space<vmem>>, vector<1x16xf32>,
    %broadcast_in_dim3A_463 = arith.constant 0.000000e+00 : f32
    %broadcast_in_dim3A_464 = vector.broadcast %broadcast_in_dim3A_463 : f32 to vector<16xf32>
    %swap3A_465 = arith.constant 7 : i32
    %swap3A_466 = arith.index_cast %swap3A_465 : i32 to index
    %swap3A_467 = arith.constant 32 : index
    %swap3A_468 = tpu.vector_load %arg11[%swap3A_466, %swap3A_467] {strides = array<i32>} : memref<8x128xf32, #tpu.memory_space<vmem>>, vector<1x16xf32>,
    %swap3A_469 = vector.shape_cast %swap3A_468 : vector<1x16xf32> to vector<16xf32>
    %swap3A_470 = vector.shape_cast %broadcast_in_dim3A_464 : vector<16xf32> to vector<1x16xf32>
    tpu.vector_store %arg11[%swap3A_466, %swap3A_467], %swap3A_470 {strides = array<i32>} : memref<8x128xf32, #tpu.memory_space<vmem>>, vector<1x16xf32>,
    %broadcast_in_dim3A_471 = arith.constant 0.000000e+00 : f32
    %broadcast_in_dim3A_472 = vector.broadcast %broadcast_in_dim3A_471 : f32 to vector<16xf32>
    %swap3A_473 = arith.constant 7 : i32
    %swap3A_474 = arith.index_cast %swap3A_473 : i32 to index
    %swap3A_475 = arith.constant 48 : index
    %swap3A_476 = tpu.vector_load %arg11[%swap3A_474, %swap3A_475] {strides = array<i32>} : memref<8x128xf32, #tpu.memory_space<vmem>>, vector<1x16xf32>,
    %swap3A_477 = vector.shape_cast %swap3A_476 : vector<1x16xf32> to vector<16xf32>
    %swap3A_478 = vector.shape_cast %broadcast_in_dim3A_472 : vector<16xf32> to vector<1x16xf32>
    tpu.vector_store %arg11[%swap3A_474, %swap3A_475], %swap3A_478 {strides = array<i32>} : memref<8x128xf32, #tpu.memory_space<vmem>>, vector<1x16xf32>,
    %broadcast_in_dim3A_479 = arith.constant 0.000000e+00 : f32
    %broadcast_in_dim3A_480 = vector.broadcast %broadcast_in_dim3A_479 : f32 to vector<16xf32>
    %swap3A_481 = arith.constant 7 : i32
    %swap3A_482 = arith.index_cast %swap3A_481 : i32 to index
    %swap3A_483 = arith.constant 64 : index
    %swap3A_484 = tpu.vector_load %arg11[%swap3A_482, %swap3A_483] {strides = array<i32>} : memref<8x128xf32, #tpu.memory_space<vmem>>, vector<1x16xf32>,
    %swap3A_485 = vector.shape_cast %swap3A_484 : vector<1x16xf32> to vector<16xf32>
    %swap3A_486 = vector.shape_cast %broadcast_in_dim3A_480 : vector<16xf32> to vector<1x16xf32>
    tpu.vector_store %arg11[%swap3A_482, %swap3A_483], %swap3A_486 {strides = array<i32>} : memref<8x128xf32, #tpu.memory_space<vmem>>, vector<1x16xf32>,
    %broadcast_in_dim3A_487 = arith.constant 0.000000e+00 : f32
    %broadcast_in_dim3A_488 = vector.broadcast %broadcast_in_dim3A_487 : f32 to vector<16xf32>
    %swap3A_489 = arith.constant 7 : i32
    %swap3A_490 = arith.index_cast %swap3A_489 : i32 to index
    %swap3A_491 = arith.constant 80 : index
    %swap3A_492 = tpu.vector_load %arg11[%swap3A_490, %swap3A_491] {strides = array<i32>} : memref<8x128xf32, #tpu.memory_space<vmem>>, vector<1x16xf32>,
    %swap3A_493 = vector.shape_cast %swap3A_492 : vector<1x16xf32> to vector<16xf32>
    %swap3A_494 = vector.shape_cast %broadcast_in_dim3A_488 : vector<16xf32> to vector<1x16xf32>
    tpu.vector_store %arg11[%swap3A_490, %swap3A_491], %swap3A_494 {strides = array<i32>} : memref<8x128xf32, #tpu.memory_space<vmem>>, vector<1x16xf32>,
    %broadcast_in_dim3A_495 = arith.constant 0.000000e+00 : f32
    %broadcast_in_dim3A_496 = vector.broadcast %broadcast_in_dim3A_495 : f32 to vector<16xf32>
    %swap3A_497 = arith.constant 7 : i32
    %swap3A_498 = arith.index_cast %swap3A_497 : i32 to index
    %swap3A_499 = arith.constant 96 : index
    %swap3A_500 = tpu.vector_load %arg11[%swap3A_498, %swap3A_499] {strides = array<i32>} : memref<8x128xf32, #tpu.memory_space<vmem>>, vector<1x16xf32>,
    %swap3A_501 = vector.shape_cast %swap3A_500 : vector<1x16xf32> to vector<16xf32>
    %swap3A_502 = vector.shape_cast %broadcast_in_dim3A_496 : vector<16xf32> to vector<1x16xf32>
    tpu.vector_store %arg11[%swap3A_498, %swap3A_499], %swap3A_502 {strides = array<i32>} : memref<8x128xf32, #tpu.memory_space<vmem>>, vector<1x16xf32>,
    %broadcast_in_dim3A_503 = arith.constant 0.000000e+00 : f32
    %broadcast_in_dim3A_504 = vector.broadcast %broadcast_in_dim3A_503 : f32 to vector<16xf32>
    %swap3A_505 = arith.constant 7 : i32
    %swap3A_506 = arith.index_cast %swap3A_505 : i32 to index
    %swap3A_507 = arith.constant 112 : index
    %swap3A_508 = tpu.vector_load %arg11[%swap3A_506, %swap3A_507] {strides = array<i32>} : memref<8x128xf32, #tpu.memory_space<vmem>>, vector<1x16xf32>,
    %swap3A_509 = vector.shape_cast %swap3A_508 : vector<1x16xf32> to vector<16xf32>
    %swap3A_510 = vector.shape_cast %broadcast_in_dim3A_504 : vector<16xf32> to vector<1x16xf32>
    tpu.vector_store %arg11[%swap3A_506, %swap3A_507], %swap3A_510 {strides = array<i32>} : memref<8x128xf32, #tpu.memory_space<vmem>>, vector<1x16xf32>,
    "tpu.region"() ({
      %run_scoped3A = tpu.sem_alloc : memref<!tpu.dma_semaphore, #tpu.memory_space<semaphore_mem>>
      %dma_start3A_540 = arith.constant 0 : i32
      %dma_start3A_541 = arith.constant 0 : i32
      %dma_start3A_542 = tpu.memref_slice %arg3[%add3A, %dma_start3A_540, %dma_start3A_541] : memref<32x80x128xi32, #tpu.memory_space<hbm>> -> memref<1x80x128xi32, #tpu.memory_space<hbm>>
      %dma_start3A_543 = tpu.memref_squeeze %dma_start3A_542 : memref<1x80x128xi32, #tpu.memory_space<hbm>> -> memref<80x128xi32, #tpu.memory_space<hbm>>
      %dma_start3A_544 = arith.constant 0 : i32
      %dma_start3A_545 = arith.constant 0 : i32
      %dma_start3A_546 = tpu.memref_slice %arg3[%add3A, %dma_start3A_544, %dma_start3A_545] : memref<32x80x128xi32, #tpu.memory_space<hbm>> -> memref<1x80x128xi32, #tpu.memory_space<hbm>>
      %dma_start3A_547 = tpu.memref_squeeze %dma_start3A_546 : memref<1x80x128xi32, #tpu.memory_space<hbm>> -> memref<80x128xi32, #tpu.memory_space<hbm>>
      tpu.enqueue_dma source(%dma_start3A_547 : memref<80x128xi32, #tpu.memory_space<hbm>>) target(%arg6 : memref<80x128xi32, #tpu.memory_space<vmem>>) target_semaphore(%run_scoped3A : memref<!tpu.dma_semaphore, #tpu.memory_space<semaphore_mem>>)
      %dma_wait3A = arith.constant 0 : i32
      %dma_wait3A_548 = arith.constant 0 : i32
      %dma_wait3A_549 = tpu.memref_slice %arg3[%add3A, %dma_wait3A, %dma_wait3A_548] : memref<32x80x128xi32, #tpu.memory_space<hbm>> -> memref<1x80x128xi32, #tpu.memory_space<hbm>>
      %dma_wait3A_550 = tpu.memref_squeeze %dma_wait3A_549 : memref<1x80x128xi32, #tpu.memory_space<hbm>> -> memref<80x128xi32, #tpu.memory_space<hbm>>
      %dma_wait3A_551 = arith.constant 0 : i32
      %dma_wait3A_552 = arith.constant 0 : i32
      %dma_wait3A_553 = tpu.memref_slice %arg3[%add3A, %dma_wait3A_551, %dma_wait3A_552] : memref<32x80x128xi32, #tpu.memory_space<hbm>> -> memref<1x80x128xi32, #tpu.memory_space<hbm>>
      %dma_wait3A_554 = tpu.memref_squeeze %dma_wait3A_553 : memref<1x80x128xi32, #tpu.memory_space<hbm>> -> memref<80x128xi32, #tpu.memory_space<hbm>>
      tpu.wait_dma2 semaphore(%run_scoped3A : memref<!tpu.dma_semaphore, #tpu.memory_space<semaphore_mem>>) src(%dma_wait3A_554 : memref<80x128xi32, #tpu.memory_space<hbm>>) dst(%arg6 : memref<80x128xi32, #tpu.memory_space<vmem>>)
      tpu.yield
    }) : () -> ()
    %scan3A = arith.constant 0 : i32
    %scan3A_511 = arith.constant 79 : i32
    %scan3A_512 = arith.addi %scan3A, %scan3A_511 : i32
    %scan3A_513 = arith.constant 1 : i32
    scf.for %scan3A_540 = %scan3A to %scan3A_512 step %scan3A_513  : i32 {
      %mul3A_541 = arith.constant 632 : i32
      %mul3A_542 = arith.muli %arg1, %mul3A_541 : i32
      %mul3A_543 = arith.constant 8 : i32
      %mul3A_544 = arith.muli %scan3A_540, %mul3A_543 : i32
      %add3A_545 = arith.addi %mul3A_542, %mul3A_544 : i32
      "tpu.region"() ({
        %run_scoped3A = tpu.sem_alloc : memref<!tpu.dma_semaphore, #tpu.memory_space<semaphore_mem>>
        %dma_start3A_546 = arith.constant 0 : i32
        %dma_start3A_547 = tpu.memref_slice %arg12[%add3A_545, %dma_start3A_546] : memref<10112x128xf32, #tpu.memory_space<vmem_shared>> -> memref<8x128xf32, #tpu.memory_space<vmem_shared>>
        %dma_start3A_548 = arith.constant 0 : i32
        %dma_start3A_549 = tpu.memref_slice %arg12[%add3A_545, %dma_start3A_548] : memref<10112x128xf32, #tpu.memory_space<vmem_shared>> -> memref<8x128xf32, #tpu.memory_space<vmem_shared>>
        tpu.enqueue_dma source(%arg11 : memref<8x128xf32, #tpu.memory_space<vmem>>) target(%dma_start3A_549 : memref<8x128xf32, #tpu.memory_space<vmem_shared>>) target_semaphore(%run_scoped3A : memref<!tpu.dma_semaphore, #tpu.memory_space<semaphore_mem>>)
        %dma_wait3A = arith.constant 0 : i32
        %dma_wait3A_550 = tpu.memref_slice %arg12[%add3A_545, %dma_wait3A] : memref<10112x128xf32, #tpu.memory_space<vmem_shared>> -> memref<8x128xf32, #tpu.memory_space<vmem_shared>>
        %dma_wait3A_551 = arith.constant 0 : i32
        %dma_wait3A_552 = tpu.memref_slice %arg12[%add3A_545, %dma_wait3A_551] : memref<10112x128xf32, #tpu.memory_space<vmem_shared>> -> memref<8x128xf32, #tpu.memory_space<vmem_shared>>
        tpu.wait_dma2 semaphore(%run_scoped3A : memref<!tpu.dma_semaphore, #tpu.memory_space<semaphore_mem>>) src(%arg11 : memref<8x128xf32, #tpu.memory_space<vmem>>) dst(%dma_wait3A_552 : memref<8x128xf32, #tpu.memory_space<vmem_shared>>)
        tpu.yield
      }) : () -> ()
    }
    %scan3A_514 = arith.constant 79 : i32
    %barrier3A = arith.constant 0 : index
    tpu.barrier barrier_id(%barrier3A)
    %dma_start3A = arith.constant 0 : i32
    %dma_start3A_515 = arith.constant 0 : i32
    %dma_start3A_516 = tpu.memref_slice %arg4[%add3A, %dma_start3A, %dma_start3A_515] : memref<32x80x128xi32, #tpu.memory_space<hbm>> -> memref<1x1x128xi32, #tpu.memory_space<hbm>>
    %dma_start3A_517 = tpu.memref_squeeze %dma_start3A_516 : memref<1x1x128xi32, #tpu.memory_space<hbm>> -> memref<128xi32, #tpu.memory_space<hbm>>
    %dma_start3A_518 = arith.constant 0 : i32
    %dma_start3A_519 = tpu.memref_slice %arg4[%add3A, %dma_start3A, %dma_start3A_518] : memref<32x80x128xi32, #tpu.memory_space<hbm>> -> memref<1x1x128xi32, #tpu.memory_space<hbm>>
    %dma_start3A_520 = tpu.memref_squeeze %dma_start3A_519 : memref<1x1x128xi32, #tpu.memory_space<hbm>> -> memref<128xi32, #tpu.memory_space<hbm>>
    tpu.enqueue_dma source(%dma_start3A_520 : memref<128xi32, #tpu.memory_space<hbm>>) target(%arg7 : memref<128xi32, #tpu.memory_space<vmem>>) target_semaphore(%arg15 : memref<!tpu.dma_semaphore, #tpu.memory_space<semaphore_mem>>)
    %dma_start3A_521 = arith.constant 0 : i32
    %dma_start3A_522 = arith.constant 0 : i32
    %dma_start3A_523 = tpu.memref_slice %arg6[%dma_start3A_521, %dma_start3A_522] : memref<80x128xi32, #tpu.memory_space<vmem>> -> memref<1x128xi32, #tpu.memory_space<vmem>>
    %dma_start3A_524 = tpu.memref_squeeze %dma_start3A_523 : memref<1x128xi32, #tpu.memory_space<vmem>> -> memref<128xi32, #tpu.memory_space<vmem>>
    %dma_start3A_525 = arith.constant 0 : i32
    %dma_start3A_526 = arith.constant 0 : i32
    %dma_start3A_527 = tpu.memref_slice %arg2[%dma_start3A_525, %dma_start3A_526] : memref<10000x128xf32, #tpu.memory_space<hbm>> -> memref<10000x128xf32, #tpu.memory_space<hbm>>
    tpu.enqueue_indirect_dma source(%dma_start3A_527 : memref<10000x128xf32, #tpu.memory_space<hbm>>) target(%arg9 : memref<128x128xf32, #tpu.memory_space<vmem>>) offsets(%dma_start3A_524 : memref<128xi32, #tpu.memory_space<vmem>>) semaphore(%arg13 : memref<!tpu.dma_semaphore, #tpu.memory_space<semaphore_mem>>)
    %scan3A_528 = arith.constant 0 : i32
    %scan3A_529 = arith.constant 40 : i32
    %scan3A_530 = arith.addi %scan3A_528, %scan3A_529 : i32
    %scan3A_531 = arith.constant 1 : i32
    scf.for %scan3A_540 = %scan3A_528 to %scan3A_530 step %scan3A_531  : i32 {
      %mul3A_541 = arith.constant 2 : i32
      %mul3A_542 = arith.muli %mul3A_541, %scan3A_540 : i32
      %add3A_543 = arith.constant 1 : i32
      %add3A_544 = arith.addi %mul3A_542, %add3A_543 : i32
      %dma_start3A_545 = arith.constant 0 : i32
      %dma_start3A_546 = tpu.memref_slice %arg4[%add3A, %add3A_544, %dma_start3A_545] : memref<32x80x128xi32, #tpu.memory_space<hbm>> -> memref<1x1x128xi32, #tpu.memory_space<hbm>>
      %dma_start3A_547 = tpu.memref_squeeze %dma_start3A_546 : memref<1x1x128xi32, #tpu.memory_space<hbm>> -> memref<128xi32, #tpu.memory_space<hbm>>
      %dma_start3A_548 = arith.constant 0 : i32
      %dma_start3A_549 = tpu.memref_slice %arg4[%add3A, %add3A_544, %dma_start3A_548] : memref<32x80x128xi32, #tpu.memory_space<hbm>> -> memref<1x1x128xi32, #tpu.memory_space<hbm>>
      %dma_start3A_550 = tpu.memref_squeeze %dma_start3A_549 : memref<1x1x128xi32, #tpu.memory_space<hbm>> -> memref<128xi32, #tpu.memory_space<hbm>>
      tpu.enqueue_dma source(%dma_start3A_550 : memref<128xi32, #tpu.memory_space<hbm>>) target(%arg8 : memref<128xi32, #tpu.memory_space<vmem>>) target_semaphore(%arg16 : memref<!tpu.dma_semaphore, #tpu.memory_space<semaphore_mem>>)
      %add3A_551 = arith.constant 1 : i32
      %add3A_552 = arith.addi %mul3A_542, %add3A_551 : i32
      %dma_start3A_553 = arith.constant 0 : i32
      %dma_start3A_554 = tpu.memref_slice %arg6[%add3A_552, %dma_start3A_553] : memref<80x128xi32, #tpu.memory_space<vmem>> -> memref<1x128xi32, #tpu.memory_space<vmem>>
      %dma_start3A_555 = tpu.memref_squeeze %dma_start3A_554 : memref<1x128xi32, #tpu.memory_space<vmem>> -> memref<128xi32, #tpu.memory_space<vmem>>
      %dma_start3A_556 = arith.constant 0 : i32
      %dma_start3A_557 = arith.constant 0 : i32
      %dma_start3A_558 = tpu.memref_slice %arg2[%dma_start3A_556, %dma_start3A_557] : memref<10000x128xf32, #tpu.memory_space<hbm>> -> memref<10000x128xf32, #tpu.memory_space<hbm>>
      tpu.enqueue_indirect_dma source(%dma_start3A_558 : memref<10000x128xf32, #tpu.memory_space<hbm>>) target(%arg10 : memref<128x128xf32, #tpu.memory_space<vmem>>) offsets(%dma_start3A_555 : memref<128xi32, #tpu.memory_space<vmem>>) semaphore(%arg14 : memref<!tpu.dma_semaphore, #tpu.memory_space<semaphore_mem>>)
      %dma_wait3A = arith.constant 0 : i32
      %dma_wait3A_559 = tpu.memref_slice %arg4[%add3A, %mul3A_542, %dma_wait3A] : memref<32x80x128xi32, #tpu.memory_space<hbm>> -> memref<1x1x128xi32, #tpu.memory_space<hbm>>
      %dma_wait3A_560 = tpu.memref_squeeze %dma_wait3A_559 : memref<1x1x128xi32, #tpu.memory_space<hbm>> -> memref<128xi32, #tpu.memory_space<hbm>>
      %dma_wait3A_561 = arith.constant 0 : i32
      %dma_wait3A_562 = tpu.memref_slice %arg4[%add3A, %mul3A_542, %dma_wait3A_561] : memref<32x80x128xi32, #tpu.memory_space<hbm>> -> memref<1x1x128xi32, #tpu.memory_space<hbm>>
      %dma_wait3A_563 = tpu.memref_squeeze %dma_wait3A_562 : memref<1x1x128xi32, #tpu.memory_space<hbm>> -> memref<128xi32, #tpu.memory_space<hbm>>
      tpu.wait_dma2 semaphore(%arg15 : memref<!tpu.dma_semaphore, #tpu.memory_space<semaphore_mem>>) src(%dma_wait3A_563 : memref<128xi32, #tpu.memory_space<hbm>>) dst(%arg7 : memref<128xi32, #tpu.memory_space<vmem>>)
      %dma_wait3A_564 = arith.constant 0 : i32
      %dma_wait3A_565 = tpu.memref_slice %arg6[%mul3A_542, %dma_wait3A_564] : memref<80x128xi32, #tpu.memory_space<vmem>> -> memref<1x128xi32, #tpu.memory_space<vmem>>
      %dma_wait3A_566 = tpu.memref_squeeze %dma_wait3A_565 : memref<1x128xi32, #tpu.memory_space<vmem>> -> memref<128xi32, #tpu.memory_space<vmem>>
      %dma_wait3A_567 = arith.constant 0 : i32
      %dma_wait3A_568 = arith.constant 0 : i32
      %dma_wait3A_569 = tpu.memref_slice %arg2[%dma_wait3A_567, %dma_wait3A_568] : memref<10000x128xf32, #tpu.memory_space<hbm>> -> memref<10000x128xf32, #tpu.memory_space<hbm>>
      tpu.wait_indirect_dma semaphore(%arg13 : memref<!tpu.dma_semaphore, #tpu.memory_space<semaphore_mem>>) src(%dma_wait3A_569 : memref<10000x128xf32, #tpu.memory_space<hbm>>) dst(%arg9 : memref<128x128xf32, #tpu.memory_space<vmem>>)
      "tpu.region"() ({
        %run_scoped3A = tpu.sem_alloc : memref<!tpu.dma_semaphore, #tpu.memory_space<semaphore_mem>>
        %dma_start3A_591 = arith.constant 0 : i32
        %dma_start3A_592 = arith.constant 0 : i32
        %dma_start3A_593 = tpu.memref_slice %arg12[%dma_start3A_591, %dma_start3A_592] : memref<10112x128xf32, #tpu.memory_space<vmem_shared>> -> memref<10112x128xf32, #tpu.memory_space<vmem_shared>>
        tpu.enqueue_indirect_dma source(%arg9 : memref<128x128xf32, #tpu.memory_space<vmem>>) target(%dma_start3A_593 : memref<10112x128xf32, #tpu.memory_space<vmem_shared>>) offsets(%arg7 : memref<128xi32, #tpu.memory_space<vmem>>) semaphore(%run_scoped3A : memref<!tpu.dma_semaphore, #tpu.memory_space<semaphore_mem>>) {add = true}
        %dma_wait3A_594 = arith.constant 0 : i32
        %dma_wait3A_595 = arith.constant 0 : i32
        %dma_wait3A_596 = tpu.memref_slice %arg12[%dma_wait3A_594, %dma_wait3A_595] : memref<10112x128xf32, #tpu.memory_space<vmem_shared>> -> memref<10112x128xf32, #tpu.memory_space<vmem_shared>>
        tpu.wait_indirect_dma semaphore(%run_scoped3A : memref<!tpu.dma_semaphore, #tpu.memory_space<semaphore_mem>>) src(%arg9 : memref<128x128xf32, #tpu.memory_space<vmem>>) dst(%dma_wait3A_596 : memref<10112x128xf32, #tpu.memory_space<vmem_shared>>)
        tpu.yield
      }) : () -> ()
      %lt3A_570 = arith.constant 39 : i32
      %lt3A_571 = arith.cmpi slt, %scan3A_540, %lt3A_570 : i32
      %convert_element_type3A_572 = arith.extui %lt3A_571 : i1 to i32
      %cond3A_573 = arith.constant 0 : i32
      %cond3A_574 = arith.cmpi ne, %convert_element_type3A_572, %cond3A_573 : i32
      scf.if %cond3A_574 {
        %add3A_591 = arith.constant 2 : i32
        %add3A_592 = arith.addi %mul3A_542, %add3A_591 : i32
        %dma_start3A_593 = arith.constant 0 : i32
        %dma_start3A_594 = tpu.memref_slice %arg4[%add3A, %add3A_592, %dma_start3A_593] : memref<32x80x128xi32, #tpu.memory_space<hbm>> -> memref<1x1x128xi32, #tpu.memory_space<hbm>>
        %dma_start3A_595 = tpu.memref_squeeze %dma_start3A_594 : memref<1x1x128xi32, #tpu.memory_space<hbm>> -> memref<128xi32, #tpu.memory_space<hbm>>
        %dma_start3A_596 = arith.constant 0 : i32
        %dma_start3A_597 = tpu.memref_slice %arg4[%add3A, %add3A_592, %dma_start3A_596] : memref<32x80x128xi32, #tpu.memory_space<hbm>> -> memref<1x1x128xi32, #tpu.memory_space<hbm>>
        %dma_start3A_598 = tpu.memref_squeeze %dma_start3A_597 : memref<1x1x128xi32, #tpu.memory_space<hbm>> -> memref<128xi32, #tpu.memory_space<hbm>>
        tpu.enqueue_dma source(%dma_start3A_598 : memref<128xi32, #tpu.memory_space<hbm>>) target(%arg7 : memref<128xi32, #tpu.memory_space<vmem>>) target_semaphore(%arg15 : memref<!tpu.dma_semaphore, #tpu.memory_space<semaphore_mem>>)
        %add3A_599 = arith.constant 2 : i32
        %add3A_600 = arith.addi %mul3A_542, %add3A_599 : i32
        %dma_start3A_601 = arith.constant 0 : i32
        %dma_start3A_602 = tpu.memref_slice %arg6[%add3A_600, %dma_start3A_601] : memref<80x128xi32, #tpu.memory_space<vmem>> -> memref<1x128xi32, #tpu.memory_space<vmem>>
        %dma_start3A_603 = tpu.memref_squeeze %dma_start3A_602 : memref<1x128xi32, #tpu.memory_space<vmem>> -> memref<128xi32, #tpu.memory_space<vmem>>
        %dma_start3A_604 = arith.constant 0 : i32
        %dma_start3A_605 = arith.constant 0 : i32
        %dma_start3A_606 = tpu.memref_slice %arg2[%dma_start3A_604, %dma_start3A_605] : memref<10000x128xf32, #tpu.memory_space<hbm>> -> memref<10000x128xf32, #tpu.memory_space<hbm>>
        tpu.enqueue_indirect_dma source(%dma_start3A_606 : memref<10000x128xf32, #tpu.memory_space<hbm>>) target(%arg9 : memref<128x128xf32, #tpu.memory_space<vmem>>) offsets(%dma_start3A_603 : memref<128xi32, #tpu.memory_space<vmem>>) semaphore(%arg13 : memref<!tpu.dma_semaphore, #tpu.memory_space<semaphore_mem>>)
      } else {
      }
      %add3A_575 = arith.constant 1 : i32
      %add3A_576 = arith.addi %mul3A_542, %add3A_575 : i32
      %dma_wait3A_577 = arith.constant 0 : i32
      %dma_wait3A_578 = tpu.memref_slice %arg4[%add3A, %add3A_576, %dma_wait3A_577] : memref<32x80x128xi32, #tpu.memory_space<hbm>> -> memref<1x1x128xi32, #tpu.memory_space<hbm>>
      %dma_wait3A_579 = tpu.memref_squeeze %dma_wait3A_578 : memref<1x1x128xi32, #tpu.memory_space<hbm>> -> memref<128xi32, #tpu.memory_space<hbm>>
      %dma_wait3A_580 = arith.constant 0 : i32
      %dma_wait3A_581 = tpu.memref_slice %arg4[%add3A, %add3A_576, %dma_wait3A_580] : memref<32x80x128xi32, #tpu.memory_space<hbm>> -> memref<1x1x128xi32, #tpu.memory_space<hbm>>
      %dma_wait3A_582 = tpu.memref_squeeze %dma_wait3A_581 : memref<1x1x128xi32, #tpu.memory_space<hbm>> -> memref<128xi32, #tpu.memory_space<hbm>>
      tpu.wait_dma2 semaphore(%arg16 : memref<!tpu.dma_semaphore, #tpu.memory_space<semaphore_mem>>) src(%dma_wait3A_582 : memref<128xi32, #tpu.memory_space<hbm>>) dst(%arg8 : memref<128xi32, #tpu.memory_space<vmem>>)
      %add3A_583 = arith.constant 1 : i32
      %add3A_584 = arith.addi %mul3A_542, %add3A_583 : i32
      %dma_wait3A_585 = arith.constant 0 : i32
      %dma_wait3A_586 = tpu.memref_slice %arg6[%add3A_584, %dma_wait3A_585] : memref<80x128xi32, #tpu.memory_space<vmem>> -> memref<1x128xi32, #tpu.memory_space<vmem>>
      %dma_wait3A_587 = tpu.memref_squeeze %dma_wait3A_586 : memref<1x128xi32, #tpu.memory_space<vmem>> -> memref<128xi32, #tpu.memory_space<vmem>>
      %dma_wait3A_588 = arith.constant 0 : i32
      %dma_wait3A_589 = arith.constant 0 : i32
      %dma_wait3A_590 = tpu.memref_slice %arg2[%dma_wait3A_588, %dma_wait3A_589] : memref<10000x128xf32, #tpu.memory_space<hbm>> -> memref<10000x128xf32, #tpu.memory_space<hbm>>
      tpu.wait_indirect_dma semaphore(%arg14 : memref<!tpu.dma_semaphore, #tpu.memory_space<semaphore_mem>>) src(%dma_wait3A_590 : memref<10000x128xf32, #tpu.memory_space<hbm>>) dst(%arg10 : memref<128x128xf32, #tpu.memory_space<vmem>>)
      "tpu.region"() ({
        %run_scoped3A = tpu.sem_alloc : memref<!tpu.dma_semaphore, #tpu.memory_space<semaphore_mem>>
        %dma_start3A_591 = arith.constant 0 : i32
        %dma_start3A_592 = arith.constant 0 : i32
        %dma_start3A_593 = tpu.memref_slice %arg12[%dma_start3A_591, %dma_start3A_592] : memref<10112x128xf32, #tpu.memory_space<vmem_shared>> -> memref<10112x128xf32, #tpu.memory_space<vmem_shared>>
        tpu.enqueue_indirect_dma source(%arg10 : memref<128x128xf32, #tpu.memory_space<vmem>>) target(%dma_start3A_593 : memref<10112x128xf32, #tpu.memory_space<vmem_shared>>) offsets(%arg8 : memref<128xi32, #tpu.memory_space<vmem>>) semaphore(%run_scoped3A : memref<!tpu.dma_semaphore, #tpu.memory_space<semaphore_mem>>) {add = true}
        %dma_wait3A_594 = arith.constant 0 : i32
        %dma_wait3A_595 = arith.constant 0 : i32
        %dma_wait3A_596 = tpu.memref_slice %arg12[%dma_wait3A_594, %dma_wait3A_595] : memref<10112x128xf32, #tpu.memory_space<vmem_shared>> -> memref<10112x128xf32, #tpu.memory_space<vmem_shared>>
        tpu.wait_indirect_dma semaphore(%run_scoped3A : memref<!tpu.dma_semaphore, #tpu.memory_space<semaphore_mem>>) src(%arg10 : memref<128x128xf32, #tpu.memory_space<vmem>>) dst(%dma_wait3A_596 : memref<10112x128xf32, #tpu.memory_space<vmem_shared>>)
        tpu.yield
      }) : () -> ()
    }
    %scan3A_532 = arith.constant 40 : i32
    %barrier3A_533 = arith.constant 0 : index
    tpu.barrier barrier_id(%barrier3A_533)
    %lt3A = arith.constant 15 : i32
    %lt3A_534 = arith.cmpi slt, %arg1, %lt3A : i32
    %convert_element_type3A = arith.extui %lt3A_534 : i1 to i32
    %cond3A = arith.constant 0 : i32
    %cond3A_535 = arith.cmpi ne, %convert_element_type3A, %cond3A : i32
    scf.if %cond3A_535 {
      %mul3A_540 = arith.constant 632 : i32
      %mul3A_541 = arith.muli %arg1, %mul3A_540 : i32
      %mul3A_542 = arith.constant 10000 : i32
      %mul3A_543 = arith.muli %arg0, %mul3A_542 : i32
      %mul3A_544 = arith.constant 632 : i32
      %mul3A_545 = arith.muli %arg1, %mul3A_544 : i32
      %add3A_546 = arith.addi %mul3A_543, %mul3A_545 : i32
      "tpu.region"() ({
        %run_scoped3A = tpu.sem_alloc : memref<!tpu.dma_semaphore, #tpu.memory_space<semaphore_mem>>
        %dma_start3A_547 = arith.constant 0 : i32
        %dma_start3A_548 = tpu.memref_slice %arg5[%add3A_546, %dma_start3A_547] : memref<20000x128xf32, #tpu.memory_space<hbm>> -> memref<632x128xf32, #tpu.memory_space<hbm>>
        %dma_start3A_549 = arith.constant 0 : i32
        %dma_start3A_550 = tpu.memref_slice %arg12[%mul3A_541, %dma_start3A_549] : memref<10112x128xf32, #tpu.memory_space<vmem_shared>> -> memref<632x128xf32, #tpu.memory_space<vmem_shared>>
        tpu.enqueue_dma source(%dma_start3A_550 : memref<632x128xf32, #tpu.memory_space<vmem_shared>>) target(%dma_start3A_548 : memref<632x128xf32, #tpu.memory_space<hbm>>) target_semaphore(%run_scoped3A : memref<!tpu.dma_semaphore, #tpu.memory_space<semaphore_mem>>)
        %dma_wait3A = arith.constant 0 : i32
        %dma_wait3A_551 = tpu.memref_slice %arg5[%add3A_546, %dma_wait3A] : memref<20000x128xf32, #tpu.memory_space<hbm>> -> memref<632x128xf32, #tpu.memory_space<hbm>>
        %dma_wait3A_552 = arith.constant 0 : i32
        %dma_wait3A_553 = tpu.memref_slice %arg12[%mul3A_541, %dma_wait3A_552] : memref<10112x128xf32, #tpu.memory_space<vmem_shared>> -> memref<632x128xf32, #tpu.memory_space<vmem_shared>>
        tpu.wait_dma2 semaphore(%run_scoped3A : memref<!tpu.dma_semaphore, #tpu.memory_space<semaphore_mem>>) src(%dma_wait3A_553 : memref<632x128xf32, #tpu.memory_space<vmem_shared>>) dst(%dma_wait3A_551 : memref<632x128xf32, #tpu.memory_space<hbm>>)
        tpu.yield
      }) : () -> ()
    } else {
    }
    %eq3A = arith.constant 15 : i32
    %eq3A_536 = arith.cmpi eq, %arg1, %eq3A : i32
    %convert_element_type3A_537 = arith.extui %eq3A_536 : i1 to i32
    %cond3A_538 = arith.constant 0 : i32
    %cond3A_539 = arith.cmpi ne, %convert_element_type3A_537, %cond3A_538 : i32
    scf.if %cond3A_539 {
      %mul3A_540 = arith.constant 632 : i32
      %mul3A_541 = arith.muli %arg1, %mul3A_540 : i32
      %mul3A_542 = arith.constant 10000 : i32
      %mul3A_543 = arith.muli %arg0, %mul3A_542 : i32
      %mul3A_544 = arith.constant 632 : i32
      %mul3A_545 = arith.muli %arg1, %mul3A_544 : i32
      %add3A_546 = arith.addi %mul3A_543, %mul3A_545 : i32
      "tpu.region"() ({
        %run_scoped3A = tpu.sem_alloc : memref<!tpu.dma_semaphore, #tpu.memory_space<semaphore_mem>>
        %dma_start3A_547 = arith.constant 0 : i32
        %dma_start3A_548 = tpu.memref_slice %arg5[%add3A_546, %dma_start3A_547] : memref<20000x128xf32, #tpu.memory_space<hbm>> -> memref<520x128xf32, #tpu.memory_space<hbm>>
        %dma_start3A_549 = arith.constant 0 : i32
        %dma_start3A_550 = tpu.memref_slice %arg12[%mul3A_541, %dma_start3A_549] : memref<10112x128xf32, #tpu.memory_space<vmem_shared>> -> memref<520x128xf32, #tpu.memory_space<vmem_shared>>
        tpu.enqueue_dma source(%dma_start3A_550 : memref<520x128xf32, #tpu.memory_space<vmem_shared>>) target(%dma_start3A_548 : memref<520x128xf32, #tpu.memory_space<hbm>>) target_semaphore(%run_scoped3A : memref<!tpu.dma_semaphore, #tpu.memory_space<semaphore_mem>>)
        %dma_wait3A = arith.constant 0 : i32
        %dma_wait3A_551 = tpu.memref_slice %arg5[%add3A_546, %dma_wait3A] : memref<20000x128xf32, #tpu.memory_space<hbm>> -> memref<520x128xf32, #tpu.memory_space<hbm>>
        %dma_wait3A_552 = arith.constant 0 : i32
        %dma_wait3A_553 = tpu.memref_slice %arg12[%mul3A_541, %dma_wait3A_552] : memref<10112x128xf32, #tpu.memory_space<vmem_shared>> -> memref<520x128xf32, #tpu.memory_space<vmem_shared>>
        tpu.wait_dma2 semaphore(%run_scoped3A : memref<!tpu.dma_semaphore, #tpu.memory_space<semaphore_mem>>) src(%dma_wait3A_553 : memref<520x128xf32, #tpu.memory_space<vmem_shared>>) dst(%dma_wait3A_551 : memref<520x128xf32, #tpu.memory_space<hbm>>)
        tpu.yield
      }) : () -> ()
    } else {
    }
    return
  }
}

#map = affine_map<(d0, d1) -> (0, 0)>
#map1 = affine_map<(d0, d1) -> (0, 0, 0)>
module attributes {stable_mosaic.version = 14 : i64} {
  func.func @_msg_call(%arg0: i32, %arg1: i32, %arg2: memref<10000x128xf32, #tpu.memory_space<hbm>>, %arg3: memref<32x80x128xi32, #tpu.memory_space<hbm>>, %arg4: memref<32x80x128xi32, #tpu.memory_space<hbm>>, %arg5: memref<20000x128xf32, #tpu.memory_space<hbm>>, %arg6: memref<80x128xi32, #tpu.memory_space<vmem>>, %arg7: memref<128xi32, #tpu.memory_space<vmem>>, %arg8: memref<128xi32, #tpu.memory_space<vmem>>, %arg9: memref<128x128xf32, #tpu.memory_space<vmem>>, %arg10: memref<128x128xf32, #tpu.memory_space<vmem>>, %arg11: memref<8x128xf32, #tpu.memory_space<vmem>>, %arg12: memref<10112x128xf32, #tpu.memory_space<vmem_shared>>, %arg13: memref<!tpu.dma_semaphore, #tpu.memory_space<semaphore_mem>>, %arg14: memref<!tpu.dma_semaphore, #tpu.memory_space<semaphore_mem>>, %arg15: memref<!tpu.dma_semaphore, #tpu.memory_space<semaphore_mem>>, %arg16: memref<!tpu.dma_semaphore, #tpu.memory_space<semaphore_mem>>) attributes {dimension_semantics = [#tpu.dimension_semantics<core_parallel>, #tpu.dimension_semantics<subcore_parallel>], iteration_bounds = array<i64: 2, 16>, scalar_prefetch = 0 : i64, scratch_operands = 11 : i64, tpu.core_type = #tpu.core_type<sc_vector_subcore>, window_params = [{transform_indices = #map}, {transform_indices = #map1}, {transform_indices = #map1}, {transform_indices = #map}]} {
    %mul3A = arith.constant 16 : i32
    %mul3A_0 = arith.muli %arg0, %mul3A : i32
    %add3A = arith.addi %mul3A_0, %arg1 : i32
    %broadcast_in_dim3A = arith.constant 0.000000e+00 : f32
    %broadcast_in_dim3A_1 = vector.broadcast %broadcast_in_dim3A : f32 to vector<16xf32>
    %swap3A = arith.constant 0 : i32
    %swap3A_2 = arith.index_cast %swap3A : i32 to index
    %swap3A_3 = arith.constant 0 : index
    %swap3A_4 = tpu.vector_load %arg11[%swap3A_2, %swap3A_3] {strides = array<i32>} : memref<8x128xf32, #tpu.memory_space<vmem>>, vector<1x16xf32>,
    %swap3A_5 = vector.shape_cast %swap3A_4 : vector<1x16xf32> to vector<16xf32>
    %swap3A_6 = vector.shape_cast %broadcast_in_dim3A_1 : vector<16xf32> to vector<1x16xf32>
    tpu.vector_store %arg11[%swap3A_2, %swap3A_3], %swap3A_6 {strides = array<i32>} : memref<8x128xf32, #tpu.memory_space<vmem>>, vector<1x16xf32>,
    %broadcast_in_dim3A_7 = arith.constant 0.000000e+00 : f32
    %broadcast_in_dim3A_8 = vector.broadcast %broadcast_in_dim3A_7 : f32 to vector<16xf32>
    %swap3A_9 = arith.constant 0 : i32
    %swap3A_10 = arith.index_cast %swap3A_9 : i32 to index
    %swap3A_11 = arith.constant 16 : index
    %swap3A_12 = tpu.vector_load %arg11[%swap3A_10, %swap3A_11] {strides = array<i32>} : memref<8x128xf32, #tpu.memory_space<vmem>>, vector<1x16xf32>,
    %swap3A_13 = vector.shape_cast %swap3A_12 : vector<1x16xf32> to vector<16xf32>
    %swap3A_14 = vector.shape_cast %broadcast_in_dim3A_8 : vector<16xf32> to vector<1x16xf32>
    tpu.vector_store %arg11[%swap3A_10, %swap3A_11], %swap3A_14 {strides = array<i32>} : memref<8x128xf32, #tpu.memory_space<vmem>>, vector<1x16xf32>,
    %broadcast_in_dim3A_15 = arith.constant 0.000000e+00 : f32
    %broadcast_in_dim3A_16 = vector.broadcast %broadcast_in_dim3A_15 : f32 to vector<16xf32>
    %swap3A_17 = arith.constant 0 : i32
    %swap3A_18 = arith.index_cast %swap3A_17 : i32 to index
    %swap3A_19 = arith.constant 32 : index
    %swap3A_20 = tpu.vector_load %arg11[%swap3A_18, %swap3A_19] {strides = array<i32>} : memref<8x128xf32, #tpu.memory_space<vmem>>, vector<1x16xf32>,
    %swap3A_21 = vector.shape_cast %swap3A_20 : vector<1x16xf32> to vector<16xf32>
    %swap3A_22 = vector.shape_cast %broadcast_in_dim3A_16 : vector<16xf32> to vector<1x16xf32>
    tpu.vector_store %arg11[%swap3A_18, %swap3A_19], %swap3A_22 {strides = array<i32>} : memref<8x128xf32, #tpu.memory_space<vmem>>, vector<1x16xf32>,
    %broadcast_in_dim3A_23 = arith.constant 0.000000e+00 : f32
    %broadcast_in_dim3A_24 = vector.broadcast %broadcast_in_dim3A_23 : f32 to vector<16xf32>
    %swap3A_25 = arith.constant 0 : i32
    %swap3A_26 = arith.index_cast %swap3A_25 : i32 to index
    %swap3A_27 = arith.constant 48 : index
    %swap3A_28 = tpu.vector_load %arg11[%swap3A_26, %swap3A_27] {strides = array<i32>} : memref<8x128xf32, #tpu.memory_space<vmem>>, vector<1x16xf32>,
    %swap3A_29 = vector.shape_cast %swap3A_28 : vector<1x16xf32> to vector<16xf32>
    %swap3A_30 = vector.shape_cast %broadcast_in_dim3A_24 : vector<16xf32> to vector<1x16xf32>
    tpu.vector_store %arg11[%swap3A_26, %swap3A_27], %swap3A_30 {strides = array<i32>} : memref<8x128xf32, #tpu.memory_space<vmem>>, vector<1x16xf32>,
    %broadcast_in_dim3A_31 = arith.constant 0.000000e+00 : f32
    %broadcast_in_dim3A_32 = vector.broadcast %broadcast_in_dim3A_31 : f32 to vector<16xf32>
    %swap3A_33 = arith.constant 0 : i32
    %swap3A_34 = arith.index_cast %swap3A_33 : i32 to index
    %swap3A_35 = arith.constant 64 : index
    %swap3A_36 = tpu.vector_load %arg11[%swap3A_34, %swap3A_35] {strides = array<i32>} : memref<8x128xf32, #tpu.memory_space<vmem>>, vector<1x16xf32>,
    %swap3A_37 = vector.shape_cast %swap3A_36 : vector<1x16xf32> to vector<16xf32>
    %swap3A_38 = vector.shape_cast %broadcast_in_dim3A_32 : vector<16xf32> to vector<1x16xf32>
    tpu.vector_store %arg11[%swap3A_34, %swap3A_35], %swap3A_38 {strides = array<i32>} : memref<8x128xf32, #tpu.memory_space<vmem>>, vector<1x16xf32>,
    %broadcast_in_dim3A_39 = arith.constant 0.000000e+00 : f32
    %broadcast_in_dim3A_40 = vector.broadcast %broadcast_in_dim3A_39 : f32 to vector<16xf32>
    %swap3A_41 = arith.constant 0 : i32
    %swap3A_42 = arith.index_cast %swap3A_41 : i32 to index
    %swap3A_43 = arith.constant 80 : index
    %swap3A_44 = tpu.vector_load %arg11[%swap3A_42, %swap3A_43] {strides = array<i32>} : memref<8x128xf32, #tpu.memory_space<vmem>>, vector<1x16xf32>,
    %swap3A_45 = vector.shape_cast %swap3A_44 : vector<1x16xf32> to vector<16xf32>
    %swap3A_46 = vector.shape_cast %broadcast_in_dim3A_40 : vector<16xf32> to vector<1x16xf32>
    tpu.vector_store %arg11[%swap3A_42, %swap3A_43], %swap3A_46 {strides = array<i32>} : memref<8x128xf32, #tpu.memory_space<vmem>>, vector<1x16xf32>,
    %broadcast_in_dim3A_47 = arith.constant 0.000000e+00 : f32
    %broadcast_in_dim3A_48 = vector.broadcast %broadcast_in_dim3A_47 : f32 to vector<16xf32>
    %swap3A_49 = arith.constant 0 : i32
    %swap3A_50 = arith.index_cast %swap3A_49 : i32 to index
    %swap3A_51 = arith.constant 96 : index
    %swap3A_52 = tpu.vector_load %arg11[%swap3A_50, %swap3A_51] {strides = array<i32>} : memref<8x128xf32, #tpu.memory_space<vmem>>, vector<1x16xf32>,
    %swap3A_53 = vector.shape_cast %swap3A_52 : vector<1x16xf32> to vector<16xf32>
    %swap3A_54 = vector.shape_cast %broadcast_in_dim3A_48 : vector<16xf32> to vector<1x16xf32>
    tpu.vector_store %arg11[%swap3A_50, %swap3A_51], %swap3A_54 {strides = array<i32>} : memref<8x128xf32, #tpu.memory_space<vmem>>, vector<1x16xf32>,
    %broadcast_in_dim3A_55 = arith.constant 0.000000e+00 : f32
    %broadcast_in_dim3A_56 = vector.broadcast %broadcast_in_dim3A_55 : f32 to vector<16xf32>
    %swap3A_57 = arith.constant 0 : i32
    %swap3A_58 = arith.index_cast %swap3A_57 : i32 to index
    %swap3A_59 = arith.constant 112 : index
    %swap3A_60 = tpu.vector_load %arg11[%swap3A_58, %swap3A_59] {strides = array<i32>} : memref<8x128xf32, #tpu.memory_space<vmem>>, vector<1x16xf32>,
    %swap3A_61 = vector.shape_cast %swap3A_60 : vector<1x16xf32> to vector<16xf32>
    %swap3A_62 = vector.shape_cast %broadcast_in_dim3A_56 : vector<16xf32> to vector<1x16xf32>
    tpu.vector_store %arg11[%swap3A_58, %swap3A_59], %swap3A_62 {strides = array<i32>} : memref<8x128xf32, #tpu.memory_space<vmem>>, vector<1x16xf32>,
    %broadcast_in_dim3A_63 = arith.constant 0.000000e+00 : f32
    %broadcast_in_dim3A_64 = vector.broadcast %broadcast_in_dim3A_63 : f32 to vector<16xf32>
    %swap3A_65 = arith.constant 1 : i32
    %swap3A_66 = arith.index_cast %swap3A_65 : i32 to index
    %swap3A_67 = arith.constant 0 : index
    %swap3A_68 = tpu.vector_load %arg11[%swap3A_66, %swap3A_67] {strides = array<i32>} : memref<8x128xf32, #tpu.memory_space<vmem>>, vector<1x16xf32>,
    %swap3A_69 = vector.shape_cast %swap3A_68 : vector<1x16xf32> to vector<16xf32>
    %swap3A_70 = vector.shape_cast %broadcast_in_dim3A_64 : vector<16xf32> to vector<1x16xf32>
    tpu.vector_store %arg11[%swap3A_66, %swap3A_67], %swap3A_70 {strides = array<i32>} : memref<8x128xf32, #tpu.memory_space<vmem>>, vector<1x16xf32>,
    %broadcast_in_dim3A_71 = arith.constant 0.000000e+00 : f32
    %broadcast_in_dim3A_72 = vector.broadcast %broadcast_in_dim3A_71 : f32 to vector<16xf32>
    %swap3A_73 = arith.constant 1 : i32
    %swap3A_74 = arith.index_cast %swap3A_73 : i32 to index
    %swap3A_75 = arith.constant 16 : index
    %swap3A_76 = tpu.vector_load %arg11[%swap3A_74, %swap3A_75] {strides = array<i32>} : memref<8x128xf32, #tpu.memory_space<vmem>>, vector<1x16xf32>,
    %swap3A_77 = vector.shape_cast %swap3A_76 : vector<1x16xf32> to vector<16xf32>
    %swap3A_78 = vector.shape_cast %broadcast_in_dim3A_72 : vector<16xf32> to vector<1x16xf32>
    tpu.vector_store %arg11[%swap3A_74, %swap3A_75], %swap3A_78 {strides = array<i32>} : memref<8x128xf32, #tpu.memory_space<vmem>>, vector<1x16xf32>,
    %broadcast_in_dim3A_79 = arith.constant 0.000000e+00 : f32
    %broadcast_in_dim3A_80 = vector.broadcast %broadcast_in_dim3A_79 : f32 to vector<16xf32>
    %swap3A_81 = arith.constant 1 : i32
    %swap3A_82 = arith.index_cast %swap3A_81 : i32 to index
    %swap3A_83 = arith.constant 32 : index
    %swap3A_84 = tpu.vector_load %arg11[%swap3A_82, %swap3A_83] {strides = array<i32>} : memref<8x128xf32, #tpu.memory_space<vmem>>, vector<1x16xf32>,
    %swap3A_85 = vector.shape_cast %swap3A_84 : vector<1x16xf32> to vector<16xf32>
    %swap3A_86 = vector.shape_cast %broadcast_in_dim3A_80 : vector<16xf32> to vector<1x16xf32>
    tpu.vector_store %arg11[%swap3A_82, %swap3A_83], %swap3A_86 {strides = array<i32>} : memref<8x128xf32, #tpu.memory_space<vmem>>, vector<1x16xf32>,
    %broadcast_in_dim3A_87 = arith.constant 0.000000e+00 : f32
    %broadcast_in_dim3A_88 = vector.broadcast %broadcast_in_dim3A_87 : f32 to vector<16xf32>
    %swap3A_89 = arith.constant 1 : i32
    %swap3A_90 = arith.index_cast %swap3A_89 : i32 to index
    %swap3A_91 = arith.constant 48 : index
    %swap3A_92 = tpu.vector_load %arg11[%swap3A_90, %swap3A_91] {strides = array<i32>} : memref<8x128xf32, #tpu.memory_space<vmem>>, vector<1x16xf32>,
    %swap3A_93 = vector.shape_cast %swap3A_92 : vector<1x16xf32> to vector<16xf32>
    %swap3A_94 = vector.shape_cast %broadcast_in_dim3A_88 : vector<16xf32> to vector<1x16xf32>
    tpu.vector_store %arg11[%swap3A_90, %swap3A_91], %swap3A_94 {strides = array<i32>} : memref<8x128xf32, #tpu.memory_space<vmem>>, vector<1x16xf32>,
    %broadcast_in_dim3A_95 = arith.constant 0.000000e+00 : f32
    %broadcast_in_dim3A_96 = vector.broadcast %broadcast_in_dim3A_95 : f32 to vector<16xf32>
    %swap3A_97 = arith.constant 1 : i32
    %swap3A_98 = arith.index_cast %swap3A_97 : i32 to index
    %swap3A_99 = arith.constant 64 : index
    %swap3A_100 = tpu.vector_load %arg11[%swap3A_98, %swap3A_99] {strides = array<i32>} : memref<8x128xf32, #tpu.memory_space<vmem>>, vector<1x16xf32>,
    %swap3A_101 = vector.shape_cast %swap3A_100 : vector<1x16xf32> to vector<16xf32>
    %swap3A_102 = vector.shape_cast %broadcast_in_dim3A_96 : vector<16xf32> to vector<1x16xf32>
    tpu.vector_store %arg11[%swap3A_98, %swap3A_99], %swap3A_102 {strides = array<i32>} : memref<8x128xf32, #tpu.memory_space<vmem>>, vector<1x16xf32>,
    %broadcast_in_dim3A_103 = arith.constant 0.000000e+00 : f32
    %broadcast_in_dim3A_104 = vector.broadcast %broadcast_in_dim3A_103 : f32 to vector<16xf32>
    %swap3A_105 = arith.constant 1 : i32
    %swap3A_106 = arith.index_cast %swap3A_105 : i32 to index
    %swap3A_107 = arith.constant 80 : index
    %swap3A_108 = tpu.vector_load %arg11[%swap3A_106, %swap3A_107] {strides = array<i32>} : memref<8x128xf32, #tpu.memory_space<vmem>>, vector<1x16xf32>,
    %swap3A_109 = vector.shape_cast %swap3A_108 : vector<1x16xf32> to vector<16xf32>
    %swap3A_110 = vector.shape_cast %broadcast_in_dim3A_104 : vector<16xf32> to vector<1x16xf32>
    tpu.vector_store %arg11[%swap3A_106, %swap3A_107], %swap3A_110 {strides = array<i32>} : memref<8x128xf32, #tpu.memory_space<vmem>>, vector<1x16xf32>,
    %broadcast_in_dim3A_111 = arith.constant 0.000000e+00 : f32
    %broadcast_in_dim3A_112 = vector.broadcast %broadcast_in_dim3A_111 : f32 to vector<16xf32>
    %swap3A_113 = arith.constant 1 : i32
    %swap3A_114 = arith.index_cast %swap3A_113 : i32 to index
    %swap3A_115 = arith.constant 96 : index
    %swap3A_116 = tpu.vector_load %arg11[%swap3A_114, %swap3A_115] {strides = array<i32>} : memref<8x128xf32, #tpu.memory_space<vmem>>, vector<1x16xf32>,
    %swap3A_117 = vector.shape_cast %swap3A_116 : vector<1x16xf32> to vector<16xf32>
    %swap3A_118 = vector.shape_cast %broadcast_in_dim3A_112 : vector<16xf32> to vector<1x16xf32>
    tpu.vector_store %arg11[%swap3A_114, %swap3A_115], %swap3A_118 {strides = array<i32>} : memref<8x128xf32, #tpu.memory_space<vmem>>, vector<1x16xf32>,
    %broadcast_in_dim3A_119 = arith.constant 0.000000e+00 : f32
    %broadcast_in_dim3A_120 = vector.broadcast %broadcast_in_dim3A_119 : f32 to vector<16xf32>
    %swap3A_121 = arith.constant 1 : i32
    %swap3A_122 = arith.index_cast %swap3A_121 : i32 to index
    %swap3A_123 = arith.constant 112 : index
    %swap3A_124 = tpu.vector_load %arg11[%swap3A_122, %swap3A_123] {strides = array<i32>} : memref<8x128xf32, #tpu.memory_space<vmem>>, vector<1x16xf32>,
    %swap3A_125 = vector.shape_cast %swap3A_124 : vector<1x16xf32> to vector<16xf32>
    %swap3A_126 = vector.shape_cast %broadcast_in_dim3A_120 : vector<16xf32> to vector<1x16xf32>
    tpu.vector_store %arg11[%swap3A_122, %swap3A_123], %swap3A_126 {strides = array<i32>} : memref<8x128xf32, #tpu.memory_space<vmem>>, vector<1x16xf32>,
    %broadcast_in_dim3A_127 = arith.constant 0.000000e+00 : f32
    %broadcast_in_dim3A_128 = vector.broadcast %broadcast_in_dim3A_127 : f32 to vector<16xf32>
    %swap3A_129 = arith.constant 2 : i32
    %swap3A_130 = arith.index_cast %swap3A_129 : i32 to index
    %swap3A_131 = arith.constant 0 : index
    %swap3A_132 = tpu.vector_load %arg11[%swap3A_130, %swap3A_131] {strides = array<i32>} : memref<8x128xf32, #tpu.memory_space<vmem>>, vector<1x16xf32>,
    %swap3A_133 = vector.shape_cast %swap3A_132 : vector<1x16xf32> to vector<16xf32>
    %swap3A_134 = vector.shape_cast %broadcast_in_dim3A_128 : vector<16xf32> to vector<1x16xf32>
    tpu.vector_store %arg11[%swap3A_130, %swap3A_131], %swap3A_134 {strides = array<i32>} : memref<8x128xf32, #tpu.memory_space<vmem>>, vector<1x16xf32>,
    %broadcast_in_dim3A_135 = arith.constant 0.000000e+00 : f32
    %broadcast_in_dim3A_136 = vector.broadcast %broadcast_in_dim3A_135 : f32 to vector<16xf32>
    %swap3A_137 = arith.constant 2 : i32
    %swap3A_138 = arith.index_cast %swap3A_137 : i32 to index
    %swap3A_139 = arith.constant 16 : index
    %swap3A_140 = tpu.vector_load %arg11[%swap3A_138, %swap3A_139] {strides = array<i32>} : memref<8x128xf32, #tpu.memory_space<vmem>>, vector<1x16xf32>,
    %swap3A_141 = vector.shape_cast %swap3A_140 : vector<1x16xf32> to vector<16xf32>
    %swap3A_142 = vector.shape_cast %broadcast_in_dim3A_136 : vector<16xf32> to vector<1x16xf32>
    tpu.vector_store %arg11[%swap3A_138, %swap3A_139], %swap3A_142 {strides = array<i32>} : memref<8x128xf32, #tpu.memory_space<vmem>>, vector<1x16xf32>,
    %broadcast_in_dim3A_143 = arith.constant 0.000000e+00 : f32
    %broadcast_in_dim3A_144 = vector.broadcast %broadcast_in_dim3A_143 : f32 to vector<16xf32>
    %swap3A_145 = arith.constant 2 : i32
    %swap3A_146 = arith.index_cast %swap3A_145 : i32 to index
    %swap3A_147 = arith.constant 32 : index
    %swap3A_148 = tpu.vector_load %arg11[%swap3A_146, %swap3A_147] {strides = array<i32>} : memref<8x128xf32, #tpu.memory_space<vmem>>, vector<1x16xf32>,
    %swap3A_149 = vector.shape_cast %swap3A_148 : vector<1x16xf32> to vector<16xf32>
    %swap3A_150 = vector.shape_cast %broadcast_in_dim3A_144 : vector<16xf32> to vector<1x16xf32>
    tpu.vector_store %arg11[%swap3A_146, %swap3A_147], %swap3A_150 {strides = array<i32>} : memref<8x128xf32, #tpu.memory_space<vmem>>, vector<1x16xf32>,
    %broadcast_in_dim3A_151 = arith.constant 0.000000e+00 : f32
    %broadcast_in_dim3A_152 = vector.broadcast %broadcast_in_dim3A_151 : f32 to vector<16xf32>
    %swap3A_153 = arith.constant 2 : i32
    %swap3A_154 = arith.index_cast %swap3A_153 : i32 to index
    %swap3A_155 = arith.constant 48 : index
    %swap3A_156 = tpu.vector_load %arg11[%swap3A_154, %swap3A_155] {strides = array<i32>} : memref<8x128xf32, #tpu.memory_space<vmem>>, vector<1x16xf32>,
    %swap3A_157 = vector.shape_cast %swap3A_156 : vector<1x16xf32> to vector<16xf32>
    %swap3A_158 = vector.shape_cast %broadcast_in_dim3A_152 : vector<16xf32> to vector<1x16xf32>
    tpu.vector_store %arg11[%swap3A_154, %swap3A_155], %swap3A_158 {strides = array<i32>} : memref<8x128xf32, #tpu.memory_space<vmem>>, vector<1x16xf32>,
    %broadcast_in_dim3A_159 = arith.constant 0.000000e+00 : f32
    %broadcast_in_dim3A_160 = vector.broadcast %broadcast_in_dim3A_159 : f32 to vector<16xf32>
    %swap3A_161 = arith.constant 2 : i32
    %swap3A_162 = arith.index_cast %swap3A_161 : i32 to index
    %swap3A_163 = arith.constant 64 : index
    %swap3A_164 = tpu.vector_load %arg11[%swap3A_162, %swap3A_163] {strides = array<i32>} : memref<8x128xf32, #tpu.memory_space<vmem>>, vector<1x16xf32>,
    %swap3A_165 = vector.shape_cast %swap3A_164 : vector<1x16xf32> to vector<16xf32>
    %swap3A_166 = vector.shape_cast %broadcast_in_dim3A_160 : vector<16xf32> to vector<1x16xf32>
    tpu.vector_store %arg11[%swap3A_162, %swap3A_163], %swap3A_166 {strides = array<i32>} : memref<8x128xf32, #tpu.memory_space<vmem>>, vector<1x16xf32>,
    %broadcast_in_dim3A_167 = arith.constant 0.000000e+00 : f32
    %broadcast_in_dim3A_168 = vector.broadcast %broadcast_in_dim3A_167 : f32 to vector<16xf32>
    %swap3A_169 = arith.constant 2 : i32
    %swap3A_170 = arith.index_cast %swap3A_169 : i32 to index
    %swap3A_171 = arith.constant 80 : index
    %swap3A_172 = tpu.vector_load %arg11[%swap3A_170, %swap3A_171] {strides = array<i32>} : memref<8x128xf32, #tpu.memory_space<vmem>>, vector<1x16xf32>,
    %swap3A_173 = vector.shape_cast %swap3A_172 : vector<1x16xf32> to vector<16xf32>
    %swap3A_174 = vector.shape_cast %broadcast_in_dim3A_168 : vector<16xf32> to vector<1x16xf32>
    tpu.vector_store %arg11[%swap3A_170, %swap3A_171], %swap3A_174 {strides = array<i32>} : memref<8x128xf32, #tpu.memory_space<vmem>>, vector<1x16xf32>,
    %broadcast_in_dim3A_175 = arith.constant 0.000000e+00 : f32
    %broadcast_in_dim3A_176 = vector.broadcast %broadcast_in_dim3A_175 : f32 to vector<16xf32>
    %swap3A_177 = arith.constant 2 : i32
    %swap3A_178 = arith.index_cast %swap3A_177 : i32 to index
    %swap3A_179 = arith.constant 96 : index
    %swap3A_180 = tpu.vector_load %arg11[%swap3A_178, %swap3A_179] {strides = array<i32>} : memref<8x128xf32, #tpu.memory_space<vmem>>, vector<1x16xf32>,
    %swap3A_181 = vector.shape_cast %swap3A_180 : vector<1x16xf32> to vector<16xf32>
    %swap3A_182 = vector.shape_cast %broadcast_in_dim3A_176 : vector<16xf32> to vector<1x16xf32>
    tpu.vector_store %arg11[%swap3A_178, %swap3A_179], %swap3A_182 {strides = array<i32>} : memref<8x128xf32, #tpu.memory_space<vmem>>, vector<1x16xf32>,
    %broadcast_in_dim3A_183 = arith.constant 0.000000e+00 : f32
    %broadcast_in_dim3A_184 = vector.broadcast %broadcast_in_dim3A_183 : f32 to vector<16xf32>
    %swap3A_185 = arith.constant 2 : i32
    %swap3A_186 = arith.index_cast %swap3A_185 : i32 to index
    %swap3A_187 = arith.constant 112 : index
    %swap3A_188 = tpu.vector_load %arg11[%swap3A_186, %swap3A_187] {strides = array<i32>} : memref<8x128xf32, #tpu.memory_space<vmem>>, vector<1x16xf32>,
    %swap3A_189 = vector.shape_cast %swap3A_188 : vector<1x16xf32> to vector<16xf32>
    %swap3A_190 = vector.shape_cast %broadcast_in_dim3A_184 : vector<16xf32> to vector<1x16xf32>
    tpu.vector_store %arg11[%swap3A_186, %swap3A_187], %swap3A_190 {strides = array<i32>} : memref<8x128xf32, #tpu.memory_space<vmem>>, vector<1x16xf32>,
    %broadcast_in_dim3A_191 = arith.constant 0.000000e+00 : f32
    %broadcast_in_dim3A_192 = vector.broadcast %broadcast_in_dim3A_191 : f32 to vector<16xf32>
    %swap3A_193 = arith.constant 3 : i32
    %swap3A_194 = arith.index_cast %swap3A_193 : i32 to index
    %swap3A_195 = arith.constant 0 : index
    %swap3A_196 = tpu.vector_load %arg11[%swap3A_194, %swap3A_195] {strides = array<i32>} : memref<8x128xf32, #tpu.memory_space<vmem>>, vector<1x16xf32>,
    %swap3A_197 = vector.shape_cast %swap3A_196 : vector<1x16xf32> to vector<16xf32>
    %swap3A_198 = vector.shape_cast %broadcast_in_dim3A_192 : vector<16xf32> to vector<1x16xf32>
    tpu.vector_store %arg11[%swap3A_194, %swap3A_195], %swap3A_198 {strides = array<i32>} : memref<8x128xf32, #tpu.memory_space<vmem>>, vector<1x16xf32>,
    %broadcast_in_dim3A_199 = arith.constant 0.000000e+00 : f32
    %broadcast_in_dim3A_200 = vector.broadcast %broadcast_in_dim3A_199 : f32 to vector<16xf32>
    %swap3A_201 = arith.constant 3 : i32
    %swap3A_202 = arith.index_cast %swap3A_201 : i32 to index
    %swap3A_203 = arith.constant 16 : index
    %swap3A_204 = tpu.vector_load %arg11[%swap3A_202, %swap3A_203] {strides = array<i32>} : memref<8x128xf32, #tpu.memory_space<vmem>>, vector<1x16xf32>,
    %swap3A_205 = vector.shape_cast %swap3A_204 : vector<1x16xf32> to vector<16xf32>
    %swap3A_206 = vector.shape_cast %broadcast_in_dim3A_200 : vector<16xf32> to vector<1x16xf32>
    tpu.vector_store %arg11[%swap3A_202, %swap3A_203], %swap3A_206 {strides = array<i32>} : memref<8x128xf32, #tpu.memory_space<vmem>>, vector<1x16xf32>,
    %broadcast_in_dim3A_207 = arith.constant 0.000000e+00 : f32
    %broadcast_in_dim3A_208 = vector.broadcast %broadcast_in_dim3A_207 : f32 to vector<16xf32>
    %swap3A_209 = arith.constant 3 : i32
    %swap3A_210 = arith.index_cast %swap3A_209 : i32 to index
    %swap3A_211 = arith.constant 32 : index
    %swap3A_212 = tpu.vector_load %arg11[%swap3A_210, %swap3A_211] {strides = array<i32>} : memref<8x128xf32, #tpu.memory_space<vmem>>, vector<1x16xf32>,
    %swap3A_213 = vector.shape_cast %swap3A_212 : vector<1x16xf32> to vector<16xf32>
    %swap3A_214 = vector.shape_cast %broadcast_in_dim3A_208 : vector<16xf32> to vector<1x16xf32>
    tpu.vector_store %arg11[%swap3A_210, %swap3A_211], %swap3A_214 {strides = array<i32>} : memref<8x128xf32, #tpu.memory_space<vmem>>, vector<1x16xf32>,
    %broadcast_in_dim3A_215 = arith.constant 0.000000e+00 : f32
    %broadcast_in_dim3A_216 = vector.broadcast %broadcast_in_dim3A_215 : f32 to vector<16xf32>
    %swap3A_217 = arith.constant 3 : i32
    %swap3A_218 = arith.index_cast %swap3A_217 : i32 to index
    %swap3A_219 = arith.constant 48 : index
    %swap3A_220 = tpu.vector_load %arg11[%swap3A_218, %swap3A_219] {strides = array<i32>} : memref<8x128xf32, #tpu.memory_space<vmem>>, vector<1x16xf32>,
    %swap3A_221 = vector.shape_cast %swap3A_220 : vector<1x16xf32> to vector<16xf32>
    %swap3A_222 = vector.shape_cast %broadcast_in_dim3A_216 : vector<16xf32> to vector<1x16xf32>
    tpu.vector_store %arg11[%swap3A_218, %swap3A_219], %swap3A_222 {strides = array<i32>} : memref<8x128xf32, #tpu.memory_space<vmem>>, vector<1x16xf32>,
    %broadcast_in_dim3A_223 = arith.constant 0.000000e+00 : f32
    %broadcast_in_dim3A_224 = vector.broadcast %broadcast_in_dim3A_223 : f32 to vector<16xf32>
    %swap3A_225 = arith.constant 3 : i32
    %swap3A_226 = arith.index_cast %swap3A_225 : i32 to index
    %swap3A_227 = arith.constant 64 : index
    %swap3A_228 = tpu.vector_load %arg11[%swap3A_226, %swap3A_227] {strides = array<i32>} : memref<8x128xf32, #tpu.memory_space<vmem>>, vector<1x16xf32>,
    %swap3A_229 = vector.shape_cast %swap3A_228 : vector<1x16xf32> to vector<16xf32>
    %swap3A_230 = vector.shape_cast %broadcast_in_dim3A_224 : vector<16xf32> to vector<1x16xf32>
    tpu.vector_store %arg11[%swap3A_226, %swap3A_227], %swap3A_230 {strides = array<i32>} : memref<8x128xf32, #tpu.memory_space<vmem>>, vector<1x16xf32>,
    %broadcast_in_dim3A_231 = arith.constant 0.000000e+00 : f32
    %broadcast_in_dim3A_232 = vector.broadcast %broadcast_in_dim3A_231 : f32 to vector<16xf32>
    %swap3A_233 = arith.constant 3 : i32
    %swap3A_234 = arith.index_cast %swap3A_233 : i32 to index
    %swap3A_235 = arith.constant 80 : index
    %swap3A_236 = tpu.vector_load %arg11[%swap3A_234, %swap3A_235] {strides = array<i32>} : memref<8x128xf32, #tpu.memory_space<vmem>>, vector<1x16xf32>,
    %swap3A_237 = vector.shape_cast %swap3A_236 : vector<1x16xf32> to vector<16xf32>
    %swap3A_238 = vector.shape_cast %broadcast_in_dim3A_232 : vector<16xf32> to vector<1x16xf32>
    tpu.vector_store %arg11[%swap3A_234, %swap3A_235], %swap3A_238 {strides = array<i32>} : memref<8x128xf32, #tpu.memory_space<vmem>>, vector<1x16xf32>,
    %broadcast_in_dim3A_239 = arith.constant 0.000000e+00 : f32
    %broadcast_in_dim3A_240 = vector.broadcast %broadcast_in_dim3A_239 : f32 to vector<16xf32>
    %swap3A_241 = arith.constant 3 : i32
    %swap3A_242 = arith.index_cast %swap3A_241 : i32 to index
    %swap3A_243 = arith.constant 96 : index
    %swap3A_244 = tpu.vector_load %arg11[%swap3A_242, %swap3A_243] {strides = array<i32>} : memref<8x128xf32, #tpu.memory_space<vmem>>, vector<1x16xf32>,
    %swap3A_245 = vector.shape_cast %swap3A_244 : vector<1x16xf32> to vector<16xf32>
    %swap3A_246 = vector.shape_cast %broadcast_in_dim3A_240 : vector<16xf32> to vector<1x16xf32>
    tpu.vector_store %arg11[%swap3A_242, %swap3A_243], %swap3A_246 {strides = array<i32>} : memref<8x128xf32, #tpu.memory_space<vmem>>, vector<1x16xf32>,
    %broadcast_in_dim3A_247 = arith.constant 0.000000e+00 : f32
    %broadcast_in_dim3A_248 = vector.broadcast %broadcast_in_dim3A_247 : f32 to vector<16xf32>
    %swap3A_249 = arith.constant 3 : i32
    %swap3A_250 = arith.index_cast %swap3A_249 : i32 to index
    %swap3A_251 = arith.constant 112 : index
    %swap3A_252 = tpu.vector_load %arg11[%swap3A_250, %swap3A_251] {strides = array<i32>} : memref<8x128xf32, #tpu.memory_space<vmem>>, vector<1x16xf32>,
    %swap3A_253 = vector.shape_cast %swap3A_252 : vector<1x16xf32> to vector<16xf32>
    %swap3A_254 = vector.shape_cast %broadcast_in_dim3A_248 : vector<16xf32> to vector<1x16xf32>
    tpu.vector_store %arg11[%swap3A_250, %swap3A_251], %swap3A_254 {strides = array<i32>} : memref<8x128xf32, #tpu.memory_space<vmem>>, vector<1x16xf32>,
    %broadcast_in_dim3A_255 = arith.constant 0.000000e+00 : f32
    %broadcast_in_dim3A_256 = vector.broadcast %broadcast_in_dim3A_255 : f32 to vector<16xf32>
    %swap3A_257 = arith.constant 4 : i32
    %swap3A_258 = arith.index_cast %swap3A_257 : i32 to index
    %swap3A_259 = arith.constant 0 : index
    %swap3A_260 = tpu.vector_load %arg11[%swap3A_258, %swap3A_259] {strides = array<i32>} : memref<8x128xf32, #tpu.memory_space<vmem>>, vector<1x16xf32>,
    %swap3A_261 = vector.shape_cast %swap3A_260 : vector<1x16xf32> to vector<16xf32>
    %swap3A_262 = vector.shape_cast %broadcast_in_dim3A_256 : vector<16xf32> to vector<1x16xf32>
    tpu.vector_store %arg11[%swap3A_258, %swap3A_259], %swap3A_262 {strides = array<i32>} : memref<8x128xf32, #tpu.memory_space<vmem>>, vector<1x16xf32>,
    %broadcast_in_dim3A_263 = arith.constant 0.000000e+00 : f32
    %broadcast_in_dim3A_264 = vector.broadcast %broadcast_in_dim3A_263 : f32 to vector<16xf32>
    %swap3A_265 = arith.constant 4 : i32
    %swap3A_266 = arith.index_cast %swap3A_265 : i32 to index
    %swap3A_267 = arith.constant 16 : index
    %swap3A_268 = tpu.vector_load %arg11[%swap3A_266, %swap3A_267] {strides = array<i32>} : memref<8x128xf32, #tpu.memory_space<vmem>>, vector<1x16xf32>,
    %swap3A_269 = vector.shape_cast %swap3A_268 : vector<1x16xf32> to vector<16xf32>
    %swap3A_270 = vector.shape_cast %broadcast_in_dim3A_264 : vector<16xf32> to vector<1x16xf32>
    tpu.vector_store %arg11[%swap3A_266, %swap3A_267], %swap3A_270 {strides = array<i32>} : memref<8x128xf32, #tpu.memory_space<vmem>>, vector<1x16xf32>,
    %broadcast_in_dim3A_271 = arith.constant 0.000000e+00 : f32
    %broadcast_in_dim3A_272 = vector.broadcast %broadcast_in_dim3A_271 : f32 to vector<16xf32>
    %swap3A_273 = arith.constant 4 : i32
    %swap3A_274 = arith.index_cast %swap3A_273 : i32 to index
    %swap3A_275 = arith.constant 32 : index
    %swap3A_276 = tpu.vector_load %arg11[%swap3A_274, %swap3A_275] {strides = array<i32>} : memref<8x128xf32, #tpu.memory_space<vmem>>, vector<1x16xf32>,
    %swap3A_277 = vector.shape_cast %swap3A_276 : vector<1x16xf32> to vector<16xf32>
    %swap3A_278 = vector.shape_cast %broadcast_in_dim3A_272 : vector<16xf32> to vector<1x16xf32>
    tpu.vector_store %arg11[%swap3A_274, %swap3A_275], %swap3A_278 {strides = array<i32>} : memref<8x128xf32, #tpu.memory_space<vmem>>, vector<1x16xf32>,
    %broadcast_in_dim3A_279 = arith.constant 0.000000e+00 : f32
    %broadcast_in_dim3A_280 = vector.broadcast %broadcast_in_dim3A_279 : f32 to vector<16xf32>
    %swap3A_281 = arith.constant 4 : i32
    %swap3A_282 = arith.index_cast %swap3A_281 : i32 to index
    %swap3A_283 = arith.constant 48 : index
    %swap3A_284 = tpu.vector_load %arg11[%swap3A_282, %swap3A_283] {strides = array<i32>} : memref<8x128xf32, #tpu.memory_space<vmem>>, vector<1x16xf32>,
    %swap3A_285 = vector.shape_cast %swap3A_284 : vector<1x16xf32> to vector<16xf32>
    %swap3A_286 = vector.shape_cast %broadcast_in_dim3A_280 : vector<16xf32> to vector<1x16xf32>
    tpu.vector_store %arg11[%swap3A_282, %swap3A_283], %swap3A_286 {strides = array<i32>} : memref<8x128xf32, #tpu.memory_space<vmem>>, vector<1x16xf32>,
    %broadcast_in_dim3A_287 = arith.constant 0.000000e+00 : f32
    %broadcast_in_dim3A_288 = vector.broadcast %broadcast_in_dim3A_287 : f32 to vector<16xf32>
    %swap3A_289 = arith.constant 4 : i32
    %swap3A_290 = arith.index_cast %swap3A_289 : i32 to index
    %swap3A_291 = arith.constant 64 : index
    %swap3A_292 = tpu.vector_load %arg11[%swap3A_290, %swap3A_291] {strides = array<i32>} : memref<8x128xf32, #tpu.memory_space<vmem>>, vector<1x16xf32>,
    %swap3A_293 = vector.shape_cast %swap3A_292 : vector<1x16xf32> to vector<16xf32>
    %swap3A_294 = vector.shape_cast %broadcast_in_dim3A_288 : vector<16xf32> to vector<1x16xf32>
    tpu.vector_store %arg11[%swap3A_290, %swap3A_291], %swap3A_294 {strides = array<i32>} : memref<8x128xf32, #tpu.memory_space<vmem>>, vector<1x16xf32>,
    %broadcast_in_dim3A_295 = arith.constant 0.000000e+00 : f32
    %broadcast_in_dim3A_296 = vector.broadcast %broadcast_in_dim3A_295 : f32 to vector<16xf32>
    %swap3A_297 = arith.constant 4 : i32
    %swap3A_298 = arith.index_cast %swap3A_297 : i32 to index
    %swap3A_299 = arith.constant 80 : index
    %swap3A_300 = tpu.vector_load %arg11[%swap3A_298, %swap3A_299] {strides = array<i32>} : memref<8x128xf32, #tpu.memory_space<vmem>>, vector<1x16xf32>,
    %swap3A_301 = vector.shape_cast %swap3A_300 : vector<1x16xf32> to vector<16xf32>
    %swap3A_302 = vector.shape_cast %broadcast_in_dim3A_296 : vector<16xf32> to vector<1x16xf32>
    tpu.vector_store %arg11[%swap3A_298, %swap3A_299], %swap3A_302 {strides = array<i32>} : memref<8x128xf32, #tpu.memory_space<vmem>>, vector<1x16xf32>,
    %broadcast_in_dim3A_303 = arith.constant 0.000000e+00 : f32
    %broadcast_in_dim3A_304 = vector.broadcast %broadcast_in_dim3A_303 : f32 to vector<16xf32>
    %swap3A_305 = arith.constant 4 : i32
    %swap3A_306 = arith.index_cast %swap3A_305 : i32 to index
    %swap3A_307 = arith.constant 96 : index
    %swap3A_308 = tpu.vector_load %arg11[%swap3A_306, %swap3A_307] {strides = array<i32>} : memref<8x128xf32, #tpu.memory_space<vmem>>, vector<1x16xf32>,
    %swap3A_309 = vector.shape_cast %swap3A_308 : vector<1x16xf32> to vector<16xf32>
    %swap3A_310 = vector.shape_cast %broadcast_in_dim3A_304 : vector<16xf32> to vector<1x16xf32>
    tpu.vector_store %arg11[%swap3A_306, %swap3A_307], %swap3A_310 {strides = array<i32>} : memref<8x128xf32, #tpu.memory_space<vmem>>, vector<1x16xf32>,
    %broadcast_in_dim3A_311 = arith.constant 0.000000e+00 : f32
    %broadcast_in_dim3A_312 = vector.broadcast %broadcast_in_dim3A_311 : f32 to vector<16xf32>
    %swap3A_313 = arith.constant 4 : i32
    %swap3A_314 = arith.index_cast %swap3A_313 : i32 to index
    %swap3A_315 = arith.constant 112 : index
    %swap3A_316 = tpu.vector_load %arg11[%swap3A_314, %swap3A_315] {strides = array<i32>} : memref<8x128xf32, #tpu.memory_space<vmem>>, vector<1x16xf32>,
    %swap3A_317 = vector.shape_cast %swap3A_316 : vector<1x16xf32> to vector<16xf32>
    %swap3A_318 = vector.shape_cast %broadcast_in_dim3A_312 : vector<16xf32> to vector<1x16xf32>
    tpu.vector_store %arg11[%swap3A_314, %swap3A_315], %swap3A_318 {strides = array<i32>} : memref<8x128xf32, #tpu.memory_space<vmem>>, vector<1x16xf32>,
    %broadcast_in_dim3A_319 = arith.constant 0.000000e+00 : f32
    %broadcast_in_dim3A_320 = vector.broadcast %broadcast_in_dim3A_319 : f32 to vector<16xf32>
    %swap3A_321 = arith.constant 5 : i32
    %swap3A_322 = arith.index_cast %swap3A_321 : i32 to index
    %swap3A_323 = arith.constant 0 : index
    %swap3A_324 = tpu.vector_load %arg11[%swap3A_322, %swap3A_323] {strides = array<i32>} : memref<8x128xf32, #tpu.memory_space<vmem>>, vector<1x16xf32>,
    %swap3A_325 = vector.shape_cast %swap3A_324 : vector<1x16xf32> to vector<16xf32>
    %swap3A_326 = vector.shape_cast %broadcast_in_dim3A_320 : vector<16xf32> to vector<1x16xf32>
    tpu.vector_store %arg11[%swap3A_322, %swap3A_323], %swap3A_326 {strides = array<i32>} : memref<8x128xf32, #tpu.memory_space<vmem>>, vector<1x16xf32>,
    %broadcast_in_dim3A_327 = arith.constant 0.000000e+00 : f32
    %broadcast_in_dim3A_328 = vector.broadcast %broadcast_in_dim3A_327 : f32 to vector<16xf32>
    %swap3A_329 = arith.constant 5 : i32
    %swap3A_330 = arith.index_cast %swap3A_329 : i32 to index
    %swap3A_331 = arith.constant 16 : index
    %swap3A_332 = tpu.vector_load %arg11[%swap3A_330, %swap3A_331] {strides = array<i32>} : memref<8x128xf32, #tpu.memory_space<vmem>>, vector<1x16xf32>,
    %swap3A_333 = vector.shape_cast %swap3A_332 : vector<1x16xf32> to vector<16xf32>
    %swap3A_334 = vector.shape_cast %broadcast_in_dim3A_328 : vector<16xf32> to vector<1x16xf32>
    tpu.vector_store %arg11[%swap3A_330, %swap3A_331], %swap3A_334 {strides = array<i32>} : memref<8x128xf32, #tpu.memory_space<vmem>>, vector<1x16xf32>,
    %broadcast_in_dim3A_335 = arith.constant 0.000000e+00 : f32
    %broadcast_in_dim3A_336 = vector.broadcast %broadcast_in_dim3A_335 : f32 to vector<16xf32>
    %swap3A_337 = arith.constant 5 : i32
    %swap3A_338 = arith.index_cast %swap3A_337 : i32 to index
    %swap3A_339 = arith.constant 32 : index
    %swap3A_340 = tpu.vector_load %arg11[%swap3A_338, %swap3A_339] {strides = array<i32>} : memref<8x128xf32, #tpu.memory_space<vmem>>, vector<1x16xf32>,
    %swap3A_341 = vector.shape_cast %swap3A_340 : vector<1x16xf32> to vector<16xf32>
    %swap3A_342 = vector.shape_cast %broadcast_in_dim3A_336 : vector<16xf32> to vector<1x16xf32>
    tpu.vector_store %arg11[%swap3A_338, %swap3A_339], %swap3A_342 {strides = array<i32>} : memref<8x128xf32, #tpu.memory_space<vmem>>, vector<1x16xf32>,
    %broadcast_in_dim3A_343 = arith.constant 0.000000e+00 : f32
    %broadcast_in_dim3A_344 = vector.broadcast %broadcast_in_dim3A_343 : f32 to vector<16xf32>
    %swap3A_345 = arith.constant 5 : i32
    %swap3A_346 = arith.index_cast %swap3A_345 : i32 to index
    %swap3A_347 = arith.constant 48 : index
    %swap3A_348 = tpu.vector_load %arg11[%swap3A_346, %swap3A_347] {strides = array<i32>} : memref<8x128xf32, #tpu.memory_space<vmem>>, vector<1x16xf32>,
    %swap3A_349 = vector.shape_cast %swap3A_348 : vector<1x16xf32> to vector<16xf32>
    %swap3A_350 = vector.shape_cast %broadcast_in_dim3A_344 : vector<16xf32> to vector<1x16xf32>
    tpu.vector_store %arg11[%swap3A_346, %swap3A_347], %swap3A_350 {strides = array<i32>} : memref<8x128xf32, #tpu.memory_space<vmem>>, vector<1x16xf32>,
    %broadcast_in_dim3A_351 = arith.constant 0.000000e+00 : f32
    %broadcast_in_dim3A_352 = vector.broadcast %broadcast_in_dim3A_351 : f32 to vector<16xf32>
    %swap3A_353 = arith.constant 5 : i32
    %swap3A_354 = arith.index_cast %swap3A_353 : i32 to index
    %swap3A_355 = arith.constant 64 : index
    %swap3A_356 = tpu.vector_load %arg11[%swap3A_354, %swap3A_355] {strides = array<i32>} : memref<8x128xf32, #tpu.memory_space<vmem>>, vector<1x16xf32>,
    %swap3A_357 = vector.shape_cast %swap3A_356 : vector<1x16xf32> to vector<16xf32>
    %swap3A_358 = vector.shape_cast %broadcast_in_dim3A_352 : vector<16xf32> to vector<1x16xf32>
    tpu.vector_store %arg11[%swap3A_354, %swap3A_355], %swap3A_358 {strides = array<i32>} : memref<8x128xf32, #tpu.memory_space<vmem>>, vector<1x16xf32>,
    %broadcast_in_dim3A_359 = arith.constant 0.000000e+00 : f32
    %broadcast_in_dim3A_360 = vector.broadcast %broadcast_in_dim3A_359 : f32 to vector<16xf32>
    %swap3A_361 = arith.constant 5 : i32
    %swap3A_362 = arith.index_cast %swap3A_361 : i32 to index
    %swap3A_363 = arith.constant 80 : index
    %swap3A_364 = tpu.vector_load %arg11[%swap3A_362, %swap3A_363] {strides = array<i32>} : memref<8x128xf32, #tpu.memory_space<vmem>>, vector<1x16xf32>,
    %swap3A_365 = vector.shape_cast %swap3A_364 : vector<1x16xf32> to vector<16xf32>
    %swap3A_366 = vector.shape_cast %broadcast_in_dim3A_360 : vector<16xf32> to vector<1x16xf32>
    tpu.vector_store %arg11[%swap3A_362, %swap3A_363], %swap3A_366 {strides = array<i32>} : memref<8x128xf32, #tpu.memory_space<vmem>>, vector<1x16xf32>,
    %broadcast_in_dim3A_367 = arith.constant 0.000000e+00 : f32
    %broadcast_in_dim3A_368 = vector.broadcast %broadcast_in_dim3A_367 : f32 to vector<16xf32>
    %swap3A_369 = arith.constant 5 : i32
    %swap3A_370 = arith.index_cast %swap3A_369 : i32 to index
    %swap3A_371 = arith.constant 96 : index
    %swap3A_372 = tpu.vector_load %arg11[%swap3A_370, %swap3A_371] {strides = array<i32>} : memref<8x128xf32, #tpu.memory_space<vmem>>, vector<1x16xf32>,
    %swap3A_373 = vector.shape_cast %swap3A_372 : vector<1x16xf32> to vector<16xf32>
    %swap3A_374 = vector.shape_cast %broadcast_in_dim3A_368 : vector<16xf32> to vector<1x16xf32>
    tpu.vector_store %arg11[%swap3A_370, %swap3A_371], %swap3A_374 {strides = array<i32>} : memref<8x128xf32, #tpu.memory_space<vmem>>, vector<1x16xf32>,
    %broadcast_in_dim3A_375 = arith.constant 0.000000e+00 : f32
    %broadcast_in_dim3A_376 = vector.broadcast %broadcast_in_dim3A_375 : f32 to vector<16xf32>
    %swap3A_377 = arith.constant 5 : i32
    %swap3A_378 = arith.index_cast %swap3A_377 : i32 to index
    %swap3A_379 = arith.constant 112 : index
    %swap3A_380 = tpu.vector_load %arg11[%swap3A_378, %swap3A_379] {strides = array<i32>} : memref<8x128xf32, #tpu.memory_space<vmem>>, vector<1x16xf32>,
    %swap3A_381 = vector.shape_cast %swap3A_380 : vector<1x16xf32> to vector<16xf32>
    %swap3A_382 = vector.shape_cast %broadcast_in_dim3A_376 : vector<16xf32> to vector<1x16xf32>
    tpu.vector_store %arg11[%swap3A_378, %swap3A_379], %swap3A_382 {strides = array<i32>} : memref<8x128xf32, #tpu.memory_space<vmem>>, vector<1x16xf32>,
    %broadcast_in_dim3A_383 = arith.constant 0.000000e+00 : f32
    %broadcast_in_dim3A_384 = vector.broadcast %broadcast_in_dim3A_383 : f32 to vector<16xf32>
    %swap3A_385 = arith.constant 6 : i32
    %swap3A_386 = arith.index_cast %swap3A_385 : i32 to index
    %swap3A_387 = arith.constant 0 : index
    %swap3A_388 = tpu.vector_load %arg11[%swap3A_386, %swap3A_387] {strides = array<i32>} : memref<8x128xf32, #tpu.memory_space<vmem>>, vector<1x16xf32>,
    %swap3A_389 = vector.shape_cast %swap3A_388 : vector<1x16xf32> to vector<16xf32>
    %swap3A_390 = vector.shape_cast %broadcast_in_dim3A_384 : vector<16xf32> to vector<1x16xf32>
    tpu.vector_store %arg11[%swap3A_386, %swap3A_387], %swap3A_390 {strides = array<i32>} : memref<8x128xf32, #tpu.memory_space<vmem>>, vector<1x16xf32>,
    %broadcast_in_dim3A_391 = arith.constant 0.000000e+00 : f32
    %broadcast_in_dim3A_392 = vector.broadcast %broadcast_in_dim3A_391 : f32 to vector<16xf32>
    %swap3A_393 = arith.constant 6 : i32
    %swap3A_394 = arith.index_cast %swap3A_393 : i32 to index
    %swap3A_395 = arith.constant 16 : index
    %swap3A_396 = tpu.vector_load %arg11[%swap3A_394, %swap3A_395] {strides = array<i32>} : memref<8x128xf32, #tpu.memory_space<vmem>>, vector<1x16xf32>,
    %swap3A_397 = vector.shape_cast %swap3A_396 : vector<1x16xf32> to vector<16xf32>
    %swap3A_398 = vector.shape_cast %broadcast_in_dim3A_392 : vector<16xf32> to vector<1x16xf32>
    tpu.vector_store %arg11[%swap3A_394, %swap3A_395], %swap3A_398 {strides = array<i32>} : memref<8x128xf32, #tpu.memory_space<vmem>>, vector<1x16xf32>,
    %broadcast_in_dim3A_399 = arith.constant 0.000000e+00 : f32
    %broadcast_in_dim3A_400 = vector.broadcast %broadcast_in_dim3A_399 : f32 to vector<16xf32>
    %swap3A_401 = arith.constant 6 : i32
    %swap3A_402 = arith.index_cast %swap3A_401 : i32 to index
    %swap3A_403 = arith.constant 32 : index
    %swap3A_404 = tpu.vector_load %arg11[%swap3A_402, %swap3A_403] {strides = array<i32>} : memref<8x128xf32, #tpu.memory_space<vmem>>, vector<1x16xf32>,
    %swap3A_405 = vector.shape_cast %swap3A_404 : vector<1x16xf32> to vector<16xf32>
    %swap3A_406 = vector.shape_cast %broadcast_in_dim3A_400 : vector<16xf32> to vector<1x16xf32>
    tpu.vector_store %arg11[%swap3A_402, %swap3A_403], %swap3A_406 {strides = array<i32>} : memref<8x128xf32, #tpu.memory_space<vmem>>, vector<1x16xf32>,
    %broadcast_in_dim3A_407 = arith.constant 0.000000e+00 : f32
    %broadcast_in_dim3A_408 = vector.broadcast %broadcast_in_dim3A_407 : f32 to vector<16xf32>
    %swap3A_409 = arith.constant 6 : i32
    %swap3A_410 = arith.index_cast %swap3A_409 : i32 to index
    %swap3A_411 = arith.constant 48 : index
    %swap3A_412 = tpu.vector_load %arg11[%swap3A_410, %swap3A_411] {strides = array<i32>} : memref<8x128xf32, #tpu.memory_space<vmem>>, vector<1x16xf32>,
    %swap3A_413 = vector.shape_cast %swap3A_412 : vector<1x16xf32> to vector<16xf32>
    %swap3A_414 = vector.shape_cast %broadcast_in_dim3A_408 : vector<16xf32> to vector<1x16xf32>
    tpu.vector_store %arg11[%swap3A_410, %swap3A_411], %swap3A_414 {strides = array<i32>} : memref<8x128xf32, #tpu.memory_space<vmem>>, vector<1x16xf32>,
    %broadcast_in_dim3A_415 = arith.constant 0.000000e+00 : f32
    %broadcast_in_dim3A_416 = vector.broadcast %broadcast_in_dim3A_415 : f32 to vector<16xf32>
    %swap3A_417 = arith.constant 6 : i32
    %swap3A_418 = arith.index_cast %swap3A_417 : i32 to index
    %swap3A_419 = arith.constant 64 : index
    %swap3A_420 = tpu.vector_load %arg11[%swap3A_418, %swap3A_419] {strides = array<i32>} : memref<8x128xf32, #tpu.memory_space<vmem>>, vector<1x16xf32>,
    %swap3A_421 = vector.shape_cast %swap3A_420 : vector<1x16xf32> to vector<16xf32>
    %swap3A_422 = vector.shape_cast %broadcast_in_dim3A_416 : vector<16xf32> to vector<1x16xf32>
    tpu.vector_store %arg11[%swap3A_418, %swap3A_419], %swap3A_422 {strides = array<i32>} : memref<8x128xf32, #tpu.memory_space<vmem>>, vector<1x16xf32>,
    %broadcast_in_dim3A_423 = arith.constant 0.000000e+00 : f32
    %broadcast_in_dim3A_424 = vector.broadcast %broadcast_in_dim3A_423 : f32 to vector<16xf32>
    %swap3A_425 = arith.constant 6 : i32
    %swap3A_426 = arith.index_cast %swap3A_425 : i32 to index
    %swap3A_427 = arith.constant 80 : index
    %swap3A_428 = tpu.vector_load %arg11[%swap3A_426, %swap3A_427] {strides = array<i32>} : memref<8x128xf32, #tpu.memory_space<vmem>>, vector<1x16xf32>,
    %swap3A_429 = vector.shape_cast %swap3A_428 : vector<1x16xf32> to vector<16xf32>
    %swap3A_430 = vector.shape_cast %broadcast_in_dim3A_424 : vector<16xf32> to vector<1x16xf32>
    tpu.vector_store %arg11[%swap3A_426, %swap3A_427], %swap3A_430 {strides = array<i32>} : memref<8x128xf32, #tpu.memory_space<vmem>>, vector<1x16xf32>,
    %broadcast_in_dim3A_431 = arith.constant 0.000000e+00 : f32
    %broadcast_in_dim3A_432 = vector.broadcast %broadcast_in_dim3A_431 : f32 to vector<16xf32>
    %swap3A_433 = arith.constant 6 : i32
    %swap3A_434 = arith.index_cast %swap3A_433 : i32 to index
    %swap3A_435 = arith.constant 96 : index
    %swap3A_436 = tpu.vector_load %arg11[%swap3A_434, %swap3A_435] {strides = array<i32>} : memref<8x128xf32, #tpu.memory_space<vmem>>, vector<1x16xf32>,
    %swap3A_437 = vector.shape_cast %swap3A_436 : vector<1x16xf32> to vector<16xf32>
    %swap3A_438 = vector.shape_cast %broadcast_in_dim3A_432 : vector<16xf32> to vector<1x16xf32>
    tpu.vector_store %arg11[%swap3A_434, %swap3A_435], %swap3A_438 {strides = array<i32>} : memref<8x128xf32, #tpu.memory_space<vmem>>, vector<1x16xf32>,
    %broadcast_in_dim3A_439 = arith.constant 0.000000e+00 : f32
    %broadcast_in_dim3A_440 = vector.broadcast %broadcast_in_dim3A_439 : f32 to vector<16xf32>
    %swap3A_441 = arith.constant 6 : i32
    %swap3A_442 = arith.index_cast %swap3A_441 : i32 to index
    %swap3A_443 = arith.constant 112 : index
    %swap3A_444 = tpu.vector_load %arg11[%swap3A_442, %swap3A_443] {strides = array<i32>} : memref<8x128xf32, #tpu.memory_space<vmem>>, vector<1x16xf32>,
    %swap3A_445 = vector.shape_cast %swap3A_444 : vector<1x16xf32> to vector<16xf32>
    %swap3A_446 = vector.shape_cast %broadcast_in_dim3A_440 : vector<16xf32> to vector<1x16xf32>
    tpu.vector_store %arg11[%swap3A_442, %swap3A_443], %swap3A_446 {strides = array<i32>} : memref<8x128xf32, #tpu.memory_space<vmem>>, vector<1x16xf32>,
    %broadcast_in_dim3A_447 = arith.constant 0.000000e+00 : f32
    %broadcast_in_dim3A_448 = vector.broadcast %broadcast_in_dim3A_447 : f32 to vector<16xf32>
    %swap3A_449 = arith.constant 7 : i32
    %swap3A_450 = arith.index_cast %swap3A_449 : i32 to index
    %swap3A_451 = arith.constant 0 : index
    %swap3A_452 = tpu.vector_load %arg11[%swap3A_450, %swap3A_451] {strides = array<i32>} : memref<8x128xf32, #tpu.memory_space<vmem>>, vector<1x16xf32>,
    %swap3A_453 = vector.shape_cast %swap3A_452 : vector<1x16xf32> to vector<16xf32>
    %swap3A_454 = vector.shape_cast %broadcast_in_dim3A_448 : vector<16xf32> to vector<1x16xf32>
    tpu.vector_store %arg11[%swap3A_450, %swap3A_451], %swap3A_454 {strides = array<i32>} : memref<8x128xf32, #tpu.memory_space<vmem>>, vector<1x16xf32>,
    %broadcast_in_dim3A_455 = arith.constant 0.000000e+00 : f32
    %broadcast_in_dim3A_456 = vector.broadcast %broadcast_in_dim3A_455 : f32 to vector<16xf32>
    %swap3A_457 = arith.constant 7 : i32
    %swap3A_458 = arith.index_cast %swap3A_457 : i32 to index
    %swap3A_459 = arith.constant 16 : index
    %swap3A_460 = tpu.vector_load %arg11[%swap3A_458, %swap3A_459] {strides = array<i32>} : memref<8x128xf32, #tpu.memory_space<vmem>>, vector<1x16xf32>,
    %swap3A_461 = vector.shape_cast %swap3A_460 : vector<1x16xf32> to vector<16xf32>
    %swap3A_462 = vector.shape_cast %broadcast_in_dim3A_456 : vector<16xf32> to vector<1x16xf32>
    tpu.vector_store %arg11[%swap3A_458, %swap3A_459], %swap3A_462 {strides = array<i32>} : memref<8x128xf32, #tpu.memory_space<vmem>>, vector<1x16xf32>,
    %broadcast_in_dim3A_463 = arith.constant 0.000000e+00 : f32
    %broadcast_in_dim3A_464 = vector.broadcast %broadcast_in_dim3A_463 : f32 to vector<16xf32>
    %swap3A_465 = arith.constant 7 : i32
    %swap3A_466 = arith.index_cast %swap3A_465 : i32 to index
    %swap3A_467 = arith.constant 32 : index
    %swap3A_468 = tpu.vector_load %arg11[%swap3A_466, %swap3A_467] {strides = array<i32>} : memref<8x128xf32, #tpu.memory_space<vmem>>, vector<1x16xf32>,
    %swap3A_469 = vector.shape_cast %swap3A_468 : vector<1x16xf32> to vector<16xf32>
    %swap3A_470 = vector.shape_cast %broadcast_in_dim3A_464 : vector<16xf32> to vector<1x16xf32>
    tpu.vector_store %arg11[%swap3A_466, %swap3A_467], %swap3A_470 {strides = array<i32>} : memref<8x128xf32, #tpu.memory_space<vmem>>, vector<1x16xf32>,
    %broadcast_in_dim3A_471 = arith.constant 0.000000e+00 : f32
    %broadcast_in_dim3A_472 = vector.broadcast %broadcast_in_dim3A_471 : f32 to vector<16xf32>
    %swap3A_473 = arith.constant 7 : i32
    %swap3A_474 = arith.index_cast %swap3A_473 : i32 to index
    %swap3A_475 = arith.constant 48 : index
    %swap3A_476 = tpu.vector_load %arg11[%swap3A_474, %swap3A_475] {strides = array<i32>} : memref<8x128xf32, #tpu.memory_space<vmem>>, vector<1x16xf32>,
    %swap3A_477 = vector.shape_cast %swap3A_476 : vector<1x16xf32> to vector<16xf32>
    %swap3A_478 = vector.shape_cast %broadcast_in_dim3A_472 : vector<16xf32> to vector<1x16xf32>
    tpu.vector_store %arg11[%swap3A_474, %swap3A_475], %swap3A_478 {strides = array<i32>} : memref<8x128xf32, #tpu.memory_space<vmem>>, vector<1x16xf32>,
    %broadcast_in_dim3A_479 = arith.constant 0.000000e+00 : f32
    %broadcast_in_dim3A_480 = vector.broadcast %broadcast_in_dim3A_479 : f32 to vector<16xf32>
    %swap3A_481 = arith.constant 7 : i32
    %swap3A_482 = arith.index_cast %swap3A_481 : i32 to index
    %swap3A_483 = arith.constant 64 : index
    %swap3A_484 = tpu.vector_load %arg11[%swap3A_482, %swap3A_483] {strides = array<i32>} : memref<8x128xf32, #tpu.memory_space<vmem>>, vector<1x16xf32>,
    %swap3A_485 = vector.shape_cast %swap3A_484 : vector<1x16xf32> to vector<16xf32>
    %swap3A_486 = vector.shape_cast %broadcast_in_dim3A_480 : vector<16xf32> to vector<1x16xf32>
    tpu.vector_store %arg11[%swap3A_482, %swap3A_483], %swap3A_486 {strides = array<i32>} : memref<8x128xf32, #tpu.memory_space<vmem>>, vector<1x16xf32>,
    %broadcast_in_dim3A_487 = arith.constant 0.000000e+00 : f32
    %broadcast_in_dim3A_488 = vector.broadcast %broadcast_in_dim3A_487 : f32 to vector<16xf32>
    %swap3A_489 = arith.constant 7 : i32
    %swap3A_490 = arith.index_cast %swap3A_489 : i32 to index
    %swap3A_491 = arith.constant 80 : index
    %swap3A_492 = tpu.vector_load %arg11[%swap3A_490, %swap3A_491] {strides = array<i32>} : memref<8x128xf32, #tpu.memory_space<vmem>>, vector<1x16xf32>,
    %swap3A_493 = vector.shape_cast %swap3A_492 : vector<1x16xf32> to vector<16xf32>
    %swap3A_494 = vector.shape_cast %broadcast_in_dim3A_488 : vector<16xf32> to vector<1x16xf32>
    tpu.vector_store %arg11[%swap3A_490, %swap3A_491], %swap3A_494 {strides = array<i32>} : memref<8x128xf32, #tpu.memory_space<vmem>>, vector<1x16xf32>,
    %broadcast_in_dim3A_495 = arith.constant 0.000000e+00 : f32
    %broadcast_in_dim3A_496 = vector.broadcast %broadcast_in_dim3A_495 : f32 to vector<16xf32>
    %swap3A_497 = arith.constant 7 : i32
    %swap3A_498 = arith.index_cast %swap3A_497 : i32 to index
    %swap3A_499 = arith.constant 96 : index
    %swap3A_500 = tpu.vector_load %arg11[%swap3A_498, %swap3A_499] {strides = array<i32>} : memref<8x128xf32, #tpu.memory_space<vmem>>, vector<1x16xf32>,
    %swap3A_501 = vector.shape_cast %swap3A_500 : vector<1x16xf32> to vector<16xf32>
    %swap3A_502 = vector.shape_cast %broadcast_in_dim3A_496 : vector<16xf32> to vector<1x16xf32>
    tpu.vector_store %arg11[%swap3A_498, %swap3A_499], %swap3A_502 {strides = array<i32>} : memref<8x128xf32, #tpu.memory_space<vmem>>, vector<1x16xf32>,
    %broadcast_in_dim3A_503 = arith.constant 0.000000e+00 : f32
    %broadcast_in_dim3A_504 = vector.broadcast %broadcast_in_dim3A_503 : f32 to vector<16xf32>
    %swap3A_505 = arith.constant 7 : i32
    %swap3A_506 = arith.index_cast %swap3A_505 : i32 to index
    %swap3A_507 = arith.constant 112 : index
    %swap3A_508 = tpu.vector_load %arg11[%swap3A_506, %swap3A_507] {strides = array<i32>} : memref<8x128xf32, #tpu.memory_space<vmem>>, vector<1x16xf32>,
    %swap3A_509 = vector.shape_cast %swap3A_508 : vector<1x16xf32> to vector<16xf32>
    %swap3A_510 = vector.shape_cast %broadcast_in_dim3A_504 : vector<16xf32> to vector<1x16xf32>
    tpu.vector_store %arg11[%swap3A_506, %swap3A_507], %swap3A_510 {strides = array<i32>} : memref<8x128xf32, #tpu.memory_space<vmem>>, vector<1x16xf32>,
    "tpu.region"() ({
      %run_scoped3A = tpu.sem_alloc : memref<!tpu.dma_semaphore, #tpu.memory_space<semaphore_mem>>
      %dma_start3A_540 = arith.constant 0 : i32
      %dma_start3A_541 = arith.constant 0 : i32
      %dma_start3A_542 = tpu.memref_slice %arg3[%add3A, %dma_start3A_540, %dma_start3A_541] : memref<32x80x128xi32, #tpu.memory_space<hbm>> -> memref<1x80x128xi32, #tpu.memory_space<hbm>>
      %dma_start3A_543 = tpu.memref_squeeze %dma_start3A_542 : memref<1x80x128xi32, #tpu.memory_space<hbm>> -> memref<80x128xi32, #tpu.memory_space<hbm>>
      %dma_start3A_544 = arith.constant 0 : i32
      %dma_start3A_545 = arith.constant 0 : i32
      %dma_start3A_546 = tpu.memref_slice %arg3[%add3A, %dma_start3A_544, %dma_start3A_545] : memref<32x80x128xi32, #tpu.memory_space<hbm>> -> memref<1x80x128xi32, #tpu.memory_space<hbm>>
      %dma_start3A_547 = tpu.memref_squeeze %dma_start3A_546 : memref<1x80x128xi32, #tpu.memory_space<hbm>> -> memref<80x128xi32, #tpu.memory_space<hbm>>
      tpu.enqueue_dma source(%dma_start3A_547 : memref<80x128xi32, #tpu.memory_space<hbm>>) target(%arg6 : memref<80x128xi32, #tpu.memory_space<vmem>>) target_semaphore(%run_scoped3A : memref<!tpu.dma_semaphore, #tpu.memory_space<semaphore_mem>>)
      %dma_wait3A = arith.constant 0 : i32
      %dma_wait3A_548 = arith.constant 0 : i32
      %dma_wait3A_549 = tpu.memref_slice %arg3[%add3A, %dma_wait3A, %dma_wait3A_548] : memref<32x80x128xi32, #tpu.memory_space<hbm>> -> memref<1x80x128xi32, #tpu.memory_space<hbm>>
      %dma_wait3A_550 = tpu.memref_squeeze %dma_wait3A_549 : memref<1x80x128xi32, #tpu.memory_space<hbm>> -> memref<80x128xi32, #tpu.memory_space<hbm>>
      %dma_wait3A_551 = arith.constant 0 : i32
      %dma_wait3A_552 = arith.constant 0 : i32
      %dma_wait3A_553 = tpu.memref_slice %arg3[%add3A, %dma_wait3A_551, %dma_wait3A_552] : memref<32x80x128xi32, #tpu.memory_space<hbm>> -> memref<1x80x128xi32, #tpu.memory_space<hbm>>
      %dma_wait3A_554 = tpu.memref_squeeze %dma_wait3A_553 : memref<1x80x128xi32, #tpu.memory_space<hbm>> -> memref<80x128xi32, #tpu.memory_space<hbm>>
      tpu.wait_dma2 semaphore(%run_scoped3A : memref<!tpu.dma_semaphore, #tpu.memory_space<semaphore_mem>>) src(%dma_wait3A_554 : memref<80x128xi32, #tpu.memory_space<hbm>>) dst(%arg6 : memref<80x128xi32, #tpu.memory_space<vmem>>)
      tpu.yield
    }) : () -> ()
    %scan3A = arith.constant 0 : i32
    %scan3A_511 = arith.constant 79 : i32
    %scan3A_512 = arith.addi %scan3A, %scan3A_511 : i32
    %scan3A_513 = arith.constant 1 : i32
    scf.for %scan3A_540 = %scan3A to %scan3A_512 step %scan3A_513  : i32 {
      %mul3A_541 = arith.constant 632 : i32
      %mul3A_542 = arith.muli %arg1, %mul3A_541 : i32
      %mul3A_543 = arith.constant 8 : i32
      %mul3A_544 = arith.muli %scan3A_540, %mul3A_543 : i32
      %add3A_545 = arith.addi %mul3A_542, %mul3A_544 : i32
      "tpu.region"() ({
        %run_scoped3A = tpu.sem_alloc : memref<!tpu.dma_semaphore, #tpu.memory_space<semaphore_mem>>
        %dma_start3A_546 = arith.constant 0 : i32
        %dma_start3A_547 = tpu.memref_slice %arg12[%add3A_545, %dma_start3A_546] : memref<10112x128xf32, #tpu.memory_space<vmem_shared>> -> memref<8x128xf32, #tpu.memory_space<vmem_shared>>
        %dma_start3A_548 = arith.constant 0 : i32
        %dma_start3A_549 = tpu.memref_slice %arg12[%add3A_545, %dma_start3A_548] : memref<10112x128xf32, #tpu.memory_space<vmem_shared>> -> memref<8x128xf32, #tpu.memory_space<vmem_shared>>
        tpu.enqueue_dma source(%arg11 : memref<8x128xf32, #tpu.memory_space<vmem>>) target(%dma_start3A_549 : memref<8x128xf32, #tpu.memory_space<vmem_shared>>) target_semaphore(%run_scoped3A : memref<!tpu.dma_semaphore, #tpu.memory_space<semaphore_mem>>)
        %dma_wait3A = arith.constant 0 : i32
        %dma_wait3A_550 = tpu.memref_slice %arg12[%add3A_545, %dma_wait3A] : memref<10112x128xf32, #tpu.memory_space<vmem_shared>> -> memref<8x128xf32, #tpu.memory_space<vmem_shared>>
        %dma_wait3A_551 = arith.constant 0 : i32
        %dma_wait3A_552 = tpu.memref_slice %arg12[%add3A_545, %dma_wait3A_551] : memref<10112x128xf32, #tpu.memory_space<vmem_shared>> -> memref<8x128xf32, #tpu.memory_space<vmem_shared>>
        tpu.wait_dma2 semaphore(%run_scoped3A : memref<!tpu.dma_semaphore, #tpu.memory_space<semaphore_mem>>) src(%arg11 : memref<8x128xf32, #tpu.memory_space<vmem>>) dst(%dma_wait3A_552 : memref<8x128xf32, #tpu.memory_space<vmem_shared>>)
        tpu.yield
      }) : () -> ()
    }
    %scan3A_514 = arith.constant 79 : i32
    %barrier3A = arith.constant 0 : index
    tpu.barrier barrier_id(%barrier3A)
    %dma_start3A = arith.constant 0 : i32
    %dma_start3A_515 = arith.constant 0 : i32
    %dma_start3A_516 = tpu.memref_slice %arg4[%add3A, %dma_start3A, %dma_start3A_515] : memref<32x80x128xi32, #tpu.memory_space<hbm>> -> memref<1x1x128xi32, #tpu.memory_space<hbm>>
    %dma_start3A_517 = tpu.memref_squeeze %dma_start3A_516 : memref<1x1x128xi32, #tpu.memory_space<hbm>> -> memref<128xi32, #tpu.memory_space<hbm>>
    %dma_start3A_518 = arith.constant 0 : i32
    %dma_start3A_519 = tpu.memref_slice %arg4[%add3A, %dma_start3A, %dma_start3A_518] : memref<32x80x128xi32, #tpu.memory_space<hbm>> -> memref<1x1x128xi32, #tpu.memory_space<hbm>>
    %dma_start3A_520 = tpu.memref_squeeze %dma_start3A_519 : memref<1x1x128xi32, #tpu.memory_space<hbm>> -> memref<128xi32, #tpu.memory_space<hbm>>
    tpu.enqueue_dma source(%dma_start3A_520 : memref<128xi32, #tpu.memory_space<hbm>>) target(%arg7 : memref<128xi32, #tpu.memory_space<vmem>>) target_semaphore(%arg15 : memref<!tpu.dma_semaphore, #tpu.memory_space<semaphore_mem>>)
    %dma_start3A_521 = arith.constant 0 : i32
    %dma_start3A_522 = arith.constant 0 : i32
    %dma_start3A_523 = tpu.memref_slice %arg6[%dma_start3A_521, %dma_start3A_522] : memref<80x128xi32, #tpu.memory_space<vmem>> -> memref<1x128xi32, #tpu.memory_space<vmem>>
    %dma_start3A_524 = tpu.memref_squeeze %dma_start3A_523 : memref<1x128xi32, #tpu.memory_space<vmem>> -> memref<128xi32, #tpu.memory_space<vmem>>
    %dma_start3A_525 = arith.constant 0 : i32
    %dma_start3A_526 = arith.constant 0 : i32
    %dma_start3A_527 = tpu.memref_slice %arg2[%dma_start3A_525, %dma_start3A_526] : memref<10000x128xf32, #tpu.memory_space<hbm>> -> memref<10000x128xf32, #tpu.memory_space<hbm>>
    tpu.enqueue_indirect_dma source(%dma_start3A_527 : memref<10000x128xf32, #tpu.memory_space<hbm>>) target(%arg9 : memref<128x128xf32, #tpu.memory_space<vmem>>) offsets(%dma_start3A_524 : memref<128xi32, #tpu.memory_space<vmem>>) semaphore(%arg13 : memref<!tpu.dma_semaphore, #tpu.memory_space<semaphore_mem>>)
    %scan3A_528 = arith.constant 0 : i32
    %scan3A_529 = arith.constant 40 : i32
    %scan3A_530 = arith.addi %scan3A_528, %scan3A_529 : i32
    %scan3A_531 = arith.constant 1 : i32
    scf.for %scan3A_540 = %scan3A_528 to %scan3A_530 step %scan3A_531  : i32 {
      %mul3A_541 = arith.constant 2 : i32
      %mul3A_542 = arith.muli %mul3A_541, %scan3A_540 : i32
      %add3A_543 = arith.constant 1 : i32
      %add3A_544 = arith.addi %mul3A_542, %add3A_543 : i32
      %dma_start3A_545 = arith.constant 0 : i32
      %dma_start3A_546 = tpu.memref_slice %arg4[%add3A, %add3A_544, %dma_start3A_545] : memref<32x80x128xi32, #tpu.memory_space<hbm>> -> memref<1x1x128xi32, #tpu.memory_space<hbm>>
      %dma_start3A_547 = tpu.memref_squeeze %dma_start3A_546 : memref<1x1x128xi32, #tpu.memory_space<hbm>> -> memref<128xi32, #tpu.memory_space<hbm>>
      %dma_start3A_548 = arith.constant 0 : i32
      %dma_start3A_549 = tpu.memref_slice %arg4[%add3A, %add3A_544, %dma_start3A_548] : memref<32x80x128xi32, #tpu.memory_space<hbm>> -> memref<1x1x128xi32, #tpu.memory_space<hbm>>
      %dma_start3A_550 = tpu.memref_squeeze %dma_start3A_549 : memref<1x1x128xi32, #tpu.memory_space<hbm>> -> memref<128xi32, #tpu.memory_space<hbm>>
      tpu.enqueue_dma source(%dma_start3A_550 : memref<128xi32, #tpu.memory_space<hbm>>) target(%arg8 : memref<128xi32, #tpu.memory_space<vmem>>) target_semaphore(%arg16 : memref<!tpu.dma_semaphore, #tpu.memory_space<semaphore_mem>>)
      %add3A_551 = arith.constant 1 : i32
      %add3A_552 = arith.addi %mul3A_542, %add3A_551 : i32
      %dma_start3A_553 = arith.constant 0 : i32
      %dma_start3A_554 = tpu.memref_slice %arg6[%add3A_552, %dma_start3A_553] : memref<80x128xi32, #tpu.memory_space<vmem>> -> memref<1x128xi32, #tpu.memory_space<vmem>>
      %dma_start3A_555 = tpu.memref_squeeze %dma_start3A_554 : memref<1x128xi32, #tpu.memory_space<vmem>> -> memref<128xi32, #tpu.memory_space<vmem>>
      %dma_start3A_556 = arith.constant 0 : i32
      %dma_start3A_557 = arith.constant 0 : i32
      %dma_start3A_558 = tpu.memref_slice %arg2[%dma_start3A_556, %dma_start3A_557] : memref<10000x128xf32, #tpu.memory_space<hbm>> -> memref<10000x128xf32, #tpu.memory_space<hbm>>
      tpu.enqueue_indirect_dma source(%dma_start3A_558 : memref<10000x128xf32, #tpu.memory_space<hbm>>) target(%arg10 : memref<128x128xf32, #tpu.memory_space<vmem>>) offsets(%dma_start3A_555 : memref<128xi32, #tpu.memory_space<vmem>>) semaphore(%arg14 : memref<!tpu.dma_semaphore, #tpu.memory_space<semaphore_mem>>)
      %dma_wait3A = arith.constant 0 : i32
      %dma_wait3A_559 = tpu.memref_slice %arg4[%add3A, %mul3A_542, %dma_wait3A] : memref<32x80x128xi32, #tpu.memory_space<hbm>> -> memref<1x1x128xi32, #tpu.memory_space<hbm>>
      %dma_wait3A_560 = tpu.memref_squeeze %dma_wait3A_559 : memref<1x1x128xi32, #tpu.memory_space<hbm>> -> memref<128xi32, #tpu.memory_space<hbm>>
      %dma_wait3A_561 = arith.constant 0 : i32
      %dma_wait3A_562 = tpu.memref_slice %arg4[%add3A, %mul3A_542, %dma_wait3A_561] : memref<32x80x128xi32, #tpu.memory_space<hbm>> -> memref<1x1x128xi32, #tpu.memory_space<hbm>>
      %dma_wait3A_563 = tpu.memref_squeeze %dma_wait3A_562 : memref<1x1x128xi32, #tpu.memory_space<hbm>> -> memref<128xi32, #tpu.memory_space<hbm>>
      tpu.wait_dma2 semaphore(%arg15 : memref<!tpu.dma_semaphore, #tpu.memory_space<semaphore_mem>>) src(%dma_wait3A_563 : memref<128xi32, #tpu.memory_space<hbm>>) dst(%arg7 : memref<128xi32, #tpu.memory_space<vmem>>)
      %dma_wait3A_564 = arith.constant 0 : i32
      %dma_wait3A_565 = tpu.memref_slice %arg6[%mul3A_542, %dma_wait3A_564] : memref<80x128xi32, #tpu.memory_space<vmem>> -> memref<1x128xi32, #tpu.memory_space<vmem>>
      %dma_wait3A_566 = tpu.memref_squeeze %dma_wait3A_565 : memref<1x128xi32, #tpu.memory_space<vmem>> -> memref<128xi32, #tpu.memory_space<vmem>>
      %dma_wait3A_567 = arith.constant 0 : i32
      %dma_wait3A_568 = arith.constant 0 : i32
      %dma_wait3A_569 = tpu.memref_slice %arg2[%dma_wait3A_567, %dma_wait3A_568] : memref<10000x128xf32, #tpu.memory_space<hbm>> -> memref<10000x128xf32, #tpu.memory_space<hbm>>
      tpu.wait_indirect_dma semaphore(%arg13 : memref<!tpu.dma_semaphore, #tpu.memory_space<semaphore_mem>>) src(%dma_wait3A_569 : memref<10000x128xf32, #tpu.memory_space<hbm>>) dst(%arg9 : memref<128x128xf32, #tpu.memory_space<vmem>>)
      "tpu.region"() ({
        %run_scoped3A = tpu.sem_alloc : memref<!tpu.dma_semaphore, #tpu.memory_space<semaphore_mem>>
        %dma_start3A_591 = arith.constant 0 : i32
        %dma_start3A_592 = arith.constant 0 : i32
        %dma_start3A_593 = tpu.memref_slice %arg12[%dma_start3A_591, %dma_start3A_592] : memref<10112x128xf32, #tpu.memory_space<vmem_shared>> -> memref<10112x128xf32, #tpu.memory_space<vmem_shared>>
        tpu.enqueue_indirect_dma source(%arg9 : memref<128x128xf32, #tpu.memory_space<vmem>>) target(%dma_start3A_593 : memref<10112x128xf32, #tpu.memory_space<vmem_shared>>) offsets(%arg7 : memref<128xi32, #tpu.memory_space<vmem>>) semaphore(%run_scoped3A : memref<!tpu.dma_semaphore, #tpu.memory_space<semaphore_mem>>) {add = true}
        %dma_wait3A_594 = arith.constant 0 : i32
        %dma_wait3A_595 = arith.constant 0 : i32
        %dma_wait3A_596 = tpu.memref_slice %arg12[%dma_wait3A_594, %dma_wait3A_595] : memref<10112x128xf32, #tpu.memory_space<vmem_shared>> -> memref<10112x128xf32, #tpu.memory_space<vmem_shared>>
        tpu.wait_indirect_dma semaphore(%run_scoped3A : memref<!tpu.dma_semaphore, #tpu.memory_space<semaphore_mem>>) src(%arg9 : memref<128x128xf32, #tpu.memory_space<vmem>>) dst(%dma_wait3A_596 : memref<10112x128xf32, #tpu.memory_space<vmem_shared>>)
        tpu.yield
      }) : () -> ()
      %lt3A_570 = arith.constant 39 : i32
      %lt3A_571 = arith.cmpi slt, %scan3A_540, %lt3A_570 : i32
      %convert_element_type3A_572 = arith.extui %lt3A_571 : i1 to i32
      %cond3A_573 = arith.constant 0 : i32
      %cond3A_574 = arith.cmpi ne, %convert_element_type3A_572, %cond3A_573 : i32
      scf.if %cond3A_574 {
        %add3A_591 = arith.constant 2 : i32
        %add3A_592 = arith.addi %mul3A_542, %add3A_591 : i32
        %dma_start3A_593 = arith.constant 0 : i32
        %dma_start3A_594 = tpu.memref_slice %arg4[%add3A, %add3A_592, %dma_start3A_593] : memref<32x80x128xi32, #tpu.memory_space<hbm>> -> memref<1x1x128xi32, #tpu.memory_space<hbm>>
        %dma_start3A_595 = tpu.memref_squeeze %dma_start3A_594 : memref<1x1x128xi32, #tpu.memory_space<hbm>> -> memref<128xi32, #tpu.memory_space<hbm>>
        %dma_start3A_596 = arith.constant 0 : i32
        %dma_start3A_597 = tpu.memref_slice %arg4[%add3A, %add3A_592, %dma_start3A_596] : memref<32x80x128xi32, #tpu.memory_space<hbm>> -> memref<1x1x128xi32, #tpu.memory_space<hbm>>
        %dma_start3A_598 = tpu.memref_squeeze %dma_start3A_597 : memref<1x1x128xi32, #tpu.memory_space<hbm>> -> memref<128xi32, #tpu.memory_space<hbm>>
        tpu.enqueue_dma source(%dma_start3A_598 : memref<128xi32, #tpu.memory_space<hbm>>) target(%arg7 : memref<128xi32, #tpu.memory_space<vmem>>) target_semaphore(%arg15 : memref<!tpu.dma_semaphore, #tpu.memory_space<semaphore_mem>>)
        %add3A_599 = arith.constant 2 : i32
        %add3A_600 = arith.addi %mul3A_542, %add3A_599 : i32
        %dma_start3A_601 = arith.constant 0 : i32
        %dma_start3A_602 = tpu.memref_slice %arg6[%add3A_600, %dma_start3A_601] : memref<80x128xi32, #tpu.memory_space<vmem>> -> memref<1x128xi32, #tpu.memory_space<vmem>>
        %dma_start3A_603 = tpu.memref_squeeze %dma_start3A_602 : memref<1x128xi32, #tpu.memory_space<vmem>> -> memref<128xi32, #tpu.memory_space<vmem>>
        %dma_start3A_604 = arith.constant 0 : i32
        %dma_start3A_605 = arith.constant 0 : i32
        %dma_start3A_606 = tpu.memref_slice %arg2[%dma_start3A_604, %dma_start3A_605] : memref<10000x128xf32, #tpu.memory_space<hbm>> -> memref<10000x128xf32, #tpu.memory_space<hbm>>
        tpu.enqueue_indirect_dma source(%dma_start3A_606 : memref<10000x128xf32, #tpu.memory_space<hbm>>) target(%arg9 : memref<128x128xf32, #tpu.memory_space<vmem>>) offsets(%dma_start3A_603 : memref<128xi32, #tpu.memory_space<vmem>>) semaphore(%arg13 : memref<!tpu.dma_semaphore, #tpu.memory_space<semaphore_mem>>)
      } else {
      }
      %add3A_575 = arith.constant 1 : i32
      %add3A_576 = arith.addi %mul3A_542, %add3A_575 : i32
      %dma_wait3A_577 = arith.constant 0 : i32
      %dma_wait3A_578 = tpu.memref_slice %arg4[%add3A, %add3A_576, %dma_wait3A_577] : memref<32x80x128xi32, #tpu.memory_space<hbm>> -> memref<1x1x128xi32, #tpu.memory_space<hbm>>
      %dma_wait3A_579 = tpu.memref_squeeze %dma_wait3A_578 : memref<1x1x128xi32, #tpu.memory_space<hbm>> -> memref<128xi32, #tpu.memory_space<hbm>>
      %dma_wait3A_580 = arith.constant 0 : i32
      %dma_wait3A_581 = tpu.memref_slice %arg4[%add3A, %add3A_576, %dma_wait3A_580] : memref<32x80x128xi32, #tpu.memory_space<hbm>> -> memref<1x1x128xi32, #tpu.memory_space<hbm>>
      %dma_wait3A_582 = tpu.memref_squeeze %dma_wait3A_581 : memref<1x1x128xi32, #tpu.memory_space<hbm>> -> memref<128xi32, #tpu.memory_space<hbm>>
      tpu.wait_dma2 semaphore(%arg16 : memref<!tpu.dma_semaphore, #tpu.memory_space<semaphore_mem>>) src(%dma_wait3A_582 : memref<128xi32, #tpu.memory_space<hbm>>) dst(%arg8 : memref<128xi32, #tpu.memory_space<vmem>>)
      %add3A_583 = arith.constant 1 : i32
      %add3A_584 = arith.addi %mul3A_542, %add3A_583 : i32
      %dma_wait3A_585 = arith.constant 0 : i32
      %dma_wait3A_586 = tpu.memref_slice %arg6[%add3A_584, %dma_wait3A_585] : memref<80x128xi32, #tpu.memory_space<vmem>> -> memref<1x128xi32, #tpu.memory_space<vmem>>
      %dma_wait3A_587 = tpu.memref_squeeze %dma_wait3A_586 : memref<1x128xi32, #tpu.memory_space<vmem>> -> memref<128xi32, #tpu.memory_space<vmem>>
      %dma_wait3A_588 = arith.constant 0 : i32
      %dma_wait3A_589 = arith.constant 0 : i32
      %dma_wait3A_590 = tpu.memref_slice %arg2[%dma_wait3A_588, %dma_wait3A_589] : memref<10000x128xf32, #tpu.memory_space<hbm>> -> memref<10000x128xf32, #tpu.memory_space<hbm>>
      tpu.wait_indirect_dma semaphore(%arg14 : memref<!tpu.dma_semaphore, #tpu.memory_space<semaphore_mem>>) src(%dma_wait3A_590 : memref<10000x128xf32, #tpu.memory_space<hbm>>) dst(%arg10 : memref<128x128xf32, #tpu.memory_space<vmem>>)
      "tpu.region"() ({
        %run_scoped3A = tpu.sem_alloc : memref<!tpu.dma_semaphore, #tpu.memory_space<semaphore_mem>>
        %dma_start3A_591 = arith.constant 0 : i32
        %dma_start3A_592 = arith.constant 0 : i32
        %dma_start3A_593 = tpu.memref_slice %arg12[%dma_start3A_591, %dma_start3A_592] : memref<10112x128xf32, #tpu.memory_space<vmem_shared>> -> memref<10112x128xf32, #tpu.memory_space<vmem_shared>>
        tpu.enqueue_indirect_dma source(%arg10 : memref<128x128xf32, #tpu.memory_space<vmem>>) target(%dma_start3A_593 : memref<10112x128xf32, #tpu.memory_space<vmem_shared>>) offsets(%arg8 : memref<128xi32, #tpu.memory_space<vmem>>) semaphore(%run_scoped3A : memref<!tpu.dma_semaphore, #tpu.memory_space<semaphore_mem>>) {add = true}
        %dma_wait3A_594 = arith.constant 0 : i32
        %dma_wait3A_595 = arith.constant 0 : i32
        %dma_wait3A_596 = tpu.memref_slice %arg12[%dma_wait3A_594, %dma_wait3A_595] : memref<10112x128xf32, #tpu.memory_space<vmem_shared>> -> memref<10112x128xf32, #tpu.memory_space<vmem_shared>>
        tpu.wait_indirect_dma semaphore(%run_scoped3A : memref<!tpu.dma_semaphore, #tpu.memory_space<semaphore_mem>>) src(%arg10 : memref<128x128xf32, #tpu.memory_space<vmem>>) dst(%dma_wait3A_596 : memref<10112x128xf32, #tpu.memory_space<vmem_shared>>)
        tpu.yield
      }) : () -> ()
    }
    %scan3A_532 = arith.constant 40 : i32
    %barrier3A_533 = arith.constant 0 : index
    tpu.barrier barrier_id(%barrier3A_533)
    %lt3A = arith.constant 15 : i32
    %lt3A_534 = arith.cmpi slt, %arg1, %lt3A : i32
    %convert_element_type3A = arith.extui %lt3A_534 : i1 to i32
    %cond3A = arith.constant 0 : i32
    %cond3A_535 = arith.cmpi ne, %convert_element_type3A, %cond3A : i32
    scf.if %cond3A_535 {
      %mul3A_540 = arith.constant 632 : i32
      %mul3A_541 = arith.muli %arg1, %mul3A_540 : i32
      %mul3A_542 = arith.constant 10000 : i32
      %mul3A_543 = arith.muli %arg0, %mul3A_542 : i32
      %mul3A_544 = arith.constant 632 : i32
      %mul3A_545 = arith.muli %arg1, %mul3A_544 : i32
      %add3A_546 = arith.addi %mul3A_543, %mul3A_545 : i32
      "tpu.region"() ({
        %run_scoped3A = tpu.sem_alloc : memref<!tpu.dma_semaphore, #tpu.memory_space<semaphore_mem>>
        %dma_start3A_547 = arith.constant 0 : i32
        %dma_start3A_548 = tpu.memref_slice %arg5[%add3A_546, %dma_start3A_547] : memref<20000x128xf32, #tpu.memory_space<hbm>> -> memref<632x128xf32, #tpu.memory_space<hbm>>
        %dma_start3A_549 = arith.constant 0 : i32
        %dma_start3A_550 = tpu.memref_slice %arg12[%mul3A_541, %dma_start3A_549] : memref<10112x128xf32, #tpu.memory_space<vmem_shared>> -> memref<632x128xf32, #tpu.memory_space<vmem_shared>>
        tpu.enqueue_dma source(%dma_start3A_550 : memref<632x128xf32, #tpu.memory_space<vmem_shared>>) target(%dma_start3A_548 : memref<632x128xf32, #tpu.memory_space<hbm>>) target_semaphore(%run_scoped3A : memref<!tpu.dma_semaphore, #tpu.memory_space<semaphore_mem>>)
        %dma_wait3A = arith.constant 0 : i32
        %dma_wait3A_551 = tpu.memref_slice %arg5[%add3A_546, %dma_wait3A] : memref<20000x128xf32, #tpu.memory_space<hbm>> -> memref<632x128xf32, #tpu.memory_space<hbm>>
        %dma_wait3A_552 = arith.constant 0 : i32
        %dma_wait3A_553 = tpu.memref_slice %arg12[%mul3A_541, %dma_wait3A_552] : memref<10112x128xf32, #tpu.memory_space<vmem_shared>> -> memref<632x128xf32, #tpu.memory_space<vmem_shared>>
        tpu.wait_dma2 semaphore(%run_scoped3A : memref<!tpu.dma_semaphore, #tpu.memory_space<semaphore_mem>>) src(%dma_wait3A_553 : memref<632x128xf32, #tpu.memory_space<vmem_shared>>) dst(%dma_wait3A_551 : memref<632x128xf32, #tpu.memory_space<hbm>>)
        tpu.yield
      }) : () -> ()
    } else {
    }
    %eq3A = arith.constant 15 : i32
    %eq3A_536 = arith.cmpi eq, %arg1, %eq3A : i32
    %convert_element_type3A_537 = arith.extui %eq3A_536 : i1 to i32
    %cond3A_538 = arith.constant 0 : i32
    %cond3A_539 = arith.cmpi ne, %convert_element_type3A_537, %cond3A_538 : i32
    scf.if %cond3A_539 {
      %mul3A_540 = arith.constant 632 : i32
      %mul3A_541 = arith.muli %arg1, %mul3A_540 : i32
      %mul3A_542 = arith.constant 10000 : i32
      %mul3A_543 = arith.muli %arg0, %mul3A_542 : i32
      %mul3A_544 = arith.constant 632 : i32
      %mul3A_545 = arith.muli %arg1, %mul3A_544 : i32
      %add3A_546 = arith.addi %mul3A_543, %mul3A_545 : i32
      "tpu.region"() ({
        %run_scoped3A = tpu.sem_alloc : memref<!tpu.dma_semaphore, #tpu.memory_space<semaphore_mem>>
        %dma_start3A_547 = arith.constant 0 : i32
        %dma_start3A_548 = tpu.memref_slice %arg5[%add3A_546, %dma_start3A_547] : memref<20000x128xf32, #tpu.memory_space<hbm>> -> memref<520x128xf32, #tpu.memory_space<hbm>>
        %dma_start3A_549 = arith.constant 0 : i32
        %dma_start3A_550 = tpu.memref_slice %arg12[%mul3A_541, %dma_start3A_549] : memref<10112x128xf32, #tpu.memory_space<vmem_shared>> -> memref<520x128xf32, #tpu.memory_space<vmem_shared>>
        tpu.enqueue_dma source(%dma_start3A_550 : memref<520x128xf32, #tpu.memory_space<vmem_shared>>) target(%dma_start3A_548 : memref<520x128xf32, #tpu.memory_space<hbm>>) target_semaphore(%run_scoped3A : memref<!tpu.dma_semaphore, #tpu.memory_space<semaphore_mem>>)
        %dma_wait3A = arith.constant 0 : i32
        %dma_wait3A_551 = tpu.memref_slice %arg5[%add3A_546, %dma_wait3A] : memref<20000x128xf32, #tpu.memory_space<hbm>> -> memref<520x128xf32, #tpu.memory_space<hbm>>
        %dma_wait3A_552 = arith.constant 0 : i32
        %dma_wait3A_553 = tpu.memref_slice %arg12[%mul3A_541, %dma_wait3A_552] : memref<10112x128xf32, #tpu.memory_space<vmem_shared>> -> memref<520x128xf32, #tpu.memory_space<vmem_shared>>
        tpu.wait_dma2 semaphore(%run_scoped3A : memref<!tpu.dma_semaphore, #tpu.memory_space<semaphore_mem>>) src(%dma_wait3A_553 : memref<520x128xf32, #tpu.memory_space<vmem_shared>>) dst(%dma_wait3A_551 : memref<520x128xf32, #tpu.memory_space<hbm>>)
        tpu.yield
      }) : () -> ()
    } else {
    }
    return
  }
}

#map = affine_map<(d0, d1) -> (0, 0, 0)>
#map1 = affine_map<(d0, d1) -> (0)>
module attributes {stable_mosaic.version = 14 : i64} {
  func.func @_deg_call(%arg0: i32, %arg1: i32, %arg2: memref<32x80x128xi32, #tpu.memory_space<hbm>>, %arg3: memref<20480xf32, #tpu.memory_space<hbm>>, %arg4: memref<80x128xi32, #tpu.memory_space<vmem>>, %arg5: memref<128xf32, #tpu.memory_space<vmem>>, %arg6: memref<640xf32, #tpu.memory_space<vmem>>, %arg7: memref<10240xf32, #tpu.memory_space<vmem_shared>>) attributes {dimension_semantics = [#tpu.dimension_semantics<core_parallel>, #tpu.dimension_semantics<subcore_parallel>], iteration_bounds = array<i64: 2, 16>, scalar_prefetch = 0 : i64, scratch_operands = 4 : i64, tpu.core_type = #tpu.core_type<sc_vector_subcore>, window_params = [{transform_indices = #map}, {transform_indices = #map1}]} {
    %mul3A = arith.constant 16 : i32
    %mul3A_0 = arith.muli %arg0, %mul3A : i32
    %add3A = arith.addi %mul3A_0, %arg1 : i32
    %broadcast_in_dim3A = arith.constant 0.000000e+00 : f32
    %broadcast_in_dim3A_1 = vector.broadcast %broadcast_in_dim3A : f32 to vector<16xf32>
    %swap3A = arith.constant 0 : index
    %swap3A_2 = tpu.vector_load %arg6[%swap3A] {strides = array<i32>} : memref<640xf32, #tpu.memory_space<vmem>>, vector<16xf32>,
    %swap3A_3 = vector.shape_cast %swap3A_2 : vector<16xf32> to vector<16xf32>
    %swap3A_4 = vector.shape_cast %broadcast_in_dim3A_1 : vector<16xf32> to vector<16xf32>
    tpu.vector_store %arg6[%swap3A], %swap3A_4 {strides = array<i32>} : memref<640xf32, #tpu.memory_space<vmem>>, vector<16xf32>,
    %broadcast_in_dim3A_5 = arith.constant 0.000000e+00 : f32
    %broadcast_in_dim3A_6 = vector.broadcast %broadcast_in_dim3A_5 : f32 to vector<16xf32>
    %swap3A_7 = arith.constant 16 : index
    %swap3A_8 = tpu.vector_load %arg6[%swap3A_7] {strides = array<i32>} : memref<640xf32, #tpu.memory_space<vmem>>, vector<16xf32>,
    %swap3A_9 = vector.shape_cast %swap3A_8 : vector<16xf32> to vector<16xf32>
    %swap3A_10 = vector.shape_cast %broadcast_in_dim3A_6 : vector<16xf32> to vector<16xf32>
    tpu.vector_store %arg6[%swap3A_7], %swap3A_10 {strides = array<i32>} : memref<640xf32, #tpu.memory_space<vmem>>, vector<16xf32>,
    %broadcast_in_dim3A_11 = arith.constant 0.000000e+00 : f32
    %broadcast_in_dim3A_12 = vector.broadcast %broadcast_in_dim3A_11 : f32 to vector<16xf32>
    %swap3A_13 = arith.constant 32 : index
    %swap3A_14 = tpu.vector_load %arg6[%swap3A_13] {strides = array<i32>} : memref<640xf32, #tpu.memory_space<vmem>>, vector<16xf32>,
    %swap3A_15 = vector.shape_cast %swap3A_14 : vector<16xf32> to vector<16xf32>
    %swap3A_16 = vector.shape_cast %broadcast_in_dim3A_12 : vector<16xf32> to vector<16xf32>
    tpu.vector_store %arg6[%swap3A_13], %swap3A_16 {strides = array<i32>} : memref<640xf32, #tpu.memory_space<vmem>>, vector<16xf32>,
    %broadcast_in_dim3A_17 = arith.constant 0.000000e+00 : f32
    %broadcast_in_dim3A_18 = vector.broadcast %broadcast_in_dim3A_17 : f32 to vector<16xf32>
    %swap3A_19 = arith.constant 48 : index
    %swap3A_20 = tpu.vector_load %arg6[%swap3A_19] {strides = array<i32>} : memref<640xf32, #tpu.memory_space<vmem>>, vector<16xf32>,
    %swap3A_21 = vector.shape_cast %swap3A_20 : vector<16xf32> to vector<16xf32>
    %swap3A_22 = vector.shape_cast %broadcast_in_dim3A_18 : vector<16xf32> to vector<16xf32>
    tpu.vector_store %arg6[%swap3A_19], %swap3A_22 {strides = array<i32>} : memref<640xf32, #tpu.memory_space<vmem>>, vector<16xf32>,
    %broadcast_in_dim3A_23 = arith.constant 0.000000e+00 : f32
    %broadcast_in_dim3A_24 = vector.broadcast %broadcast_in_dim3A_23 : f32 to vector<16xf32>
    %swap3A_25 = arith.constant 64 : index
    %swap3A_26 = tpu.vector_load %arg6[%swap3A_25] {strides = array<i32>} : memref<640xf32, #tpu.memory_space<vmem>>, vector<16xf32>,
    %swap3A_27 = vector.shape_cast %swap3A_26 : vector<16xf32> to vector<16xf32>
    %swap3A_28 = vector.shape_cast %broadcast_in_dim3A_24 : vector<16xf32> to vector<16xf32>
    tpu.vector_store %arg6[%swap3A_25], %swap3A_28 {strides = array<i32>} : memref<640xf32, #tpu.memory_space<vmem>>, vector<16xf32>,
    %broadcast_in_dim3A_29 = arith.constant 0.000000e+00 : f32
    %broadcast_in_dim3A_30 = vector.broadcast %broadcast_in_dim3A_29 : f32 to vector<16xf32>
    %swap3A_31 = arith.constant 80 : index
    %swap3A_32 = tpu.vector_load %arg6[%swap3A_31] {strides = array<i32>} : memref<640xf32, #tpu.memory_space<vmem>>, vector<16xf32>,
    %swap3A_33 = vector.shape_cast %swap3A_32 : vector<16xf32> to vector<16xf32>
    %swap3A_34 = vector.shape_cast %broadcast_in_dim3A_30 : vector<16xf32> to vector<16xf32>
    tpu.vector_store %arg6[%swap3A_31], %swap3A_34 {strides = array<i32>} : memref<640xf32, #tpu.memory_space<vmem>>, vector<16xf32>,
    %broadcast_in_dim3A_35 = arith.constant 0.000000e+00 : f32
    %broadcast_in_dim3A_36 = vector.broadcast %broadcast_in_dim3A_35 : f32 to vector<16xf32>
    %swap3A_37 = arith.constant 96 : index
    %swap3A_38 = tpu.vector_load %arg6[%swap3A_37] {strides = array<i32>} : memref<640xf32, #tpu.memory_space<vmem>>, vector<16xf32>,
    %swap3A_39 = vector.shape_cast %swap3A_38 : vector<16xf32> to vector<16xf32>
    %swap3A_40 = vector.shape_cast %broadcast_in_dim3A_36 : vector<16xf32> to vector<16xf32>
    tpu.vector_store %arg6[%swap3A_37], %swap3A_40 {strides = array<i32>} : memref<640xf32, #tpu.memory_space<vmem>>, vector<16xf32>,
    %broadcast_in_dim3A_41 = arith.constant 0.000000e+00 : f32
    %broadcast_in_dim3A_42 = vector.broadcast %broadcast_in_dim3A_41 : f32 to vector<16xf32>
    %swap3A_43 = arith.constant 112 : index
    %swap3A_44 = tpu.vector_load %arg6[%swap3A_43] {strides = array<i32>} : memref<640xf32, #tpu.memory_space<vmem>>, vector<16xf32>,
    %swap3A_45 = vector.shape_cast %swap3A_44 : vector<16xf32> to vector<16xf32>
    %swap3A_46 = vector.shape_cast %broadcast_in_dim3A_42 : vector<16xf32> to vector<16xf32>
    tpu.vector_store %arg6[%swap3A_43], %swap3A_46 {strides = array<i32>} : memref<640xf32, #tpu.memory_space<vmem>>, vector<16xf32>,
    %broadcast_in_dim3A_47 = arith.constant 0.000000e+00 : f32
    %broadcast_in_dim3A_48 = vector.broadcast %broadcast_in_dim3A_47 : f32 to vector<16xf32>
    %swap3A_49 = arith.constant 128 : index
    %swap3A_50 = tpu.vector_load %arg6[%swap3A_49] {strides = array<i32>} : memref<640xf32, #tpu.memory_space<vmem>>, vector<16xf32>,
    %swap3A_51 = vector.shape_cast %swap3A_50 : vector<16xf32> to vector<16xf32>
    %swap3A_52 = vector.shape_cast %broadcast_in_dim3A_48 : vector<16xf32> to vector<16xf32>
    tpu.vector_store %arg6[%swap3A_49], %swap3A_52 {strides = array<i32>} : memref<640xf32, #tpu.memory_space<vmem>>, vector<16xf32>,
    %broadcast_in_dim3A_53 = arith.constant 0.000000e+00 : f32
    %broadcast_in_dim3A_54 = vector.broadcast %broadcast_in_dim3A_53 : f32 to vector<16xf32>
    %swap3A_55 = arith.constant 144 : index
    %swap3A_56 = tpu.vector_load %arg6[%swap3A_55] {strides = array<i32>} : memref<640xf32, #tpu.memory_space<vmem>>, vector<16xf32>,
    %swap3A_57 = vector.shape_cast %swap3A_56 : vector<16xf32> to vector<16xf32>
    %swap3A_58 = vector.shape_cast %broadcast_in_dim3A_54 : vector<16xf32> to vector<16xf32>
    tpu.vector_store %arg6[%swap3A_55], %swap3A_58 {strides = array<i32>} : memref<640xf32, #tpu.memory_space<vmem>>, vector<16xf32>,
    %broadcast_in_dim3A_59 = arith.constant 0.000000e+00 : f32
    %broadcast_in_dim3A_60 = vector.broadcast %broadcast_in_dim3A_59 : f32 to vector<16xf32>
    %swap3A_61 = arith.constant 160 : index
    %swap3A_62 = tpu.vector_load %arg6[%swap3A_61] {strides = array<i32>} : memref<640xf32, #tpu.memory_space<vmem>>, vector<16xf32>,
    %swap3A_63 = vector.shape_cast %swap3A_62 : vector<16xf32> to vector<16xf32>
    %swap3A_64 = vector.shape_cast %broadcast_in_dim3A_60 : vector<16xf32> to vector<16xf32>
    tpu.vector_store %arg6[%swap3A_61], %swap3A_64 {strides = array<i32>} : memref<640xf32, #tpu.memory_space<vmem>>, vector<16xf32>,
    %broadcast_in_dim3A_65 = arith.constant 0.000000e+00 : f32
    %broadcast_in_dim3A_66 = vector.broadcast %broadcast_in_dim3A_65 : f32 to vector<16xf32>
    %swap3A_67 = arith.constant 176 : index
    %swap3A_68 = tpu.vector_load %arg6[%swap3A_67] {strides = array<i32>} : memref<640xf32, #tpu.memory_space<vmem>>, vector<16xf32>,
    %swap3A_69 = vector.shape_cast %swap3A_68 : vector<16xf32> to vector<16xf32>
    %swap3A_70 = vector.shape_cast %broadcast_in_dim3A_66 : vector<16xf32> to vector<16xf32>
    tpu.vector_store %arg6[%swap3A_67], %swap3A_70 {strides = array<i32>} : memref<640xf32, #tpu.memory_space<vmem>>, vector<16xf32>,
    %broadcast_in_dim3A_71 = arith.constant 0.000000e+00 : f32
    %broadcast_in_dim3A_72 = vector.broadcast %broadcast_in_dim3A_71 : f32 to vector<16xf32>
    %swap3A_73 = arith.constant 192 : index
    %swap3A_74 = tpu.vector_load %arg6[%swap3A_73] {strides = array<i32>} : memref<640xf32, #tpu.memory_space<vmem>>, vector<16xf32>,
    %swap3A_75 = vector.shape_cast %swap3A_74 : vector<16xf32> to vector<16xf32>
    %swap3A_76 = vector.shape_cast %broadcast_in_dim3A_72 : vector<16xf32> to vector<16xf32>
    tpu.vector_store %arg6[%swap3A_73], %swap3A_76 {strides = array<i32>} : memref<640xf32, #tpu.memory_space<vmem>>, vector<16xf32>,
    %broadcast_in_dim3A_77 = arith.constant 0.000000e+00 : f32
    %broadcast_in_dim3A_78 = vector.broadcast %broadcast_in_dim3A_77 : f32 to vector<16xf32>
    %swap3A_79 = arith.constant 208 : index
    %swap3A_80 = tpu.vector_load %arg6[%swap3A_79] {strides = array<i32>} : memref<640xf32, #tpu.memory_space<vmem>>, vector<16xf32>,
    %swap3A_81 = vector.shape_cast %swap3A_80 : vector<16xf32> to vector<16xf32>
    %swap3A_82 = vector.shape_cast %broadcast_in_dim3A_78 : vector<16xf32> to vector<16xf32>
    tpu.vector_store %arg6[%swap3A_79], %swap3A_82 {strides = array<i32>} : memref<640xf32, #tpu.memory_space<vmem>>, vector<16xf32>,
    %broadcast_in_dim3A_83 = arith.constant 0.000000e+00 : f32
    %broadcast_in_dim3A_84 = vector.broadcast %broadcast_in_dim3A_83 : f32 to vector<16xf32>
    %swap3A_85 = arith.constant 224 : index
    %swap3A_86 = tpu.vector_load %arg6[%swap3A_85] {strides = array<i32>} : memref<640xf32, #tpu.memory_space<vmem>>, vector<16xf32>,
    %swap3A_87 = vector.shape_cast %swap3A_86 : vector<16xf32> to vector<16xf32>
    %swap3A_88 = vector.shape_cast %broadcast_in_dim3A_84 : vector<16xf32> to vector<16xf32>
    tpu.vector_store %arg6[%swap3A_85], %swap3A_88 {strides = array<i32>} : memref<640xf32, #tpu.memory_space<vmem>>, vector<16xf32>,
    %broadcast_in_dim3A_89 = arith.constant 0.000000e+00 : f32
    %broadcast_in_dim3A_90 = vector.broadcast %broadcast_in_dim3A_89 : f32 to vector<16xf32>
    %swap3A_91 = arith.constant 240 : index
    %swap3A_92 = tpu.vector_load %arg6[%swap3A_91] {strides = array<i32>} : memref<640xf32, #tpu.memory_space<vmem>>, vector<16xf32>,
    %swap3A_93 = vector.shape_cast %swap3A_92 : vector<16xf32> to vector<16xf32>
    %swap3A_94 = vector.shape_cast %broadcast_in_dim3A_90 : vector<16xf32> to vector<16xf32>
    tpu.vector_store %arg6[%swap3A_91], %swap3A_94 {strides = array<i32>} : memref<640xf32, #tpu.memory_space<vmem>>, vector<16xf32>,
    %broadcast_in_dim3A_95 = arith.constant 0.000000e+00 : f32
    %broadcast_in_dim3A_96 = vector.broadcast %broadcast_in_dim3A_95 : f32 to vector<16xf32>
    %swap3A_97 = arith.constant 256 : index
    %swap3A_98 = tpu.vector_load %arg6[%swap3A_97] {strides = array<i32>} : memref<640xf32, #tpu.memory_space<vmem>>, vector<16xf32>,
    %swap3A_99 = vector.shape_cast %swap3A_98 : vector<16xf32> to vector<16xf32>
    %swap3A_100 = vector.shape_cast %broadcast_in_dim3A_96 : vector<16xf32> to vector<16xf32>
    tpu.vector_store %arg6[%swap3A_97], %swap3A_100 {strides = array<i32>} : memref<640xf32, #tpu.memory_space<vmem>>, vector<16xf32>,
    %broadcast_in_dim3A_101 = arith.constant 0.000000e+00 : f32
    %broadcast_in_dim3A_102 = vector.broadcast %broadcast_in_dim3A_101 : f32 to vector<16xf32>
    %swap3A_103 = arith.constant 272 : index
    %swap3A_104 = tpu.vector_load %arg6[%swap3A_103] {strides = array<i32>} : memref<640xf32, #tpu.memory_space<vmem>>, vector<16xf32>,
    %swap3A_105 = vector.shape_cast %swap3A_104 : vector<16xf32> to vector<16xf32>
    %swap3A_106 = vector.shape_cast %broadcast_in_dim3A_102 : vector<16xf32> to vector<16xf32>
    tpu.vector_store %arg6[%swap3A_103], %swap3A_106 {strides = array<i32>} : memref<640xf32, #tpu.memory_space<vmem>>, vector<16xf32>,
    %broadcast_in_dim3A_107 = arith.constant 0.000000e+00 : f32
    %broadcast_in_dim3A_108 = vector.broadcast %broadcast_in_dim3A_107 : f32 to vector<16xf32>
    %swap3A_109 = arith.constant 288 : index
    %swap3A_110 = tpu.vector_load %arg6[%swap3A_109] {strides = array<i32>} : memref<640xf32, #tpu.memory_space<vmem>>, vector<16xf32>,
    %swap3A_111 = vector.shape_cast %swap3A_110 : vector<16xf32> to vector<16xf32>
    %swap3A_112 = vector.shape_cast %broadcast_in_dim3A_108 : vector<16xf32> to vector<16xf32>
    tpu.vector_store %arg6[%swap3A_109], %swap3A_112 {strides = array<i32>} : memref<640xf32, #tpu.memory_space<vmem>>, vector<16xf32>,
    %broadcast_in_dim3A_113 = arith.constant 0.000000e+00 : f32
    %broadcast_in_dim3A_114 = vector.broadcast %broadcast_in_dim3A_113 : f32 to vector<16xf32>
    %swap3A_115 = arith.constant 304 : index
    %swap3A_116 = tpu.vector_load %arg6[%swap3A_115] {strides = array<i32>} : memref<640xf32, #tpu.memory_space<vmem>>, vector<16xf32>,
    %swap3A_117 = vector.shape_cast %swap3A_116 : vector<16xf32> to vector<16xf32>
    %swap3A_118 = vector.shape_cast %broadcast_in_dim3A_114 : vector<16xf32> to vector<16xf32>
    tpu.vector_store %arg6[%swap3A_115], %swap3A_118 {strides = array<i32>} : memref<640xf32, #tpu.memory_space<vmem>>, vector<16xf32>,
    %broadcast_in_dim3A_119 = arith.constant 0.000000e+00 : f32
    %broadcast_in_dim3A_120 = vector.broadcast %broadcast_in_dim3A_119 : f32 to vector<16xf32>
    %swap3A_121 = arith.constant 320 : index
    %swap3A_122 = tpu.vector_load %arg6[%swap3A_121] {strides = array<i32>} : memref<640xf32, #tpu.memory_space<vmem>>, vector<16xf32>,
    %swap3A_123 = vector.shape_cast %swap3A_122 : vector<16xf32> to vector<16xf32>
    %swap3A_124 = vector.shape_cast %broadcast_in_dim3A_120 : vector<16xf32> to vector<16xf32>
    tpu.vector_store %arg6[%swap3A_121], %swap3A_124 {strides = array<i32>} : memref<640xf32, #tpu.memory_space<vmem>>, vector<16xf32>,
    %broadcast_in_dim3A_125 = arith.constant 0.000000e+00 : f32
    %broadcast_in_dim3A_126 = vector.broadcast %broadcast_in_dim3A_125 : f32 to vector<16xf32>
    %swap3A_127 = arith.constant 336 : index
    %swap3A_128 = tpu.vector_load %arg6[%swap3A_127] {strides = array<i32>} : memref<640xf32, #tpu.memory_space<vmem>>, vector<16xf32>,
    %swap3A_129 = vector.shape_cast %swap3A_128 : vector<16xf32> to vector<16xf32>
    %swap3A_130 = vector.shape_cast %broadcast_in_dim3A_126 : vector<16xf32> to vector<16xf32>
    tpu.vector_store %arg6[%swap3A_127], %swap3A_130 {strides = array<i32>} : memref<640xf32, #tpu.memory_space<vmem>>, vector<16xf32>,
    %broadcast_in_dim3A_131 = arith.constant 0.000000e+00 : f32
    %broadcast_in_dim3A_132 = vector.broadcast %broadcast_in_dim3A_131 : f32 to vector<16xf32>
    %swap3A_133 = arith.constant 352 : index
    %swap3A_134 = tpu.vector_load %arg6[%swap3A_133] {strides = array<i32>} : memref<640xf32, #tpu.memory_space<vmem>>, vector<16xf32>,
    %swap3A_135 = vector.shape_cast %swap3A_134 : vector<16xf32> to vector<16xf32>
    %swap3A_136 = vector.shape_cast %broadcast_in_dim3A_132 : vector<16xf32> to vector<16xf32>
    tpu.vector_store %arg6[%swap3A_133], %swap3A_136 {strides = array<i32>} : memref<640xf32, #tpu.memory_space<vmem>>, vector<16xf32>,
    %broadcast_in_dim3A_137 = arith.constant 0.000000e+00 : f32
    %broadcast_in_dim3A_138 = vector.broadcast %broadcast_in_dim3A_137 : f32 to vector<16xf32>
    %swap3A_139 = arith.constant 368 : index
    %swap3A_140 = tpu.vector_load %arg6[%swap3A_139] {strides = array<i32>} : memref<640xf32, #tpu.memory_space<vmem>>, vector<16xf32>,
    %swap3A_141 = vector.shape_cast %swap3A_140 : vector<16xf32> to vector<16xf32>
    %swap3A_142 = vector.shape_cast %broadcast_in_dim3A_138 : vector<16xf32> to vector<16xf32>
    tpu.vector_store %arg6[%swap3A_139], %swap3A_142 {strides = array<i32>} : memref<640xf32, #tpu.memory_space<vmem>>, vector<16xf32>,
    %broadcast_in_dim3A_143 = arith.constant 0.000000e+00 : f32
    %broadcast_in_dim3A_144 = vector.broadcast %broadcast_in_dim3A_143 : f32 to vector<16xf32>
    %swap3A_145 = arith.constant 384 : index
    %swap3A_146 = tpu.vector_load %arg6[%swap3A_145] {strides = array<i32>} : memref<640xf32, #tpu.memory_space<vmem>>, vector<16xf32>,
    %swap3A_147 = vector.shape_cast %swap3A_146 : vector<16xf32> to vector<16xf32>
    %swap3A_148 = vector.shape_cast %broadcast_in_dim3A_144 : vector<16xf32> to vector<16xf32>
    tpu.vector_store %arg6[%swap3A_145], %swap3A_148 {strides = array<i32>} : memref<640xf32, #tpu.memory_space<vmem>>, vector<16xf32>,
    %broadcast_in_dim3A_149 = arith.constant 0.000000e+00 : f32
    %broadcast_in_dim3A_150 = vector.broadcast %broadcast_in_dim3A_149 : f32 to vector<16xf32>
    %swap3A_151 = arith.constant 400 : index
    %swap3A_152 = tpu.vector_load %arg6[%swap3A_151] {strides = array<i32>} : memref<640xf32, #tpu.memory_space<vmem>>, vector<16xf32>,
    %swap3A_153 = vector.shape_cast %swap3A_152 : vector<16xf32> to vector<16xf32>
    %swap3A_154 = vector.shape_cast %broadcast_in_dim3A_150 : vector<16xf32> to vector<16xf32>
    tpu.vector_store %arg6[%swap3A_151], %swap3A_154 {strides = array<i32>} : memref<640xf32, #tpu.memory_space<vmem>>, vector<16xf32>,
    %broadcast_in_dim3A_155 = arith.constant 0.000000e+00 : f32
    %broadcast_in_dim3A_156 = vector.broadcast %broadcast_in_dim3A_155 : f32 to vector<16xf32>
    %swap3A_157 = arith.constant 416 : index
    %swap3A_158 = tpu.vector_load %arg6[%swap3A_157] {strides = array<i32>} : memref<640xf32, #tpu.memory_space<vmem>>, vector<16xf32>,
    %swap3A_159 = vector.shape_cast %swap3A_158 : vector<16xf32> to vector<16xf32>
    %swap3A_160 = vector.shape_cast %broadcast_in_dim3A_156 : vector<16xf32> to vector<16xf32>
    tpu.vector_store %arg6[%swap3A_157], %swap3A_160 {strides = array<i32>} : memref<640xf32, #tpu.memory_space<vmem>>, vector<16xf32>,
    %broadcast_in_dim3A_161 = arith.constant 0.000000e+00 : f32
    %broadcast_in_dim3A_162 = vector.broadcast %broadcast_in_dim3A_161 : f32 to vector<16xf32>
    %swap3A_163 = arith.constant 432 : index
    %swap3A_164 = tpu.vector_load %arg6[%swap3A_163] {strides = array<i32>} : memref<640xf32, #tpu.memory_space<vmem>>, vector<16xf32>,
    %swap3A_165 = vector.shape_cast %swap3A_164 : vector<16xf32> to vector<16xf32>
    %swap3A_166 = vector.shape_cast %broadcast_in_dim3A_162 : vector<16xf32> to vector<16xf32>
    tpu.vector_store %arg6[%swap3A_163], %swap3A_166 {strides = array<i32>} : memref<640xf32, #tpu.memory_space<vmem>>, vector<16xf32>,
    %broadcast_in_dim3A_167 = arith.constant 0.000000e+00 : f32
    %broadcast_in_dim3A_168 = vector.broadcast %broadcast_in_dim3A_167 : f32 to vector<16xf32>
    %swap3A_169 = arith.constant 448 : index
    %swap3A_170 = tpu.vector_load %arg6[%swap3A_169] {strides = array<i32>} : memref<640xf32, #tpu.memory_space<vmem>>, vector<16xf32>,
    %swap3A_171 = vector.shape_cast %swap3A_170 : vector<16xf32> to vector<16xf32>
    %swap3A_172 = vector.shape_cast %broadcast_in_dim3A_168 : vector<16xf32> to vector<16xf32>
    tpu.vector_store %arg6[%swap3A_169], %swap3A_172 {strides = array<i32>} : memref<640xf32, #tpu.memory_space<vmem>>, vector<16xf32>,
    %broadcast_in_dim3A_173 = arith.constant 0.000000e+00 : f32
    %broadcast_in_dim3A_174 = vector.broadcast %broadcast_in_dim3A_173 : f32 to vector<16xf32>
    %swap3A_175 = arith.constant 464 : index
    %swap3A_176 = tpu.vector_load %arg6[%swap3A_175] {strides = array<i32>} : memref<640xf32, #tpu.memory_space<vmem>>, vector<16xf32>,
    %swap3A_177 = vector.shape_cast %swap3A_176 : vector<16xf32> to vector<16xf32>
    %swap3A_178 = vector.shape_cast %broadcast_in_dim3A_174 : vector<16xf32> to vector<16xf32>
    tpu.vector_store %arg6[%swap3A_175], %swap3A_178 {strides = array<i32>} : memref<640xf32, #tpu.memory_space<vmem>>, vector<16xf32>,
    %broadcast_in_dim3A_179 = arith.constant 0.000000e+00 : f32
    %broadcast_in_dim3A_180 = vector.broadcast %broadcast_in_dim3A_179 : f32 to vector<16xf32>
    %swap3A_181 = arith.constant 480 : index
    %swap3A_182 = tpu.vector_load %arg6[%swap3A_181] {strides = array<i32>} : memref<640xf32, #tpu.memory_space<vmem>>, vector<16xf32>,
    %swap3A_183 = vector.shape_cast %swap3A_182 : vector<16xf32> to vector<16xf32>
    %swap3A_184 = vector.shape_cast %broadcast_in_dim3A_180 : vector<16xf32> to vector<16xf32>
    tpu.vector_store %arg6[%swap3A_181], %swap3A_184 {strides = array<i32>} : memref<640xf32, #tpu.memory_space<vmem>>, vector<16xf32>,
    %broadcast_in_dim3A_185 = arith.constant 0.000000e+00 : f32
    %broadcast_in_dim3A_186 = vector.broadcast %broadcast_in_dim3A_185 : f32 to vector<16xf32>
    %swap3A_187 = arith.constant 496 : index
    %swap3A_188 = tpu.vector_load %arg6[%swap3A_187] {strides = array<i32>} : memref<640xf32, #tpu.memory_space<vmem>>, vector<16xf32>,
    %swap3A_189 = vector.shape_cast %swap3A_188 : vector<16xf32> to vector<16xf32>
    %swap3A_190 = vector.shape_cast %broadcast_in_dim3A_186 : vector<16xf32> to vector<16xf32>
    tpu.vector_store %arg6[%swap3A_187], %swap3A_190 {strides = array<i32>} : memref<640xf32, #tpu.memory_space<vmem>>, vector<16xf32>,
    %broadcast_in_dim3A_191 = arith.constant 0.000000e+00 : f32
    %broadcast_in_dim3A_192 = vector.broadcast %broadcast_in_dim3A_191 : f32 to vector<16xf32>
    %swap3A_193 = arith.constant 512 : index
    %swap3A_194 = tpu.vector_load %arg6[%swap3A_193] {strides = array<i32>} : memref<640xf32, #tpu.memory_space<vmem>>, vector<16xf32>,
    %swap3A_195 = vector.shape_cast %swap3A_194 : vector<16xf32> to vector<16xf32>
    %swap3A_196 = vector.shape_cast %broadcast_in_dim3A_192 : vector<16xf32> to vector<16xf32>
    tpu.vector_store %arg6[%swap3A_193], %swap3A_196 {strides = array<i32>} : memref<640xf32, #tpu.memory_space<vmem>>, vector<16xf32>,
    %broadcast_in_dim3A_197 = arith.constant 0.000000e+00 : f32
    %broadcast_in_dim3A_198 = vector.broadcast %broadcast_in_dim3A_197 : f32 to vector<16xf32>
    %swap3A_199 = arith.constant 528 : index
    %swap3A_200 = tpu.vector_load %arg6[%swap3A_199] {strides = array<i32>} : memref<640xf32, #tpu.memory_space<vmem>>, vector<16xf32>,
    %swap3A_201 = vector.shape_cast %swap3A_200 : vector<16xf32> to vector<16xf32>
    %swap3A_202 = vector.shape_cast %broadcast_in_dim3A_198 : vector<16xf32> to vector<16xf32>
    tpu.vector_store %arg6[%swap3A_199], %swap3A_202 {strides = array<i32>} : memref<640xf32, #tpu.memory_space<vmem>>, vector<16xf32>,
    %broadcast_in_dim3A_203 = arith.constant 0.000000e+00 : f32
    %broadcast_in_dim3A_204 = vector.broadcast %broadcast_in_dim3A_203 : f32 to vector<16xf32>
    %swap3A_205 = arith.constant 544 : index
    %swap3A_206 = tpu.vector_load %arg6[%swap3A_205] {strides = array<i32>} : memref<640xf32, #tpu.memory_space<vmem>>, vector<16xf32>,
    %swap3A_207 = vector.shape_cast %swap3A_206 : vector<16xf32> to vector<16xf32>
    %swap3A_208 = vector.shape_cast %broadcast_in_dim3A_204 : vector<16xf32> to vector<16xf32>
    tpu.vector_store %arg6[%swap3A_205], %swap3A_208 {strides = array<i32>} : memref<640xf32, #tpu.memory_space<vmem>>, vector<16xf32>,
    %broadcast_in_dim3A_209 = arith.constant 0.000000e+00 : f32
    %broadcast_in_dim3A_210 = vector.broadcast %broadcast_in_dim3A_209 : f32 to vector<16xf32>
    %swap3A_211 = arith.constant 560 : index
    %swap3A_212 = tpu.vector_load %arg6[%swap3A_211] {strides = array<i32>} : memref<640xf32, #tpu.memory_space<vmem>>, vector<16xf32>,
    %swap3A_213 = vector.shape_cast %swap3A_212 : vector<16xf32> to vector<16xf32>
    %swap3A_214 = vector.shape_cast %broadcast_in_dim3A_210 : vector<16xf32> to vector<16xf32>
    tpu.vector_store %arg6[%swap3A_211], %swap3A_214 {strides = array<i32>} : memref<640xf32, #tpu.memory_space<vmem>>, vector<16xf32>,
    %broadcast_in_dim3A_215 = arith.constant 0.000000e+00 : f32
    %broadcast_in_dim3A_216 = vector.broadcast %broadcast_in_dim3A_215 : f32 to vector<16xf32>
    %swap3A_217 = arith.constant 576 : index
    %swap3A_218 = tpu.vector_load %arg6[%swap3A_217] {strides = array<i32>} : memref<640xf32, #tpu.memory_space<vmem>>, vector<16xf32>,
    %swap3A_219 = vector.shape_cast %swap3A_218 : vector<16xf32> to vector<16xf32>
    %swap3A_220 = vector.shape_cast %broadcast_in_dim3A_216 : vector<16xf32> to vector<16xf32>
    tpu.vector_store %arg6[%swap3A_217], %swap3A_220 {strides = array<i32>} : memref<640xf32, #tpu.memory_space<vmem>>, vector<16xf32>,
    %broadcast_in_dim3A_221 = arith.constant 0.000000e+00 : f32
    %broadcast_in_dim3A_222 = vector.broadcast %broadcast_in_dim3A_221 : f32 to vector<16xf32>
    %swap3A_223 = arith.constant 592 : index
    %swap3A_224 = tpu.vector_load %arg6[%swap3A_223] {strides = array<i32>} : memref<640xf32, #tpu.memory_space<vmem>>, vector<16xf32>,
    %swap3A_225 = vector.shape_cast %swap3A_224 : vector<16xf32> to vector<16xf32>
    %swap3A_226 = vector.shape_cast %broadcast_in_dim3A_222 : vector<16xf32> to vector<16xf32>
    tpu.vector_store %arg6[%swap3A_223], %swap3A_226 {strides = array<i32>} : memref<640xf32, #tpu.memory_space<vmem>>, vector<16xf32>,
    %broadcast_in_dim3A_227 = arith.constant 0.000000e+00 : f32
    %broadcast_in_dim3A_228 = vector.broadcast %broadcast_in_dim3A_227 : f32 to vector<16xf32>
    %swap3A_229 = arith.constant 608 : index
    %swap3A_230 = tpu.vector_load %arg6[%swap3A_229] {strides = array<i32>} : memref<640xf32, #tpu.memory_space<vmem>>, vector<16xf32>,
    %swap3A_231 = vector.shape_cast %swap3A_230 : vector<16xf32> to vector<16xf32>
    %swap3A_232 = vector.shape_cast %broadcast_in_dim3A_228 : vector<16xf32> to vector<16xf32>
    tpu.vector_store %arg6[%swap3A_229], %swap3A_232 {strides = array<i32>} : memref<640xf32, #tpu.memory_space<vmem>>, vector<16xf32>,
    %broadcast_in_dim3A_233 = arith.constant 0.000000e+00 : f32
    %broadcast_in_dim3A_234 = vector.broadcast %broadcast_in_dim3A_233 : f32 to vector<16xf32>
    %swap3A_235 = arith.constant 624 : index
    %swap3A_236 = tpu.vector_load %arg6[%swap3A_235] {strides = array<i32>} : memref<640xf32, #tpu.memory_space<vmem>>, vector<16xf32>,
    %swap3A_237 = vector.shape_cast %swap3A_236 : vector<16xf32> to vector<16xf32>
    %swap3A_238 = vector.shape_cast %broadcast_in_dim3A_234 : vector<16xf32> to vector<16xf32>
    tpu.vector_store %arg6[%swap3A_235], %swap3A_238 {strides = array<i32>} : memref<640xf32, #tpu.memory_space<vmem>>, vector<16xf32>,
    %broadcast_in_dim3A_239 = arith.constant 1.000000e+00 : f32
    %broadcast_in_dim3A_240 = vector.broadcast %broadcast_in_dim3A_239 : f32 to vector<16xf32>
    %swap3A_241 = arith.constant 0 : index
    %swap3A_242 = tpu.vector_load %arg5[%swap3A_241] {strides = array<i32>} : memref<128xf32, #tpu.memory_space<vmem>>, vector<16xf32>,
    %swap3A_243 = vector.shape_cast %swap3A_242 : vector<16xf32> to vector<16xf32>
    %swap3A_244 = vector.shape_cast %broadcast_in_dim3A_240 : vector<16xf32> to vector<16xf32>
    tpu.vector_store %arg5[%swap3A_241], %swap3A_244 {strides = array<i32>} : memref<128xf32, #tpu.memory_space<vmem>>, vector<16xf32>,
    %broadcast_in_dim3A_245 = arith.constant 1.000000e+00 : f32
    %broadcast_in_dim3A_246 = vector.broadcast %broadcast_in_dim3A_245 : f32 to vector<16xf32>
    %swap3A_247 = arith.constant 16 : index
    %swap3A_248 = tpu.vector_load %arg5[%swap3A_247] {strides = array<i32>} : memref<128xf32, #tpu.memory_space<vmem>>, vector<16xf32>,
    %swap3A_249 = vector.shape_cast %swap3A_248 : vector<16xf32> to vector<16xf32>
    %swap3A_250 = vector.shape_cast %broadcast_in_dim3A_246 : vector<16xf32> to vector<16xf32>
    tpu.vector_store %arg5[%swap3A_247], %swap3A_250 {strides = array<i32>} : memref<128xf32, #tpu.memory_space<vmem>>, vector<16xf32>,
    %broadcast_in_dim3A_251 = arith.constant 1.000000e+00 : f32
    %broadcast_in_dim3A_252 = vector.broadcast %broadcast_in_dim3A_251 : f32 to vector<16xf32>
    %swap3A_253 = arith.constant 32 : index
    %swap3A_254 = tpu.vector_load %arg5[%swap3A_253] {strides = array<i32>} : memref<128xf32, #tpu.memory_space<vmem>>, vector<16xf32>,
    %swap3A_255 = vector.shape_cast %swap3A_254 : vector<16xf32> to vector<16xf32>
    %swap3A_256 = vector.shape_cast %broadcast_in_dim3A_252 : vector<16xf32> to vector<16xf32>
    tpu.vector_store %arg5[%swap3A_253], %swap3A_256 {strides = array<i32>} : memref<128xf32, #tpu.memory_space<vmem>>, vector<16xf32>,
    %broadcast_in_dim3A_257 = arith.constant 1.000000e+00 : f32
    %broadcast_in_dim3A_258 = vector.broadcast %broadcast_in_dim3A_257 : f32 to vector<16xf32>
    %swap3A_259 = arith.constant 48 : index
    %swap3A_260 = tpu.vector_load %arg5[%swap3A_259] {strides = array<i32>} : memref<128xf32, #tpu.memory_space<vmem>>, vector<16xf32>,
    %swap3A_261 = vector.shape_cast %swap3A_260 : vector<16xf32> to vector<16xf32>
    %swap3A_262 = vector.shape_cast %broadcast_in_dim3A_258 : vector<16xf32> to vector<16xf32>
    tpu.vector_store %arg5[%swap3A_259], %swap3A_262 {strides = array<i32>} : memref<128xf32, #tpu.memory_space<vmem>>, vector<16xf32>,
    %broadcast_in_dim3A_263 = arith.constant 1.000000e+00 : f32
    %broadcast_in_dim3A_264 = vector.broadcast %broadcast_in_dim3A_263 : f32 to vector<16xf32>
    %swap3A_265 = arith.constant 64 : index
    %swap3A_266 = tpu.vector_load %arg5[%swap3A_265] {strides = array<i32>} : memref<128xf32, #tpu.memory_space<vmem>>, vector<16xf32>,
    %swap3A_267 = vector.shape_cast %swap3A_266 : vector<16xf32> to vector<16xf32>
    %swap3A_268 = vector.shape_cast %broadcast_in_dim3A_264 : vector<16xf32> to vector<16xf32>
    tpu.vector_store %arg5[%swap3A_265], %swap3A_268 {strides = array<i32>} : memref<128xf32, #tpu.memory_space<vmem>>, vector<16xf32>,
    %broadcast_in_dim3A_269 = arith.constant 1.000000e+00 : f32
    %broadcast_in_dim3A_270 = vector.broadcast %broadcast_in_dim3A_269 : f32 to vector<16xf32>
    %swap3A_271 = arith.constant 80 : index
    %swap3A_272 = tpu.vector_load %arg5[%swap3A_271] {strides = array<i32>} : memref<128xf32, #tpu.memory_space<vmem>>, vector<16xf32>,
    %swap3A_273 = vector.shape_cast %swap3A_272 : vector<16xf32> to vector<16xf32>
    %swap3A_274 = vector.shape_cast %broadcast_in_dim3A_270 : vector<16xf32> to vector<16xf32>
    tpu.vector_store %arg5[%swap3A_271], %swap3A_274 {strides = array<i32>} : memref<128xf32, #tpu.memory_space<vmem>>, vector<16xf32>,
    %broadcast_in_dim3A_275 = arith.constant 1.000000e+00 : f32
    %broadcast_in_dim3A_276 = vector.broadcast %broadcast_in_dim3A_275 : f32 to vector<16xf32>
    %swap3A_277 = arith.constant 96 : index
    %swap3A_278 = tpu.vector_load %arg5[%swap3A_277] {strides = array<i32>} : memref<128xf32, #tpu.memory_space<vmem>>, vector<16xf32>,
    %swap3A_279 = vector.shape_cast %swap3A_278 : vector<16xf32> to vector<16xf32>
    %swap3A_280 = vector.shape_cast %broadcast_in_dim3A_276 : vector<16xf32> to vector<16xf32>
    tpu.vector_store %arg5[%swap3A_277], %swap3A_280 {strides = array<i32>} : memref<128xf32, #tpu.memory_space<vmem>>, vector<16xf32>,
    %broadcast_in_dim3A_281 = arith.constant 1.000000e+00 : f32
    %broadcast_in_dim3A_282 = vector.broadcast %broadcast_in_dim3A_281 : f32 to vector<16xf32>
    %swap3A_283 = arith.constant 112 : index
    %swap3A_284 = tpu.vector_load %arg5[%swap3A_283] {strides = array<i32>} : memref<128xf32, #tpu.memory_space<vmem>>, vector<16xf32>,
    %swap3A_285 = vector.shape_cast %swap3A_284 : vector<16xf32> to vector<16xf32>
    %swap3A_286 = vector.shape_cast %broadcast_in_dim3A_282 : vector<16xf32> to vector<16xf32>
    tpu.vector_store %arg5[%swap3A_283], %swap3A_286 {strides = array<i32>} : memref<128xf32, #tpu.memory_space<vmem>>, vector<16xf32>,
    "tpu.region"() ({
      %run_scoped3A = tpu.sem_alloc : memref<!tpu.dma_semaphore, #tpu.memory_space<semaphore_mem>>
      %dma_start3A = arith.constant 0 : i32
      %dma_start3A_301 = arith.constant 0 : i32
      %dma_start3A_302 = tpu.memref_slice %arg2[%add3A, %dma_start3A, %dma_start3A_301] : memref<32x80x128xi32, #tpu.memory_space<hbm>> -> memref<1x80x128xi32, #tpu.memory_space<hbm>>
      %dma_start3A_303 = tpu.memref_squeeze %dma_start3A_302 : memref<1x80x128xi32, #tpu.memory_space<hbm>> -> memref<80x128xi32, #tpu.memory_space<hbm>>
      %dma_start3A_304 = arith.constant 0 : i32
      %dma_start3A_305 = arith.constant 0 : i32
      %dma_start3A_306 = tpu.memref_slice %arg2[%add3A, %dma_start3A_304, %dma_start3A_305] : memref<32x80x128xi32, #tpu.memory_space<hbm>> -> memref<1x80x128xi32, #tpu.memory_space<hbm>>
      %dma_start3A_307 = tpu.memref_squeeze %dma_start3A_306 : memref<1x80x128xi32, #tpu.memory_space<hbm>> -> memref<80x128xi32, #tpu.memory_space<hbm>>
      tpu.enqueue_dma source(%dma_start3A_307 : memref<80x128xi32, #tpu.memory_space<hbm>>) target(%arg4 : memref<80x128xi32, #tpu.memory_space<vmem>>) target_semaphore(%run_scoped3A : memref<!tpu.dma_semaphore, #tpu.memory_space<semaphore_mem>>)
      %dma_wait3A = arith.constant 0 : i32
      %dma_wait3A_308 = arith.constant 0 : i32
      %dma_wait3A_309 = tpu.memref_slice %arg2[%add3A, %dma_wait3A, %dma_wait3A_308] : memref<32x80x128xi32, #tpu.memory_space<hbm>> -> memref<1x80x128xi32, #tpu.memory_space<hbm>>
      %dma_wait3A_310 = tpu.memref_squeeze %dma_wait3A_309 : memref<1x80x128xi32, #tpu.memory_space<hbm>> -> memref<80x128xi32, #tpu.memory_space<hbm>>
      %dma_wait3A_311 = arith.constant 0 : i32
      %dma_wait3A_312 = arith.constant 0 : i32
      %dma_wait3A_313 = tpu.memref_slice %arg2[%add3A, %dma_wait3A_311, %dma_wait3A_312] : memref<32x80x128xi32, #tpu.memory_space<hbm>> -> memref<1x80x128xi32, #tpu.memory_space<hbm>>
      %dma_wait3A_314 = tpu.memref_squeeze %dma_wait3A_313 : memref<1x80x128xi32, #tpu.memory_space<hbm>> -> memref<80x128xi32, #tpu.memory_space<hbm>>
      tpu.wait_dma2 semaphore(%run_scoped3A : memref<!tpu.dma_semaphore, #tpu.memory_space<semaphore_mem>>) src(%dma_wait3A_314 : memref<80x128xi32, #tpu.memory_space<hbm>>) dst(%arg4 : memref<80x128xi32, #tpu.memory_space<vmem>>)
      tpu.yield
    }) : () -> ()
    %mul3A_287 = arith.constant 640 : i32
    %mul3A_288 = arith.muli %arg1, %mul3A_287 : i32
    "tpu.region"() ({
      %run_scoped3A = tpu.sem_alloc : memref<!tpu.dma_semaphore, #tpu.memory_space<semaphore_mem>>
      %dma_start3A = tpu.memref_slice %arg7[%mul3A_288] : memref<10240xf32, #tpu.memory_space<vmem_shared>> -> memref<640xf32, #tpu.memory_space<vmem_shared>>
      %dma_start3A_301 = tpu.memref_slice %arg7[%mul3A_288] : memref<10240xf32, #tpu.memory_space<vmem_shared>> -> memref<640xf32, #tpu.memory_space<vmem_shared>>
      tpu.enqueue_dma source(%arg6 : memref<640xf32, #tpu.memory_space<vmem>>) target(%dma_start3A_301 : memref<640xf32, #tpu.memory_space<vmem_shared>>) target_semaphore(%run_scoped3A : memref<!tpu.dma_semaphore, #tpu.memory_space<semaphore_mem>>)
      %dma_wait3A = tpu.memref_slice %arg7[%mul3A_288] : memref<10240xf32, #tpu.memory_space<vmem_shared>> -> memref<640xf32, #tpu.memory_space<vmem_shared>>
      %dma_wait3A_302 = tpu.memref_slice %arg7[%mul3A_288] : memref<10240xf32, #tpu.memory_space<vmem_shared>> -> memref<640xf32, #tpu.memory_space<vmem_shared>>
      tpu.wait_dma2 semaphore(%run_scoped3A : memref<!tpu.dma_semaphore, #tpu.memory_space<semaphore_mem>>) src(%arg6 : memref<640xf32, #tpu.memory_space<vmem>>) dst(%dma_wait3A_302 : memref<640xf32, #tpu.memory_space<vmem_shared>>)
      tpu.yield
    }) : () -> ()
    %barrier3A = arith.constant 0 : index
    tpu.barrier barrier_id(%barrier3A)
    %scan3A = arith.constant 0 : i32
    %scan3A_289 = arith.constant 80 : i32
    %scan3A_290 = arith.addi %scan3A, %scan3A_289 : i32
    %scan3A_291 = arith.constant 1 : i32
    scf.for %scan3A_301 = %scan3A to %scan3A_290 step %scan3A_291  : i32 {
      "tpu.region"() ({
        %run_scoped3A = tpu.sem_alloc : memref<!tpu.dma_semaphore, #tpu.memory_space<semaphore_mem>>
        %dma_start3A = arith.constant 0 : i32
        %dma_start3A_302 = tpu.memref_slice %arg4[%scan3A_301, %dma_start3A] : memref<80x128xi32, #tpu.memory_space<vmem>> -> memref<1x128xi32, #tpu.memory_space<vmem>>
        %dma_start3A_303 = tpu.memref_squeeze %dma_start3A_302 : memref<1x128xi32, #tpu.memory_space<vmem>> -> memref<128xi32, #tpu.memory_space<vmem>>
        %dma_start3A_304 = arith.constant 0 : i32
        %dma_start3A_305 = tpu.memref_slice %arg7[%dma_start3A_304] : memref<10240xf32, #tpu.memory_space<vmem_shared>> -> memref<10240xf32, #tpu.memory_space<vmem_shared>>
        tpu.enqueue_indirect_dma source(%arg5 : memref<128xf32, #tpu.memory_space<vmem>>) target(%dma_start3A_305 : memref<10240xf32, #tpu.memory_space<vmem_shared>>) offsets(%dma_start3A_303 : memref<128xi32, #tpu.memory_space<vmem>>) semaphore(%run_scoped3A : memref<!tpu.dma_semaphore, #tpu.memory_space<semaphore_mem>>) {add = true}
        %dma_wait3A = arith.constant 0 : i32
        %dma_wait3A_306 = tpu.memref_slice %arg4[%scan3A_301, %dma_wait3A] : memref<80x128xi32, #tpu.memory_space<vmem>> -> memref<1x128xi32, #tpu.memory_space<vmem>>
        %dma_wait3A_307 = tpu.memref_squeeze %dma_wait3A_306 : memref<1x128xi32, #tpu.memory_space<vmem>> -> memref<128xi32, #tpu.memory_space<vmem>>
        %dma_wait3A_308 = arith.constant 0 : i32
        %dma_wait3A_309 = tpu.memref_slice %arg7[%dma_wait3A_308] : memref<10240xf32, #tpu.memory_space<vmem_shared>> -> memref<10240xf32, #tpu.memory_space<vmem_shared>>
        tpu.wait_indirect_dma semaphore(%run_scoped3A : memref<!tpu.dma_semaphore, #tpu.memory_space<semaphore_mem>>) src(%arg5 : memref<128xf32, #tpu.memory_space<vmem>>) dst(%dma_wait3A_309 : memref<10240xf32, #tpu.memory_space<vmem_shared>>)
        tpu.yield
      }) : () -> ()
    }
    %scan3A_292 = arith.constant 80 : i32
    %barrier3A_293 = arith.constant 0 : index
    tpu.barrier barrier_id(%barrier3A_293)
    %mul3A_294 = arith.constant 640 : i32
    %mul3A_295 = arith.muli %arg1, %mul3A_294 : i32
    "tpu.region"() ({
      %run_scoped3A = tpu.sem_alloc : memref<!tpu.dma_semaphore, #tpu.memory_space<semaphore_mem>>
      %dma_start3A = tpu.memref_slice %arg7[%mul3A_295] : memref<10240xf32, #tpu.memory_space<vmem_shared>> -> memref<640xf32, #tpu.memory_space<vmem_shared>>
      %dma_start3A_301 = tpu.memref_slice %arg7[%mul3A_295] : memref<10240xf32, #tpu.memory_space<vmem_shared>> -> memref<640xf32, #tpu.memory_space<vmem_shared>>
      tpu.enqueue_dma source(%dma_start3A_301 : memref<640xf32, #tpu.memory_space<vmem_shared>>) target(%arg6 : memref<640xf32, #tpu.memory_space<vmem>>) target_semaphore(%run_scoped3A : memref<!tpu.dma_semaphore, #tpu.memory_space<semaphore_mem>>)
      %dma_wait3A = tpu.memref_slice %arg7[%mul3A_295] : memref<10240xf32, #tpu.memory_space<vmem_shared>> -> memref<640xf32, #tpu.memory_space<vmem_shared>>
      %dma_wait3A_302 = tpu.memref_slice %arg7[%mul3A_295] : memref<10240xf32, #tpu.memory_space<vmem_shared>> -> memref<640xf32, #tpu.memory_space<vmem_shared>>
      tpu.wait_dma2 semaphore(%run_scoped3A : memref<!tpu.dma_semaphore, #tpu.memory_space<semaphore_mem>>) src(%dma_wait3A_302 : memref<640xf32, #tpu.memory_space<vmem_shared>>) dst(%arg6 : memref<640xf32, #tpu.memory_space<vmem>>)
      tpu.yield
    }) : () -> ()
    %mul3A_296 = arith.constant 10240 : i32
    %mul3A_297 = arith.muli %arg0, %mul3A_296 : i32
    %mul3A_298 = arith.constant 640 : i32
    %mul3A_299 = arith.muli %arg1, %mul3A_298 : i32
    %add3A_300 = arith.addi %mul3A_297, %mul3A_299 : i32
    "tpu.region"() ({
      %run_scoped3A = tpu.sem_alloc : memref<!tpu.dma_semaphore, #tpu.memory_space<semaphore_mem>>
      %dma_start3A = tpu.memref_slice %arg3[%add3A_300] : memref<20480xf32, #tpu.memory_space<hbm>> -> memref<640xf32, #tpu.memory_space<hbm>>
      %dma_start3A_301 = tpu.memref_slice %arg3[%add3A_300] : memref<20480xf32, #tpu.memory_space<hbm>> -> memref<640xf32, #tpu.memory_space<hbm>>
      tpu.enqueue_dma source(%arg6 : memref<640xf32, #tpu.memory_space<vmem>>) target(%dma_start3A_301 : memref<640xf32, #tpu.memory_space<hbm>>) target_semaphore(%run_scoped3A : memref<!tpu.dma_semaphore, #tpu.memory_space<semaphore_mem>>)
      %dma_wait3A = tpu.memref_slice %arg3[%add3A_300] : memref<20480xf32, #tpu.memory_space<hbm>> -> memref<640xf32, #tpu.memory_space<hbm>>
      %dma_wait3A_302 = tpu.memref_slice %arg3[%add3A_300] : memref<20480xf32, #tpu.memory_space<hbm>> -> memref<640xf32, #tpu.memory_space<hbm>>
      tpu.wait_dma2 semaphore(%run_scoped3A : memref<!tpu.dma_semaphore, #tpu.memory_space<semaphore_mem>>) src(%arg6 : memref<640xf32, #tpu.memory_space<vmem>>) dst(%dma_wait3A_302 : memref<640xf32, #tpu.memory_space<hbm>>)
      tpu.yield
    }) : () -> ()
    return
  }
}

#map = affine_map<(d0, d1) -> (0, 0)>
#map1 = affine_map<(d0, d1) -> (0, 0, 0)>
module attributes {stable_mosaic.version = 14 : i64} {
  func.func @_msg_call(%arg0: i32, %arg1: i32, %arg2: memref<10000x128xf32, #tpu.memory_space<hbm>>, %arg3: memref<32x80x128xi32, #tpu.memory_space<hbm>>, %arg4: memref<32x80x128xi32, #tpu.memory_space<hbm>>, %arg5: memref<20000x128xf32, #tpu.memory_space<hbm>>, %arg6: memref<80x128xi32, #tpu.memory_space<vmem>>, %arg7: memref<128xi32, #tpu.memory_space<vmem>>, %arg8: memref<128xi32, #tpu.memory_space<vmem>>, %arg9: memref<128x128xf32, #tpu.memory_space<vmem>>, %arg10: memref<128x128xf32, #tpu.memory_space<vmem>>, %arg11: memref<8x128xf32, #tpu.memory_space<vmem>>, %arg12: memref<10112x128xf32, #tpu.memory_space<vmem_shared>>, %arg13: memref<!tpu.dma_semaphore, #tpu.memory_space<semaphore_mem>>, %arg14: memref<!tpu.dma_semaphore, #tpu.memory_space<semaphore_mem>>, %arg15: memref<!tpu.dma_semaphore, #tpu.memory_space<semaphore_mem>>, %arg16: memref<!tpu.dma_semaphore, #tpu.memory_space<semaphore_mem>>) attributes {dimension_semantics = [#tpu.dimension_semantics<core_parallel>, #tpu.dimension_semantics<subcore_parallel>], iteration_bounds = array<i64: 2, 16>, scalar_prefetch = 0 : i64, scratch_operands = 11 : i64, tpu.core_type = #tpu.core_type<sc_vector_subcore>, window_params = [{transform_indices = #map}, {transform_indices = #map1}, {transform_indices = #map1}, {transform_indices = #map}]} {
    %mul3A = arith.constant 16 : i32
    %mul3A_0 = arith.muli %arg0, %mul3A : i32
    %add3A = arith.addi %mul3A_0, %arg1 : i32
    %broadcast_in_dim3A = arith.constant 0.000000e+00 : f32
    %broadcast_in_dim3A_1 = vector.broadcast %broadcast_in_dim3A : f32 to vector<16xf32>
    %swap3A = arith.constant 0 : i32
    %swap3A_2 = arith.index_cast %swap3A : i32 to index
    %swap3A_3 = arith.constant 0 : index
    %swap3A_4 = tpu.vector_load %arg11[%swap3A_2, %swap3A_3] {strides = array<i32>} : memref<8x128xf32, #tpu.memory_space<vmem>>, vector<1x16xf32>,
    %swap3A_5 = vector.shape_cast %swap3A_4 : vector<1x16xf32> to vector<16xf32>
    %swap3A_6 = vector.shape_cast %broadcast_in_dim3A_1 : vector<16xf32> to vector<1x16xf32>
    tpu.vector_store %arg11[%swap3A_2, %swap3A_3], %swap3A_6 {strides = array<i32>} : memref<8x128xf32, #tpu.memory_space<vmem>>, vector<1x16xf32>,
    %broadcast_in_dim3A_7 = arith.constant 0.000000e+00 : f32
    %broadcast_in_dim3A_8 = vector.broadcast %broadcast_in_dim3A_7 : f32 to vector<16xf32>
    %swap3A_9 = arith.constant 0 : i32
    %swap3A_10 = arith.index_cast %swap3A_9 : i32 to index
    %swap3A_11 = arith.constant 16 : index
    %swap3A_12 = tpu.vector_load %arg11[%swap3A_10, %swap3A_11] {strides = array<i32>} : memref<8x128xf32, #tpu.memory_space<vmem>>, vector<1x16xf32>,
    %swap3A_13 = vector.shape_cast %swap3A_12 : vector<1x16xf32> to vector<16xf32>
    %swap3A_14 = vector.shape_cast %broadcast_in_dim3A_8 : vector<16xf32> to vector<1x16xf32>
    tpu.vector_store %arg11[%swap3A_10, %swap3A_11], %swap3A_14 {strides = array<i32>} : memref<8x128xf32, #tpu.memory_space<vmem>>, vector<1x16xf32>,
    %broadcast_in_dim3A_15 = arith.constant 0.000000e+00 : f32
    %broadcast_in_dim3A_16 = vector.broadcast %broadcast_in_dim3A_15 : f32 to vector<16xf32>
    %swap3A_17 = arith.constant 0 : i32
    %swap3A_18 = arith.index_cast %swap3A_17 : i32 to index
    %swap3A_19 = arith.constant 32 : index
    %swap3A_20 = tpu.vector_load %arg11[%swap3A_18, %swap3A_19] {strides = array<i32>} : memref<8x128xf32, #tpu.memory_space<vmem>>, vector<1x16xf32>,
    %swap3A_21 = vector.shape_cast %swap3A_20 : vector<1x16xf32> to vector<16xf32>
    %swap3A_22 = vector.shape_cast %broadcast_in_dim3A_16 : vector<16xf32> to vector<1x16xf32>
    tpu.vector_store %arg11[%swap3A_18, %swap3A_19], %swap3A_22 {strides = array<i32>} : memref<8x128xf32, #tpu.memory_space<vmem>>, vector<1x16xf32>,
    %broadcast_in_dim3A_23 = arith.constant 0.000000e+00 : f32
    %broadcast_in_dim3A_24 = vector.broadcast %broadcast_in_dim3A_23 : f32 to vector<16xf32>
    %swap3A_25 = arith.constant 0 : i32
    %swap3A_26 = arith.index_cast %swap3A_25 : i32 to index
    %swap3A_27 = arith.constant 48 : index
    %swap3A_28 = tpu.vector_load %arg11[%swap3A_26, %swap3A_27] {strides = array<i32>} : memref<8x128xf32, #tpu.memory_space<vmem>>, vector<1x16xf32>,
    %swap3A_29 = vector.shape_cast %swap3A_28 : vector<1x16xf32> to vector<16xf32>
    %swap3A_30 = vector.shape_cast %broadcast_in_dim3A_24 : vector<16xf32> to vector<1x16xf32>
    tpu.vector_store %arg11[%swap3A_26, %swap3A_27], %swap3A_30 {strides = array<i32>} : memref<8x128xf32, #tpu.memory_space<vmem>>, vector<1x16xf32>,
    %broadcast_in_dim3A_31 = arith.constant 0.000000e+00 : f32
    %broadcast_in_dim3A_32 = vector.broadcast %broadcast_in_dim3A_31 : f32 to vector<16xf32>
    %swap3A_33 = arith.constant 0 : i32
    %swap3A_34 = arith.index_cast %swap3A_33 : i32 to index
    %swap3A_35 = arith.constant 64 : index
    %swap3A_36 = tpu.vector_load %arg11[%swap3A_34, %swap3A_35] {strides = array<i32>} : memref<8x128xf32, #tpu.memory_space<vmem>>, vector<1x16xf32>,
    %swap3A_37 = vector.shape_cast %swap3A_36 : vector<1x16xf32> to vector<16xf32>
    %swap3A_38 = vector.shape_cast %broadcast_in_dim3A_32 : vector<16xf32> to vector<1x16xf32>
    tpu.vector_store %arg11[%swap3A_34, %swap3A_35], %swap3A_38 {strides = array<i32>} : memref<8x128xf32, #tpu.memory_space<vmem>>, vector<1x16xf32>,
    %broadcast_in_dim3A_39 = arith.constant 0.000000e+00 : f32
    %broadcast_in_dim3A_40 = vector.broadcast %broadcast_in_dim3A_39 : f32 to vector<16xf32>
    %swap3A_41 = arith.constant 0 : i32
    %swap3A_42 = arith.index_cast %swap3A_41 : i32 to index
    %swap3A_43 = arith.constant 80 : index
    %swap3A_44 = tpu.vector_load %arg11[%swap3A_42, %swap3A_43] {strides = array<i32>} : memref<8x128xf32, #tpu.memory_space<vmem>>, vector<1x16xf32>,
    %swap3A_45 = vector.shape_cast %swap3A_44 : vector<1x16xf32> to vector<16xf32>
    %swap3A_46 = vector.shape_cast %broadcast_in_dim3A_40 : vector<16xf32> to vector<1x16xf32>
    tpu.vector_store %arg11[%swap3A_42, %swap3A_43], %swap3A_46 {strides = array<i32>} : memref<8x128xf32, #tpu.memory_space<vmem>>, vector<1x16xf32>,
    %broadcast_in_dim3A_47 = arith.constant 0.000000e+00 : f32
    %broadcast_in_dim3A_48 = vector.broadcast %broadcast_in_dim3A_47 : f32 to vector<16xf32>
    %swap3A_49 = arith.constant 0 : i32
    %swap3A_50 = arith.index_cast %swap3A_49 : i32 to index
    %swap3A_51 = arith.constant 96 : index
    %swap3A_52 = tpu.vector_load %arg11[%swap3A_50, %swap3A_51] {strides = array<i32>} : memref<8x128xf32, #tpu.memory_space<vmem>>, vector<1x16xf32>,
    %swap3A_53 = vector.shape_cast %swap3A_52 : vector<1x16xf32> to vector<16xf32>
    %swap3A_54 = vector.shape_cast %broadcast_in_dim3A_48 : vector<16xf32> to vector<1x16xf32>
    tpu.vector_store %arg11[%swap3A_50, %swap3A_51], %swap3A_54 {strides = array<i32>} : memref<8x128xf32, #tpu.memory_space<vmem>>, vector<1x16xf32>,
    %broadcast_in_dim3A_55 = arith.constant 0.000000e+00 : f32
    %broadcast_in_dim3A_56 = vector.broadcast %broadcast_in_dim3A_55 : f32 to vector<16xf32>
    %swap3A_57 = arith.constant 0 : i32
    %swap3A_58 = arith.index_cast %swap3A_57 : i32 to index
    %swap3A_59 = arith.constant 112 : index
    %swap3A_60 = tpu.vector_load %arg11[%swap3A_58, %swap3A_59] {strides = array<i32>} : memref<8x128xf32, #tpu.memory_space<vmem>>, vector<1x16xf32>,
    %swap3A_61 = vector.shape_cast %swap3A_60 : vector<1x16xf32> to vector<16xf32>
    %swap3A_62 = vector.shape_cast %broadcast_in_dim3A_56 : vector<16xf32> to vector<1x16xf32>
    tpu.vector_store %arg11[%swap3A_58, %swap3A_59], %swap3A_62 {strides = array<i32>} : memref<8x128xf32, #tpu.memory_space<vmem>>, vector<1x16xf32>,
    %broadcast_in_dim3A_63 = arith.constant 0.000000e+00 : f32
    %broadcast_in_dim3A_64 = vector.broadcast %broadcast_in_dim3A_63 : f32 to vector<16xf32>
    %swap3A_65 = arith.constant 1 : i32
    %swap3A_66 = arith.index_cast %swap3A_65 : i32 to index
    %swap3A_67 = arith.constant 0 : index
    %swap3A_68 = tpu.vector_load %arg11[%swap3A_66, %swap3A_67] {strides = array<i32>} : memref<8x128xf32, #tpu.memory_space<vmem>>, vector<1x16xf32>,
    %swap3A_69 = vector.shape_cast %swap3A_68 : vector<1x16xf32> to vector<16xf32>
    %swap3A_70 = vector.shape_cast %broadcast_in_dim3A_64 : vector<16xf32> to vector<1x16xf32>
    tpu.vector_store %arg11[%swap3A_66, %swap3A_67], %swap3A_70 {strides = array<i32>} : memref<8x128xf32, #tpu.memory_space<vmem>>, vector<1x16xf32>,
    %broadcast_in_dim3A_71 = arith.constant 0.000000e+00 : f32
    %broadcast_in_dim3A_72 = vector.broadcast %broadcast_in_dim3A_71 : f32 to vector<16xf32>
    %swap3A_73 = arith.constant 1 : i32
    %swap3A_74 = arith.index_cast %swap3A_73 : i32 to index
    %swap3A_75 = arith.constant 16 : index
    %swap3A_76 = tpu.vector_load %arg11[%swap3A_74, %swap3A_75] {strides = array<i32>} : memref<8x128xf32, #tpu.memory_space<vmem>>, vector<1x16xf32>,
    %swap3A_77 = vector.shape_cast %swap3A_76 : vector<1x16xf32> to vector<16xf32>
    %swap3A_78 = vector.shape_cast %broadcast_in_dim3A_72 : vector<16xf32> to vector<1x16xf32>
    tpu.vector_store %arg11[%swap3A_74, %swap3A_75], %swap3A_78 {strides = array<i32>} : memref<8x128xf32, #tpu.memory_space<vmem>>, vector<1x16xf32>,
    %broadcast_in_dim3A_79 = arith.constant 0.000000e+00 : f32
    %broadcast_in_dim3A_80 = vector.broadcast %broadcast_in_dim3A_79 : f32 to vector<16xf32>
    %swap3A_81 = arith.constant 1 : i32
    %swap3A_82 = arith.index_cast %swap3A_81 : i32 to index
    %swap3A_83 = arith.constant 32 : index
    %swap3A_84 = tpu.vector_load %arg11[%swap3A_82, %swap3A_83] {strides = array<i32>} : memref<8x128xf32, #tpu.memory_space<vmem>>, vector<1x16xf32>,
    %swap3A_85 = vector.shape_cast %swap3A_84 : vector<1x16xf32> to vector<16xf32>
    %swap3A_86 = vector.shape_cast %broadcast_in_dim3A_80 : vector<16xf32> to vector<1x16xf32>
    tpu.vector_store %arg11[%swap3A_82, %swap3A_83], %swap3A_86 {strides = array<i32>} : memref<8x128xf32, #tpu.memory_space<vmem>>, vector<1x16xf32>,
    %broadcast_in_dim3A_87 = arith.constant 0.000000e+00 : f32
    %broadcast_in_dim3A_88 = vector.broadcast %broadcast_in_dim3A_87 : f32 to vector<16xf32>
    %swap3A_89 = arith.constant 1 : i32
    %swap3A_90 = arith.index_cast %swap3A_89 : i32 to index
    %swap3A_91 = arith.constant 48 : index
    %swap3A_92 = tpu.vector_load %arg11[%swap3A_90, %swap3A_91] {strides = array<i32>} : memref<8x128xf32, #tpu.memory_space<vmem>>, vector<1x16xf32>,
    %swap3A_93 = vector.shape_cast %swap3A_92 : vector<1x16xf32> to vector<16xf32>
    %swap3A_94 = vector.shape_cast %broadcast_in_dim3A_88 : vector<16xf32> to vector<1x16xf32>
    tpu.vector_store %arg11[%swap3A_90, %swap3A_91], %swap3A_94 {strides = array<i32>} : memref<8x128xf32, #tpu.memory_space<vmem>>, vector<1x16xf32>,
    %broadcast_in_dim3A_95 = arith.constant 0.000000e+00 : f32
    %broadcast_in_dim3A_96 = vector.broadcast %broadcast_in_dim3A_95 : f32 to vector<16xf32>
    %swap3A_97 = arith.constant 1 : i32
    %swap3A_98 = arith.index_cast %swap3A_97 : i32 to index
    %swap3A_99 = arith.constant 64 : index
    %swap3A_100 = tpu.vector_load %arg11[%swap3A_98, %swap3A_99] {strides = array<i32>} : memref<8x128xf32, #tpu.memory_space<vmem>>, vector<1x16xf32>,
    %swap3A_101 = vector.shape_cast %swap3A_100 : vector<1x16xf32> to vector<16xf32>
    %swap3A_102 = vector.shape_cast %broadcast_in_dim3A_96 : vector<16xf32> to vector<1x16xf32>
    tpu.vector_store %arg11[%swap3A_98, %swap3A_99], %swap3A_102 {strides = array<i32>} : memref<8x128xf32, #tpu.memory_space<vmem>>, vector<1x16xf32>,
    %broadcast_in_dim3A_103 = arith.constant 0.000000e+00 : f32
    %broadcast_in_dim3A_104 = vector.broadcast %broadcast_in_dim3A_103 : f32 to vector<16xf32>
    %swap3A_105 = arith.constant 1 : i32
    %swap3A_106 = arith.index_cast %swap3A_105 : i32 to index
    %swap3A_107 = arith.constant 80 : index
    %swap3A_108 = tpu.vector_load %arg11[%swap3A_106, %swap3A_107] {strides = array<i32>} : memref<8x128xf32, #tpu.memory_space<vmem>>, vector<1x16xf32>,
    %swap3A_109 = vector.shape_cast %swap3A_108 : vector<1x16xf32> to vector<16xf32>
    %swap3A_110 = vector.shape_cast %broadcast_in_dim3A_104 : vector<16xf32> to vector<1x16xf32>
    tpu.vector_store %arg11[%swap3A_106, %swap3A_107], %swap3A_110 {strides = array<i32>} : memref<8x128xf32, #tpu.memory_space<vmem>>, vector<1x16xf32>,
    %broadcast_in_dim3A_111 = arith.constant 0.000000e+00 : f32
    %broadcast_in_dim3A_112 = vector.broadcast %broadcast_in_dim3A_111 : f32 to vector<16xf32>
    %swap3A_113 = arith.constant 1 : i32
    %swap3A_114 = arith.index_cast %swap3A_113 : i32 to index
    %swap3A_115 = arith.constant 96 : index
    %swap3A_116 = tpu.vector_load %arg11[%swap3A_114, %swap3A_115] {strides = array<i32>} : memref<8x128xf32, #tpu.memory_space<vmem>>, vector<1x16xf32>,
    %swap3A_117 = vector.shape_cast %swap3A_116 : vector<1x16xf32> to vector<16xf32>
    %swap3A_118 = vector.shape_cast %broadcast_in_dim3A_112 : vector<16xf32> to vector<1x16xf32>
    tpu.vector_store %arg11[%swap3A_114, %swap3A_115], %swap3A_118 {strides = array<i32>} : memref<8x128xf32, #tpu.memory_space<vmem>>, vector<1x16xf32>,
    %broadcast_in_dim3A_119 = arith.constant 0.000000e+00 : f32
    %broadcast_in_dim3A_120 = vector.broadcast %broadcast_in_dim3A_119 : f32 to vector<16xf32>
    %swap3A_121 = arith.constant 1 : i32
    %swap3A_122 = arith.index_cast %swap3A_121 : i32 to index
    %swap3A_123 = arith.constant 112 : index
    %swap3A_124 = tpu.vector_load %arg11[%swap3A_122, %swap3A_123] {strides = array<i32>} : memref<8x128xf32, #tpu.memory_space<vmem>>, vector<1x16xf32>,
    %swap3A_125 = vector.shape_cast %swap3A_124 : vector<1x16xf32> to vector<16xf32>
    %swap3A_126 = vector.shape_cast %broadcast_in_dim3A_120 : vector<16xf32> to vector<1x16xf32>
    tpu.vector_store %arg11[%swap3A_122, %swap3A_123], %swap3A_126 {strides = array<i32>} : memref<8x128xf32, #tpu.memory_space<vmem>>, vector<1x16xf32>,
    %broadcast_in_dim3A_127 = arith.constant 0.000000e+00 : f32
    %broadcast_in_dim3A_128 = vector.broadcast %broadcast_in_dim3A_127 : f32 to vector<16xf32>
    %swap3A_129 = arith.constant 2 : i32
    %swap3A_130 = arith.index_cast %swap3A_129 : i32 to index
    %swap3A_131 = arith.constant 0 : index
    %swap3A_132 = tpu.vector_load %arg11[%swap3A_130, %swap3A_131] {strides = array<i32>} : memref<8x128xf32, #tpu.memory_space<vmem>>, vector<1x16xf32>,
    %swap3A_133 = vector.shape_cast %swap3A_132 : vector<1x16xf32> to vector<16xf32>
    %swap3A_134 = vector.shape_cast %broadcast_in_dim3A_128 : vector<16xf32> to vector<1x16xf32>
    tpu.vector_store %arg11[%swap3A_130, %swap3A_131], %swap3A_134 {strides = array<i32>} : memref<8x128xf32, #tpu.memory_space<vmem>>, vector<1x16xf32>,
    %broadcast_in_dim3A_135 = arith.constant 0.000000e+00 : f32
    %broadcast_in_dim3A_136 = vector.broadcast %broadcast_in_dim3A_135 : f32 to vector<16xf32>
    %swap3A_137 = arith.constant 2 : i32
    %swap3A_138 = arith.index_cast %swap3A_137 : i32 to index
    %swap3A_139 = arith.constant 16 : index
    %swap3A_140 = tpu.vector_load %arg11[%swap3A_138, %swap3A_139] {strides = array<i32>} : memref<8x128xf32, #tpu.memory_space<vmem>>, vector<1x16xf32>,
    %swap3A_141 = vector.shape_cast %swap3A_140 : vector<1x16xf32> to vector<16xf32>
    %swap3A_142 = vector.shape_cast %broadcast_in_dim3A_136 : vector<16xf32> to vector<1x16xf32>
    tpu.vector_store %arg11[%swap3A_138, %swap3A_139], %swap3A_142 {strides = array<i32>} : memref<8x128xf32, #tpu.memory_space<vmem>>, vector<1x16xf32>,
    %broadcast_in_dim3A_143 = arith.constant 0.000000e+00 : f32
    %broadcast_in_dim3A_144 = vector.broadcast %broadcast_in_dim3A_143 : f32 to vector<16xf32>
    %swap3A_145 = arith.constant 2 : i32
    %swap3A_146 = arith.index_cast %swap3A_145 : i32 to index
    %swap3A_147 = arith.constant 32 : index
    %swap3A_148 = tpu.vector_load %arg11[%swap3A_146, %swap3A_147] {strides = array<i32>} : memref<8x128xf32, #tpu.memory_space<vmem>>, vector<1x16xf32>,
    %swap3A_149 = vector.shape_cast %swap3A_148 : vector<1x16xf32> to vector<16xf32>
    %swap3A_150 = vector.shape_cast %broadcast_in_dim3A_144 : vector<16xf32> to vector<1x16xf32>
    tpu.vector_store %arg11[%swap3A_146, %swap3A_147], %swap3A_150 {strides = array<i32>} : memref<8x128xf32, #tpu.memory_space<vmem>>, vector<1x16xf32>,
    %broadcast_in_dim3A_151 = arith.constant 0.000000e+00 : f32
    %broadcast_in_dim3A_152 = vector.broadcast %broadcast_in_dim3A_151 : f32 to vector<16xf32>
    %swap3A_153 = arith.constant 2 : i32
    %swap3A_154 = arith.index_cast %swap3A_153 : i32 to index
    %swap3A_155 = arith.constant 48 : index
    %swap3A_156 = tpu.vector_load %arg11[%swap3A_154, %swap3A_155] {strides = array<i32>} : memref<8x128xf32, #tpu.memory_space<vmem>>, vector<1x16xf32>,
    %swap3A_157 = vector.shape_cast %swap3A_156 : vector<1x16xf32> to vector<16xf32>
    %swap3A_158 = vector.shape_cast %broadcast_in_dim3A_152 : vector<16xf32> to vector<1x16xf32>
    tpu.vector_store %arg11[%swap3A_154, %swap3A_155], %swap3A_158 {strides = array<i32>} : memref<8x128xf32, #tpu.memory_space<vmem>>, vector<1x16xf32>,
    %broadcast_in_dim3A_159 = arith.constant 0.000000e+00 : f32
    %broadcast_in_dim3A_160 = vector.broadcast %broadcast_in_dim3A_159 : f32 to vector<16xf32>
    %swap3A_161 = arith.constant 2 : i32
    %swap3A_162 = arith.index_cast %swap3A_161 : i32 to index
    %swap3A_163 = arith.constant 64 : index
    %swap3A_164 = tpu.vector_load %arg11[%swap3A_162, %swap3A_163] {strides = array<i32>} : memref<8x128xf32, #tpu.memory_space<vmem>>, vector<1x16xf32>,
    %swap3A_165 = vector.shape_cast %swap3A_164 : vector<1x16xf32> to vector<16xf32>
    %swap3A_166 = vector.shape_cast %broadcast_in_dim3A_160 : vector<16xf32> to vector<1x16xf32>
    tpu.vector_store %arg11[%swap3A_162, %swap3A_163], %swap3A_166 {strides = array<i32>} : memref<8x128xf32, #tpu.memory_space<vmem>>, vector<1x16xf32>,
    %broadcast_in_dim3A_167 = arith.constant 0.000000e+00 : f32
    %broadcast_in_dim3A_168 = vector.broadcast %broadcast_in_dim3A_167 : f32 to vector<16xf32>
    %swap3A_169 = arith.constant 2 : i32
    %swap3A_170 = arith.index_cast %swap3A_169 : i32 to index
    %swap3A_171 = arith.constant 80 : index
    %swap3A_172 = tpu.vector_load %arg11[%swap3A_170, %swap3A_171] {strides = array<i32>} : memref<8x128xf32, #tpu.memory_space<vmem>>, vector<1x16xf32>,
    %swap3A_173 = vector.shape_cast %swap3A_172 : vector<1x16xf32> to vector<16xf32>
    %swap3A_174 = vector.shape_cast %broadcast_in_dim3A_168 : vector<16xf32> to vector<1x16xf32>
    tpu.vector_store %arg11[%swap3A_170, %swap3A_171], %swap3A_174 {strides = array<i32>} : memref<8x128xf32, #tpu.memory_space<vmem>>, vector<1x16xf32>,
    %broadcast_in_dim3A_175 = arith.constant 0.000000e+00 : f32
    %broadcast_in_dim3A_176 = vector.broadcast %broadcast_in_dim3A_175 : f32 to vector<16xf32>
    %swap3A_177 = arith.constant 2 : i32
    %swap3A_178 = arith.index_cast %swap3A_177 : i32 to index
    %swap3A_179 = arith.constant 96 : index
    %swap3A_180 = tpu.vector_load %arg11[%swap3A_178, %swap3A_179] {strides = array<i32>} : memref<8x128xf32, #tpu.memory_space<vmem>>, vector<1x16xf32>,
    %swap3A_181 = vector.shape_cast %swap3A_180 : vector<1x16xf32> to vector<16xf32>
    %swap3A_182 = vector.shape_cast %broadcast_in_dim3A_176 : vector<16xf32> to vector<1x16xf32>
    tpu.vector_store %arg11[%swap3A_178, %swap3A_179], %swap3A_182 {strides = array<i32>} : memref<8x128xf32, #tpu.memory_space<vmem>>, vector<1x16xf32>,
    %broadcast_in_dim3A_183 = arith.constant 0.000000e+00 : f32
    %broadcast_in_dim3A_184 = vector.broadcast %broadcast_in_dim3A_183 : f32 to vector<16xf32>
    %swap3A_185 = arith.constant 2 : i32
    %swap3A_186 = arith.index_cast %swap3A_185 : i32 to index
    %swap3A_187 = arith.constant 112 : index
    %swap3A_188 = tpu.vector_load %arg11[%swap3A_186, %swap3A_187] {strides = array<i32>} : memref<8x128xf32, #tpu.memory_space<vmem>>, vector<1x16xf32>,
    %swap3A_189 = vector.shape_cast %swap3A_188 : vector<1x16xf32> to vector<16xf32>
    %swap3A_190 = vector.shape_cast %broadcast_in_dim3A_184 : vector<16xf32> to vector<1x16xf32>
    tpu.vector_store %arg11[%swap3A_186, %swap3A_187], %swap3A_190 {strides = array<i32>} : memref<8x128xf32, #tpu.memory_space<vmem>>, vector<1x16xf32>,
    %broadcast_in_dim3A_191 = arith.constant 0.000000e+00 : f32
    %broadcast_in_dim3A_192 = vector.broadcast %broadcast_in_dim3A_191 : f32 to vector<16xf32>
    %swap3A_193 = arith.constant 3 : i32
    %swap3A_194 = arith.index_cast %swap3A_193 : i32 to index
    %swap3A_195 = arith.constant 0 : index
    %swap3A_196 = tpu.vector_load %arg11[%swap3A_194, %swap3A_195] {strides = array<i32>} : memref<8x128xf32, #tpu.memory_space<vmem>>, vector<1x16xf32>,
    %swap3A_197 = vector.shape_cast %swap3A_196 : vector<1x16xf32> to vector<16xf32>
    %swap3A_198 = vector.shape_cast %broadcast_in_dim3A_192 : vector<16xf32> to vector<1x16xf32>
    tpu.vector_store %arg11[%swap3A_194, %swap3A_195], %swap3A_198 {strides = array<i32>} : memref<8x128xf32, #tpu.memory_space<vmem>>, vector<1x16xf32>,
    %broadcast_in_dim3A_199 = arith.constant 0.000000e+00 : f32
    %broadcast_in_dim3A_200 = vector.broadcast %broadcast_in_dim3A_199 : f32 to vector<16xf32>
    %swap3A_201 = arith.constant 3 : i32
    %swap3A_202 = arith.index_cast %swap3A_201 : i32 to index
    %swap3A_203 = arith.constant 16 : index
    %swap3A_204 = tpu.vector_load %arg11[%swap3A_202, %swap3A_203] {strides = array<i32>} : memref<8x128xf32, #tpu.memory_space<vmem>>, vector<1x16xf32>,
    %swap3A_205 = vector.shape_cast %swap3A_204 : vector<1x16xf32> to vector<16xf32>
    %swap3A_206 = vector.shape_cast %broadcast_in_dim3A_200 : vector<16xf32> to vector<1x16xf32>
    tpu.vector_store %arg11[%swap3A_202, %swap3A_203], %swap3A_206 {strides = array<i32>} : memref<8x128xf32, #tpu.memory_space<vmem>>, vector<1x16xf32>,
    %broadcast_in_dim3A_207 = arith.constant 0.000000e+00 : f32
    %broadcast_in_dim3A_208 = vector.broadcast %broadcast_in_dim3A_207 : f32 to vector<16xf32>
    %swap3A_209 = arith.constant 3 : i32
    %swap3A_210 = arith.index_cast %swap3A_209 : i32 to index
    %swap3A_211 = arith.constant 32 : index
    %swap3A_212 = tpu.vector_load %arg11[%swap3A_210, %swap3A_211] {strides = array<i32>} : memref<8x128xf32, #tpu.memory_space<vmem>>, vector<1x16xf32>,
    %swap3A_213 = vector.shape_cast %swap3A_212 : vector<1x16xf32> to vector<16xf32>
    %swap3A_214 = vector.shape_cast %broadcast_in_dim3A_208 : vector<16xf32> to vector<1x16xf32>
    tpu.vector_store %arg11[%swap3A_210, %swap3A_211], %swap3A_214 {strides = array<i32>} : memref<8x128xf32, #tpu.memory_space<vmem>>, vector<1x16xf32>,
    %broadcast_in_dim3A_215 = arith.constant 0.000000e+00 : f32
    %broadcast_in_dim3A_216 = vector.broadcast %broadcast_in_dim3A_215 : f32 to vector<16xf32>
    %swap3A_217 = arith.constant 3 : i32
    %swap3A_218 = arith.index_cast %swap3A_217 : i32 to index
    %swap3A_219 = arith.constant 48 : index
    %swap3A_220 = tpu.vector_load %arg11[%swap3A_218, %swap3A_219] {strides = array<i32>} : memref<8x128xf32, #tpu.memory_space<vmem>>, vector<1x16xf32>,
    %swap3A_221 = vector.shape_cast %swap3A_220 : vector<1x16xf32> to vector<16xf32>
    %swap3A_222 = vector.shape_cast %broadcast_in_dim3A_216 : vector<16xf32> to vector<1x16xf32>
    tpu.vector_store %arg11[%swap3A_218, %swap3A_219], %swap3A_222 {strides = array<i32>} : memref<8x128xf32, #tpu.memory_space<vmem>>, vector<1x16xf32>,
    %broadcast_in_dim3A_223 = arith.constant 0.000000e+00 : f32
    %broadcast_in_dim3A_224 = vector.broadcast %broadcast_in_dim3A_223 : f32 to vector<16xf32>
    %swap3A_225 = arith.constant 3 : i32
    %swap3A_226 = arith.index_cast %swap3A_225 : i32 to index
    %swap3A_227 = arith.constant 64 : index
    %swap3A_228 = tpu.vector_load %arg11[%swap3A_226, %swap3A_227] {strides = array<i32>} : memref<8x128xf32, #tpu.memory_space<vmem>>, vector<1x16xf32>,
    %swap3A_229 = vector.shape_cast %swap3A_228 : vector<1x16xf32> to vector<16xf32>
    %swap3A_230 = vector.shape_cast %broadcast_in_dim3A_224 : vector<16xf32> to vector<1x16xf32>
    tpu.vector_store %arg11[%swap3A_226, %swap3A_227], %swap3A_230 {strides = array<i32>} : memref<8x128xf32, #tpu.memory_space<vmem>>, vector<1x16xf32>,
    %broadcast_in_dim3A_231 = arith.constant 0.000000e+00 : f32
    %broadcast_in_dim3A_232 = vector.broadcast %broadcast_in_dim3A_231 : f32 to vector<16xf32>
    %swap3A_233 = arith.constant 3 : i32
    %swap3A_234 = arith.index_cast %swap3A_233 : i32 to index
    %swap3A_235 = arith.constant 80 : index
    %swap3A_236 = tpu.vector_load %arg11[%swap3A_234, %swap3A_235] {strides = array<i32>} : memref<8x128xf32, #tpu.memory_space<vmem>>, vector<1x16xf32>,
    %swap3A_237 = vector.shape_cast %swap3A_236 : vector<1x16xf32> to vector<16xf32>
    %swap3A_238 = vector.shape_cast %broadcast_in_dim3A_232 : vector<16xf32> to vector<1x16xf32>
    tpu.vector_store %arg11[%swap3A_234, %swap3A_235], %swap3A_238 {strides = array<i32>} : memref<8x128xf32, #tpu.memory_space<vmem>>, vector<1x16xf32>,
    %broadcast_in_dim3A_239 = arith.constant 0.000000e+00 : f32
    %broadcast_in_dim3A_240 = vector.broadcast %broadcast_in_dim3A_239 : f32 to vector<16xf32>
    %swap3A_241 = arith.constant 3 : i32
    %swap3A_242 = arith.index_cast %swap3A_241 : i32 to index
    %swap3A_243 = arith.constant 96 : index
    %swap3A_244 = tpu.vector_load %arg11[%swap3A_242, %swap3A_243] {strides = array<i32>} : memref<8x128xf32, #tpu.memory_space<vmem>>, vector<1x16xf32>,
    %swap3A_245 = vector.shape_cast %swap3A_244 : vector<1x16xf32> to vector<16xf32>
    %swap3A_246 = vector.shape_cast %broadcast_in_dim3A_240 : vector<16xf32> to vector<1x16xf32>
    tpu.vector_store %arg11[%swap3A_242, %swap3A_243], %swap3A_246 {strides = array<i32>} : memref<8x128xf32, #tpu.memory_space<vmem>>, vector<1x16xf32>,
    %broadcast_in_dim3A_247 = arith.constant 0.000000e+00 : f32
    %broadcast_in_dim3A_248 = vector.broadcast %broadcast_in_dim3A_247 : f32 to vector<16xf32>
    %swap3A_249 = arith.constant 3 : i32
    %swap3A_250 = arith.index_cast %swap3A_249 : i32 to index
    %swap3A_251 = arith.constant 112 : index
    %swap3A_252 = tpu.vector_load %arg11[%swap3A_250, %swap3A_251] {strides = array<i32>} : memref<8x128xf32, #tpu.memory_space<vmem>>, vector<1x16xf32>,
    %swap3A_253 = vector.shape_cast %swap3A_252 : vector<1x16xf32> to vector<16xf32>
    %swap3A_254 = vector.shape_cast %broadcast_in_dim3A_248 : vector<16xf32> to vector<1x16xf32>
    tpu.vector_store %arg11[%swap3A_250, %swap3A_251], %swap3A_254 {strides = array<i32>} : memref<8x128xf32, #tpu.memory_space<vmem>>, vector<1x16xf32>,
    %broadcast_in_dim3A_255 = arith.constant 0.000000e+00 : f32
    %broadcast_in_dim3A_256 = vector.broadcast %broadcast_in_dim3A_255 : f32 to vector<16xf32>
    %swap3A_257 = arith.constant 4 : i32
    %swap3A_258 = arith.index_cast %swap3A_257 : i32 to index
    %swap3A_259 = arith.constant 0 : index
    %swap3A_260 = tpu.vector_load %arg11[%swap3A_258, %swap3A_259] {strides = array<i32>} : memref<8x128xf32, #tpu.memory_space<vmem>>, vector<1x16xf32>,
    %swap3A_261 = vector.shape_cast %swap3A_260 : vector<1x16xf32> to vector<16xf32>
    %swap3A_262 = vector.shape_cast %broadcast_in_dim3A_256 : vector<16xf32> to vector<1x16xf32>
    tpu.vector_store %arg11[%swap3A_258, %swap3A_259], %swap3A_262 {strides = array<i32>} : memref<8x128xf32, #tpu.memory_space<vmem>>, vector<1x16xf32>,
    %broadcast_in_dim3A_263 = arith.constant 0.000000e+00 : f32
    %broadcast_in_dim3A_264 = vector.broadcast %broadcast_in_dim3A_263 : f32 to vector<16xf32>
    %swap3A_265 = arith.constant 4 : i32
    %swap3A_266 = arith.index_cast %swap3A_265 : i32 to index
    %swap3A_267 = arith.constant 16 : index
    %swap3A_268 = tpu.vector_load %arg11[%swap3A_266, %swap3A_267] {strides = array<i32>} : memref<8x128xf32, #tpu.memory_space<vmem>>, vector<1x16xf32>,
    %swap3A_269 = vector.shape_cast %swap3A_268 : vector<1x16xf32> to vector<16xf32>
    %swap3A_270 = vector.shape_cast %broadcast_in_dim3A_264 : vector<16xf32> to vector<1x16xf32>
    tpu.vector_store %arg11[%swap3A_266, %swap3A_267], %swap3A_270 {strides = array<i32>} : memref<8x128xf32, #tpu.memory_space<vmem>>, vector<1x16xf32>,
    %broadcast_in_dim3A_271 = arith.constant 0.000000e+00 : f32
    %broadcast_in_dim3A_272 = vector.broadcast %broadcast_in_dim3A_271 : f32 to vector<16xf32>
    %swap3A_273 = arith.constant 4 : i32
    %swap3A_274 = arith.index_cast %swap3A_273 : i32 to index
    %swap3A_275 = arith.constant 32 : index
    %swap3A_276 = tpu.vector_load %arg11[%swap3A_274, %swap3A_275] {strides = array<i32>} : memref<8x128xf32, #tpu.memory_space<vmem>>, vector<1x16xf32>,
    %swap3A_277 = vector.shape_cast %swap3A_276 : vector<1x16xf32> to vector<16xf32>
    %swap3A_278 = vector.shape_cast %broadcast_in_dim3A_272 : vector<16xf32> to vector<1x16xf32>
    tpu.vector_store %arg11[%swap3A_274, %swap3A_275], %swap3A_278 {strides = array<i32>} : memref<8x128xf32, #tpu.memory_space<vmem>>, vector<1x16xf32>,
    %broadcast_in_dim3A_279 = arith.constant 0.000000e+00 : f32
    %broadcast_in_dim3A_280 = vector.broadcast %broadcast_in_dim3A_279 : f32 to vector<16xf32>
    %swap3A_281 = arith.constant 4 : i32
    %swap3A_282 = arith.index_cast %swap3A_281 : i32 to index
    %swap3A_283 = arith.constant 48 : index
    %swap3A_284 = tpu.vector_load %arg11[%swap3A_282, %swap3A_283] {strides = array<i32>} : memref<8x128xf32, #tpu.memory_space<vmem>>, vector<1x16xf32>,
    %swap3A_285 = vector.shape_cast %swap3A_284 : vector<1x16xf32> to vector<16xf32>
    %swap3A_286 = vector.shape_cast %broadcast_in_dim3A_280 : vector<16xf32> to vector<1x16xf32>
    tpu.vector_store %arg11[%swap3A_282, %swap3A_283], %swap3A_286 {strides = array<i32>} : memref<8x128xf32, #tpu.memory_space<vmem>>, vector<1x16xf32>,
    %broadcast_in_dim3A_287 = arith.constant 0.000000e+00 : f32
    %broadcast_in_dim3A_288 = vector.broadcast %broadcast_in_dim3A_287 : f32 to vector<16xf32>
    %swap3A_289 = arith.constant 4 : i32
    %swap3A_290 = arith.index_cast %swap3A_289 : i32 to index
    %swap3A_291 = arith.constant 64 : index
    %swap3A_292 = tpu.vector_load %arg11[%swap3A_290, %swap3A_291] {strides = array<i32>} : memref<8x128xf32, #tpu.memory_space<vmem>>, vector<1x16xf32>,
    %swap3A_293 = vector.shape_cast %swap3A_292 : vector<1x16xf32> to vector<16xf32>
    %swap3A_294 = vector.shape_cast %broadcast_in_dim3A_288 : vector<16xf32> to vector<1x16xf32>
    tpu.vector_store %arg11[%swap3A_290, %swap3A_291], %swap3A_294 {strides = array<i32>} : memref<8x128xf32, #tpu.memory_space<vmem>>, vector<1x16xf32>,
    %broadcast_in_dim3A_295 = arith.constant 0.000000e+00 : f32
    %broadcast_in_dim3A_296 = vector.broadcast %broadcast_in_dim3A_295 : f32 to vector<16xf32>
    %swap3A_297 = arith.constant 4 : i32
    %swap3A_298 = arith.index_cast %swap3A_297 : i32 to index
    %swap3A_299 = arith.constant 80 : index
    %swap3A_300 = tpu.vector_load %arg11[%swap3A_298, %swap3A_299] {strides = array<i32>} : memref<8x128xf32, #tpu.memory_space<vmem>>, vector<1x16xf32>,
    %swap3A_301 = vector.shape_cast %swap3A_300 : vector<1x16xf32> to vector<16xf32>
    %swap3A_302 = vector.shape_cast %broadcast_in_dim3A_296 : vector<16xf32> to vector<1x16xf32>
    tpu.vector_store %arg11[%swap3A_298, %swap3A_299], %swap3A_302 {strides = array<i32>} : memref<8x128xf32, #tpu.memory_space<vmem>>, vector<1x16xf32>,
    %broadcast_in_dim3A_303 = arith.constant 0.000000e+00 : f32
    %broadcast_in_dim3A_304 = vector.broadcast %broadcast_in_dim3A_303 : f32 to vector<16xf32>
    %swap3A_305 = arith.constant 4 : i32
    %swap3A_306 = arith.index_cast %swap3A_305 : i32 to index
    %swap3A_307 = arith.constant 96 : index
    %swap3A_308 = tpu.vector_load %arg11[%swap3A_306, %swap3A_307] {strides = array<i32>} : memref<8x128xf32, #tpu.memory_space<vmem>>, vector<1x16xf32>,
    %swap3A_309 = vector.shape_cast %swap3A_308 : vector<1x16xf32> to vector<16xf32>
    %swap3A_310 = vector.shape_cast %broadcast_in_dim3A_304 : vector<16xf32> to vector<1x16xf32>
    tpu.vector_store %arg11[%swap3A_306, %swap3A_307], %swap3A_310 {strides = array<i32>} : memref<8x128xf32, #tpu.memory_space<vmem>>, vector<1x16xf32>,
    %broadcast_in_dim3A_311 = arith.constant 0.000000e+00 : f32
    %broadcast_in_dim3A_312 = vector.broadcast %broadcast_in_dim3A_311 : f32 to vector<16xf32>
    %swap3A_313 = arith.constant 4 : i32
    %swap3A_314 = arith.index_cast %swap3A_313 : i32 to index
    %swap3A_315 = arith.constant 112 : index
    %swap3A_316 = tpu.vector_load %arg11[%swap3A_314, %swap3A_315] {strides = array<i32>} : memref<8x128xf32, #tpu.memory_space<vmem>>, vector<1x16xf32>,
    %swap3A_317 = vector.shape_cast %swap3A_316 : vector<1x16xf32> to vector<16xf32>
    %swap3A_318 = vector.shape_cast %broadcast_in_dim3A_312 : vector<16xf32> to vector<1x16xf32>
    tpu.vector_store %arg11[%swap3A_314, %swap3A_315], %swap3A_318 {strides = array<i32>} : memref<8x128xf32, #tpu.memory_space<vmem>>, vector<1x16xf32>,
    %broadcast_in_dim3A_319 = arith.constant 0.000000e+00 : f32
    %broadcast_in_dim3A_320 = vector.broadcast %broadcast_in_dim3A_319 : f32 to vector<16xf32>
    %swap3A_321 = arith.constant 5 : i32
    %swap3A_322 = arith.index_cast %swap3A_321 : i32 to index
    %swap3A_323 = arith.constant 0 : index
    %swap3A_324 = tpu.vector_load %arg11[%swap3A_322, %swap3A_323] {strides = array<i32>} : memref<8x128xf32, #tpu.memory_space<vmem>>, vector<1x16xf32>,
    %swap3A_325 = vector.shape_cast %swap3A_324 : vector<1x16xf32> to vector<16xf32>
    %swap3A_326 = vector.shape_cast %broadcast_in_dim3A_320 : vector<16xf32> to vector<1x16xf32>
    tpu.vector_store %arg11[%swap3A_322, %swap3A_323], %swap3A_326 {strides = array<i32>} : memref<8x128xf32, #tpu.memory_space<vmem>>, vector<1x16xf32>,
    %broadcast_in_dim3A_327 = arith.constant 0.000000e+00 : f32
    %broadcast_in_dim3A_328 = vector.broadcast %broadcast_in_dim3A_327 : f32 to vector<16xf32>
    %swap3A_329 = arith.constant 5 : i32
    %swap3A_330 = arith.index_cast %swap3A_329 : i32 to index
    %swap3A_331 = arith.constant 16 : index
    %swap3A_332 = tpu.vector_load %arg11[%swap3A_330, %swap3A_331] {strides = array<i32>} : memref<8x128xf32, #tpu.memory_space<vmem>>, vector<1x16xf32>,
    %swap3A_333 = vector.shape_cast %swap3A_332 : vector<1x16xf32> to vector<16xf32>
    %swap3A_334 = vector.shape_cast %broadcast_in_dim3A_328 : vector<16xf32> to vector<1x16xf32>
    tpu.vector_store %arg11[%swap3A_330, %swap3A_331], %swap3A_334 {strides = array<i32>} : memref<8x128xf32, #tpu.memory_space<vmem>>, vector<1x16xf32>,
    %broadcast_in_dim3A_335 = arith.constant 0.000000e+00 : f32
    %broadcast_in_dim3A_336 = vector.broadcast %broadcast_in_dim3A_335 : f32 to vector<16xf32>
    %swap3A_337 = arith.constant 5 : i32
    %swap3A_338 = arith.index_cast %swap3A_337 : i32 to index
    %swap3A_339 = arith.constant 32 : index
    %swap3A_340 = tpu.vector_load %arg11[%swap3A_338, %swap3A_339] {strides = array<i32>} : memref<8x128xf32, #tpu.memory_space<vmem>>, vector<1x16xf32>,
    %swap3A_341 = vector.shape_cast %swap3A_340 : vector<1x16xf32> to vector<16xf32>
    %swap3A_342 = vector.shape_cast %broadcast_in_dim3A_336 : vector<16xf32> to vector<1x16xf32>
    tpu.vector_store %arg11[%swap3A_338, %swap3A_339], %swap3A_342 {strides = array<i32>} : memref<8x128xf32, #tpu.memory_space<vmem>>, vector<1x16xf32>,
    %broadcast_in_dim3A_343 = arith.constant 0.000000e+00 : f32
    %broadcast_in_dim3A_344 = vector.broadcast %broadcast_in_dim3A_343 : f32 to vector<16xf32>
    %swap3A_345 = arith.constant 5 : i32
    %swap3A_346 = arith.index_cast %swap3A_345 : i32 to index
    %swap3A_347 = arith.constant 48 : index
    %swap3A_348 = tpu.vector_load %arg11[%swap3A_346, %swap3A_347] {strides = array<i32>} : memref<8x128xf32, #tpu.memory_space<vmem>>, vector<1x16xf32>,
    %swap3A_349 = vector.shape_cast %swap3A_348 : vector<1x16xf32> to vector<16xf32>
    %swap3A_350 = vector.shape_cast %broadcast_in_dim3A_344 : vector<16xf32> to vector<1x16xf32>
    tpu.vector_store %arg11[%swap3A_346, %swap3A_347], %swap3A_350 {strides = array<i32>} : memref<8x128xf32, #tpu.memory_space<vmem>>, vector<1x16xf32>,
    %broadcast_in_dim3A_351 = arith.constant 0.000000e+00 : f32
    %broadcast_in_dim3A_352 = vector.broadcast %broadcast_in_dim3A_351 : f32 to vector<16xf32>
    %swap3A_353 = arith.constant 5 : i32
    %swap3A_354 = arith.index_cast %swap3A_353 : i32 to index
    %swap3A_355 = arith.constant 64 : index
    %swap3A_356 = tpu.vector_load %arg11[%swap3A_354, %swap3A_355] {strides = array<i32>} : memref<8x128xf32, #tpu.memory_space<vmem>>, vector<1x16xf32>,
    %swap3A_357 = vector.shape_cast %swap3A_356 : vector<1x16xf32> to vector<16xf32>
    %swap3A_358 = vector.shape_cast %broadcast_in_dim3A_352 : vector<16xf32> to vector<1x16xf32>
    tpu.vector_store %arg11[%swap3A_354, %swap3A_355], %swap3A_358 {strides = array<i32>} : memref<8x128xf32, #tpu.memory_space<vmem>>, vector<1x16xf32>,
    %broadcast_in_dim3A_359 = arith.constant 0.000000e+00 : f32
    %broadcast_in_dim3A_360 = vector.broadcast %broadcast_in_dim3A_359 : f32 to vector<16xf32>
    %swap3A_361 = arith.constant 5 : i32
    %swap3A_362 = arith.index_cast %swap3A_361 : i32 to index
    %swap3A_363 = arith.constant 80 : index
    %swap3A_364 = tpu.vector_load %arg11[%swap3A_362, %swap3A_363] {strides = array<i32>} : memref<8x128xf32, #tpu.memory_space<vmem>>, vector<1x16xf32>,
    %swap3A_365 = vector.shape_cast %swap3A_364 : vector<1x16xf32> to vector<16xf32>
    %swap3A_366 = vector.shape_cast %broadcast_in_dim3A_360 : vector<16xf32> to vector<1x16xf32>
    tpu.vector_store %arg11[%swap3A_362, %swap3A_363], %swap3A_366 {strides = array<i32>} : memref<8x128xf32, #tpu.memory_space<vmem>>, vector<1x16xf32>,
    %broadcast_in_dim3A_367 = arith.constant 0.000000e+00 : f32
    %broadcast_in_dim3A_368 = vector.broadcast %broadcast_in_dim3A_367 : f32 to vector<16xf32>
    %swap3A_369 = arith.constant 5 : i32
    %swap3A_370 = arith.index_cast %swap3A_369 : i32 to index
    %swap3A_371 = arith.constant 96 : index
    %swap3A_372 = tpu.vector_load %arg11[%swap3A_370, %swap3A_371] {strides = array<i32>} : memref<8x128xf32, #tpu.memory_space<vmem>>, vector<1x16xf32>,
    %swap3A_373 = vector.shape_cast %swap3A_372 : vector<1x16xf32> to vector<16xf32>
    %swap3A_374 = vector.shape_cast %broadcast_in_dim3A_368 : vector<16xf32> to vector<1x16xf32>
    tpu.vector_store %arg11[%swap3A_370, %swap3A_371], %swap3A_374 {strides = array<i32>} : memref<8x128xf32, #tpu.memory_space<vmem>>, vector<1x16xf32>,
    %broadcast_in_dim3A_375 = arith.constant 0.000000e+00 : f32
    %broadcast_in_dim3A_376 = vector.broadcast %broadcast_in_dim3A_375 : f32 to vector<16xf32>
    %swap3A_377 = arith.constant 5 : i32
    %swap3A_378 = arith.index_cast %swap3A_377 : i32 to index
    %swap3A_379 = arith.constant 112 : index
    %swap3A_380 = tpu.vector_load %arg11[%swap3A_378, %swap3A_379] {strides = array<i32>} : memref<8x128xf32, #tpu.memory_space<vmem>>, vector<1x16xf32>,
    %swap3A_381 = vector.shape_cast %swap3A_380 : vector<1x16xf32> to vector<16xf32>
    %swap3A_382 = vector.shape_cast %broadcast_in_dim3A_376 : vector<16xf32> to vector<1x16xf32>
    tpu.vector_store %arg11[%swap3A_378, %swap3A_379], %swap3A_382 {strides = array<i32>} : memref<8x128xf32, #tpu.memory_space<vmem>>, vector<1x16xf32>,
    %broadcast_in_dim3A_383 = arith.constant 0.000000e+00 : f32
    %broadcast_in_dim3A_384 = vector.broadcast %broadcast_in_dim3A_383 : f32 to vector<16xf32>
    %swap3A_385 = arith.constant 6 : i32
    %swap3A_386 = arith.index_cast %swap3A_385 : i32 to index
    %swap3A_387 = arith.constant 0 : index
    %swap3A_388 = tpu.vector_load %arg11[%swap3A_386, %swap3A_387] {strides = array<i32>} : memref<8x128xf32, #tpu.memory_space<vmem>>, vector<1x16xf32>,
    %swap3A_389 = vector.shape_cast %swap3A_388 : vector<1x16xf32> to vector<16xf32>
    %swap3A_390 = vector.shape_cast %broadcast_in_dim3A_384 : vector<16xf32> to vector<1x16xf32>
    tpu.vector_store %arg11[%swap3A_386, %swap3A_387], %swap3A_390 {strides = array<i32>} : memref<8x128xf32, #tpu.memory_space<vmem>>, vector<1x16xf32>,
    %broadcast_in_dim3A_391 = arith.constant 0.000000e+00 : f32
    %broadcast_in_dim3A_392 = vector.broadcast %broadcast_in_dim3A_391 : f32 to vector<16xf32>
    %swap3A_393 = arith.constant 6 : i32
    %swap3A_394 = arith.index_cast %swap3A_393 : i32 to index
    %swap3A_395 = arith.constant 16 : index
    %swap3A_396 = tpu.vector_load %arg11[%swap3A_394, %swap3A_395] {strides = array<i32>} : memref<8x128xf32, #tpu.memory_space<vmem>>, vector<1x16xf32>,
    %swap3A_397 = vector.shape_cast %swap3A_396 : vector<1x16xf32> to vector<16xf32>
    %swap3A_398 = vector.shape_cast %broadcast_in_dim3A_392 : vector<16xf32> to vector<1x16xf32>
    tpu.vector_store %arg11[%swap3A_394, %swap3A_395], %swap3A_398 {strides = array<i32>} : memref<8x128xf32, #tpu.memory_space<vmem>>, vector<1x16xf32>,
    %broadcast_in_dim3A_399 = arith.constant 0.000000e+00 : f32
    %broadcast_in_dim3A_400 = vector.broadcast %broadcast_in_dim3A_399 : f32 to vector<16xf32>
    %swap3A_401 = arith.constant 6 : i32
    %swap3A_402 = arith.index_cast %swap3A_401 : i32 to index
    %swap3A_403 = arith.constant 32 : index
    %swap3A_404 = tpu.vector_load %arg11[%swap3A_402, %swap3A_403] {strides = array<i32>} : memref<8x128xf32, #tpu.memory_space<vmem>>, vector<1x16xf32>,
    %swap3A_405 = vector.shape_cast %swap3A_404 : vector<1x16xf32> to vector<16xf32>
    %swap3A_406 = vector.shape_cast %broadcast_in_dim3A_400 : vector<16xf32> to vector<1x16xf32>
    tpu.vector_store %arg11[%swap3A_402, %swap3A_403], %swap3A_406 {strides = array<i32>} : memref<8x128xf32, #tpu.memory_space<vmem>>, vector<1x16xf32>,
    %broadcast_in_dim3A_407 = arith.constant 0.000000e+00 : f32
    %broadcast_in_dim3A_408 = vector.broadcast %broadcast_in_dim3A_407 : f32 to vector<16xf32>
    %swap3A_409 = arith.constant 6 : i32
    %swap3A_410 = arith.index_cast %swap3A_409 : i32 to index
    %swap3A_411 = arith.constant 48 : index
    %swap3A_412 = tpu.vector_load %arg11[%swap3A_410, %swap3A_411] {strides = array<i32>} : memref<8x128xf32, #tpu.memory_space<vmem>>, vector<1x16xf32>,
    %swap3A_413 = vector.shape_cast %swap3A_412 : vector<1x16xf32> to vector<16xf32>
    %swap3A_414 = vector.shape_cast %broadcast_in_dim3A_408 : vector<16xf32> to vector<1x16xf32>
    tpu.vector_store %arg11[%swap3A_410, %swap3A_411], %swap3A_414 {strides = array<i32>} : memref<8x128xf32, #tpu.memory_space<vmem>>, vector<1x16xf32>,
    %broadcast_in_dim3A_415 = arith.constant 0.000000e+00 : f32
    %broadcast_in_dim3A_416 = vector.broadcast %broadcast_in_dim3A_415 : f32 to vector<16xf32>
    %swap3A_417 = arith.constant 6 : i32
    %swap3A_418 = arith.index_cast %swap3A_417 : i32 to index
    %swap3A_419 = arith.constant 64 : index
    %swap3A_420 = tpu.vector_load %arg11[%swap3A_418, %swap3A_419] {strides = array<i32>} : memref<8x128xf32, #tpu.memory_space<vmem>>, vector<1x16xf32>,
    %swap3A_421 = vector.shape_cast %swap3A_420 : vector<1x16xf32> to vector<16xf32>
    %swap3A_422 = vector.shape_cast %broadcast_in_dim3A_416 : vector<16xf32> to vector<1x16xf32>
    tpu.vector_store %arg11[%swap3A_418, %swap3A_419], %swap3A_422 {strides = array<i32>} : memref<8x128xf32, #tpu.memory_space<vmem>>, vector<1x16xf32>,
    %broadcast_in_dim3A_423 = arith.constant 0.000000e+00 : f32
    %broadcast_in_dim3A_424 = vector.broadcast %broadcast_in_dim3A_423 : f32 to vector<16xf32>
    %swap3A_425 = arith.constant 6 : i32
    %swap3A_426 = arith.index_cast %swap3A_425 : i32 to index
    %swap3A_427 = arith.constant 80 : index
    %swap3A_428 = tpu.vector_load %arg11[%swap3A_426, %swap3A_427] {strides = array<i32>} : memref<8x128xf32, #tpu.memory_space<vmem>>, vector<1x16xf32>,
    %swap3A_429 = vector.shape_cast %swap3A_428 : vector<1x16xf32> to vector<16xf32>
    %swap3A_430 = vector.shape_cast %broadcast_in_dim3A_424 : vector<16xf32> to vector<1x16xf32>
    tpu.vector_store %arg11[%swap3A_426, %swap3A_427], %swap3A_430 {strides = array<i32>} : memref<8x128xf32, #tpu.memory_space<vmem>>, vector<1x16xf32>,
    %broadcast_in_dim3A_431 = arith.constant 0.000000e+00 : f32
    %broadcast_in_dim3A_432 = vector.broadcast %broadcast_in_dim3A_431 : f32 to vector<16xf32>
    %swap3A_433 = arith.constant 6 : i32
    %swap3A_434 = arith.index_cast %swap3A_433 : i32 to index
    %swap3A_435 = arith.constant 96 : index
    %swap3A_436 = tpu.vector_load %arg11[%swap3A_434, %swap3A_435] {strides = array<i32>} : memref<8x128xf32, #tpu.memory_space<vmem>>, vector<1x16xf32>,
    %swap3A_437 = vector.shape_cast %swap3A_436 : vector<1x16xf32> to vector<16xf32>
    %swap3A_438 = vector.shape_cast %broadcast_in_dim3A_432 : vector<16xf32> to vector<1x16xf32>
    tpu.vector_store %arg11[%swap3A_434, %swap3A_435], %swap3A_438 {strides = array<i32>} : memref<8x128xf32, #tpu.memory_space<vmem>>, vector<1x16xf32>,
    %broadcast_in_dim3A_439 = arith.constant 0.000000e+00 : f32
    %broadcast_in_dim3A_440 = vector.broadcast %broadcast_in_dim3A_439 : f32 to vector<16xf32>
    %swap3A_441 = arith.constant 6 : i32
    %swap3A_442 = arith.index_cast %swap3A_441 : i32 to index
    %swap3A_443 = arith.constant 112 : index
    %swap3A_444 = tpu.vector_load %arg11[%swap3A_442, %swap3A_443] {strides = array<i32>} : memref<8x128xf32, #tpu.memory_space<vmem>>, vector<1x16xf32>,
    %swap3A_445 = vector.shape_cast %swap3A_444 : vector<1x16xf32> to vector<16xf32>
    %swap3A_446 = vector.shape_cast %broadcast_in_dim3A_440 : vector<16xf32> to vector<1x16xf32>
    tpu.vector_store %arg11[%swap3A_442, %swap3A_443], %swap3A_446 {strides = array<i32>} : memref<8x128xf32, #tpu.memory_space<vmem>>, vector<1x16xf32>,
    %broadcast_in_dim3A_447 = arith.constant 0.000000e+00 : f32
    %broadcast_in_dim3A_448 = vector.broadcast %broadcast_in_dim3A_447 : f32 to vector<16xf32>
    %swap3A_449 = arith.constant 7 : i32
    %swap3A_450 = arith.index_cast %swap3A_449 : i32 to index
    %swap3A_451 = arith.constant 0 : index
    %swap3A_452 = tpu.vector_load %arg11[%swap3A_450, %swap3A_451] {strides = array<i32>} : memref<8x128xf32, #tpu.memory_space<vmem>>, vector<1x16xf32>,
    %swap3A_453 = vector.shape_cast %swap3A_452 : vector<1x16xf32> to vector<16xf32>
    %swap3A_454 = vector.shape_cast %broadcast_in_dim3A_448 : vector<16xf32> to vector<1x16xf32>
    tpu.vector_store %arg11[%swap3A_450, %swap3A_451], %swap3A_454 {strides = array<i32>} : memref<8x128xf32, #tpu.memory_space<vmem>>, vector<1x16xf32>,
    %broadcast_in_dim3A_455 = arith.constant 0.000000e+00 : f32
    %broadcast_in_dim3A_456 = vector.broadcast %broadcast_in_dim3A_455 : f32 to vector<16xf32>
    %swap3A_457 = arith.constant 7 : i32
    %swap3A_458 = arith.index_cast %swap3A_457 : i32 to index
    %swap3A_459 = arith.constant 16 : index
    %swap3A_460 = tpu.vector_load %arg11[%swap3A_458, %swap3A_459] {strides = array<i32>} : memref<8x128xf32, #tpu.memory_space<vmem>>, vector<1x16xf32>,
    %swap3A_461 = vector.shape_cast %swap3A_460 : vector<1x16xf32> to vector<16xf32>
    %swap3A_462 = vector.shape_cast %broadcast_in_dim3A_456 : vector<16xf32> to vector<1x16xf32>
    tpu.vector_store %arg11[%swap3A_458, %swap3A_459], %swap3A_462 {strides = array<i32>} : memref<8x128xf32, #tpu.memory_space<vmem>>, vector<1x16xf32>,
    %broadcast_in_dim3A_463 = arith.constant 0.000000e+00 : f32
    %broadcast_in_dim3A_464 = vector.broadcast %broadcast_in_dim3A_463 : f32 to vector<16xf32>
    %swap3A_465 = arith.constant 7 : i32
    %swap3A_466 = arith.index_cast %swap3A_465 : i32 to index
    %swap3A_467 = arith.constant 32 : index
    %swap3A_468 = tpu.vector_load %arg11[%swap3A_466, %swap3A_467] {strides = array<i32>} : memref<8x128xf32, #tpu.memory_space<vmem>>, vector<1x16xf32>,
    %swap3A_469 = vector.shape_cast %swap3A_468 : vector<1x16xf32> to vector<16xf32>
    %swap3A_470 = vector.shape_cast %broadcast_in_dim3A_464 : vector<16xf32> to vector<1x16xf32>
    tpu.vector_store %arg11[%swap3A_466, %swap3A_467], %swap3A_470 {strides = array<i32>} : memref<8x128xf32, #tpu.memory_space<vmem>>, vector<1x16xf32>,
    %broadcast_in_dim3A_471 = arith.constant 0.000000e+00 : f32
    %broadcast_in_dim3A_472 = vector.broadcast %broadcast_in_dim3A_471 : f32 to vector<16xf32>
    %swap3A_473 = arith.constant 7 : i32
    %swap3A_474 = arith.index_cast %swap3A_473 : i32 to index
    %swap3A_475 = arith.constant 48 : index
    %swap3A_476 = tpu.vector_load %arg11[%swap3A_474, %swap3A_475] {strides = array<i32>} : memref<8x128xf32, #tpu.memory_space<vmem>>, vector<1x16xf32>,
    %swap3A_477 = vector.shape_cast %swap3A_476 : vector<1x16xf32> to vector<16xf32>
    %swap3A_478 = vector.shape_cast %broadcast_in_dim3A_472 : vector<16xf32> to vector<1x16xf32>
    tpu.vector_store %arg11[%swap3A_474, %swap3A_475], %swap3A_478 {strides = array<i32>} : memref<8x128xf32, #tpu.memory_space<vmem>>, vector<1x16xf32>,
    %broadcast_in_dim3A_479 = arith.constant 0.000000e+00 : f32
    %broadcast_in_dim3A_480 = vector.broadcast %broadcast_in_dim3A_479 : f32 to vector<16xf32>
    %swap3A_481 = arith.constant 7 : i32
    %swap3A_482 = arith.index_cast %swap3A_481 : i32 to index
    %swap3A_483 = arith.constant 64 : index
    %swap3A_484 = tpu.vector_load %arg11[%swap3A_482, %swap3A_483] {strides = array<i32>} : memref<8x128xf32, #tpu.memory_space<vmem>>, vector<1x16xf32>,
    %swap3A_485 = vector.shape_cast %swap3A_484 : vector<1x16xf32> to vector<16xf32>
    %swap3A_486 = vector.shape_cast %broadcast_in_dim3A_480 : vector<16xf32> to vector<1x16xf32>
    tpu.vector_store %arg11[%swap3A_482, %swap3A_483], %swap3A_486 {strides = array<i32>} : memref<8x128xf32, #tpu.memory_space<vmem>>, vector<1x16xf32>,
    %broadcast_in_dim3A_487 = arith.constant 0.000000e+00 : f32
    %broadcast_in_dim3A_488 = vector.broadcast %broadcast_in_dim3A_487 : f32 to vector<16xf32>
    %swap3A_489 = arith.constant 7 : i32
    %swap3A_490 = arith.index_cast %swap3A_489 : i32 to index
    %swap3A_491 = arith.constant 80 : index
    %swap3A_492 = tpu.vector_load %arg11[%swap3A_490, %swap3A_491] {strides = array<i32>} : memref<8x128xf32, #tpu.memory_space<vmem>>, vector<1x16xf32>,
    %swap3A_493 = vector.shape_cast %swap3A_492 : vector<1x16xf32> to vector<16xf32>
    %swap3A_494 = vector.shape_cast %broadcast_in_dim3A_488 : vector<16xf32> to vector<1x16xf32>
    tpu.vector_store %arg11[%swap3A_490, %swap3A_491], %swap3A_494 {strides = array<i32>} : memref<8x128xf32, #tpu.memory_space<vmem>>, vector<1x16xf32>,
    %broadcast_in_dim3A_495 = arith.constant 0.000000e+00 : f32
    %broadcast_in_dim3A_496 = vector.broadcast %broadcast_in_dim3A_495 : f32 to vector<16xf32>
    %swap3A_497 = arith.constant 7 : i32
    %swap3A_498 = arith.index_cast %swap3A_497 : i32 to index
    %swap3A_499 = arith.constant 96 : index
    %swap3A_500 = tpu.vector_load %arg11[%swap3A_498, %swap3A_499] {strides = array<i32>} : memref<8x128xf32, #tpu.memory_space<vmem>>, vector<1x16xf32>,
    %swap3A_501 = vector.shape_cast %swap3A_500 : vector<1x16xf32> to vector<16xf32>
    %swap3A_502 = vector.shape_cast %broadcast_in_dim3A_496 : vector<16xf32> to vector<1x16xf32>
    tpu.vector_store %arg11[%swap3A_498, %swap3A_499], %swap3A_502 {strides = array<i32>} : memref<8x128xf32, #tpu.memory_space<vmem>>, vector<1x16xf32>,
    %broadcast_in_dim3A_503 = arith.constant 0.000000e+00 : f32
    %broadcast_in_dim3A_504 = vector.broadcast %broadcast_in_dim3A_503 : f32 to vector<16xf32>
    %swap3A_505 = arith.constant 7 : i32
    %swap3A_506 = arith.index_cast %swap3A_505 : i32 to index
    %swap3A_507 = arith.constant 112 : index
    %swap3A_508 = tpu.vector_load %arg11[%swap3A_506, %swap3A_507] {strides = array<i32>} : memref<8x128xf32, #tpu.memory_space<vmem>>, vector<1x16xf32>,
    %swap3A_509 = vector.shape_cast %swap3A_508 : vector<1x16xf32> to vector<16xf32>
    %swap3A_510 = vector.shape_cast %broadcast_in_dim3A_504 : vector<16xf32> to vector<1x16xf32>
    tpu.vector_store %arg11[%swap3A_506, %swap3A_507], %swap3A_510 {strides = array<i32>} : memref<8x128xf32, #tpu.memory_space<vmem>>, vector<1x16xf32>,
    "tpu.region"() ({
      %run_scoped3A = tpu.sem_alloc : memref<!tpu.dma_semaphore, #tpu.memory_space<semaphore_mem>>
      %dma_start3A_540 = arith.constant 0 : i32
      %dma_start3A_541 = arith.constant 0 : i32
      %dma_start3A_542 = tpu.memref_slice %arg3[%add3A, %dma_start3A_540, %dma_start3A_541] : memref<32x80x128xi32, #tpu.memory_space<hbm>> -> memref<1x80x128xi32, #tpu.memory_space<hbm>>
      %dma_start3A_543 = tpu.memref_squeeze %dma_start3A_542 : memref<1x80x128xi32, #tpu.memory_space<hbm>> -> memref<80x128xi32, #tpu.memory_space<hbm>>
      %dma_start3A_544 = arith.constant 0 : i32
      %dma_start3A_545 = arith.constant 0 : i32
      %dma_start3A_546 = tpu.memref_slice %arg3[%add3A, %dma_start3A_544, %dma_start3A_545] : memref<32x80x128xi32, #tpu.memory_space<hbm>> -> memref<1x80x128xi32, #tpu.memory_space<hbm>>
      %dma_start3A_547 = tpu.memref_squeeze %dma_start3A_546 : memref<1x80x128xi32, #tpu.memory_space<hbm>> -> memref<80x128xi32, #tpu.memory_space<hbm>>
      tpu.enqueue_dma source(%dma_start3A_547 : memref<80x128xi32, #tpu.memory_space<hbm>>) target(%arg6 : memref<80x128xi32, #tpu.memory_space<vmem>>) target_semaphore(%run_scoped3A : memref<!tpu.dma_semaphore, #tpu.memory_space<semaphore_mem>>)
      %dma_wait3A = arith.constant 0 : i32
      %dma_wait3A_548 = arith.constant 0 : i32
      %dma_wait3A_549 = tpu.memref_slice %arg3[%add3A, %dma_wait3A, %dma_wait3A_548] : memref<32x80x128xi32, #tpu.memory_space<hbm>> -> memref<1x80x128xi32, #tpu.memory_space<hbm>>
      %dma_wait3A_550 = tpu.memref_squeeze %dma_wait3A_549 : memref<1x80x128xi32, #tpu.memory_space<hbm>> -> memref<80x128xi32, #tpu.memory_space<hbm>>
      %dma_wait3A_551 = arith.constant 0 : i32
      %dma_wait3A_552 = arith.constant 0 : i32
      %dma_wait3A_553 = tpu.memref_slice %arg3[%add3A, %dma_wait3A_551, %dma_wait3A_552] : memref<32x80x128xi32, #tpu.memory_space<hbm>> -> memref<1x80x128xi32, #tpu.memory_space<hbm>>
      %dma_wait3A_554 = tpu.memref_squeeze %dma_wait3A_553 : memref<1x80x128xi32, #tpu.memory_space<hbm>> -> memref<80x128xi32, #tpu.memory_space<hbm>>
      tpu.wait_dma2 semaphore(%run_scoped3A : memref<!tpu.dma_semaphore, #tpu.memory_space<semaphore_mem>>) src(%dma_wait3A_554 : memref<80x128xi32, #tpu.memory_space<hbm>>) dst(%arg6 : memref<80x128xi32, #tpu.memory_space<vmem>>)
      tpu.yield
    }) : () -> ()
    %scan3A = arith.constant 0 : i32
    %scan3A_511 = arith.constant 79 : i32
    %scan3A_512 = arith.addi %scan3A, %scan3A_511 : i32
    %scan3A_513 = arith.constant 1 : i32
    scf.for %scan3A_540 = %scan3A to %scan3A_512 step %scan3A_513  : i32 {
      %mul3A_541 = arith.constant 632 : i32
      %mul3A_542 = arith.muli %arg1, %mul3A_541 : i32
      %mul3A_543 = arith.constant 8 : i32
      %mul3A_544 = arith.muli %scan3A_540, %mul3A_543 : i32
      %add3A_545 = arith.addi %mul3A_542, %mul3A_544 : i32
      "tpu.region"() ({
        %run_scoped3A = tpu.sem_alloc : memref<!tpu.dma_semaphore, #tpu.memory_space<semaphore_mem>>
        %dma_start3A_546 = arith.constant 0 : i32
        %dma_start3A_547 = tpu.memref_slice %arg12[%add3A_545, %dma_start3A_546] : memref<10112x128xf32, #tpu.memory_space<vmem_shared>> -> memref<8x128xf32, #tpu.memory_space<vmem_shared>>
        %dma_start3A_548 = arith.constant 0 : i32
        %dma_start3A_549 = tpu.memref_slice %arg12[%add3A_545, %dma_start3A_548] : memref<10112x128xf32, #tpu.memory_space<vmem_shared>> -> memref<8x128xf32, #tpu.memory_space<vmem_shared>>
        tpu.enqueue_dma source(%arg11 : memref<8x128xf32, #tpu.memory_space<vmem>>) target(%dma_start3A_549 : memref<8x128xf32, #tpu.memory_space<vmem_shared>>) target_semaphore(%run_scoped3A : memref<!tpu.dma_semaphore, #tpu.memory_space<semaphore_mem>>)
        %dma_wait3A = arith.constant 0 : i32
        %dma_wait3A_550 = tpu.memref_slice %arg12[%add3A_545, %dma_wait3A] : memref<10112x128xf32, #tpu.memory_space<vmem_shared>> -> memref<8x128xf32, #tpu.memory_space<vmem_shared>>
        %dma_wait3A_551 = arith.constant 0 : i32
        %dma_wait3A_552 = tpu.memref_slice %arg12[%add3A_545, %dma_wait3A_551] : memref<10112x128xf32, #tpu.memory_space<vmem_shared>> -> memref<8x128xf32, #tpu.memory_space<vmem_shared>>
        tpu.wait_dma2 semaphore(%run_scoped3A : memref<!tpu.dma_semaphore, #tpu.memory_space<semaphore_mem>>) src(%arg11 : memref<8x128xf32, #tpu.memory_space<vmem>>) dst(%dma_wait3A_552 : memref<8x128xf32, #tpu.memory_space<vmem_shared>>)
        tpu.yield
      }) : () -> ()
    }
    %scan3A_514 = arith.constant 79 : i32
    %barrier3A = arith.constant 0 : index
    tpu.barrier barrier_id(%barrier3A)
    %dma_start3A = arith.constant 0 : i32
    %dma_start3A_515 = arith.constant 0 : i32
    %dma_start3A_516 = tpu.memref_slice %arg4[%add3A, %dma_start3A, %dma_start3A_515] : memref<32x80x128xi32, #tpu.memory_space<hbm>> -> memref<1x1x128xi32, #tpu.memory_space<hbm>>
    %dma_start3A_517 = tpu.memref_squeeze %dma_start3A_516 : memref<1x1x128xi32, #tpu.memory_space<hbm>> -> memref<128xi32, #tpu.memory_space<hbm>>
    %dma_start3A_518 = arith.constant 0 : i32
    %dma_start3A_519 = tpu.memref_slice %arg4[%add3A, %dma_start3A, %dma_start3A_518] : memref<32x80x128xi32, #tpu.memory_space<hbm>> -> memref<1x1x128xi32, #tpu.memory_space<hbm>>
    %dma_start3A_520 = tpu.memref_squeeze %dma_start3A_519 : memref<1x1x128xi32, #tpu.memory_space<hbm>> -> memref<128xi32, #tpu.memory_space<hbm>>
    tpu.enqueue_dma source(%dma_start3A_520 : memref<128xi32, #tpu.memory_space<hbm>>) target(%arg7 : memref<128xi32, #tpu.memory_space<vmem>>) target_semaphore(%arg15 : memref<!tpu.dma_semaphore, #tpu.memory_space<semaphore_mem>>)
    %dma_start3A_521 = arith.constant 0 : i32
    %dma_start3A_522 = arith.constant 0 : i32
    %dma_start3A_523 = tpu.memref_slice %arg6[%dma_start3A_521, %dma_start3A_522] : memref<80x128xi32, #tpu.memory_space<vmem>> -> memref<1x128xi32, #tpu.memory_space<vmem>>
    %dma_start3A_524 = tpu.memref_squeeze %dma_start3A_523 : memref<1x128xi32, #tpu.memory_space<vmem>> -> memref<128xi32, #tpu.memory_space<vmem>>
    %dma_start3A_525 = arith.constant 0 : i32
    %dma_start3A_526 = arith.constant 0 : i32
    %dma_start3A_527 = tpu.memref_slice %arg2[%dma_start3A_525, %dma_start3A_526] : memref<10000x128xf32, #tpu.memory_space<hbm>> -> memref<10000x128xf32, #tpu.memory_space<hbm>>
    tpu.enqueue_indirect_dma source(%dma_start3A_527 : memref<10000x128xf32, #tpu.memory_space<hbm>>) target(%arg9 : memref<128x128xf32, #tpu.memory_space<vmem>>) offsets(%dma_start3A_524 : memref<128xi32, #tpu.memory_space<vmem>>) semaphore(%arg13 : memref<!tpu.dma_semaphore, #tpu.memory_space<semaphore_mem>>)
    %scan3A_528 = arith.constant 0 : i32
    %scan3A_529 = arith.constant 40 : i32
    %scan3A_530 = arith.addi %scan3A_528, %scan3A_529 : i32
    %scan3A_531 = arith.constant 1 : i32
    scf.for %scan3A_540 = %scan3A_528 to %scan3A_530 step %scan3A_531  : i32 {
      %mul3A_541 = arith.constant 2 : i32
      %mul3A_542 = arith.muli %mul3A_541, %scan3A_540 : i32
      %add3A_543 = arith.constant 1 : i32
      %add3A_544 = arith.addi %mul3A_542, %add3A_543 : i32
      %dma_start3A_545 = arith.constant 0 : i32
      %dma_start3A_546 = tpu.memref_slice %arg4[%add3A, %add3A_544, %dma_start3A_545] : memref<32x80x128xi32, #tpu.memory_space<hbm>> -> memref<1x1x128xi32, #tpu.memory_space<hbm>>
      %dma_start3A_547 = tpu.memref_squeeze %dma_start3A_546 : memref<1x1x128xi32, #tpu.memory_space<hbm>> -> memref<128xi32, #tpu.memory_space<hbm>>
      %dma_start3A_548 = arith.constant 0 : i32
      %dma_start3A_549 = tpu.memref_slice %arg4[%add3A, %add3A_544, %dma_start3A_548] : memref<32x80x128xi32, #tpu.memory_space<hbm>> -> memref<1x1x128xi32, #tpu.memory_space<hbm>>
      %dma_start3A_550 = tpu.memref_squeeze %dma_start3A_549 : memref<1x1x128xi32, #tpu.memory_space<hbm>> -> memref<128xi32, #tpu.memory_space<hbm>>
      tpu.enqueue_dma source(%dma_start3A_550 : memref<128xi32, #tpu.memory_space<hbm>>) target(%arg8 : memref<128xi32, #tpu.memory_space<vmem>>) target_semaphore(%arg16 : memref<!tpu.dma_semaphore, #tpu.memory_space<semaphore_mem>>)
      %add3A_551 = arith.constant 1 : i32
      %add3A_552 = arith.addi %mul3A_542, %add3A_551 : i32
      %dma_start3A_553 = arith.constant 0 : i32
      %dma_start3A_554 = tpu.memref_slice %arg6[%add3A_552, %dma_start3A_553] : memref<80x128xi32, #tpu.memory_space<vmem>> -> memref<1x128xi32, #tpu.memory_space<vmem>>
      %dma_start3A_555 = tpu.memref_squeeze %dma_start3A_554 : memref<1x128xi32, #tpu.memory_space<vmem>> -> memref<128xi32, #tpu.memory_space<vmem>>
      %dma_start3A_556 = arith.constant 0 : i32
      %dma_start3A_557 = arith.constant 0 : i32
      %dma_start3A_558 = tpu.memref_slice %arg2[%dma_start3A_556, %dma_start3A_557] : memref<10000x128xf32, #tpu.memory_space<hbm>> -> memref<10000x128xf32, #tpu.memory_space<hbm>>
      tpu.enqueue_indirect_dma source(%dma_start3A_558 : memref<10000x128xf32, #tpu.memory_space<hbm>>) target(%arg10 : memref<128x128xf32, #tpu.memory_space<vmem>>) offsets(%dma_start3A_555 : memref<128xi32, #tpu.memory_space<vmem>>) semaphore(%arg14 : memref<!tpu.dma_semaphore, #tpu.memory_space<semaphore_mem>>)
      %dma_wait3A = arith.constant 0 : i32
      %dma_wait3A_559 = tpu.memref_slice %arg4[%add3A, %mul3A_542, %dma_wait3A] : memref<32x80x128xi32, #tpu.memory_space<hbm>> -> memref<1x1x128xi32, #tpu.memory_space<hbm>>
      %dma_wait3A_560 = tpu.memref_squeeze %dma_wait3A_559 : memref<1x1x128xi32, #tpu.memory_space<hbm>> -> memref<128xi32, #tpu.memory_space<hbm>>
      %dma_wait3A_561 = arith.constant 0 : i32
      %dma_wait3A_562 = tpu.memref_slice %arg4[%add3A, %mul3A_542, %dma_wait3A_561] : memref<32x80x128xi32, #tpu.memory_space<hbm>> -> memref<1x1x128xi32, #tpu.memory_space<hbm>>
      %dma_wait3A_563 = tpu.memref_squeeze %dma_wait3A_562 : memref<1x1x128xi32, #tpu.memory_space<hbm>> -> memref<128xi32, #tpu.memory_space<hbm>>
      tpu.wait_dma2 semaphore(%arg15 : memref<!tpu.dma_semaphore, #tpu.memory_space<semaphore_mem>>) src(%dma_wait3A_563 : memref<128xi32, #tpu.memory_space<hbm>>) dst(%arg7 : memref<128xi32, #tpu.memory_space<vmem>>)
      %dma_wait3A_564 = arith.constant 0 : i32
      %dma_wait3A_565 = tpu.memref_slice %arg6[%mul3A_542, %dma_wait3A_564] : memref<80x128xi32, #tpu.memory_space<vmem>> -> memref<1x128xi32, #tpu.memory_space<vmem>>
      %dma_wait3A_566 = tpu.memref_squeeze %dma_wait3A_565 : memref<1x128xi32, #tpu.memory_space<vmem>> -> memref<128xi32, #tpu.memory_space<vmem>>
      %dma_wait3A_567 = arith.constant 0 : i32
      %dma_wait3A_568 = arith.constant 0 : i32
      %dma_wait3A_569 = tpu.memref_slice %arg2[%dma_wait3A_567, %dma_wait3A_568] : memref<10000x128xf32, #tpu.memory_space<hbm>> -> memref<10000x128xf32, #tpu.memory_space<hbm>>
      tpu.wait_indirect_dma semaphore(%arg13 : memref<!tpu.dma_semaphore, #tpu.memory_space<semaphore_mem>>) src(%dma_wait3A_569 : memref<10000x128xf32, #tpu.memory_space<hbm>>) dst(%arg9 : memref<128x128xf32, #tpu.memory_space<vmem>>)
      "tpu.region"() ({
        %run_scoped3A = tpu.sem_alloc : memref<!tpu.dma_semaphore, #tpu.memory_space<semaphore_mem>>
        %dma_start3A_591 = arith.constant 0 : i32
        %dma_start3A_592 = arith.constant 0 : i32
        %dma_start3A_593 = tpu.memref_slice %arg12[%dma_start3A_591, %dma_start3A_592] : memref<10112x128xf32, #tpu.memory_space<vmem_shared>> -> memref<10112x128xf32, #tpu.memory_space<vmem_shared>>
        tpu.enqueue_indirect_dma source(%arg9 : memref<128x128xf32, #tpu.memory_space<vmem>>) target(%dma_start3A_593 : memref<10112x128xf32, #tpu.memory_space<vmem_shared>>) offsets(%arg7 : memref<128xi32, #tpu.memory_space<vmem>>) semaphore(%run_scoped3A : memref<!tpu.dma_semaphore, #tpu.memory_space<semaphore_mem>>) {add = true}
        %dma_wait3A_594 = arith.constant 0 : i32
        %dma_wait3A_595 = arith.constant 0 : i32
        %dma_wait3A_596 = tpu.memref_slice %arg12[%dma_wait3A_594, %dma_wait3A_595] : memref<10112x128xf32, #tpu.memory_space<vmem_shared>> -> memref<10112x128xf32, #tpu.memory_space<vmem_shared>>
        tpu.wait_indirect_dma semaphore(%run_scoped3A : memref<!tpu.dma_semaphore, #tpu.memory_space<semaphore_mem>>) src(%arg9 : memref<128x128xf32, #tpu.memory_space<vmem>>) dst(%dma_wait3A_596 : memref<10112x128xf32, #tpu.memory_space<vmem_shared>>)
        tpu.yield
      }) : () -> ()
      %lt3A_570 = arith.constant 39 : i32
      %lt3A_571 = arith.cmpi slt, %scan3A_540, %lt3A_570 : i32
      %convert_element_type3A_572 = arith.extui %lt3A_571 : i1 to i32
      %cond3A_573 = arith.constant 0 : i32
      %cond3A_574 = arith.cmpi ne, %convert_element_type3A_572, %cond3A_573 : i32
      scf.if %cond3A_574 {
        %add3A_591 = arith.constant 2 : i32
        %add3A_592 = arith.addi %mul3A_542, %add3A_591 : i32
        %dma_start3A_593 = arith.constant 0 : i32
        %dma_start3A_594 = tpu.memref_slice %arg4[%add3A, %add3A_592, %dma_start3A_593] : memref<32x80x128xi32, #tpu.memory_space<hbm>> -> memref<1x1x128xi32, #tpu.memory_space<hbm>>
        %dma_start3A_595 = tpu.memref_squeeze %dma_start3A_594 : memref<1x1x128xi32, #tpu.memory_space<hbm>> -> memref<128xi32, #tpu.memory_space<hbm>>
        %dma_start3A_596 = arith.constant 0 : i32
        %dma_start3A_597 = tpu.memref_slice %arg4[%add3A, %add3A_592, %dma_start3A_596] : memref<32x80x128xi32, #tpu.memory_space<hbm>> -> memref<1x1x128xi32, #tpu.memory_space<hbm>>
        %dma_start3A_598 = tpu.memref_squeeze %dma_start3A_597 : memref<1x1x128xi32, #tpu.memory_space<hbm>> -> memref<128xi32, #tpu.memory_space<hbm>>
        tpu.enqueue_dma source(%dma_start3A_598 : memref<128xi32, #tpu.memory_space<hbm>>) target(%arg7 : memref<128xi32, #tpu.memory_space<vmem>>) target_semaphore(%arg15 : memref<!tpu.dma_semaphore, #tpu.memory_space<semaphore_mem>>)
        %add3A_599 = arith.constant 2 : i32
        %add3A_600 = arith.addi %mul3A_542, %add3A_599 : i32
        %dma_start3A_601 = arith.constant 0 : i32
        %dma_start3A_602 = tpu.memref_slice %arg6[%add3A_600, %dma_start3A_601] : memref<80x128xi32, #tpu.memory_space<vmem>> -> memref<1x128xi32, #tpu.memory_space<vmem>>
        %dma_start3A_603 = tpu.memref_squeeze %dma_start3A_602 : memref<1x128xi32, #tpu.memory_space<vmem>> -> memref<128xi32, #tpu.memory_space<vmem>>
        %dma_start3A_604 = arith.constant 0 : i32
        %dma_start3A_605 = arith.constant 0 : i32
        %dma_start3A_606 = tpu.memref_slice %arg2[%dma_start3A_604, %dma_start3A_605] : memref<10000x128xf32, #tpu.memory_space<hbm>> -> memref<10000x128xf32, #tpu.memory_space<hbm>>
        tpu.enqueue_indirect_dma source(%dma_start3A_606 : memref<10000x128xf32, #tpu.memory_space<hbm>>) target(%arg9 : memref<128x128xf32, #tpu.memory_space<vmem>>) offsets(%dma_start3A_603 : memref<128xi32, #tpu.memory_space<vmem>>) semaphore(%arg13 : memref<!tpu.dma_semaphore, #tpu.memory_space<semaphore_mem>>)
      } else {
      }
      %add3A_575 = arith.constant 1 : i32
      %add3A_576 = arith.addi %mul3A_542, %add3A_575 : i32
      %dma_wait3A_577 = arith.constant 0 : i32
      %dma_wait3A_578 = tpu.memref_slice %arg4[%add3A, %add3A_576, %dma_wait3A_577] : memref<32x80x128xi32, #tpu.memory_space<hbm>> -> memref<1x1x128xi32, #tpu.memory_space<hbm>>
      %dma_wait3A_579 = tpu.memref_squeeze %dma_wait3A_578 : memref<1x1x128xi32, #tpu.memory_space<hbm>> -> memref<128xi32, #tpu.memory_space<hbm>>
      %dma_wait3A_580 = arith.constant 0 : i32
      %dma_wait3A_581 = tpu.memref_slice %arg4[%add3A, %add3A_576, %dma_wait3A_580] : memref<32x80x128xi32, #tpu.memory_space<hbm>> -> memref<1x1x128xi32, #tpu.memory_space<hbm>>
      %dma_wait3A_582 = tpu.memref_squeeze %dma_wait3A_581 : memref<1x1x128xi32, #tpu.memory_space<hbm>> -> memref<128xi32, #tpu.memory_space<hbm>>
      tpu.wait_dma2 semaphore(%arg16 : memref<!tpu.dma_semaphore, #tpu.memory_space<semaphore_mem>>) src(%dma_wait3A_582 : memref<128xi32, #tpu.memory_space<hbm>>) dst(%arg8 : memref<128xi32, #tpu.memory_space<vmem>>)
      %add3A_583 = arith.constant 1 : i32
      %add3A_584 = arith.addi %mul3A_542, %add3A_583 : i32
      %dma_wait3A_585 = arith.constant 0 : i32
      %dma_wait3A_586 = tpu.memref_slice %arg6[%add3A_584, %dma_wait3A_585] : memref<80x128xi32, #tpu.memory_space<vmem>> -> memref<1x128xi32, #tpu.memory_space<vmem>>
      %dma_wait3A_587 = tpu.memref_squeeze %dma_wait3A_586 : memref<1x128xi32, #tpu.memory_space<vmem>> -> memref<128xi32, #tpu.memory_space<vmem>>
      %dma_wait3A_588 = arith.constant 0 : i32
      %dma_wait3A_589 = arith.constant 0 : i32
      %dma_wait3A_590 = tpu.memref_slice %arg2[%dma_wait3A_588, %dma_wait3A_589] : memref<10000x128xf32, #tpu.memory_space<hbm>> -> memref<10000x128xf32, #tpu.memory_space<hbm>>
      tpu.wait_indirect_dma semaphore(%arg14 : memref<!tpu.dma_semaphore, #tpu.memory_space<semaphore_mem>>) src(%dma_wait3A_590 : memref<10000x128xf32, #tpu.memory_space<hbm>>) dst(%arg10 : memref<128x128xf32, #tpu.memory_space<vmem>>)
      "tpu.region"() ({
        %run_scoped3A = tpu.sem_alloc : memref<!tpu.dma_semaphore, #tpu.memory_space<semaphore_mem>>
        %dma_start3A_591 = arith.constant 0 : i32
        %dma_start3A_592 = arith.constant 0 : i32
        %dma_start3A_593 = tpu.memref_slice %arg12[%dma_start3A_591, %dma_start3A_592] : memref<10112x128xf32, #tpu.memory_space<vmem_shared>> -> memref<10112x128xf32, #tpu.memory_space<vmem_shared>>
        tpu.enqueue_indirect_dma source(%arg10 : memref<128x128xf32, #tpu.memory_space<vmem>>) target(%dma_start3A_593 : memref<10112x128xf32, #tpu.memory_space<vmem_shared>>) offsets(%arg8 : memref<128xi32, #tpu.memory_space<vmem>>) semaphore(%run_scoped3A : memref<!tpu.dma_semaphore, #tpu.memory_space<semaphore_mem>>) {add = true}
        %dma_wait3A_594 = arith.constant 0 : i32
        %dma_wait3A_595 = arith.constant 0 : i32
        %dma_wait3A_596 = tpu.memref_slice %arg12[%dma_wait3A_594, %dma_wait3A_595] : memref<10112x128xf32, #tpu.memory_space<vmem_shared>> -> memref<10112x128xf32, #tpu.memory_space<vmem_shared>>
        tpu.wait_indirect_dma semaphore(%run_scoped3A : memref<!tpu.dma_semaphore, #tpu.memory_space<semaphore_mem>>) src(%arg10 : memref<128x128xf32, #tpu.memory_space<vmem>>) dst(%dma_wait3A_596 : memref<10112x128xf32, #tpu.memory_space<vmem_shared>>)
        tpu.yield
      }) : () -> ()
    }
    %scan3A_532 = arith.constant 40 : i32
    %barrier3A_533 = arith.constant 0 : index
    tpu.barrier barrier_id(%barrier3A_533)
    %lt3A = arith.constant 15 : i32
    %lt3A_534 = arith.cmpi slt, %arg1, %lt3A : i32
    %convert_element_type3A = arith.extui %lt3A_534 : i1 to i32
    %cond3A = arith.constant 0 : i32
    %cond3A_535 = arith.cmpi ne, %convert_element_type3A, %cond3A : i32
    scf.if %cond3A_535 {
      %mul3A_540 = arith.constant 632 : i32
      %mul3A_541 = arith.muli %arg1, %mul3A_540 : i32
      %mul3A_542 = arith.constant 10000 : i32
      %mul3A_543 = arith.muli %arg0, %mul3A_542 : i32
      %mul3A_544 = arith.constant 632 : i32
      %mul3A_545 = arith.muli %arg1, %mul3A_544 : i32
      %add3A_546 = arith.addi %mul3A_543, %mul3A_545 : i32
      "tpu.region"() ({
        %run_scoped3A = tpu.sem_alloc : memref<!tpu.dma_semaphore, #tpu.memory_space<semaphore_mem>>
        %dma_start3A_547 = arith.constant 0 : i32
        %dma_start3A_548 = tpu.memref_slice %arg5[%add3A_546, %dma_start3A_547] : memref<20000x128xf32, #tpu.memory_space<hbm>> -> memref<632x128xf32, #tpu.memory_space<hbm>>
        %dma_start3A_549 = arith.constant 0 : i32
        %dma_start3A_550 = tpu.memref_slice %arg12[%mul3A_541, %dma_start3A_549] : memref<10112x128xf32, #tpu.memory_space<vmem_shared>> -> memref<632x128xf32, #tpu.memory_space<vmem_shared>>
        tpu.enqueue_dma source(%dma_start3A_550 : memref<632x128xf32, #tpu.memory_space<vmem_shared>>) target(%dma_start3A_548 : memref<632x128xf32, #tpu.memory_space<hbm>>) target_semaphore(%run_scoped3A : memref<!tpu.dma_semaphore, #tpu.memory_space<semaphore_mem>>)
        %dma_wait3A = arith.constant 0 : i32
        %dma_wait3A_551 = tpu.memref_slice %arg5[%add3A_546, %dma_wait3A] : memref<20000x128xf32, #tpu.memory_space<hbm>> -> memref<632x128xf32, #tpu.memory_space<hbm>>
        %dma_wait3A_552 = arith.constant 0 : i32
        %dma_wait3A_553 = tpu.memref_slice %arg12[%mul3A_541, %dma_wait3A_552] : memref<10112x128xf32, #tpu.memory_space<vmem_shared>> -> memref<632x128xf32, #tpu.memory_space<vmem_shared>>
        tpu.wait_dma2 semaphore(%run_scoped3A : memref<!tpu.dma_semaphore, #tpu.memory_space<semaphore_mem>>) src(%dma_wait3A_553 : memref<632x128xf32, #tpu.memory_space<vmem_shared>>) dst(%dma_wait3A_551 : memref<632x128xf32, #tpu.memory_space<hbm>>)
        tpu.yield
      }) : () -> ()
    } else {
    }
    %eq3A = arith.constant 15 : i32
    %eq3A_536 = arith.cmpi eq, %arg1, %eq3A : i32
    %convert_element_type3A_537 = arith.extui %eq3A_536 : i1 to i32
    %cond3A_538 = arith.constant 0 : i32
    %cond3A_539 = arith.cmpi ne, %convert_element_type3A_537, %cond3A_538 : i32
    scf.if %cond3A_539 {
      %mul3A_540 = arith.constant 632 : i32
      %mul3A_541 = arith.muli %arg1, %mul3A_540 : i32
      %mul3A_542 = arith.constant 10000 : i32
      %mul3A_543 = arith.muli %arg0, %mul3A_542 : i32
      %mul3A_544 = arith.constant 632 : i32
      %mul3A_545 = arith.muli %arg1, %mul3A_544 : i32
      %add3A_546 = arith.addi %mul3A_543, %mul3A_545 : i32
      "tpu.region"() ({
        %run_scoped3A = tpu.sem_alloc : memref<!tpu.dma_semaphore, #tpu.memory_space<semaphore_mem>>
        %dma_start3A_547 = arith.constant 0 : i32
        %dma_start3A_548 = tpu.memref_slice %arg5[%add3A_546, %dma_start3A_547] : memref<20000x128xf32, #tpu.memory_space<hbm>> -> memref<520x128xf32, #tpu.memory_space<hbm>>
        %dma_start3A_549 = arith.constant 0 : i32
        %dma_start3A_550 = tpu.memref_slice %arg12[%mul3A_541, %dma_start3A_549] : memref<10112x128xf32, #tpu.memory_space<vmem_shared>> -> memref<520x128xf32, #tpu.memory_space<vmem_shared>>
        tpu.enqueue_dma source(%dma_start3A_550 : memref<520x128xf32, #tpu.memory_space<vmem_shared>>) target(%dma_start3A_548 : memref<520x128xf32, #tpu.memory_space<hbm>>) target_semaphore(%run_scoped3A : memref<!tpu.dma_semaphore, #tpu.memory_space<semaphore_mem>>)
        %dma_wait3A = arith.constant 0 : i32
        %dma_wait3A_551 = tpu.memref_slice %arg5[%add3A_546, %dma_wait3A] : memref<20000x128xf32, #tpu.memory_space<hbm>> -> memref<520x128xf32, #tpu.memory_space<hbm>>
        %dma_wait3A_552 = arith.constant 0 : i32
        %dma_wait3A_553 = tpu.memref_slice %arg12[%mul3A_541, %dma_wait3A_552] : memref<10112x128xf32, #tpu.memory_space<vmem_shared>> -> memref<520x128xf32, #tpu.memory_space<vmem_shared>>
        tpu.wait_dma2 semaphore(%run_scoped3A : memref<!tpu.dma_semaphore, #tpu.memory_space<semaphore_mem>>) src(%dma_wait3A_553 : memref<520x128xf32, #tpu.memory_space<vmem_shared>>) dst(%dma_wait3A_551 : memref<520x128xf32, #tpu.memory_space<hbm>>)
        tpu.yield
      }) : () -> ()
    } else {
    }
    return
  }
}

module attributes {stable_mosaic.version = 14 : i64} {
  func.func @_matmul1_body(%arg0: i32, %arg1: memref<1000x128xf32, #tpu.memory_space<vmem>>, %arg2: memref<128x128xf32, #tpu.memory_space<vmem>>, %arg3: memref<1000x128xf32, #tpu.memory_space<vmem>>) attributes {dimension_semantics = [#tpu.dimension_semantics<arbitrary>], iteration_bounds = array<i64: 10>, scalar_prefetch = 0 : i64, scratch_operands = 0 : i64, tpu.core_type = #tpu.core_type<tc>, window_params = [{transform_indices = @transform_0, window_bounds = array<i64: 1000, 128>}, {pipeline_mode = #tpu.pipeline_mode<synchronous>, transform_indices = @transform_1, window_bounds = array<i64: 128, 128>}, {transform_indices = @transform_2, window_bounds = array<i64: 1000, 128>}]} {
    %get3A = arith.constant 0 : index
    %get3A_0 = arith.constant 0 : index
    %get3A_1 = vector.load %arg1[%get3A, %get3A_0] : memref<1000x128xf32, #tpu.memory_space<vmem>>, vector<1000x128xf32>
    %get3A_2 = arith.constant 0 : index
    %get3A_3 = arith.constant 0 : index
    %get3A_4 = vector.load %arg2[%get3A_2, %get3A_3] : memref<128x128xf32, #tpu.memory_space<vmem>>, vector<128x128xf32>
    %dot_general3A = arith.constant dense<0.000000e+00> : vector<1000x128xf32>
    %dot_general3A_5 = tpu.matmul %get3A_1, %get3A_4, %dot_general3A {dimension_numbers = #tpu.dot_dimension_numbers<[1], [0], [0], [1], [0, 0, 1, 1], [], []>, transpose_lhs_hint = false} : vector<1000x128xf32>, vector<128x128xf32>, vector<1000x128xf32> -> vector<1000x128xf32>
    %swap3A = arith.constant 0 : index
    %swap3A_6 = arith.constant 0 : index
    %swap3A_7 = vector.load %arg3[%swap3A, %swap3A_6] : memref<1000x128xf32, #tpu.memory_space<vmem>>, vector<1000x128xf32>
    tpu.vector_store %arg3[%swap3A, %swap3A_6], %dot_general3A_5 {strides = array<i32>} : memref<1000x128xf32, #tpu.memory_space<vmem>>, vector<1000x128xf32>,
    return
  }
  func.func @transform_0(%arg0: i32) -> (i32, i32) {
    %c0_i32 = arith.constant 0 : i32
    %c0_i32_0 = arith.constant 0 : i32
    return %arg0, %c0_i32 : i32, i32
  }
  func.func @transform_1(%arg0: i32) -> (i32, i32) {
    %c0_i32 = arith.constant 0 : i32
    %c0_i32_0 = arith.constant 0 : i32
    %c0_i32_1 = arith.constant 0 : i32
    return %c0_i32, %c0_i32_0 : i32, i32
  }
  func.func @transform_2(%arg0: i32) -> (i32, i32) {
    %c0_i32 = arith.constant 0 : i32
    %c0_i32_0 = arith.constant 0 : i32
    return %arg0, %c0_i32 : i32, i32
  }
}

module attributes {stable_mosaic.version = 14 : i64} {
  func.func @_scale_body(%arg0: i32, %arg1: memref<1000x1xf32, #tpu.memory_space<vmem>>, %arg2: memref<1000x1xf32, #tpu.memory_space<vmem>>, %arg3: memref<1000x128xf32, #tpu.memory_space<vmem>>, %arg4: memref<1000x128xf32, #tpu.memory_space<vmem>>) attributes {dimension_semantics = [#tpu.dimension_semantics<arbitrary>], iteration_bounds = array<i64: 10>, scalar_prefetch = 0 : i64, scratch_operands = 0 : i64, tpu.core_type = #tpu.core_type<tc>, window_params = [{transform_indices = @transform_0, window_bounds = array<i64: 1000, 1>}, {transform_indices = @transform_1, window_bounds = array<i64: 1000, 1>}, {transform_indices = @transform_2, window_bounds = array<i64: 1000, 128>}, {transform_indices = @transform_3, window_bounds = array<i64: 1000, 128>}]} {
    %get3A = arith.constant 0 : index
    %get3A_0 = arith.constant 0 : index
    %get3A_1 = vector.load %arg1[%get3A, %get3A_0] : memref<1000x1xf32, #tpu.memory_space<vmem>>, vector<1000x1xf32>
    %get3A_2 = arith.constant 0 : index
    %get3A_3 = arith.constant 0 : index
    %get3A_4 = vector.load %arg2[%get3A_2, %get3A_3] : memref<1000x1xf32, #tpu.memory_space<vmem>>, vector<1000x1xf32>
    %add3A = arith.addf %get3A_1, %get3A_4 : vector<1000x1xf32>
    %add3A_5 = arith.constant 1.000000e+00 : f32
    %add3A_6 = vector.broadcast %add3A_5 : f32 to vector<1000x1xf32>
    %add3A_7 = arith.addf %add3A, %add3A_6 : vector<1000x1xf32>
    %get3A_8 = arith.constant 0 : index
    %get3A_9 = arith.constant 0 : index
    %get3A_10 = vector.load %arg3[%get3A_8, %get3A_9] : memref<1000x128xf32, #tpu.memory_space<vmem>>, vector<1000x128xf32>
    %rsqrt3A = math.rsqrt %add3A_7 : vector<1000x1xf32>
    %mul3A = vector.broadcast %rsqrt3A : vector<1000x1xf32> to vector<1000x128xf32>
    %mul3A_11 = arith.mulf %get3A_10, %mul3A : vector<1000x128xf32>
    %swap3A = arith.constant 0 : index
    %swap3A_12 = arith.constant 0 : index
    %swap3A_13 = vector.load %arg4[%swap3A, %swap3A_12] : memref<1000x128xf32, #tpu.memory_space<vmem>>, vector<1000x128xf32>
    tpu.vector_store %arg4[%swap3A, %swap3A_12], %mul3A_11 {strides = array<i32>} : memref<1000x128xf32, #tpu.memory_space<vmem>>, vector<1000x128xf32>,
    return
  }
  func.func @transform_0(%arg0: i32) -> (i32, i32) {
    %c0_i32 = arith.constant 0 : i32
    %c0_i32_0 = arith.constant 0 : i32
    return %arg0, %c0_i32 : i32, i32
  }
  func.func @transform_1(%arg0: i32) -> (i32, i32) {
    %c0_i32 = arith.constant 0 : i32
    %c0_i32_0 = arith.constant 0 : i32
    return %arg0, %c0_i32 : i32, i32
  }
  func.func @transform_2(%arg0: i32) -> (i32, i32) {
    %c0_i32 = arith.constant 0 : i32
    %c0_i32_0 = arith.constant 0 : i32
    return %arg0, %c0_i32 : i32, i32
  }
  func.func @transform_3(%arg0: i32) -> (i32, i32) {
    %c0_i32 = arith.constant 0 : i32
    %c0_i32_0 = arith.constant 0 : i32
    return %arg0, %c0_i32 : i32, i32
  }
}

module attributes {stable_mosaic.version = 14 : i64} {
  func.func @_mid_body(%arg0: i32, %arg1: memref<1000x1xf32, #tpu.memory_space<vmem>>, %arg2: memref<1000x1xf32, #tpu.memory_space<vmem>>, %arg3: memref<1000x128xf32, #tpu.memory_space<vmem>>, %arg4: memref<1000x128xf32, #tpu.memory_space<vmem>>, %arg5: memref<1000x128xf32, #tpu.memory_space<vmem>>, %arg6: memref<1x128xf32, #tpu.memory_space<vmem>>, %arg7: memref<128x128xf32, #tpu.memory_space<vmem>>, %arg8: memref<1000x128xf32, #tpu.memory_space<vmem>>) attributes {dimension_semantics = [#tpu.dimension_semantics<arbitrary>], iteration_bounds = array<i64: 10>, scalar_prefetch = 0 : i64, scratch_operands = 0 : i64, tpu.core_type = #tpu.core_type<tc>, window_params = [{transform_indices = @transform_0, window_bounds = array<i64: 1000, 1>}, {transform_indices = @transform_1, window_bounds = array<i64: 1000, 1>}, {transform_indices = @transform_2, window_bounds = array<i64: 1000, 128>}, {transform_indices = @transform_3, window_bounds = array<i64: 1000, 128>}, {transform_indices = @transform_4, window_bounds = array<i64: 1000, 128>}, {pipeline_mode = #tpu.pipeline_mode<synchronous>, transform_indices = @transform_5, window_bounds = array<i64: 1, 128>}, {pipeline_mode = #tpu.pipeline_mode<synchronous>, transform_indices = @transform_6, window_bounds = array<i64: 128, 128>}, {transform_indices = @transform_7, window_bounds = array<i64: 1000, 128>}]} {
    %get3A = arith.constant 0 : index
    %get3A_0 = arith.constant 0 : index
    %get3A_1 = vector.load %arg1[%get3A, %get3A_0] : memref<1000x1xf32, #tpu.memory_space<vmem>>, vector<1000x1xf32>
    %get3A_2 = arith.constant 0 : index
    %get3A_3 = arith.constant 0 : index
    %get3A_4 = vector.load %arg2[%get3A_2, %get3A_3] : memref<1000x1xf32, #tpu.memory_space<vmem>>, vector<1000x1xf32>
    %add3A = arith.addf %get3A_1, %get3A_4 : vector<1000x1xf32>
    %add3A_5 = arith.constant 1.000000e+00 : f32
    %add3A_6 = vector.broadcast %add3A_5 : f32 to vector<1000x1xf32>
    %add3A_7 = arith.addf %add3A, %add3A_6 : vector<1000x1xf32>
    %rsqrt3A = math.rsqrt %add3A_7 : vector<1000x1xf32>
    %get3A_8 = arith.constant 0 : index
    %get3A_9 = arith.constant 0 : index
    %get3A_10 = vector.load %arg3[%get3A_8, %get3A_9] : memref<1000x128xf32, #tpu.memory_space<vmem>>, vector<1000x128xf32>
    %get3A_11 = arith.constant 0 : index
    %get3A_12 = arith.constant 0 : index
    %get3A_13 = vector.load %arg4[%get3A_11, %get3A_12] : memref<1000x128xf32, #tpu.memory_space<vmem>>, vector<1000x128xf32>
    %add3A_14 = arith.addf %get3A_10, %get3A_13 : vector<1000x128xf32>
    %get3A_15 = arith.constant 0 : index
    %get3A_16 = arith.constant 0 : index
    %get3A_17 = vector.load %arg5[%get3A_15, %get3A_16] : memref<1000x128xf32, #tpu.memory_space<vmem>>, vector<1000x128xf32>
    %add3A_18 = arith.addf %add3A_14, %get3A_17 : vector<1000x128xf32>
    %mul3A = vector.broadcast %rsqrt3A : vector<1000x1xf32> to vector<1000x128xf32>
    %mul3A_19 = arith.mulf %mul3A, %add3A_18 : vector<1000x128xf32>
    %get3A_20 = arith.constant 0 : index
    %get3A_21 = arith.constant 0 : index
    %get3A_22 = vector.load %arg6[%get3A_20, %get3A_21] : memref<1x128xf32, #tpu.memory_space<vmem>>, vector<1x128xf32>
    %add3A_23 = vector.broadcast %get3A_22 : vector<1x128xf32> to vector<1000x128xf32>
    %add3A_24 = arith.addf %mul3A_19, %add3A_23 : vector<1000x128xf32>
    %max3A = arith.constant 0.000000e+00 : f32
    %max3A_25 = vector.broadcast %max3A : f32 to vector<1000x128xf32>
    %max3A_26 = arith.maximumf %add3A_24, %max3A_25 : vector<1000x128xf32>
    %get3A_27 = arith.constant 0 : index
    %get3A_28 = arith.constant 0 : index
    %get3A_29 = vector.load %arg7[%get3A_27, %get3A_28] : memref<128x128xf32, #tpu.memory_space<vmem>>, vector<128x128xf32>
    %dot_general3A = arith.constant dense<0.000000e+00> : vector<1000x128xf32>
    %dot_general3A_30 = tpu.matmul %max3A_26, %get3A_29, %dot_general3A {dimension_numbers = #tpu.dot_dimension_numbers<[1], [0], [0], [1], [0, 0, 1, 1], [], []>, transpose_lhs_hint = false} : vector<1000x128xf32>, vector<128x128xf32>, vector<1000x128xf32> -> vector<1000x128xf32>
    %mul3A_31 = vector.broadcast %rsqrt3A : vector<1000x1xf32> to vector<1000x128xf32>
    %mul3A_32 = arith.mulf %dot_general3A_30, %mul3A_31 : vector<1000x128xf32>
    %swap3A = arith.constant 0 : index
    %swap3A_33 = arith.constant 0 : index
    %swap3A_34 = vector.load %arg8[%swap3A, %swap3A_33] : memref<1000x128xf32, #tpu.memory_space<vmem>>, vector<1000x128xf32>
    tpu.vector_store %arg8[%swap3A, %swap3A_33], %mul3A_32 {strides = array<i32>} : memref<1000x128xf32, #tpu.memory_space<vmem>>, vector<1000x128xf32>,
    return
  }
  func.func @transform_0(%arg0: i32) -> (i32, i32) {
    %c0_i32 = arith.constant 0 : i32
    %c0_i32_0 = arith.constant 0 : i32
    return %arg0, %c0_i32 : i32, i32
  }
  func.func @transform_1(%arg0: i32) -> (i32, i32) {
    %c0_i32 = arith.constant 0 : i32
    %c0_i32_0 = arith.constant 0 : i32
    return %arg0, %c0_i32 : i32, i32
  }
  func.func @transform_2(%arg0: i32) -> (i32, i32) {
    %c0_i32 = arith.constant 0 : i32
    %c0_i32_0 = arith.constant 0 : i32
    return %arg0, %c0_i32 : i32, i32
  }
  func.func @transform_3(%arg0: i32) -> (i32, i32) {
    %add3A = arith.constant 10 : i32
    %add3A_0 = arith.addi %arg0, %add3A : i32
    %c0_i32 = arith.constant 0 : i32
    %c0_i32_1 = arith.constant 0 : i32
    return %add3A_0, %c0_i32 : i32, i32
  }
  func.func @transform_4(%arg0: i32) -> (i32, i32) {
    %c0_i32 = arith.constant 0 : i32
    %c0_i32_0 = arith.constant 0 : i32
    return %arg0, %c0_i32 : i32, i32
  }
  func.func @transform_5(%arg0: i32) -> (i32, i32) {
    %c0_i32 = arith.constant 0 : i32
    %c0_i32_0 = arith.constant 0 : i32
    %c0_i32_1 = arith.constant 0 : i32
    return %c0_i32, %c0_i32_0 : i32, i32
  }
  func.func @transform_6(%arg0: i32) -> (i32, i32) {
    %c0_i32 = arith.constant 0 : i32
    %c0_i32_0 = arith.constant 0 : i32
    %c0_i32_1 = arith.constant 0 : i32
    return %c0_i32, %c0_i32_0 : i32, i32
  }
  func.func @transform_7(%arg0: i32) -> (i32, i32) {
    %c0_i32 = arith.constant 0 : i32
    %c0_i32_0 = arith.constant 0 : i32
    return %arg0, %c0_i32 : i32, i32
  }
}

module attributes {stable_mosaic.version = 14 : i64} {
  func.func @_head_body(%arg0: i32, %arg1: memref<1000x1xf32, #tpu.memory_space<vmem>>, %arg2: memref<1000x1xf32, #tpu.memory_space<vmem>>, %arg3: memref<1000x128xf32, #tpu.memory_space<vmem>>, %arg4: memref<1000x128xf32, #tpu.memory_space<vmem>>, %arg5: memref<1000x128xf32, #tpu.memory_space<vmem>>, %arg6: memref<1x128xf32, #tpu.memory_space<vmem>>, %arg7: memref<1x1x1000xi32, #tpu.memory_space<vmem>>, %arg8: memref<104x8xf32, #tpu.memory_space<vmem>>, %arg9: memref<128x64xf32, #tpu.memory_space<vmem>>, %arg10: memref<8x64xf32, #tpu.memory_space<vmem>>, %arg11: memref<1x64xf32, #tpu.memory_space<vmem>>, %arg12: memref<64x32xf32, #tpu.memory_space<vmem>>, %arg13: memref<1x32xf32, #tpu.memory_space<vmem>>, %arg14: memref<32x2xf32, #tpu.memory_space<vmem>>, %arg15: memref<1x2xf32, #tpu.memory_space<vmem>>, %arg16: memref<100x2xf32, #tpu.memory_space<vmem>>, %arg17: memref<104x128xf32, #tpu.memory_space<vmem>>, %arg18: memref<104x1xf32, #tpu.memory_space<vmem>>) attributes {dimension_semantics = [#tpu.dimension_semantics<arbitrary>], iteration_bounds = array<i64: 10>, scalar_prefetch = 0 : i64, scratch_operands = 2 : i64, tpu.core_type = #tpu.core_type<tc>, window_params = [{transform_indices = @transform_0, window_bounds = array<i64: 1000, 1>}, {transform_indices = @transform_1, window_bounds = array<i64: 1000, 1>}, {transform_indices = @transform_2, window_bounds = array<i64: 1000, 128>}, {transform_indices = @transform_3, window_bounds = array<i64: 1000, 128>}, {transform_indices = @transform_4, window_bounds = array<i64: 1000, 128>}, {pipeline_mode = #tpu.pipeline_mode<synchronous>, transform_indices = @transform_5, window_bounds = array<i64: 1, 128>}, {transform_indices = @transform_6, window_bounds = array<i64: 1, 1, 1000>}, {pipeline_mode = #tpu.pipeline_mode<synchronous>, transform_indices = @transform_7, window_bounds = array<i64: 104, 8>}, {pipeline_mode = #tpu.pipeline_mode<synchronous>, transform_indices = @transform_8, window_bounds = array<i64: 128, 64>}, {pipeline_mode = #tpu.pipeline_mode<synchronous>, transform_indices = @transform_9, window_bounds = array<i64: 8, 64>}, {pipeline_mode = #tpu.pipeline_mode<synchronous>, transform_indices = @transform_10, window_bounds = array<i64: 1, 64>}, {pipeline_mode = #tpu.pipeline_mode<synchronous>, transform_indices = @transform_11, window_bounds = array<i64: 64, 32>}, {pipeline_mode = #tpu.pipeline_mode<synchronous>, transform_indices = @transform_12, window_bounds = array<i64: 1, 32>}, {pipeline_mode = #tpu.pipeline_mode<synchronous>, transform_indices = @transform_13, window_bounds = array<i64: 32, 2>}, {pipeline_mode = #tpu.pipeline_mode<synchronous>, transform_indices = @transform_14, window_bounds = array<i64: 1, 2>}, {pipeline_mode = #tpu.pipeline_mode<synchronous>, transform_indices = @transform_15, window_bounds = array<i64: 100, 2>}]} {
    %eq3A = arith.constant 0 : i32
    %eq3A_0 = arith.cmpi eq, %arg0, %eq3A : i32
    %convert_element_type3A = arith.extui %eq3A_0 : i1 to i32
    %cond3A = arith.constant 0 : i32
    %cond3A_1 = arith.cmpi ne, %convert_element_type3A, %cond3A : i32
    scf.if %cond3A_1 {
      %broadcast_in_dim3A_58 = arith.constant 0.000000e+00 : f32
      %broadcast_in_dim3A_59 = vector.broadcast %broadcast_in_dim3A_58 : f32 to vector<104x128xf32>
      %swap3A_60 = arith.constant 0 : index
      %swap3A_61 = arith.constant 0 : index
      %swap3A_62 = vector.load %arg17[%swap3A_60, %swap3A_61] : memref<104x128xf32, #tpu.memory_space<vmem>>, vector<104x128xf32>
      tpu.vector_store %arg17[%swap3A_60, %swap3A_61], %broadcast_in_dim3A_59 {strides = array<i32>} : memref<104x128xf32, #tpu.memory_space<vmem>>, vector<104x128xf32>,
      %broadcast_in_dim3A_63 = arith.constant 0.000000e+00 : f32
      %broadcast_in_dim3A_64 = vector.broadcast %broadcast_in_dim3A_63 : f32 to vector<104x1xf32>
      %swap3A_65 = arith.constant 0 : index
      %swap3A_66 = arith.constant 0 : index
      %swap3A_67 = vector.load %arg18[%swap3A_65, %swap3A_66] : memref<104x1xf32, #tpu.memory_space<vmem>>, vector<104x1xf32>
      tpu.vector_store %arg18[%swap3A_65, %swap3A_66], %broadcast_in_dim3A_64 {strides = array<i32>} : memref<104x1xf32, #tpu.memory_space<vmem>>, vector<104x1xf32>,
    } else {
    }
    %get3A = arith.constant 0 : index
    %get3A_2 = arith.constant 0 : index
    %get3A_3 = vector.load %arg1[%get3A, %get3A_2] : memref<1000x1xf32, #tpu.memory_space<vmem>>, vector<1000x1xf32>
    %get3A_4 = arith.constant 0 : index
    %get3A_5 = arith.constant 0 : index
    %get3A_6 = vector.load %arg2[%get3A_4, %get3A_5] : memref<1000x1xf32, #tpu.memory_space<vmem>>, vector<1000x1xf32>
    %add3A = arith.addf %get3A_3, %get3A_6 : vector<1000x1xf32>
    %add3A_7 = arith.constant 1.000000e+00 : f32
    %add3A_8 = vector.broadcast %add3A_7 : f32 to vector<1000x1xf32>
    %add3A_9 = arith.addf %add3A, %add3A_8 : vector<1000x1xf32>
    %rsqrt3A = math.rsqrt %add3A_9 : vector<1000x1xf32>
    %get3A_10 = arith.constant 0 : index
    %get3A_11 = arith.constant 0 : index
    %get3A_12 = vector.load %arg3[%get3A_10, %get3A_11] : memref<1000x128xf32, #tpu.memory_space<vmem>>, vector<1000x128xf32>
    %get3A_13 = arith.constant 0 : index
    %get3A_14 = arith.constant 0 : index
    %get3A_15 = vector.load %arg4[%get3A_13, %get3A_14] : memref<1000x128xf32, #tpu.memory_space<vmem>>, vector<1000x128xf32>
    %add3A_16 = arith.addf %get3A_12, %get3A_15 : vector<1000x128xf32>
    %get3A_17 = arith.constant 0 : index
    %get3A_18 = arith.constant 0 : index
    %get3A_19 = vector.load %arg5[%get3A_17, %get3A_18] : memref<1000x128xf32, #tpu.memory_space<vmem>>, vector<1000x128xf32>
    %add3A_20 = arith.addf %add3A_16, %get3A_19 : vector<1000x128xf32>
    %mul3A = vector.broadcast %rsqrt3A : vector<1000x1xf32> to vector<1000x128xf32>
    %mul3A_21 = arith.mulf %mul3A, %add3A_20 : vector<1000x128xf32>
    %get3A_22 = arith.constant 0 : index
    %get3A_23 = arith.constant 0 : index
    %get3A_24 = vector.load %arg6[%get3A_22, %get3A_23] : memref<1x128xf32, #tpu.memory_space<vmem>>, vector<1x128xf32>
    %add3A_25 = vector.broadcast %get3A_24 : vector<1x128xf32> to vector<1000x128xf32>
    %add3A_26 = arith.addf %mul3A_21, %add3A_25 : vector<1000x128xf32>
    %max3A = arith.constant 0.000000e+00 : f32
    %max3A_27 = vector.broadcast %max3A : f32 to vector<1000x128xf32>
    %max3A_28 = arith.maximumf %add3A_26, %max3A_27 : vector<1000x128xf32>
    %iota3A = tpu.iota {dimensions = array<i32: 0>} : vector<104x1xi32>
    %get3A_29 = arith.constant 0 : index
    %get3A_30 = arith.constant 0 : index
    %get3A_31 = arith.constant 0 : index
    %get3A_32 = vector.load %arg7[%get3A_29, %get3A_30, %get3A_31] : memref<1x1x1000xi32, #tpu.memory_space<vmem>>, vector<1x1x1000xi32>
    %reshape3A = vector.shape_cast %get3A_32 : vector<1x1x1000xi32> to vector<1x1000xi32>
    %eq3A_33 = vector.broadcast %iota3A : vector<104x1xi32> to vector<104x1000xi32>
    %eq3A_34 = vector.broadcast %reshape3A : vector<1x1000xi32> to vector<104x1000xi32>
    %eq3A_35 = arith.cmpi eq, %eq3A_33, %eq3A_34 : vector<104x1000xi32>
    %convert_element_type3A_36 = arith.extui %eq3A_35 : vector<104x1000xi1> to vector<104x1000xi32>
    %convert_element_type3A_37 = arith.sitofp %convert_element_type3A_36 : vector<104x1000xi32> to vector<104x1000xf32>
    %get3A_38 = arith.constant 0 : index
    %get3A_39 = arith.constant 0 : index
    %get3A_40 = vector.load %arg17[%get3A_38, %get3A_39] : memref<104x128xf32, #tpu.memory_space<vmem>>, vector<104x128xf32>
    %dot_general3A = arith.constant dense<0.000000e+00> : vector<104x128xf32>
    %dot_general3A_41 = tpu.matmul %convert_element_type3A_37, %max3A_28, %dot_general3A {dimension_numbers = #tpu.dot_dimension_numbers<[1], [0], [0], [1], [0, 0, 1, 1], [], []>, transpose_lhs_hint = false} : vector<104x1000xf32>, vector<1000x128xf32>, vector<104x128xf32> -> vector<104x128xf32>
    %add3A_42 = arith.addf %get3A_40, %dot_general3A_41 : vector<104x128xf32>
    %swap3A = arith.constant 0 : index
    %swap3A_43 = arith.constant 0 : index
    %swap3A_44 = vector.load %arg17[%swap3A, %swap3A_43] : memref<104x128xf32, #tpu.memory_space<vmem>>, vector<104x128xf32>
    tpu.vector_store %arg17[%swap3A, %swap3A_43], %add3A_42 {strides = array<i32>} : memref<104x128xf32, #tpu.memory_space<vmem>>, vector<104x128xf32>,
    %get3A_45 = arith.constant 0 : index
    %get3A_46 = arith.constant 0 : index
    %get3A_47 = vector.load %arg18[%get3A_45, %get3A_46] : memref<104x1xf32, #tpu.memory_space<vmem>>, vector<104x1xf32>
    %reduce_sum3A = arith.constant dense<0.000000e+00> : vector<104xf32>
    %reduce_sum3A_48 = vector.multi_reduction <add>, %convert_element_type3A_37, %reduce_sum3A [1] : vector<104x1000xf32> to vector<104xf32>
    %broadcast_in_dim3A = vector.shape_cast %reduce_sum3A_48 : vector<104xf32> to vector<104x1xf32>
    %add3A_49 = arith.addf %get3A_47, %broadcast_in_dim3A : vector<104x1xf32>
    %swap3A_50 = arith.constant 0 : index
    %swap3A_51 = arith.constant 0 : index
    %swap3A_52 = vector.load %arg18[%swap3A_50, %swap3A_51] : memref<104x1xf32, #tpu.memory_space<vmem>>, vector<104x1xf32>
    tpu.vector_store %arg18[%swap3A_50, %swap3A_51], %add3A_49 {strides = array<i32>} : memref<104x1xf32, #tpu.memory_space<vmem>>, vector<104x1xf32>,
    %eq3A_53 = arith.constant 9 : i32
    %eq3A_54 = arith.cmpi eq, %arg0, %eq3A_53 : i32
    %convert_element_type3A_55 = arith.extui %eq3A_54 : i1 to i32
    %cond3A_56 = arith.constant 0 : i32
    %cond3A_57 = arith.cmpi ne, %convert_element_type3A_55, %cond3A_56 : i32
    scf.if %cond3A_57 {
      %get3A_58 = arith.constant 0 : index
      %get3A_59 = arith.constant 0 : index
      %get3A_60 = vector.load %arg17[%get3A_58, %get3A_59] : memref<104x128xf32, #tpu.memory_space<vmem>>, vector<104x128xf32>
      %get3A_61 = arith.constant 0 : index
      %get3A_62 = arith.constant 0 : index
      %get3A_63 = vector.load %arg18[%get3A_61, %get3A_62] : memref<104x1xf32, #tpu.memory_space<vmem>>, vector<104x1xf32>
      %max3A_64 = arith.constant 1.000000e+00 : f32
      %max3A_65 = vector.broadcast %max3A_64 : f32 to vector<104x1xf32>
      %max3A_66 = arith.maximumf %get3A_63, %max3A_65 : vector<104x1xf32>
      %div3A = vector.broadcast %max3A_66 : vector<104x1xf32> to vector<104x128xf32>
      %div3A_67 = arith.divf %get3A_60, %div3A : vector<104x128xf32>
      %get3A_68 = arith.constant 0 : index
      %get3A_69 = arith.constant 0 : index
      %get3A_70 = vector.load %arg9[%get3A_68, %get3A_69] : memref<128x64xf32, #tpu.memory_space<vmem>>, vector<128x64xf32>
      %dot_general3A_71 = arith.constant dense<0.000000e+00> : vector<104x64xf32>
      %dot_general3A_72 = tpu.matmul %div3A_67, %get3A_70, %dot_general3A_71 {dimension_numbers = #tpu.dot_dimension_numbers<[1], [0], [0], [1], [0, 0, 1, 1], [], []>, transpose_lhs_hint = false} : vector<104x128xf32>, vector<128x64xf32>, vector<104x64xf32> -> vector<104x64xf32>
      %get3A_73 = arith.constant 0 : index
      %get3A_74 = arith.constant 0 : index
      %get3A_75 = vector.load %arg8[%get3A_73, %get3A_74] : memref<104x8xf32, #tpu.memory_space<vmem>>, vector<104x8xf32>
      %get3A_76 = arith.constant 0 : index
      %get3A_77 = arith.constant 0 : index
      %get3A_78 = vector.load %arg10[%get3A_76, %get3A_77] : memref<8x64xf32, #tpu.memory_space<vmem>>, vector<8x64xf32>
      %dot_general3A_79 = arith.constant dense<0.000000e+00> : vector<104x64xf32>
      %dot_general3A_80 = tpu.matmul %get3A_75, %get3A_78, %dot_general3A_79 {dimension_numbers = #tpu.dot_dimension_numbers<[1], [0], [0], [1], [0, 0, 1, 1], [], []>, transpose_lhs_hint = false} : vector<104x8xf32>, vector<8x64xf32>, vector<104x64xf32> -> vector<104x64xf32>
      %add3A_81 = arith.addf %dot_general3A_72, %dot_general3A_80 : vector<104x64xf32>
      %get3A_82 = arith.constant 0 : index
      %get3A_83 = arith.constant 0 : index
      %get3A_84 = vector.load %arg11[%get3A_82, %get3A_83] : memref<1x64xf32, #tpu.memory_space<vmem>>, vector<1x64xf32>
      %add3A_85 = vector.broadcast %get3A_84 : vector<1x64xf32> to vector<104x64xf32>
      %add3A_86 = arith.addf %add3A_81, %add3A_85 : vector<104x64xf32>
      %max3A_87 = arith.constant 0.000000e+00 : f32
      %max3A_88 = vector.broadcast %max3A_87 : f32 to vector<104x64xf32>
      %max3A_89 = arith.maximumf %add3A_86, %max3A_88 : vector<104x64xf32>
      %get3A_90 = arith.constant 0 : index
      %get3A_91 = arith.constant 0 : index
      %get3A_92 = vector.load %arg12[%get3A_90, %get3A_91] : memref<64x32xf32, #tpu.memory_space<vmem>>, vector<64x32xf32>
      %dot_general3A_93 = arith.constant dense<0.000000e+00> : vector<104x32xf32>
      %dot_general3A_94 = tpu.matmul %max3A_89, %get3A_92, %dot_general3A_93 {dimension_numbers = #tpu.dot_dimension_numbers<[1], [0], [0], [1], [0, 0, 1, 1], [], []>, transpose_lhs_hint = false} : vector<104x64xf32>, vector<64x32xf32>, vector<104x32xf32> -> vector<104x32xf32>
      %get3A_95 = arith.constant 0 : index
      %get3A_96 = arith.constant 0 : index
      %get3A_97 = vector.load %arg13[%get3A_95, %get3A_96] : memref<1x32xf32, #tpu.memory_space<vmem>>, vector<1x32xf32>
      %add3A_98 = vector.broadcast %get3A_97 : vector<1x32xf32> to vector<104x32xf32>
      %add3A_99 = arith.addf %dot_general3A_94, %add3A_98 : vector<104x32xf32>
      %max3A_100 = arith.constant 0.000000e+00 : f32
      %max3A_101 = vector.broadcast %max3A_100 : f32 to vector<104x32xf32>
      %max3A_102 = arith.maximumf %add3A_99, %max3A_101 : vector<104x32xf32>
      %get3A_103 = arith.constant 0 : index
      %get3A_104 = arith.constant 0 : index
      %get3A_105 = vector.load %arg14[%get3A_103, %get3A_104] : memref<32x2xf32, #tpu.memory_space<vmem>>, vector<32x2xf32>
      %dot_general3A_106 = arith.constant dense<0.000000e+00> : vector<104x2xf32>
      %dot_general3A_107 = tpu.matmul %max3A_102, %get3A_105, %dot_general3A_106 {dimension_numbers = #tpu.dot_dimension_numbers<[1], [0], [0], [1], [0, 0, 1, 1], [], []>, transpose_lhs_hint = false} : vector<104x32xf32>, vector<32x2xf32>, vector<104x2xf32> -> vector<104x2xf32>
      %get3A_108 = arith.constant 0 : index
      %get3A_109 = arith.constant 0 : index
      %get3A_110 = vector.load %arg15[%get3A_108, %get3A_109] : memref<1x2xf32, #tpu.memory_space<vmem>>, vector<1x2xf32>
      %add3A_111 = vector.broadcast %get3A_110 : vector<1x2xf32> to vector<104x2xf32>
      %add3A_112 = arith.addf %dot_general3A_107, %add3A_111 : vector<104x2xf32>
      %slice3A = vector.extract_strided_slice %add3A_112 {offsets = [0, 0], sizes = [100, 2], strides = [1, 1]} : vector<104x2xf32> to vector<100x2xf32>
      %swap3A_113 = arith.constant 0 : index
      %swap3A_114 = arith.constant 0 : index
      %swap3A_115 = vector.load %arg16[%swap3A_113, %swap3A_114] : memref<100x2xf32, #tpu.memory_space<vmem>>, vector<100x2xf32>
      tpu.vector_store %arg16[%swap3A_113, %swap3A_114], %slice3A {strides = array<i32>} : memref<100x2xf32, #tpu.memory_space<vmem>>, vector<100x2xf32>,
    } else {
    }
    return
  }
  func.func @transform_0(%arg0: i32) -> (i32, i32) {
    %c0_i32 = arith.constant 0 : i32
    %c0_i32_0 = arith.constant 0 : i32
    return %arg0, %c0_i32 : i32, i32
  }
  func.func @transform_1(%arg0: i32) -> (i32, i32) {
    %c0_i32 = arith.constant 0 : i32
    %c0_i32_0 = arith.constant 0 : i32
    return %arg0, %c0_i32 : i32, i32
  }
  func.func @transform_2(%arg0: i32) -> (i32, i32) {
    %c0_i32 = arith.constant 0 : i32
    %c0_i32_0 = arith.constant 0 : i32
    return %arg0, %c0_i32 : i32, i32
  }
  func.func @transform_3(%arg0: i32) -> (i32, i32) {
    %add3A = arith.constant 10 : i32
    %add3A_0 = arith.addi %arg0, %add3A : i32
    %c0_i32 = arith.constant 0 : i32
    %c0_i32_1 = arith.constant 0 : i32
    return %add3A_0, %c0_i32 : i32, i32
  }
  func.func @transform_4(%arg0: i32) -> (i32, i32) {
    %c0_i32 = arith.constant 0 : i32
    %c0_i32_0 = arith.constant 0 : i32
    return %arg0, %c0_i32 : i32, i32
  }
  func.func @transform_5(%arg0: i32) -> (i32, i32) {
    %c0_i32 = arith.constant 0 : i32
    %c0_i32_0 = arith.constant 0 : i32
    %c0_i32_1 = arith.constant 0 : i32
    return %c0_i32, %c0_i32_0 : i32, i32
  }
  func.func @transform_6(%arg0: i32) -> (i32, i32, i32) {
    %c0_i32 = arith.constant 0 : i32
    %c0_i32_0 = arith.constant 0 : i32
    %c0_i32_1 = arith.constant 0 : i32
    return %arg0, %c0_i32, %c0_i32_0 : i32, i32, i32
  }
  func.func @transform_7(%arg0: i32) -> (i32, i32) {
    %c0_i32 = arith.constant 0 : i32
    %c0_i32_0 = arith.constant 0 : i32
    %c0_i32_1 = arith.constant 0 : i32
    return %c0_i32, %c0_i32_0 : i32, i32
  }
  func.func @transform_8(%arg0: i32) -> (i32, i32) {
    %c0_i32 = arith.constant 0 : i32
    %c0_i32_0 = arith.constant 0 : i32
    %c0_i32_1 = arith.constant 0 : i32
    return %c0_i32, %c0_i32_0 : i32, i32
  }
  func.func @transform_9(%arg0: i32) -> (i32, i32) {
    %c0_i32 = arith.constant 0 : i32
    %c0_i32_0 = arith.constant 0 : i32
    %c0_i32_1 = arith.constant 0 : i32
    return %c0_i32, %c0_i32_0 : i32, i32
  }
  func.func @transform_10(%arg0: i32) -> (i32, i32) {
    %c0_i32 = arith.constant 0 : i32
    %c0_i32_0 = arith.constant 0 : i32
    %c0_i32_1 = arith.constant 0 : i32
    return %c0_i32, %c0_i32_0 : i32, i32
  }
  func.func @transform_11(%arg0: i32) -> (i32, i32) {
    %c0_i32 = arith.constant 0 : i32
    %c0_i32_0 = arith.constant 0 : i32
    %c0_i32_1 = arith.constant 0 : i32
    return %c0_i32, %c0_i32_0 : i32, i32
  }
  func.func @transform_12(%arg0: i32) -> (i32, i32) {
    %c0_i32 = arith.constant 0 : i32
    %c0_i32_0 = arith.constant 0 : i32
    %c0_i32_1 = arith.constant 0 : i32
    return %c0_i32, %c0_i32_0 : i32, i32
  }
  func.func @transform_13(%arg0: i32) -> (i32, i32) {
    %c0_i32 = arith.constant 0 : i32
    %c0_i32_0 = arith.constant 0 : i32
    %c0_i32_1 = arith.constant 0 : i32
    return %c0_i32, %c0_i32_0 : i32, i32
  }
  func.func @transform_14(%arg0: i32) -> (i32, i32) {
    %c0_i32 = arith.constant 0 : i32
    %c0_i32_0 = arith.constant 0 : i32
    %c0_i32_1 = arith.constant 0 : i32
    return %c0_i32, %c0_i32_0 : i32, i32
  }
  func.func @transform_15(%arg0: i32) -> (i32, i32) {
    %c0_i32 = arith.constant 0 : i32
    %c0_i32_0 = arith.constant 0 : i32
    %c0_i32_1 = arith.constant 0 : i32
    return %c0_i32, %c0_i32_0 : i32, i32
  }
}

</mosaic_0001>

<sc_bundles>
// kernel: kernel.11.cloned.1.call-start
scs
__scs_entry_jumppad:
0x0: {  	(pc) =	sbr.rel $0x88, $3  }
0x1: {  	(tag) =	ssettag $0x0;
	lr =	simm.s32 $0x1  }
0x2: {  	[smem:$0x3F91] =	sst lr;
	_ =	strace $0xD0000000  }
0x3: {  	_ = 	snop  }
0x4: {  	_ = 	snop  }
0x5: {  	_ = 	snop  }
0x6: {  	_ = 	snop  }
0x7: {  	_ = 	snop  }
__scs_overlays_trampoline_lowered:
0x8: {  	[smem:$0x3FA0] =	sst s0  }
0x9: {  	[smem:$0x3FA1] =	sst s1  }
0xa: {  	[smem:$0x3FA2] =	sst s2  }
0xb: {  	[smem:$0x3FA3] =	sst s3  }
0xc: {  	[smem:$0x3FA4] =	sst s4  }
0xd: {  	[smem:$0x3FA5] =	sst s5  }
0xe: {  	[smem:$0x3FA6] =	sst s6  }
0xf: {  	[smem:$0x3FA7] =	sst s7  }
0x10: {  	[smem:$0x3FA8] =	sst s8  }
0x11: {  	[smem:$0x3FA9] =	sst s9;
	s0 =	simm.s32 @!p0 $0x0  }
0x12: {  	s1 =	sld [smem:$0x3F8F];
	s0 =	simm.s32 @p0 $0x1  }
0x13: {  	[smem:$0x3FAA] =	sst s0;
	s0 =	simm.s32 @!p1 $0x0  }
0x14: {  	s2 =	sld [smem:$0x3F8E];
	s0 =	simm.s32 @p1 $0x1  }
0x15: {  	[smem:$0x3FAB] =	sst s0;
	s0 =	simm.s32 @!p2 $0x0  }
0x16: {  	s3 =	sld [smem:$0x3FDB];
	s0 =	simm.s32 @p2 $0x1  }
0x17: {  	s4 =	simm.s32 $0x1BF5;
	[smem:$0x3FAD] =	sst s0  }
0x18: {  	s0 =	sld [smem:$0x3F90];
	_ =	swait.ge [sflag:s4], $0x0  }
0x19: {  	s7 =	sld [smem:$0x3F91]  }
0x1a: {  	s8 =	sadd.s32 $0xFFFFE003, lr  }
0x1b: {  	s9 =	sadd.s32 $0xFFFFFEF7, lr;
	s5 =	simm.s32 $0xFFFFFFFF;
	p2 =	slt.u32 s8, $0xFFFFF086  }
0x1c: {  	p1 =	slt.u32 s9, $0xF7A;
	s5 =	simm.s32 @!p2 $0x0  }
0x1d: {  	s5 =	simm.s32 @p1 $0x1;
	p0 =	seq.s32 s7, s2  }
0x1e: {  	s7 =	smul.u32 @!p0 $0xF7A, s2;
	p2 =	seq.s32 @!p0 s5, $0x0  }
0x1f: {  	s9 =	smul.u32 $0xF7A, s1;
	s8 =	simm.s32 @!p0 $0x1BF5;
	p2 =	por !p2, p0  }
0x20: {  	[sflag:s8] =	ssyncset.s32 @!p0 $0xFFFFF086;
	s6 =	sadd.s32 @!p0 s3, s7;
	s7 =	simm.s32 @!p0 $0x108  }
0x21: {  	s3 =	sadd.s32 s3, s9;
	s6 =	sadd.s32 @!p0 $0x88, s6;
	s7 =	simm.s32 @p2 $0x1082  }
0x22: {  	[simem:s7], [sflag:s8] =	dma.local @!p0 [hbm:s6], $0xF7A  }
0x23: {  	s9 =	sor.u32 $0xD0000000, s2;
	s6 =	simm.s32 $0x108;
	_ =	swait.ge @!p0 [sflag:s8], $0x0  }
0x24: {  	s3 =	sadd.s32 $0x88, s3;
	s6 =	simm.s32 @!p1 $0x1082;
	[sflag:s4] =	ssyncset.s32 $0xFFFFF086  }
0x25: {  	[simem:s6], [sflag:s4] =	dma.local [hbm:s3], $0xF7A  }
0x26: {  	[smem:$0x3F91] =	sst s1;
	(tag) =	ssettag s2;
	_ =	strace s9  }
0x27: {  	s1 =	sld [smem:$0x3FA1]  }
0x28: {  	s2 =	sld [smem:$0x3FA2]  }
0x29: {  	s4 =	sld [smem:$0x3FA4]  }
0x2a: {  	p0 =	seq.s32 s5, $0x0;
	s5 =	sld [smem:$0x3FA5]  }
0x2b: {  	s6 =	sld [smem:$0x3FA6]  }
0x2c: {  	s7 =	sld [smem:$0x3FA7]  }
0x2d: {  	s3 =	simm.s32 $0x108;
	s8 =	sld [smem:$0x3FA8]  }
0x2e: {  	s3 =	simm.s32 @!p0 $0x1082;
	s9 =	sld [smem:$0x3FA9]  }
0x2f: {  	lr =	sadd.s32 s0, s3;
	s0 =	sld [smem:$0x3FA0]  }
0x30: {  	s3 =	sld [smem:$0x3FA3]  }
0x31: {  	[smem:$0x3FAC] =	sst s10  }
0x32: {  	s10 =	sld [smem:$0x3FAA];
	_ =	sdelay $0x3  }
0x33: {  	p0 =	seq.s32 s10, $0x1;
	s10 =	sld [smem:$0x3FAC];
	_ =	sdelay $0x3  }
0x34: {  	[smem:$0x3FAC] =	sst s10  }
0x35: {  	s10 =	sld [smem:$0x3FAB];
	_ =	sdelay $0x3  }
0x36: {  	p1 =	seq.s32 s10, $0x1;
	s10 =	sld [smem:$0x3FAC];
	_ =	sdelay $0x3  }
0x37: {  	[smem:$0x3FAC] =	sst s10  }
0x38: {  	s10 =	sld [smem:$0x3FAD]  }
0x39: {  	_ = 	snop;
	(pc) =	sbr.ind lr, $3  }
0x3a: {  	_ = 	snop  }
0x3b: {  	_ = 	snop  }
0x3c: {  	p2 =	seq.s32 s10, $0x1;
	s10 =	sld [smem:$0x3FAC]  }
0x3d: {  	_ =	shalt  }
0x3e: {  	_ =	shalt  }
0x3f: {  	_ =	shalt  }
0x40: {  	_ =	shalt  }
0x41: {  	_ =	shalt  }
0x42: {  	_ =	shalt  }
0x43: {  	_ =	shalt  }
0x44: {  	_ =	shalt  }
0x45: {  	_ =	shalt  }
0x46: {  	_ =	shalt  }
0x47: {  	_ =	shalt  }
0x48: {  	_ =	shalt  }
0x49: {  	_ =	shalt  }
0x4a: {  	_ =	shalt  }
0x4b: {  	_ =	shalt  }
0x4c: {  	_ =	shalt  }
0x4d: {  	_ =	shalt  }
0x4e: {  	_ =	shalt  }
0x4f: {  	_ =	shalt  }
0x50: {  	_ =	shalt  }
0x51: {  	_ =	shalt  }
0x52: {  	_ =	shalt  }
0x53: {  	_ =	shalt  }
0x54: {  	_ =	shalt  }
0x55: {  	_ =	shalt  }
0x56: {  	_ =	shalt  }
0x57: {  	_ =	shalt  }
0x58: {  	_ =	shalt  }
0x59: {  	_ =	shalt  }
0x5a: {  	_ =	shalt  }
0x5b: {  	_ =	shalt  }
0x5c: {  	_ =	shalt  }
0x5d: {  	_ =	shalt  }
0x5e: {  	_ =	shalt  }
0x5f: {  	_ =	shalt  }
0x60: {  	_ =	shalt  }
0x61: {  	_ =	shalt  }
0x62: {  	_ =	shalt  }
0x63: {  	_ =	shalt  }
0x64: {  	_ =	shalt  }
0x65: {  	_ =	shalt  }
0x66: {  	_ =	shalt  }
0x67: {  	_ =	shalt  }
0x68: {  	_ =	shalt  }
0x69: {  	_ =	shalt  }
0x6a: {  	_ =	shalt  }
0x6b: {  	_ =	shalt  }
0x6c: {  	_ =	shalt  }
0x6d: {  	_ =	shalt  }
0x6e: {  	_ =	shalt  }
0x6f: {  	_ =	shalt  }
0x70: {  	_ =	shalt  }
0x71: {  	_ =	shalt  }
0x72: {  	_ =	shalt  }
0x73: {  	_ =	shalt  }
0x74: {  	_ =	shalt  }
0x75: {  	_ =	shalt  }
0x76: {  	_ =	shalt  }
0x77: {  	_ =	shalt  }
0x78: {  	_ =	shalt  }
0x79: {  	_ =	shalt  }
0x7a: {  	_ =	shalt  }
0x7b: {  	_ =	shalt  }
0x7c: {  	_ =	shalt  }
0x7d: {  	_ =	shalt  }
0x7e: {  	_ =	shalt  }
0x7f: {  	_ =	shalt  }
0x80: {  	_ =	shalt  }
0x81: {  	_ =	shalt  }
0x82: {  	_ =	shalt  }
0x83: {  	_ =	shalt  }
0x84: {  	_ =	shalt  }
0x85: {  	_ =	shalt  }
0x86: {  	_ =	shalt  }
0x87: {  	_ =	shalt  }
.Lfunc_end0:
.L_simem_size_0:
called_computation_lowered:
.L_overlay_start_0:
0x88: {  	s2 =	sld [smem:$0x3FD9]  }
0x89: {  	s3 =	sld [smem:$0x3FFE];
	_ =	sdelay $0x1  }
0x8a: {  	s1 =	srdreg.scid  }
0x8b: {  	s0 =	sand.u32 $0x1, s1  }
0x8c: {  	s16 =	sshll.u32 s0, $0xA;
	s2 =	sadd.s32 s3, s2  }
0x8d: {  	s2 =	sadd.s32 s2, s16  }
0x8e: {  	[smem:$0x3FB8] =	sst s2  }
0x8f: {  	_ = 	snop  }
0x90: {  	(tm) =	ssettm $0x1  }
0x91: {  	s17 =	sld [smem:$0x3FFB];
	_ =	sdelay $0x3  }
0x92: {  	_ =	strace s17  }
0x93: {  	s2 =	sld [smem:$0x3FFC];
	_ =	sdelay $0x3  }
0x94: {  	_ =	strace s2  }
0x95: {  	s2 =	sld [smem:$0x3FFD];
	_ =	sdelay $0x3  }
0x96: {  	_ =	strace s2  }
0x97: {  	_ =	strace $0x8FFFFFFF  }
0x98: {  	s18 =	sld [smem:$0x3FDB];
	_ =	sdelay $0x1  }
0x99: {  	s19 =	simm.s32 $_scs_section_size  }
0x9a: {  	s4 =	simm.s32 $_size__tile_overlayer_lowered;
	s5 =	simm.s32 $_tile_overlayer_lowered  }
0x9b: {  	s22 =	simm.s32 $0x1BFF;
	s21 =	sshll.u32 s5, $0x1;
	s2 =	sadd.s32 s19, s18  }
0x9c: {  	s6 =	simm.s32 $0x0;
	s20 =	sshll.u32 s4, $0x1;
	s4 =	sadd.s32 s21, s2  }
0x9d: {  	[timem:s6], [sflag:s22] =	dma.local [hbm:s4], s20  }
0x9e: {  	_ =	swait.ge [sflag:s22], s20  }
0x9f: {  	s3 =	ssub.s32 $0x0, s20;
	[sflag:s22] =	ssyncset.done $0x0  }
0xa0: {  	[sflag:s22] =	ssyncadd.s32 s3;
	_ =	sdelay $0x1  }
0xa1: {  	s23 =	simm.s32 $0x1B8B  }
0xa2: {  	_ =	swait.ge [sflag:s23], $0x1  }
0xa3: {  	[sflag:s23] =	ssyncset.done $0x0  }
0xa4: {  	s25 =	simm.s32 $0x1B8E;
	s24 =	sld [smem:$0x3FFE];
	[sflag:s23] =	ssyncadd.s32 $0xFFFFFFFF  }
0xa5: {  	s26 =	simm.s32 $execute0_lowered;
	[smem:$0x3FD2] =	sst s25  }
0xa6: {  	s4 =	sshll.u32 s26, $0x1;
	_ =	strace $0x80000046;
	[dreg:$0x1] =	wrdreg $0xFFFFFFFF  }
0xa7: {  	s28 =	simm.s32 $_size_execute0_lowered;
	s2 =	sadd.s32 s2, s4;
	[dreg:$0x0] =	wrdreg $0x0  }
0xa8: {  	s4 =	sshll.u32 s28, $0x1;
	[dreg:$0x2] =	wrdreg s2  }
0xa9: {  	[dreg:$0x3] =	wrdreg s4  }
0xaa: {  	[dreg:$0x4] =	wrdreg $0xC0  }
0xab: {  	_ =	task [dreg:s6], $0x5FFFF  }
0xac: {  	[dreg:$0x1] =	wrdreg $0xFFFFFFFF  }
0xad: {  	[dreg:$0x0] =	wrdreg $0x60  }
0xae: {  	[dreg:$0x2] =	wrdreg s24  }
0xaf: {  	[dreg:$0x3] =	wrdreg $0x2B000  }
0xb0: {  	[dreg:$0x4] =	wrdreg $0x9  }
0xb1: {  	_ =	task.clear_ibuf [dreg:s6], $0x5FFFF;
	_ =	strace $0x90000046  }
0xb2: {  	s29 =	simm.s32 $0x9;
	_ =	strace $0x80000048  }
0xb3: {  	_ =	swait.ge [sflag:s29], $0x1  }
0xb4: {  	[sflag:s29] =	ssyncadd.s32 $0xFFFFFFFF  }
0xb5: {  	_ =	strace $0x90000048  }
0xb6: {  	_ =	sfence  }
0xb7: {  	s30 =	sld [smem:$0x0];
	_ =	sdelay $0x2  }
0xb8: {  	s31 =	sshll.u32 s1, $0xD;
	s1 =	sshrl.u32 s1, $0x2  }
0xb9: {  	s3 =	sand.u32 $0x4000, s31;
	s1 =	sadd.s32 s1, s30  }
0xba: {  	s0 =	sor.u32 s3, s0;
	s1 =	sshll.u32 s1, $0x11  }
0xbb: {  	s0 =	sor.u32 s1, s0  }
0xbc: {  	s0 =	sadd.s32 $0x8F2B, s0  }
0xbd: {  	[sflag:s0] =	ssyncadd.remote.s32 $0x1  }
0xbe: {  	_ =	sfence.sel $0xFFFF  }
0xbf: {  	[dreg:$0x0] =	wrdreg $0xFFFFFFFF;
	(pc) =	sbr.abs _section_cstart, $3  }
0xc0: {  	[dreg:$0x1] =	wrdreg $0xFFFFFFFF  }
0xc1: {  	_ =	task.clear_ibuf [dreg:s6], $0x2FFFF;
	_ =	strace $0x9FFFFFFF  }
0xc2: {  	(tm) =	ssettm $0x7FFFFFFF  }
0xc3: {  	_ =	shalt  }
tec
execute0_lowered:
.L_overlay_start_1:
0x0: {  	(tag) =	ssettag $0x1  }
0x1: {  	s4 =	rddreg [dreg:$0x0]  }
0x2: {  	s2 =	rddreg [dreg:$0x1];
	s3 =	srdreg.scid  }
0x3: {  	s1 =	stileid.u32;
	s0 =	rddreg [dreg:$0x2];
	s10 =	simm.s32 $0x80  }
0x4: {  	s11 =	simm.s32 $0x2800;
	s5 =	sand.u32 $0x1, s3;
	s6 =	smul.u32 $0x280, s1  }
0x5: {  	s3 =	simm.s32 $0x0;
	s7 =	sshll.u32 s5, $0x4;
	s8 =	smul.u32 $0x2800, s5  }
0x6: {  	s12 =	simm.s32 $0x0;
	[smem:$0x7FF] =	sst s3;
	s7 =	sor.u32 s1, s7  }
0x7: {  	s5 =	ssub.s32 $0x2, s5;
	s7 =	smul.u32 $0x500, s7;
	s8 =	sadd.s32 s6, s8  }
0x8: {  	_ =	strace $0x80000047;
	s9 =	sshrl.u32 s5, $0x1;
	s8 =	sshrl.u32 s8, $0x3  }
0x9: {  	s9 =	ssub.s32 s5, s9;
	s7 =	sadd.s32 s7, s4;
	s8 =	sadd.s32 s8, s4  }
0xa: {  	s5 =	sadd.s32 s6, s2;
	s4 =	sadd.s32 $0x4800, s7;
	s6 =	sadd.s32 $0x18800, s8  }
0xb: {  	v0 =	vimm.f32 $0.0e+00;
	v1 =	vimm.f32 $1.000000000e+00;
	s7 =	smax.u32 s9, $0x1;
	s8 =	simm.s32 $0x1;
	s9 =	simm.s32 $0x2880  }
.LBB2_1:
0xc: {  	[tilespmem:$0x2880] =	vst v0  }
0xd: {  	[tilespmem:$0x2890] =	vst v0  }
0xe: {  	[tilespmem:$0x28A0] =	vst v0  }
0xf: {  	[tilespmem:$0x28B0] =	vst v0  }
0x10: {  	[tilespmem:$0x28C0] =	vst v0  }
0x11: {  	[tilespmem:$0x28D0] =	vst v0  }
0x12: {  	[tilespmem:$0x28E0] =	vst v0  }
0x13: {  	[tilespmem:$0x28F0] =	vst v0  }
0x14: {  	[tilespmem:$0x2900] =	vst v0  }
0x15: {  	[tilespmem:$0x2910] =	vst v0  }
0x16: {  	[tilespmem:$0x2920] =	vst v0  }
0x17: {  	[tilespmem:$0x2930] =	vst v0  }
0x18: {  	[tilespmem:$0x2940] =	vst v0  }
0x19: {  	[tilespmem:$0x2950] =	vst v0  }
0x1a: {  	[tilespmem:$0x2960] =	vst v0  }
0x1b: {  	[tilespmem:$0x2970] =	vst v0  }
0x1c: {  	[tilespmem:$0x2980] =	vst v0  }
0x1d: {  	[tilespmem:$0x2990] =	vst v0  }
0x1e: {  	[tilespmem:$0x29A0] =	vst v0  }
0x1f: {  	[tilespmem:$0x29B0] =	vst v0  }
0x20: {  	[tilespmem:$0x29C0] =	vst v0  }
0x21: {  	[tilespmem:$0x29D0] =	vst v0  }
0x22: {  	[tilespmem:$0x29E0] =	vst v0  }
0x23: {  	[tilespmem:$0x29F0] =	vst v0  }
0x24: {  	[tilespmem:$0x2A00] =	vst v0  }
0x25: {  	[tilespmem:$0x2A10] =	vst v0  }
0x26: {  	[tilespmem:$0x2A20] =	vst v0  }
0x27: {  	[tilespmem:$0x2A30] =	vst v0  }
0x28: {  	[tilespmem:$0x2A40] =	vst v0  }
0x29: {  	[tilespmem:$0x2A50] =	vst v0  }
0x2a: {  	[tilespmem:$0x2A60] =	vst v0  }
0x2b: {  	[tilespmem:$0x2A70] =	vst v0  }
0x2c: {  	[tilespmem:$0x2A80] =	vst v0  }
0x2d: {  	[tilespmem:$0x2A90] =	vst v0  }
0x2e: {  	[tilespmem:$0x2AA0] =	vst v0  }
0x2f: {  	[tilespmem:$0x2AB0] =	vst v0  }
0x30: {  	[tilespmem:$0x2AC0] =	vst v0  }
0x31: {  	[tilespmem:$0x2AD0] =	vst v0  }
0x32: {  	[tilespmem:$0x2AE0] =	vst v0  }
0x33: {  	[tilespmem:$0x2AF0] =	vst v0  }
0x34: {  	[tilespmem:$0x2800] =	vst v1  }
0x35: {  	[tilespmem:$0x2810] =	vst v1  }
0x36: {  	[tilespmem:$0x2820] =	vst v1  }
0x37: {  	[tilespmem:$0x2830] =	vst v1  }
0x38: {  	[tilespmem:$0x2840] =	vst v1  }
0x39: {  	[tilespmem:$0x2850] =	vst v1  }
0x3a: {  	[tilespmem:$0x2860] =	vst v1  }
0x3b: {  	[tilespmem:$0x2870] =	vst v1  }
0x3c: {  	[tilespmem:s3], [sflag:$0x1] =	stream.linear.gather [hbm4b:s4+s3], $0x2800, $0x38;
	[tilespmem:$0x2D80] =	vst v63  }
0x3d: {  	_ =	swait.ge [sflag:s8], $0x2800  }
0x3e: {  	[sflag:s8] =	ssyncset.done $0x0  }
0x3f: {  	[sflag:s8] =	ssyncadd.s32 $0xFFFFD800  }
0x40: {  	[spmem:s5] =	stream.linear.scatter [tilespmem:s9], [sflag:$0x1], $0x280, $0x38;
	[tilespmem:$0x2D80] =	vst v63  }
0x41: {  	_ =	swait.ge [sflag:s8], $0x280  }
0x42: {  	[sflag:s8] =	ssyncset.done $0x0  }
0x43: {  	[sflag:s8] =	ssyncadd.s32 $0xFFFFFD80  }
0x44: {  	s13 =	simm.s32 $0x0;
	[bflag:$0x0] =	sbarrier.arrive $0xFFFF  }
0x45: {  	[spmem:s2] =	stream.indirect.scatter.add.f32 [tilespmem:s11], [sflag:$0x1], $0x1, s13, s10, $0xb8;
	[tilespmem:$0x2D80] =	vst v63  }
0x46: {  	_ =	swait.ge [sflag:s8], $0x80  }
0x47: {  	s13 =	simm.s32 $0x200;
	[sflag:s8] =	ssyncset.done $0x0  }
.LBB2_2:
0x48: {  	s14 =	sshra.s32 s13, $0x2;
	[sflag:s8] =	ssyncadd.s32 $0xFFFFFF80;
	p0 =	sne.s32 s13, $0x9E00  }
0x49: {  	[spmem:s2] =	stream.indirect.scatter.add.f32 [tilespmem:s11], [sflag:$0x1], $0x1, s14, s10, $0xb8;
	[tilespmem:$0x2D80] =	vst v63  }
.Ltmp0:
0x4a: {  	_ = 	snop;
	(pc) =	sbr.rel @p0 .LBB2_2-.Ltmp0, $4  }
0x4b: {  	_ = 	snop  }
0x4c: {  	s13 =	sadd.s32 $0x200, s13  }
0x4d: {  	_ =	swait.ge [sflag:s8], $0x80  }
0x4e: {  	[sflag:s8] =	ssyncset.done $0x0  }
0x4f: {  	[sflag:s8] =	ssyncadd.s32 $0xFFFFFF80  }
0x50: {  	[bflag:$0x0] =	sbarrier.arrive $0xFFFF  }
0x51: {  	[tilespmem:s9], [sflag:$0x1] =	stream.linear.gather [spmem:s5], $0x280, $0x38;
	[tilespmem:$0x2D80] =	vst v63  }
0x52: {  	s12 =	sadd.s32 $0x1, s12;
	_ =	swait.ge [sflag:s8], $0x280  }
0x53: {  	p0 =	sne.s32 s12, s7;
	[sflag:s8] =	ssyncset.done $0x0  }
.Ltmp1:
0x54: {  	[sflag:s8] =	ssyncadd.s32 $0xFFFFFD80;
	(pc) =	sbr.rel @p0 .LBB2_1-.Ltmp1, $4  }
0x55: {  	[hbm4b:s6+s3] =	stream.linear.scatter [tilespmem:s9], [sflag:$0x1], $0x280, $0x38;
	[tilespmem:$0x2D80] =	vst v63  }
0x56: {  	_ =	swait.ge [sflag:s8], $0x280  }
0x57: {  	[sflag:s8] =	ssyncset.done $0x0  }
0x58: {  	[sflag:s8] =	ssyncadd.s32 $0xFFFFFD80  }
0x59: {  	_ =	sfence.sel $0x180000  }
0x5a: {  	[bflag:$0x0] =	sbarrier.arrive $0xFFFF  }
0x5b: {  	p0 =	sne.s32 s1, $0x0;
	_ =	strace $0x90000047  }
0x5c: {  	s0 =	sadd.s32 @!p0 $0x100000, s0;
	[bflag:$0x2] =	sbarrier.arrive $0xFFFF  }
0x5d: {  	[sflag:s0] =	ssyncadd.tile.s32 @!p0 $0x1;
	_ =	shalt  }
.Lfunc_end2:
_tile_overlayer_lowered:
.L_overlay_start_2:
0x5e: {  	(tag) =	ssettag $0x2  }
0x5f: {  	s0 =	rddreg [dreg:$0x0];
	s2 =	stileid.u32  }
0x60: {  	s1 =	rddreg [dreg:$0x1];
	p0 =	sne.s32 s2, $0x0  }
0x61: {  	s3 =	rddreg [dreg:$0x2];
	[bflag:$0x3] =	sbarrier.arrive $0xFFFF;
	s2 =	simm.s32 @!p0 $0x1C01  }
0x62: {  	[timem:s3], [sflag:s2] =	dma.local @!p0 [hbm:s0], s1  }
0x63: {  	s0 =	simm.s32 @!p0 $0x1  }
0x64: {  	_ =	swait.ge @!p0 [sflag:s0], s1  }
0x65: {  	s1 =	ssub.s32 @!p0 $0x0, s1;
	[sflag:s0] =	ssyncset.done @!p0 $0x0  }
0x66: {  	[sflag:s0] =	ssyncadd.s32 @!p0 s1  }
0x67: {  	[bflag:$0x3] =	sbarrier.arrive $0xFFFF  }
0x68: {  	_ =	shalt  }

// kernel: kernel.14.cloned.1.call-start
scs
__scs_entry_jumppad:
0x0: {  	(pc) =	sbr.rel $0x88, $3  }
0x1: {  	(tag) =	ssettag $0x0;
	lr =	simm.s32 $0x1  }
0x2: {  	[smem:$0x3F91] =	sst lr;
	_ =	strace $0xD0000000  }
0x3: {  	_ = 	snop  }
0x4: {  	_ = 	snop  }
0x5: {  	_ = 	snop  }
0x6: {  	_ = 	snop  }
0x7: {  	_ = 	snop  }
__scs_overlays_trampoline_lowered:
0x8: {  	[smem:$0x3FA0] =	sst s0  }
0x9: {  	[smem:$0x3FA1] =	sst s1  }
0xa: {  	[smem:$0x3FA2] =	sst s2  }
0xb: {  	[smem:$0x3FA3] =	sst s3  }
0xc: {  	[smem:$0x3FA4] =	sst s4  }
0xd: {  	[smem:$0x3FA5] =	sst s5  }
0xe: {  	[smem:$0x3FA6] =	sst s6  }
0xf: {  	[smem:$0x3FA7] =	sst s7  }
0x10: {  	[smem:$0x3FA8] =	sst s8  }
0x11: {  	[smem:$0x3FA9] =	sst s9;
	s0 =	simm.s32 @!p0 $0x0  }
0x12: {  	s1 =	sld [smem:$0x3F8F];
	s0 =	simm.s32 @p0 $0x1  }
0x13: {  	[smem:$0x3FAA] =	sst s0;
	s0 =	simm.s32 @!p1 $0x0  }
0x14: {  	s2 =	sld [smem:$0x3F8E];
	s0 =	simm.s32 @p1 $0x1  }
0x15: {  	[smem:$0x3FAB] =	sst s0;
	s0 =	simm.s32 @!p2 $0x0  }
0x16: {  	s3 =	sld [smem:$0x3FDB];
	s0 =	simm.s32 @p2 $0x1  }
0x17: {  	s4 =	simm.s32 $0x1BF5;
	[smem:$0x3FAD] =	sst s0  }
0x18: {  	s0 =	sld [smem:$0x3F90];
	_ =	swait.ge [sflag:s4], $0x0  }
0x19: {  	s7 =	sld [smem:$0x3F91]  }
0x1a: {  	s8 =	sadd.s32 $0xFFFFE003, lr  }
0x1b: {  	s9 =	sadd.s32 $0xFFFFFEF7, lr;
	s5 =	simm.s32 $0xFFFFFFFF;
	p2 =	slt.u32 s8, $0xFFFFF086  }
0x1c: {  	p1 =	slt.u32 s9, $0xF7A;
	s5 =	simm.s32 @!p2 $0x0  }
0x1d: {  	s5 =	simm.s32 @p1 $0x1;
	p0 =	seq.s32 s7, s2  }
0x1e: {  	s7 =	smul.u32 @!p0 $0xF7A, s2;
	p2 =	seq.s32 @!p0 s5, $0x0  }
0x1f: {  	s9 =	smul.u32 $0xF7A, s1;
	s8 =	simm.s32 @!p0 $0x1BF5;
	p2 =	por !p2, p0  }
0x20: {  	[sflag:s8] =	ssyncset.s32 @!p0 $0xFFFFF086;
	s6 =	sadd.s32 @!p0 s3, s7;
	s7 =	simm.s32 @!p0 $0x108  }
0x21: {  	s3 =	sadd.s32 s3, s9;
	s6 =	sadd.s32 @!p0 $0x88, s6;
	s7 =	simm.s32 @p2 $0x1082  }
0x22: {  	[simem:s7], [sflag:s8] =	dma.local @!p0 [hbm:s6], $0xF7A  }
0x23: {  	s9 =	sor.u32 $0xD0000000, s2;
	s6 =	simm.s32 $0x108;
	_ =	swait.ge @!p0 [sflag:s8], $0x0  }
0x24: {  	s3 =	sadd.s32 $0x88, s3;
	s6 =	simm.s32 @!p1 $0x1082;
	[sflag:s4] =	ssyncset.s32 $0xFFFFF086  }
0x25: {  	[simem:s6], [sflag:s4] =	dma.local [hbm:s3], $0xF7A  }
0x26: {  	[smem:$0x3F91] =	sst s1;
	(tag) =	ssettag s2;
	_ =	strace s9  }
0x27: {  	s1 =	sld [smem:$0x3FA1]  }
0x28: {  	s2 =	sld [smem:$0x3FA2]  }
0x29: {  	s4 =	sld [smem:$0x3FA4]  }
0x2a: {  	p0 =	seq.s32 s5, $0x0;
	s5 =	sld [smem:$0x3FA5]  }
0x2b: {  	s6 =	sld [smem:$0x3FA6]  }
0x2c: {  	s7 =	sld [smem:$0x3FA7]  }
0x2d: {  	s3 =	simm.s32 $0x108;
	s8 =	sld [smem:$0x3FA8]  }
0x2e: {  	s3 =	simm.s32 @!p0 $0x1082;
	s9 =	sld [smem:$0x3FA9]  }
0x2f: {  	lr =	sadd.s32 s0, s3;
	s0 =	sld [smem:$0x3FA0]  }
0x30: {  	s3 =	sld [smem:$0x3FA3]  }
0x31: {  	[smem:$0x3FAC] =	sst s10  }
0x32: {  	s10 =	sld [smem:$0x3FAA];
	_ =	sdelay $0x3  }
0x33: {  	p0 =	seq.s32 s10, $0x1;
	s10 =	sld [smem:$0x3FAC];
	_ =	sdelay $0x3  }
0x34: {  	[smem:$0x3FAC] =	sst s10  }
0x35: {  	s10 =	sld [smem:$0x3FAB];
	_ =	sdelay $0x3  }
0x36: {  	p1 =	seq.s32 s10, $0x1;
	s10 =	sld [smem:$0x3FAC];
	_ =	sdelay $0x3  }
0x37: {  	[smem:$0x3FAC] =	sst s10  }
0x38: {  	s10 =	sld [smem:$0x3FAD]  }
0x39: {  	_ = 	snop;
	(pc) =	sbr.ind lr, $3  }
0x3a: {  	_ = 	snop  }
0x3b: {  	_ = 	snop  }
0x3c: {  	p2 =	seq.s32 s10, $0x1;
	s10 =	sld [smem:$0x3FAC]  }
0x3d: {  	_ =	shalt  }
0x3e: {  	_ =	shalt  }
0x3f: {  	_ =	shalt  }
0x40: {  	_ =	shalt  }
0x41: {  	_ =	shalt  }
0x42: {  	_ =	shalt  }
0x43: {  	_ =	shalt  }
0x44: {  	_ =	shalt  }
0x45: {  	_ =	shalt  }
0x46: {  	_ =	shalt  }
0x47: {  	_ =	shalt  }
0x48: {  	_ =	shalt  }
0x49: {  	_ =	shalt  }
0x4a: {  	_ =	shalt  }
0x4b: {  	_ =	shalt  }
0x4c: {  	_ =	shalt  }
0x4d: {  	_ =	shalt  }
0x4e: {  	_ =	shalt  }
0x4f: {  	_ =	shalt  }
0x50: {  	_ =	shalt  }
0x51: {  	_ =	shalt  }
0x52: {  	_ =	shalt  }
0x53: {  	_ =	shalt  }
0x54: {  	_ =	shalt  }
0x55: {  	_ =	shalt  }
0x56: {  	_ =	shalt  }
0x57: {  	_ =	shalt  }
0x58: {  	_ =	shalt  }
0x59: {  	_ =	shalt  }
0x5a: {  	_ =	shalt  }
0x5b: {  	_ =	shalt  }
0x5c: {  	_ =	shalt  }
0x5d: {  	_ =	shalt  }
0x5e: {  	_ =	shalt  }
0x5f: {  	_ =	shalt  }
0x60: {  	_ =	shalt  }
0x61: {  	_ =	shalt  }
0x62: {  	_ =	shalt  }
0x63: {  	_ =	shalt  }
0x64: {  	_ =	shalt  }
0x65: {  	_ =	shalt  }
0x66: {  	_ =	shalt  }
0x67: {  	_ =	shalt  }
0x68: {  	_ =	shalt  }
0x69: {  	_ =	shalt  }
0x6a: {  	_ =	shalt  }
0x6b: {  	_ =	shalt  }
0x6c: {  	_ =	shalt  }
0x6d: {  	_ =	shalt  }
0x6e: {  	_ =	shalt  }
0x6f: {  	_ =	shalt  }
0x70: {  	_ =	shalt  }
0x71: {  	_ =	shalt  }
0x72: {  	_ =	shalt  }
0x73: {  	_ =	shalt  }
0x74: {  	_ =	shalt  }
0x75: {  	_ =	shalt  }
0x76: {  	_ =	shalt  }
0x77: {  	_ =	shalt  }
0x78: {  	_ =	shalt  }
0x79: {  	_ =	shalt  }
0x7a: {  	_ =	shalt  }
0x7b: {  	_ =	shalt  }
0x7c: {  	_ =	shalt  }
0x7d: {  	_ =	shalt  }
0x7e: {  	_ =	shalt  }
0x7f: {  	_ =	shalt  }
0x80: {  	_ =	shalt  }
0x81: {  	_ =	shalt  }
0x82: {  	_ =	shalt  }
0x83: {  	_ =	shalt  }
0x84: {  	_ =	shalt  }
0x85: {  	_ =	shalt  }
0x86: {  	_ =	shalt  }
0x87: {  	_ =	shalt  }
.Lfunc_end0:
.L_simem_size_0:
called_computation.1_lowered:
.L_overlay_start_0:
0x88: {  	s2 =	sld [smem:$0x3FD9]  }
0x89: {  	s3 =	sld [smem:$0x3FFE];
	_ =	sdelay $0x1  }
0x8a: {  	s1 =	srdreg.scid  }
0x8b: {  	s0 =	sand.u32 $0x1, s1  }
0x8c: {  	s16 =	sshll.u32 s0, $0xA;
	s2 =	sadd.s32 s3, s2  }
0x8d: {  	s2 =	sadd.s32 s2, s16  }
0x8e: {  	[smem:$0x3FB8] =	sst s2  }
0x8f: {  	_ = 	snop  }
0x90: {  	(tm) =	ssettm $0x1  }
0x91: {  	s17 =	sld [smem:$0x3FFB];
	_ =	sdelay $0x3  }
0x92: {  	_ =	strace s17  }
0x93: {  	s2 =	sld [smem:$0x3FFC];
	_ =	sdelay $0x3  }
0x94: {  	_ =	strace s2  }
0x95: {  	s2 =	sld [smem:$0x3FFD];
	_ =	sdelay $0x3  }
0x96: {  	_ =	strace s2  }
0x97: {  	_ =	strace $0x8FFFFFFF  }
0x98: {  	s18 =	sld [smem:$0x3FDB];
	_ =	sdelay $0x1  }
0x99: {  	s19 =	simm.s32 $_scs_section_size  }
0x9a: {  	s4 =	simm.s32 $_size__tile_overlayer_lowered;
	s5 =	simm.s32 $_tile_overlayer_lowered  }
0x9b: {  	s22 =	simm.s32 $0x1BFF;
	s21 =	sshll.u32 s5, $0x1;
	s2 =	sadd.s32 s19, s18  }
0x9c: {  	s6 =	simm.s32 $0x0;
	s20 =	sshll.u32 s4, $0x1;
	s4 =	sadd.s32 s21, s2  }
0x9d: {  	[timem:s6], [sflag:s22] =	dma.local [hbm:s4], s20  }
0x9e: {  	_ =	swait.ge [sflag:s22], s20  }
0x9f: {  	s3 =	ssub.s32 $0x0, s20;
	[sflag:s22] =	ssyncset.done $0x0  }
0xa0: {  	[sflag:s22] =	ssyncadd.s32 s3;
	_ =	sdelay $0x1  }
0xa1: {  	s23 =	simm.s32 $0x1B8B  }
0xa2: {  	_ =	swait.ge [sflag:s23], $0x1  }
0xa3: {  	[sflag:s23] =	ssyncset.done $0x0  }
0xa4: {  	s25 =	simm.s32 $0x1B8E;
	s24 =	sld [smem:$0x3FFE];
	[sflag:s23] =	ssyncadd.s32 $0xFFFFFFFF  }
0xa5: {  	s26 =	simm.s32 $execute0_lowered;
	[smem:$0x3FD2] =	sst s25  }
0xa6: {  	s4 =	sshll.u32 s26, $0x1;
	_ =	strace $0x80000049;
	[dreg:$0x1] =	wrdreg $0xFFFFFFFF  }
0xa7: {  	s28 =	simm.s32 $_size_execute0_lowered;
	s2 =	sadd.s32 s2, s4;
	[dreg:$0x0] =	wrdreg $0x0  }
0xa8: {  	s4 =	sshll.u32 s28, $0x1;
	[dreg:$0x2] =	wrdreg s2  }
0xa9: {  	[dreg:$0x3] =	wrdreg s4  }
0xaa: {  	[dreg:$0x4] =	wrdreg $0xC0  }
0xab: {  	_ =	task [dreg:s6], $0x5FFFF  }
0xac: {  	[dreg:$0x1] =	wrdreg $0xFFFFFFFF  }
0xad: {  	[dreg:$0x0] =	wrdreg $0x60  }
0xae: {  	[dreg:$0x2] =	wrdreg s24  }
0xaf: {  	[dreg:$0x3] =	wrdreg $0xAD000  }
0xb0: {  	[dreg:$0x4] =	wrdreg $0x9  }
0xb1: {  	_ =	task.clear_ibuf [dreg:s6], $0x5FFFF;
	_ =	strace $0x90000049  }
0xb2: {  	s29 =	simm.s32 $0x9;
	_ =	strace $0x8000004B  }
0xb3: {  	_ =	swait.ge [sflag:s29], $0x1  }
0xb4: {  	[sflag:s29] =	ssyncadd.s32 $0xFFFFFFFF  }
0xb5: {  	_ =	strace $0x9000004B  }
0xb6: {  	_ =	sfence  }
0xb7: {  	s30 =	sld [smem:$0x0];
	_ =	sdelay $0x2  }
0xb8: {  	s31 =	sshll.u32 s1, $0xD;
	s1 =	sshrl.u32 s1, $0x2  }
0xb9: {  	s3 =	sand.u32 $0x4000, s31;
	s1 =	sadd.s32 s1, s30  }
0xba: {  	s0 =	sor.u32 s3, s0;
	s1 =	sshll.u32 s1, $0x11  }
0xbb: {  	s0 =	sor.u32 s1, s0  }
0xbc: {  	s0 =	sadd.s32 $0x8F2B, s0  }
0xbd: {  	[sflag:s0] =	ssyncadd.remote.s32 $0x1  }
0xbe: {  	_ =	sfence.sel $0xFFFF  }
0xbf: {  	[dreg:$0x0] =	wrdreg $0xFFFFFFFF;
	(pc) =	sbr.abs _section_cstart, $3  }
0xc0: {  	[dreg:$0x1] =	wrdreg $0xFFFFFFFF  }
0xc1: {  	_ =	task.clear_ibuf [dreg:s6], $0x2FFFF;
	_ =	strace $0x9FFFFFFF  }
0xc2: {  	(tm) =	ssettm $0x7FFFFFFF  }
0xc3: {  	_ =	shalt  }
tec
execute0_lowered:
.L_overlay_start_1:
0x0: {  	(tag) =	ssettag $0x1  }
0x1: {  	s0 =	srdreg.scid;
	s1 =	rddreg [dreg:$0x0]  }
0x2: {  	s2 =	rddreg [dreg:$0x1];
	s26 =	stileid.u32  }
0x3: {  	s3 =	simm.s32 $0x0;
	s15 =	simm.s32 $0xA900;
	s16 =	simm.s32 $0x2800  }
0x4: {  	s17 =	simm.s32 $0x2900;
	s18 =	simm.s32 $0x2880;
	s19 =	simm.s32 $0x80  }
0x5: {  	s20 =	simm.s32 $0x6900;
	s21 =	simm.s32 $0x3;
	s22 =	simm.s32 $0x1  }
0x6: {  	s23 =	simm.s32 $0x4;
	s24 =	simm.s32 $0x2;
	s28 =	simm.s32 $0x0  }
0x7: {  	s0 =	sand.u32 $0x1, s0;
	[smem:$0x7FF] =	sst s3;
	s7 =	smul.u32 $0x4F000, s26  }
0x8: {  	s5 =	sadd.s32 $0x18800, s1;
	s6 =	sadd.s32 $0x4800, s1;
	s12 =	smul.u32 $0x2780, s26  }
0x9: {  	s25 =	sadd.s32 $0x128400, s2;
	s4 =	sshll.u32 s0, $0x4;
	s10 =	smul.u32 $0x27100, s0  }
0xa: {  	s11 =	ssub.s32 $0x2, s0;
	s0 =	smul.u32 $0x138800, s0;
	s4 =	sor.u32 s26, s4  }
0xb: {  	p0 =	seq.s32 s26, $0xF;
	_ =	strace $0x8000004A;
	s4 =	smul.u32 $0x2800, s4  }
0xc: {  	s25 =	sshrl.u32 @p0 s25, $0x3;
	s13 =	sshrl.u32 s11, $0x1;
	s14 =	sshrl.u32 s7, $0x2  }
0xd: {  	s13 =	ssub.s32 s11, s13;
	s10 =	sadd.s32 s12, s10;
	s9 =	sshrl.u32 s4, $0x3  }
0xe: {  	s0 =	sshrl.u32 s0, $0x3;
	s12 =	smax.u32 s13, $0x1;
	s8 =	sadd.s32 s9, s1  }
0xf: {  	s1 =	sadd.s32 $0x3FA00, s1;
	s9 =	sadd.s32 s6, s9;
	s7 =	sadd.s32 $0xE800, s8  }
0x10: {  	s8 =	sadd.s32 s14, s2;
	s10 =	sadd.s32 s1, s10;
	s0 =	sadd.s32 s1, s0  }
0x11: {  	v0 =	vimm.f32 $0.0e+00;
	s13 =	sadd.s32 $0x4F0, s9;
	s14 =	simm.s32 $0x5;
	s11 =	sadd.s32 $0x25080, s0  }
.LBB2_1:
0x12: {  	[tilespmem:$0xA900] =	vst v0  }
0x13: {  	[tilespmem:$0xA910] =	vst v0  }
0x14: {  	[tilespmem:$0xA920] =	vst v0  }
0x15: {  	[tilespmem:$0xA930] =	vst v0  }
0x16: {  	[tilespmem:$0xA940] =	vst v0  }
0x17: {  	[tilespmem:$0xA950] =	vst v0  }
0x18: {  	[tilespmem:$0xA960] =	vst v0  }
0x19: {  	[tilespmem:$0xA970] =	vst v0  }
0x1a: {  	[tilespmem:$0xA980] =	vst v0  }
0x1b: {  	[tilespmem:$0xA990] =	vst v0  }
0x1c: {  	[tilespmem:$0xA9A0] =	vst v0  }
0x1d: {  	[tilespmem:$0xA9B0] =	vst v0  }
0x1e: {  	[tilespmem:$0xA9C0] =	vst v0  }
0x1f: {  	[tilespmem:$0xA9D0] =	vst v0  }
0x20: {  	[tilespmem:$0xA9E0] =	vst v0  }
0x21: {  	[tilespmem:$0xA9F0] =	vst v0  }
0x22: {  	[tilespmem:$0xAA00] =	vst v0  }
0x23: {  	[tilespmem:$0xAA10] =	vst v0  }
0x24: {  	[tilespmem:$0xAA20] =	vst v0  }
0x25: {  	[tilespmem:$0xAA30] =	vst v0  }
0x26: {  	[tilespmem:$0xAA40] =	vst v0  }
0x27: {  	[tilespmem:$0xAA50] =	vst v0  }
0x28: {  	[tilespmem:$0xAA60] =	vst v0  }
0x29: {  	[tilespmem:$0xAA70] =	vst v0  }
0x2a: {  	[tilespmem:$0xAA80] =	vst v0  }
0x2b: {  	[tilespmem:$0xAA90] =	vst v0  }
0x2c: {  	[tilespmem:$0xAAA0] =	vst v0  }
0x2d: {  	[tilespmem:$0xAAB0] =	vst v0  }
0x2e: {  	[tilespmem:$0xAAC0] =	vst v0  }
0x2f: {  	[tilespmem:$0xAAD0] =	vst v0  }
0x30: {  	[tilespmem:$0xAAE0] =	vst v0  }
0x31: {  	[tilespmem:$0xAAF0] =	vst v0  }
0x32: {  	[tilespmem:$0xAB00] =	vst v0  }
0x33: {  	[tilespmem:$0xAB10] =	vst v0  }
0x34: {  	[tilespmem:$0xAB20] =	vst v0  }
0x35: {  	[tilespmem:$0xAB30] =	vst v0  }
0x36: {  	[tilespmem:$0xAB40] =	vst v0  }
0x37: {  	[tilespmem:$0xAB50] =	vst v0  }
0x38: {  	[tilespmem:$0xAB60] =	vst v0  }
0x39: {  	[tilespmem:$0xAB70] =	vst v0  }
0x3a: {  	[tilespmem:$0xAB80] =	vst v0  }
0x3b: {  	[tilespmem:$0xAB90] =	vst v0  }
0x3c: {  	[tilespmem:$0xABA0] =	vst v0  }
0x3d: {  	[tilespmem:$0xABB0] =	vst v0  }
0x3e: {  	[tilespmem:$0xABC0] =	vst v0  }
0x3f: {  	[tilespmem:$0xABD0] =	vst v0  }
0x40: {  	[tilespmem:$0xABE0] =	vst v0  }
0x41: {  	[tilespmem:$0xABF0] =	vst v0  }
0x42: {  	[tilespmem:$0xAC00] =	vst v0  }
0x43: {  	[tilespmem:$0xAC10] =	vst v0  }
0x44: {  	[tilespmem:$0xAC20] =	vst v0  }
0x45: {  	[tilespmem:$0xAC30] =	vst v0  }
0x46: {  	[tilespmem:$0xAC40] =	vst v0  }
0x47: {  	[tilespmem:$0xAC50] =	vst v0  }
0x48: {  	[tilespmem:$0xAC60] =	vst v0  }
0x49: {  	[tilespmem:$0xAC70] =	vst v0  }
0x4a: {  	[tilespmem:$0xAC80] =	vst v0  }
0x4b: {  	[tilespmem:$0xAC90] =	vst v0  }
0x4c: {  	[tilespmem:$0xACA0] =	vst v0  }
0x4d: {  	[tilespmem:$0xACB0] =	vst v0  }
0x4e: {  	[tilespmem:$0xACC0] =	vst v0  }
0x4f: {  	[tilespmem:$0xACD0] =	vst v0  }
0x50: {  	[tilespmem:$0xACE0] =	vst v0  }
0x51: {  	[tilespmem:$0xACF0] =	vst v0  }
0x52: {  	[tilespmem:s3], [sflag:$0x5] =	stream.linear.gather [hbm4b:s7+s3], $0x2800, $0x38;
	[tilespmem:$0x1E900] =	vst v63  }
0x53: {  	_ =	swait.ge [sflag:s14], $0x2800  }
0x54: {  	[sflag:s14] =	ssyncset.done $0x0  }
0x55: {  	s0 =	sadd.s32 $0x0, s8;
	[sflag:s14] =	ssyncadd.s32 $0xFFFFD800  }
0x56: {  	[spmem:s0] =	stream.linear.scatter [tilespmem:s15], [sflag:$0x5], $0x400, $0x38;
	[tilespmem:$0x1E900] =	vst v63  }
0x57: {  	s0 =	simm.s32 $0x1000;
	_ =	swait.ge [sflag:s14], $0x400  }
.LBB2_2:
0x58: {  	s1 =	sshra.s32 s0, $0x2;
	[sflag:s14] =	ssyncset.done $0x0;
	p1 =	sne.s32 s0, $0x4E000  }
.Ltmp0:
0x59: {  	s1 =	sadd.s32 s1, s8;
	[sflag:s14] =	ssyncadd.s32 $0xFFFFFC00;
	(pc) =	sbr.rel @p1 .LBB2_2-.Ltmp0, $3  }
0x5a: {  	[spmem:s1] =	stream.linear.scatter [tilespmem:s15], [sflag:$0x5], $0x400, $0x38;
	[tilespmem:$0x1E900] =	vst v63  }
0x5b: {  	s0 =	sadd.s32 $0x1000, s0;
	_ =	sdelay $0x1  }
0x5c: {  	_ =	swait.ge [sflag:s14], $0x400  }
0x5d: {  	[sflag:s14] =	ssyncset.done $0x0;
	s0 =	simm.s32 $0x0  }
0x5e: {  	s1 =	simm.s32 $0x80;
	[sflag:s14] =	ssyncadd.s32 $0xFFFFFC00;
	s0 =	sand.u32 $0x3C00, s0  }
0x5f: {  	s1 =	sand.u32 $0x380, s1;
	[bflag:$0x0] =	sbarrier.arrive $0xFFFF;
	s0 =	sadd.s32 s4, s0  }
0x60: {  	[tilespmem:s16], [sflag:$0x3] =	stream.linear.gather [hbm4b:s9+s3], $0x80, $0x38;
	[tilespmem:$0x1E900] =	vst v63  }
0x61: {  	s0 =	sor.u32 s0, s1  }
0x62: {  	s29 =	simm.s32 $0x80;
	s0 =	sshrl.u32 s0, $0x3  }
0x63: {  	[tilespmem:s17], [sflag:$0x1] =	stream.indirect.gather [hbm4b:s5+s29], $0x80, s3, s29, $0xb8;
	[tilespmem:$0x1E900] =	vst v63  }
0x64: {  	s0 =	sadd.s32 s6, s0  }
0x65: {  	[tilespmem:s18], [sflag:$0x4] =	stream.linear.gather [hbm4b:s0+s3], $0x80, $0x38;
	[tilespmem:$0x1E900] =	vst v63  }
0x66: {  	_ = 	snop  }
0x67: {  	[tilespmem:s20], [sflag:$0x2] =	stream.indirect.gather [hbm4b:s5+s19], $0x80, s29, s19, $0xb8;
	[tilespmem:$0x1E900] =	vst v63  }
0x68: {  	_ =	swait.ge [sflag:s21], $0x80  }
0x69: {  	[sflag:s21] =	ssyncset.done $0x0  }
0x6a: {  	[sflag:s21] =	ssyncadd.s32 $0xFFFFFF80  }
0x6b: {  	s0 =	simm.s32 $0x100;
	_ =	swait.ge [sflag:s22], $0x4000  }
0x6c: {  	s26 =	sand.u32 $0x7C00, s0;
	[sflag:s22] =	ssyncset.done $0x0  }
0x6d: {  	s0 =	sand.u32 $0x300, s0;
	s1 =	sadd.s32 s4, s26;
	[sflag:s22] =	ssyncadd.s32 $0xFFFFC000  }
0x6e: {  	[spmem:s2] =	stream.indirect.scatter.add.f32 [tilespmem:s17], [sflag:$0x5], $0x80, s16, s19, $0xb8;
	[tilespmem:$0x1E900] =	vst v63  }
0x6f: {  	s0 =	sor.u32 s0, s1;
	_ =	swait.ge [sflag:s14], $0x4000  }
0x70: {  	s0 =	sshrl.u32 s0, $0x3;
	[sflag:s14] =	ssyncset.done $0x0  }
0x71: {  	s0 =	sadd.s32 s6, s0;
	[sflag:s14] =	ssyncadd.s32 $0xFFFFC000  }
0x72: {  	[tilespmem:s16], [sflag:$0x3] =	stream.linear.gather [hbm4b:s0+s3], $0x80, $0x38;
	[tilespmem:$0x1E900] =	vst v63  }
0x73: {  	s26 =	simm.s32 $0x100  }
0x74: {  	[tilespmem:s17], [sflag:$0x1] =	stream.indirect.gather [hbm4b:s5+s19], $0x80, s26, s19, $0xb8;
	[tilespmem:$0x1E900] =	vst v63  }
0x75: {  	s1 =	simm.s32 $0x100;
	_ =	swait.ge [sflag:s23], $0x80  }
0x76: {  	s0 =	sand.u32 $0x3C00, s1;
	s26 =	simm.s32 $0x180;
	[sflag:s23] =	ssyncset.done $0x0  }
0x77: {  	s0 =	sadd.s32 s4, s0;
	s1 =	sand.u32 $0x380, s26;
	[sflag:s23] =	ssyncadd.s32 $0xFFFFFF80  }
0x78: {  	s30 =	simm.s32 $0x200;
	s0 =	sor.u32 s0, s1;
	_ =	swait.ge [sflag:s24], $0x4000  }
0x79: {  	s31 =	simm.s32 $0x300;
	s0 =	sshrl.u32 s0, $0x3;
	[sflag:s24] =	ssyncset.done $0x0  }
.LBB2_4:
0x7a: {  	[sflag:s24] =	ssyncadd.s32 $0xFFFFC000  }
0x7b: {  	s29 =	sadd.s32 $0x100, s29;
	s26 =	smov.u32 s31;
	s1 =	sadd.s32 $0x100, s31  }
0x7c: {  	[spmem:s2] =	stream.indirect.scatter.add.f32 [tilespmem:s20], [sflag:$0x5], $0x80, s18, s19, $0xb8;
	[tilespmem:$0x1E900] =	vst v63  }
0x7d: {  	p1 =	sne.s32 s31, $0x2700;
	_ =	swait.ge [sflag:s14], $0x4000  }
0x7e: {  	s0 =	sadd.s32 s6, s0;
	[sflag:s14] =	ssyncset.done $0x0  }
0x7f: {  	[sflag:s14] =	ssyncadd.s32 $0xFFFFC000  }
0x80: {  	[tilespmem:s18], [sflag:$0x4] =	stream.linear.gather [hbm4b:s0+s3], $0x80, $0x38;
	[tilespmem:$0x1E900] =	vst v63  }
0x81: {  	_ = 	snop  }
0x82: {  	[tilespmem:s20], [sflag:$0x2] =	stream.indirect.gather [hbm4b:s5+s19], $0x80, s29, s19, $0xb8;
	[tilespmem:$0x1E900] =	vst v63  }
0x83: {  	_ =	swait.ge [sflag:s21], $0x80  }
0x84: {  	[sflag:s21] =	ssyncset.done $0x0  }
0x85: {  	[sflag:s21] =	ssyncadd.s32 $0xFFFFFF80  }
0x86: {  	_ =	swait.ge [sflag:s22], $0x4000  }
0x87: {  	s0 =	sand.u32 $0x7C00, s30;
	[sflag:s22] =	ssyncset.done $0x0  }
0x88: {  	s30 =	sand.u32 $0x300, s30;
	s0 =	sadd.s32 s4, s0;
	[sflag:s22] =	ssyncadd.s32 $0xFFFFC000  }
0x89: {  	[spmem:s2] =	stream.indirect.scatter.add.f32 [tilespmem:s17], [sflag:$0x5], $0x80, s16, s19, $0xb8;
	[tilespmem:$0x1E900] =	vst v63  }
0x8a: {  	s0 =	sor.u32 s30, s0;
	s30 =	smov.u32 s26;
	_ =	swait.ge [sflag:s14], $0x4000  }
0x8b: {  	s0 =	sshrl.u32 s0, $0x3;
	[sflag:s14] =	ssyncset.done $0x0  }
0x8c: {  	s26 =	sadd.s32 $0x80, s29;
	s0 =	sadd.s32 s6, s0;
	[sflag:s14] =	ssyncadd.s32 $0xFFFFC000  }
0x8d: {  	[tilespmem:s16], [sflag:$0x3] =	stream.linear.gather [hbm4b:s0+s3], $0x80, $0x38;
	[tilespmem:$0x1E900] =	vst v63  }
0x8e: {  	_ = 	snop  }
0x8f: {  	[tilespmem:s17], [sflag:$0x1] =	stream.indirect.gather [hbm4b:s5+s19], $0x80, s26, s19, $0xb8;
	[tilespmem:$0x1E900] =	vst v63  }
.Ltmp1:
0x90: {  	s0 =	sadd.s32 $0xFFFFFF00, s30;
	_ =	swait.ge [sflag:s23], $0x80;
	(pc) =	sbr.rel @p1 .LBB2_4-.Ltmp1, $4  }
0x91: {  	s0 =	sand.u32 $0x3C00, s0;
	s26 =	sadd.s32 $0xFFFFFF80, s30;
	[sflag:s23] =	ssyncset.done $0x0  }
0x92: {  	s0 =	sadd.s32 s4, s0;
	s26 =	sand.u32 $0x380, s26;
	[sflag:s23] =	ssyncadd.s32 $0xFFFFFF80  }
0x93: {  	s0 =	sor.u32 s0, s26;
	_ =	swait.ge [sflag:s24], $0x4000  }
0x94: {  	s31 =	smov.u32 s1;
	s0 =	sshrl.u32 s0, $0x3;
	[sflag:s24] =	ssyncset.done $0x0  }
0x95: {  	[sflag:s24] =	ssyncadd.s32 $0xFFFFC000  }
0x96: {  	[spmem:s2] =	stream.indirect.scatter.add.f32 [tilespmem:s20], [sflag:$0x5], $0x80, s18, s19, $0xb8;
	[tilespmem:$0x1E900] =	vst v63  }
0x97: {  	_ =	swait.ge [sflag:s14], $0x4000  }
0x98: {  	[sflag:s14] =	ssyncset.done $0x0  }
0x99: {  	s0 =	sadd.s32 s6, s0;
	[sflag:s14] =	ssyncadd.s32 $0xFFFFC000  }
0x9a: {  	[tilespmem:s18], [sflag:$0x4] =	stream.linear.gather [hbm4b:s0+s3], $0x80, $0x38;
	[tilespmem:$0x1E900] =	vst v63  }
0x9b: {  	s29 =	sadd.s32 $0x100, s29  }
0x9c: {  	[tilespmem:s20], [sflag:$0x2] =	stream.indirect.gather [hbm4b:s5+s19], $0x80, s29, s19, $0xb8;
	[tilespmem:$0x1E900] =	vst v63  }
0x9d: {  	_ =	swait.ge [sflag:s21], $0x80  }
0x9e: {  	[sflag:s21] =	ssyncset.done $0x0  }
0x9f: {  	[sflag:s21] =	ssyncadd.s32 $0xFFFFFF80  }
0xa0: {  	_ =	swait.ge [sflag:s22], $0x4000  }
0xa1: {  	s1 =	sand.u32 $0x7C00, s30;
	[sflag:s22] =	ssyncset.done $0x0  }
0xa2: {  	s26 =	sand.u32 $0x300, s30;
	s1 =	sadd.s32 s4, s1;
	[sflag:s22] =	ssyncadd.s32 $0xFFFFC000  }
0xa3: {  	[spmem:s2] =	stream.indirect.scatter.add.f32 [tilespmem:s17], [sflag:$0x5], $0x80, s16, s19, $0xb8;
	[tilespmem:$0x1E900] =	vst v63  }
0xa4: {  	s1 =	sor.u32 s26, s1;
	_ =	swait.ge [sflag:s14], $0x4000  }
0xa5: {  	s1 =	sshrl.u32 s1, $0x3;
	[sflag:s14] =	ssyncset.done $0x0  }
0xa6: {  	s1 =	sadd.s32 s6, s1;
	[sflag:s14] =	ssyncadd.s32 $0xFFFFC000  }
0xa7: {  	[tilespmem:s16], [sflag:$0x3] =	stream.linear.gather [hbm4b:s1+s3], $0x80, $0x38;
	[tilespmem:$0x1E900] =	vst v63  }
0xa8: {  	s0 =	sadd.s32 $0x80, s29  }
0xa9: {  	[tilespmem:s17], [sflag:$0x1] =	stream.indirect.gather [hbm4b:s5+s19], $0x80, s0, s19, $0xb8;
	[tilespmem:$0x1E900] =	vst v63  }
0xaa: {  	_ =	swait.ge [sflag:s23], $0x80  }
0xab: {  	[sflag:s23] =	ssyncset.done $0x0  }
0xac: {  	[sflag:s23] =	ssyncadd.s32 $0xFFFFFF80  }
0xad: {  	_ =	swait.ge [sflag:s24], $0x4000  }
0xae: {  	[sflag:s24] =	ssyncset.done $0x0  }
0xaf: {  	[sflag:s24] =	ssyncadd.s32 $0xFFFFC000  }
0xb0: {  	[spmem:s2] =	stream.indirect.scatter.add.f32 [tilespmem:s20], [sflag:$0x5], $0x80, s18, s19, $0xb8;
	[tilespmem:$0x1E900] =	vst v63  }
0xb1: {  	_ =	swait.ge [sflag:s14], $0x4000  }
0xb2: {  	[sflag:s14] =	ssyncset.done $0x0  }
0xb3: {  	[sflag:s14] =	ssyncadd.s32 $0xFFFFC000  }
0xb4: {  	[tilespmem:s18], [sflag:$0x4] =	stream.linear.gather [hbm4b:s13+s3], $0x80, $0x38;
	[tilespmem:$0x1E900] =	vst v63  }
0xb5: {  	s31 =	simm.s32 $0x2780  }
0xb6: {  	[tilespmem:s20], [sflag:$0x2] =	stream.indirect.gather [hbm4b:s5+s19], $0x80, s31, s19, $0xb8;
	[tilespmem:$0x1E900] =	vst v63  }
0xb7: {  	_ =	swait.ge [sflag:s21], $0x80  }
0xb8: {  	[sflag:s21] =	ssyncset.done $0x0  }
0xb9: {  	[sflag:s21] =	ssyncadd.s32 $0xFFFFFF80  }
0xba: {  	_ =	swait.ge [sflag:s22], $0x4000  }
0xbb: {  	[sflag:s22] =	ssyncset.done $0x0  }
0xbc: {  	[sflag:s22] =	ssyncadd.s32 $0xFFFFC000  }
0xbd: {  	[spmem:s2] =	stream.indirect.scatter.add.f32 [tilespmem:s17], [sflag:$0x5], $0x80, s16, s19, $0xb8;
	[tilespmem:$0x1E900] =	vst v63  }
0xbe: {  	_ =	swait.ge [sflag:s14], $0x4000  }
0xbf: {  	[sflag:s14] =	ssyncset.done $0x0  }
0xc0: {  	[sflag:s14] =	ssyncadd.s32 $0xFFFFC000  }
0xc1: {  	_ =	swait.ge [sflag:s23], $0x80  }
0xc2: {  	[sflag:s23] =	ssyncset.done $0x0  }
0xc3: {  	[sflag:s23] =	ssyncadd.s32 $0xFFFFFF80  }
0xc4: {  	_ =	swait.ge [sflag:s24], $0x4000  }
0xc5: {  	[sflag:s24] =	ssyncset.done $0x0  }
0xc6: {  	[sflag:s24] =	ssyncadd.s32 $0xFFFFC000  }
0xc7: {  	[spmem:s2] =	stream.indirect.scatter.add.f32 [tilespmem:s20], [sflag:$0x5], $0x80, s18, s19, $0xb8;
	[tilespmem:$0x1E900] =	vst v63  }
0xc8: {  	_ =	swait.ge [sflag:s14], $0x4000  }
0xc9: {  	[sflag:s14] =	ssyncset.done $0x0  }
0xca: {  	[sflag:s14] =	ssyncadd.s32 $0xFFFFC000  }
0xcb: {  	s0 =	simm.s32 @p0 $0x1FC5;
	[bflag:$0x0] =	sbarrier.arrive $0xFFFF  }
0xcc: {  	[hbm:s11], [sflag:s0] =	dma.local @p0 [spmem:s25], $0x2080  }
0xcd: {  	s0 =	simm.s32 @p0 $0x5  }
0xce: {  	s28 =	sadd.s32 $0x1, s28;
	s1 =	stileid.u32;
	_ =	swait.ge @p0 [sflag:s0], $0x2080  }
0xcf: {  	p1 =	sne.s32 s28, s12;
	s1 =	sshll.u32 @!p0 s1, $0x6;
	[sflag:s0] =	ssyncset.done @p0 $0x0  }
0xd0: {  	[sflag:s0] =	ssyncadd.s32 @p0 $0xFFFFDF80;
	s0 =	sor.u32 @!p0 $0x1C05, s1;
	s1 =	sshrl.u32 @!p0 s8, $0x3  }
0xd1: {  	[hbm:s10], [sflag:s0] =	dma.local @!p0 [spmem:s1], $0x2780  }
.Ltmp2:
0xd2: {  	_ = 	snop;
	(pc) =	sbr.rel @p1 .LBB2_1-.Ltmp2, $4  }
0xd3: {  	s0 =	simm.s32 @!p0 $0x5  }
0xd4: {  	_ =	swait.ge @!p0 [sflag:s0], $0x2780  }
0xd5: {  	[sflag:s0] =	ssyncset.done @!p0 $0x0  }
0xd6: {  	[sflag:s0] =	ssyncadd.s32 @!p0 $0xFFFFD880  }
0xd7: {  	_ =	sfence.sel $0x180000  }
0xd8: {  	[bflag:$0x0] =	sbarrier.arrive $0xFFFF  }
0xd9: {  	_ =	strace $0x9000004A  }
0xda: {  	s0 =	stileid.u32;
	[bflag:$0x2] =	sbarrier.arrive $0xFFFF  }
0xdb: {  	p0 =	sne.s32 s0, $0x0;
	s0 =	rddreg [dreg:$0x2]  }
0xdc: {  	s0 =	sadd.s32 @!p0 $0x100000, s0  }
0xdd: {  	[sflag:s0] =	ssyncadd.tile.s32 @!p0 $0x1;
	_ =	shalt  }
.Lfunc_end2:
_tile_overlayer_lowered:
.L_overlay_start_2:
0xde: {  	(tag) =	ssettag $0x2  }
0xdf: {  	s0 =	rddreg [dreg:$0x0];
	s2 =	stileid.u32  }
0xe0: {  	s1 =	rddreg [dreg:$0x1];
	p0 =	sne.s32 s2, $0x0  }
0xe1: {  	s3 =	rddreg [dreg:$0x2];
	[bflag:$0x3] =	sbarrier.arrive $0xFFFF;
	s2 =	simm.s32 @!p0 $0x1C05  }
0xe2: {  	[timem:s3], [sflag:s2] =	dma.local @!p0 [hbm:s0], s1  }
0xe3: {  	s0 =	simm.s32 @!p0 $0x5  }
0xe4: {  	_ =	swait.ge @!p0 [sflag:s0], s1  }
0xe5: {  	s1 =	ssub.s32 @!p0 $0x0, s1;
	[sflag:s0] =	ssyncset.done @!p0 $0x0  }
0xe6: {  	[sflag:s0] =	ssyncadd.s32 @!p0 s1  }
0xe7: {  	[bflag:$0x3] =	sbarrier.arrive $0xFFFF  }
0xe8: {  	_ =	shalt  }

// kernel: kernel.17.cloned.1.call-start
scs
__scs_entry_jumppad:
0x0: {  	(pc) =	sbr.rel $0x88, $3  }
0x1: {  	(tag) =	ssettag $0x0;
	lr =	simm.s32 $0x1  }
0x2: {  	[smem:$0x3F91] =	sst lr;
	_ =	strace $0xD0000000  }
0x3: {  	_ = 	snop  }
0x4: {  	_ = 	snop  }
0x5: {  	_ = 	snop  }
0x6: {  	_ = 	snop  }
0x7: {  	_ = 	snop  }
__scs_overlays_trampoline_lowered:
0x8: {  	[smem:$0x3FA0] =	sst s0  }
0x9: {  	[smem:$0x3FA1] =	sst s1  }
0xa: {  	[smem:$0x3FA2] =	sst s2  }
0xb: {  	[smem:$0x3FA3] =	sst s3  }
0xc: {  	[smem:$0x3FA4] =	sst s4  }
0xd: {  	[smem:$0x3FA5] =	sst s5  }
0xe: {  	[smem:$0x3FA6] =	sst s6  }
0xf: {  	[smem:$0x3FA7] =	sst s7  }
0x10: {  	[smem:$0x3FA8] =	sst s8  }
0x11: {  	[smem:$0x3FA9] =	sst s9;
	s0 =	simm.s32 @!p0 $0x0  }
0x12: {  	s1 =	sld [smem:$0x3F8F];
	s0 =	simm.s32 @p0 $0x1  }
0x13: {  	[smem:$0x3FAA] =	sst s0;
	s0 =	simm.s32 @!p1 $0x0  }
0x14: {  	s2 =	sld [smem:$0x3F8E];
	s0 =	simm.s32 @p1 $0x1  }
0x15: {  	[smem:$0x3FAB] =	sst s0;
	s0 =	simm.s32 @!p2 $0x0  }
0x16: {  	s3 =	sld [smem:$0x3FDB];
	s0 =	simm.s32 @p2 $0x1  }
0x17: {  	s4 =	simm.s32 $0x1BF5;
	[smem:$0x3FAD] =	sst s0  }
0x18: {  	s0 =	sld [smem:$0x3F90];
	_ =	swait.ge [sflag:s4], $0x0  }
0x19: {  	s7 =	sld [smem:$0x3F91]  }
0x1a: {  	s8 =	sadd.s32 $0xFFFFE003, lr  }
0x1b: {  	s9 =	sadd.s32 $0xFFFFFEF7, lr;
	s5 =	simm.s32 $0xFFFFFFFF;
	p2 =	slt.u32 s8, $0xFFFFF086  }
0x1c: {  	p1 =	slt.u32 s9, $0xF7A;
	s5 =	simm.s32 @!p2 $0x0  }
0x1d: {  	s5 =	simm.s32 @p1 $0x1;
	p0 =	seq.s32 s7, s2  }
0x1e: {  	s7 =	smul.u32 @!p0 $0xF7A, s2;
	p2 =	seq.s32 @!p0 s5, $0x0  }
0x1f: {  	s9 =	smul.u32 $0xF7A, s1;
	s8 =	simm.s32 @!p0 $0x1BF5;
	p2 =	por !p2, p0  }
0x20: {  	[sflag:s8] =	ssyncset.s32 @!p0 $0xFFFFF086;
	s6 =	sadd.s32 @!p0 s3, s7;
	s7 =	simm.s32 @!p0 $0x108  }
0x21: {  	s3 =	sadd.s32 s3, s9;
	s6 =	sadd.s32 @!p0 $0x88, s6;
	s7 =	simm.s32 @p2 $0x1082  }
0x22: {  	[simem:s7], [sflag:s8] =	dma.local @!p0 [hbm:s6], $0xF7A  }
0x23: {  	s9 =	sor.u32 $0xD0000000, s2;
	s6 =	simm.s32 $0x108;
	_ =	swait.ge @!p0 [sflag:s8], $0x0  }
0x24: {  	s3 =	sadd.s32 $0x88, s3;
	s6 =	simm.s32 @!p1 $0x1082;
	[sflag:s4] =	ssyncset.s32 $0xFFFFF086  }
0x25: {  	[simem:s6], [sflag:s4] =	dma.local [hbm:s3], $0xF7A  }
0x26: {  	[smem:$0x3F91] =	sst s1;
	(tag) =	ssettag s2;
	_ =	strace s9  }
0x27: {  	s1 =	sld [smem:$0x3FA1]  }
0x28: {  	s2 =	sld [smem:$0x3FA2]  }
0x29: {  	s4 =	sld [smem:$0x3FA4]  }
0x2a: {  	p0 =	seq.s32 s5, $0x0;
	s5 =	sld [smem:$0x3FA5]  }
0x2b: {  	s6 =	sld [smem:$0x3FA6]  }
0x2c: {  	s7 =	sld [smem:$0x3FA7]  }
0x2d: {  	s3 =	simm.s32 $0x108;
	s8 =	sld [smem:$0x3FA8]  }
0x2e: {  	s3 =	simm.s32 @!p0 $0x1082;
	s9 =	sld [smem:$0x3FA9]  }
0x2f: {  	lr =	sadd.s32 s0, s3;
	s0 =	sld [smem:$0x3FA0]  }
0x30: {  	s3 =	sld [smem:$0x3FA3]  }
0x31: {  	[smem:$0x3FAC] =	sst s10  }
0x32: {  	s10 =	sld [smem:$0x3FAA];
	_ =	sdelay $0x3  }
0x33: {  	p0 =	seq.s32 s10, $0x1;
	s10 =	sld [smem:$0x3FAC];
	_ =	sdelay $0x3  }
0x34: {  	[smem:$0x3FAC] =	sst s10  }
0x35: {  	s10 =	sld [smem:$0x3FAB];
	_ =	sdelay $0x3  }
0x36: {  	p1 =	seq.s32 s10, $0x1;
	s10 =	sld [smem:$0x3FAC];
	_ =	sdelay $0x3  }
0x37: {  	[smem:$0x3FAC] =	sst s10  }
0x38: {  	s10 =	sld [smem:$0x3FAD]  }
0x39: {  	_ = 	snop;
	(pc) =	sbr.ind lr, $3  }
0x3a: {  	_ = 	snop  }
0x3b: {  	_ = 	snop  }
0x3c: {  	p2 =	seq.s32 s10, $0x1;
	s10 =	sld [smem:$0x3FAC]  }
0x3d: {  	_ =	shalt  }
0x3e: {  	_ =	shalt  }
0x3f: {  	_ =	shalt  }
0x40: {  	_ =	shalt  }
0x41: {  	_ =	shalt  }
0x42: {  	_ =	shalt  }
0x43: {  	_ =	shalt  }
0x44: {  	_ =	shalt  }
0x45: {  	_ =	shalt  }
0x46: {  	_ =	shalt  }
0x47: {  	_ =	shalt  }
0x48: {  	_ =	shalt  }
0x49: {  	_ =	shalt  }
0x4a: {  	_ =	shalt  }
0x4b: {  	_ =	shalt  }
0x4c: {  	_ =	shalt  }
0x4d: {  	_ =	shalt  }
0x4e: {  	_ =	shalt  }
0x4f: {  	_ =	shalt  }
0x50: {  	_ =	shalt  }
0x51: {  	_ =	shalt  }
0x52: {  	_ =	shalt  }
0x53: {  	_ =	shalt  }
0x54: {  	_ =	shalt  }
0x55: {  	_ =	shalt  }
0x56: {  	_ =	shalt  }
0x57: {  	_ =	shalt  }
0x58: {  	_ =	shalt  }
0x59: {  	_ =	shalt  }
0x5a: {  	_ =	shalt  }
0x5b: {  	_ =	shalt  }
0x5c: {  	_ =	shalt  }
0x5d: {  	_ =	shalt  }
0x5e: {  	_ =	shalt  }
0x5f: {  	_ =	shalt  }
0x60: {  	_ =	shalt  }
0x61: {  	_ =	shalt  }
0x62: {  	_ =	shalt  }
0x63: {  	_ =	shalt  }
0x64: {  	_ =	shalt  }
0x65: {  	_ =	shalt  }
0x66: {  	_ =	shalt  }
0x67: {  	_ =	shalt  }
0x68: {  	_ =	shalt  }
0x69: {  	_ =	shalt  }
0x6a: {  	_ =	shalt  }
0x6b: {  	_ =	shalt  }
0x6c: {  	_ =	shalt  }
0x6d: {  	_ =	shalt  }
0x6e: {  	_ =	shalt  }
0x6f: {  	_ =	shalt  }
0x70: {  	_ =	shalt  }
0x71: {  	_ =	shalt  }
0x72: {  	_ =	shalt  }
0x73: {  	_ =	shalt  }
0x74: {  	_ =	shalt  }
0x75: {  	_ =	shalt  }
0x76: {  	_ =	shalt  }
0x77: {  	_ =	shalt  }
0x78: {  	_ =	shalt  }
0x79: {  	_ =	shalt  }
0x7a: {  	_ =	shalt  }
0x7b: {  	_ =	shalt  }
0x7c: {  	_ =	shalt  }
0x7d: {  	_ =	shalt  }
0x7e: {  	_ =	shalt  }
0x7f: {  	_ =	shalt  }
0x80: {  	_ =	shalt  }
0x81: {  	_ =	shalt  }
0x82: {  	_ =	shalt  }
0x83: {  	_ =	shalt  }
0x84: {  	_ =	shalt  }
0x85: {  	_ =	shalt  }
0x86: {  	_ =	shalt  }
0x87: {  	_ =	shalt  }
.Lfunc_end0:
.L_simem_size_0:
called_computation.2_lowered:
.L_overlay_start_0:
0x88: {  	s2 =	sld [smem:$0x3FD9]  }
0x89: {  	s3 =	sld [smem:$0x3FFE];
	_ =	sdelay $0x1  }
0x8a: {  	s1 =	srdreg.scid  }
0x8b: {  	s0 =	sand.u32 $0x1, s1  }
0x8c: {  	s16 =	sshll.u32 s0, $0xA;
	s2 =	sadd.s32 s3, s2  }
0x8d: {  	s2 =	sadd.s32 s2, s16  }
0x8e: {  	[smem:$0x3FB8] =	sst s2  }
0x8f: {  	_ = 	snop  }
0x90: {  	(tm) =	ssettm $0x1  }
0x91: {  	s17 =	sld [smem:$0x3FFB];
	_ =	sdelay $0x3  }
0x92: {  	_ =	strace s17  }
0x93: {  	s2 =	sld [smem:$0x3FFC];
	_ =	sdelay $0x3  }
0x94: {  	_ =	strace s2  }
0x95: {  	s2 =	sld [smem:$0x3FFD];
	_ =	sdelay $0x3  }
0x96: {  	_ =	strace s2  }
0x97: {  	_ =	strace $0x8FFFFFFF  }
0x98: {  	s18 =	sld [smem:$0x3FDB];
	_ =	sdelay $0x1  }
0x99: {  	s19 =	simm.s32 $_scs_section_size  }
0x9a: {  	s4 =	simm.s32 $_size__tile_overlayer_lowered;
	s5 =	simm.s32 $_tile_overlayer_lowered  }
0x9b: {  	s22 =	simm.s32 $0x1BFF;
	s21 =	sshll.u32 s5, $0x1;
	s2 =	sadd.s32 s19, s18  }
0x9c: {  	s6 =	simm.s32 $0x0;
	s20 =	sshll.u32 s4, $0x1;
	s4 =	sadd.s32 s21, s2  }
0x9d: {  	[timem:s6], [sflag:s22] =	dma.local [hbm:s4], s20  }
0x9e: {  	_ =	swait.ge [sflag:s22], s20  }
0x9f: {  	s3 =	ssub.s32 $0x0, s20;
	[sflag:s22] =	ssyncset.done $0x0  }
0xa0: {  	[sflag:s22] =	ssyncadd.s32 s3;
	_ =	sdelay $0x1  }
0xa1: {  	s23 =	simm.s32 $0x1B8B  }
0xa2: {  	_ =	swait.ge [sflag:s23], $0x1  }
0xa3: {  	[sflag:s23] =	ssyncset.done $0x0  }
0xa4: {  	s25 =	simm.s32 $0x1B8E;
	s24 =	sld [smem:$0x3FFE];
	[sflag:s23] =	ssyncadd.s32 $0xFFFFFFFF  }
0xa5: {  	s26 =	simm.s32 $execute0_lowered;
	[smem:$0x3FD2] =	sst s25  }
0xa6: {  	s4 =	sshll.u32 s26, $0x1;
	_ =	strace $0x8000004C;
	[dreg:$0x1] =	wrdreg $0xFFFFFFFF  }
0xa7: {  	s28 =	simm.s32 $_size_execute0_lowered;
	s2 =	sadd.s32 s2, s4;
	[dreg:$0x0] =	wrdreg $0x0  }
0xa8: {  	s4 =	sshll.u32 s28, $0x1;
	[dreg:$0x2] =	wrdreg s2  }
0xa9: {  	[dreg:$0x3] =	wrdreg s4  }
0xaa: {  	[dreg:$0x4] =	wrdreg $0xC0  }
0xab: {  	_ =	task [dreg:s6], $0x5FFFF  }
0xac: {  	[dreg:$0x1] =	wrdreg $0xFFFFFFFF  }
0xad: {  	[dreg:$0x0] =	wrdreg $0x60  }
0xae: {  	[dreg:$0x2] =	wrdreg s24  }
0xaf: {  	[dreg:$0x3] =	wrdreg $0xAD000  }
0xb0: {  	[dreg:$0x4] =	wrdreg $0x9  }
0xb1: {  	_ =	task.clear_ibuf [dreg:s6], $0x5FFFF;
	_ =	strace $0x9000004C  }
0xb2: {  	s29 =	simm.s32 $0x9;
	_ =	strace $0x8000004E  }
0xb3: {  	_ =	swait.ge [sflag:s29], $0x1  }
0xb4: {  	[sflag:s29] =	ssyncadd.s32 $0xFFFFFFFF  }
0xb5: {  	_ =	strace $0x9000004E  }
0xb6: {  	_ =	sfence  }
0xb7: {  	s30 =	sld [smem:$0x0];
	_ =	sdelay $0x2  }
0xb8: {  	s31 =	sshll.u32 s1, $0xD;
	s1 =	sshrl.u32 s1, $0x2  }
0xb9: {  	s3 =	sand.u32 $0x4000, s31;
	s1 =	sadd.s32 s1, s30  }
0xba: {  	s0 =	sor.u32 s3, s0;
	s1 =	sshll.u32 s1, $0x11  }
0xbb: {  	s0 =	sor.u32 s1, s0  }
0xbc: {  	s0 =	sadd.s32 $0x8F2B, s0  }
0xbd: {  	[sflag:s0] =	ssyncadd.remote.s32 $0x1  }
0xbe: {  	_ =	sfence.sel $0xFFFF  }
0xbf: {  	[dreg:$0x0] =	wrdreg $0xFFFFFFFF;
	(pc) =	sbr.abs _section_cstart, $3  }
0xc0: {  	[dreg:$0x1] =	wrdreg $0xFFFFFFFF  }
0xc1: {  	_ =	task.clear_ibuf [dreg:s6], $0x2FFFF;
	_ =	strace $0x9FFFFFFF  }
0xc2: {  	(tm) =	ssettm $0x7FFFFFFF  }
0xc3: {  	_ =	shalt  }
tec
execute0_lowered:
.L_overlay_start_1:
0x0: {  	(tag) =	ssettag $0x1  }
0x1: {  	s0 =	srdreg.scid;
	s1 =	rddreg [dreg:$0x0]  }
0x2: {  	s2 =	rddreg [dreg:$0x1];
	s26 =	stileid.u32  }
0x3: {  	s3 =	simm.s32 $0x0;
	s15 =	simm.s32 $0xA900;
	s16 =	simm.s32 $0x2800  }
0x4: {  	s17 =	simm.s32 $0x2900;
	s18 =	simm.s32 $0x2880;
	s19 =	simm.s32 $0x80  }
0x5: {  	s20 =	simm.s32 $0x6900;
	s21 =	simm.s32 $0x3;
	s22 =	simm.s32 $0x1  }
0x6: {  	s23 =	simm.s32 $0x4;
	s24 =	simm.s32 $0x2;
	s28 =	simm.s32 $0x0  }
0x7: {  	s0 =	sand.u32 $0x1, s0;
	[smem:$0x7FF] =	sst s3;
	s7 =	smul.u32 $0x4F000, s26  }
0x8: {  	s5 =	sadd.s32 $0x18800, s1;
	s6 =	sadd.s32 $0x4800, s1;
	s12 =	smul.u32 $0x2780, s26  }
0x9: {  	s25 =	sadd.s32 $0x128400, s2;
	s4 =	sshll.u32 s0, $0x4;
	s10 =	smul.u32 $0x27100, s0  }
0xa: {  	s11 =	ssub.s32 $0x2, s0;
	s0 =	smul.u32 $0x138800, s0;
	s4 =	sor.u32 s26, s4  }
0xb: {  	p0 =	seq.s32 s26, $0xF;
	_ =	strace $0x8000004D;
	s4 =	smul.u32 $0x2800, s4  }
0xc: {  	s25 =	sshrl.u32 @p0 s25, $0x3;
	s13 =	sshrl.u32 s11, $0x1;
	s14 =	sshrl.u32 s7, $0x2  }
0xd: {  	s13 =	ssub.s32 s11, s13;
	s10 =	sadd.s32 s12, s10;
	s9 =	sshrl.u32 s4, $0x3  }
0xe: {  	s0 =	sshrl.u32 s0, $0x3;
	s12 =	smax.u32 s13, $0x1;
	s8 =	sadd.s32 s9, s1  }
0xf: {  	s1 =	sadd.s32 $0x3FA00, s1;
	s9 =	sadd.s32 s6, s9;
	s7 =	sadd.s32 $0xE800, s8  }
0x10: {  	s8 =	sadd.s32 s14, s2;
	s10 =	sadd.s32 s1, s10;
	s0 =	sadd.s32 s1, s0  }
0x11: {  	v0 =	vimm.f32 $0.0e+00;
	s13 =	sadd.s32 $0x4F0, s9;
	s14 =	simm.s32 $0x5;
	s11 =	sadd.s32 $0x25080, s0  }
.LBB2_1:
0x12: {  	[tilespmem:$0xA900] =	vst v0  }
0x13: {  	[tilespmem:$0xA910] =	vst v0  }
0x14: {  	[tilespmem:$0xA920] =	vst v0  }
0x15: {  	[tilespmem:$0xA930] =	vst v0  }
0x16: {  	[tilespmem:$0xA940] =	vst v0  }
0x17: {  	[tilespmem:$0xA950] =	vst v0  }
0x18: {  	[tilespmem:$0xA960] =	vst v0  }
0x19: {  	[tilespmem:$0xA970] =	vst v0  }
0x1a: {  	[tilespmem:$0xA980] =	vst v0  }
0x1b: {  	[tilespmem:$0xA990] =	vst v0  }
0x1c: {  	[tilespmem:$0xA9A0] =	vst v0  }
0x1d: {  	[tilespmem:$0xA9B0] =	vst v0  }
0x1e: {  	[tilespmem:$0xA9C0] =	vst v0  }
0x1f: {  	[tilespmem:$0xA9D0] =	vst v0  }
0x20: {  	[tilespmem:$0xA9E0] =	vst v0  }
0x21: {  	[tilespmem:$0xA9F0] =	vst v0  }
0x22: {  	[tilespmem:$0xAA00] =	vst v0  }
0x23: {  	[tilespmem:$0xAA10] =	vst v0  }
0x24: {  	[tilespmem:$0xAA20] =	vst v0  }
0x25: {  	[tilespmem:$0xAA30] =	vst v0  }
0x26: {  	[tilespmem:$0xAA40] =	vst v0  }
0x27: {  	[tilespmem:$0xAA50] =	vst v0  }
0x28: {  	[tilespmem:$0xAA60] =	vst v0  }
0x29: {  	[tilespmem:$0xAA70] =	vst v0  }
0x2a: {  	[tilespmem:$0xAA80] =	vst v0  }
0x2b: {  	[tilespmem:$0xAA90] =	vst v0  }
0x2c: {  	[tilespmem:$0xAAA0] =	vst v0  }
0x2d: {  	[tilespmem:$0xAAB0] =	vst v0  }
0x2e: {  	[tilespmem:$0xAAC0] =	vst v0  }
0x2f: {  	[tilespmem:$0xAAD0] =	vst v0  }
0x30: {  	[tilespmem:$0xAAE0] =	vst v0  }
0x31: {  	[tilespmem:$0xAAF0] =	vst v0  }
0x32: {  	[tilespmem:$0xAB00] =	vst v0  }
0x33: {  	[tilespmem:$0xAB10] =	vst v0  }
0x34: {  	[tilespmem:$0xAB20] =	vst v0  }
0x35: {  	[tilespmem:$0xAB30] =	vst v0  }
0x36: {  	[tilespmem:$0xAB40] =	vst v0  }
0x37: {  	[tilespmem:$0xAB50] =	vst v0  }
0x38: {  	[tilespmem:$0xAB60] =	vst v0  }
0x39: {  	[tilespmem:$0xAB70] =	vst v0  }
0x3a: {  	[tilespmem:$0xAB80] =	vst v0  }
0x3b: {  	[tilespmem:$0xAB90] =	vst v0  }
0x3c: {  	[tilespmem:$0xABA0] =	vst v0  }
0x3d: {  	[tilespmem:$0xABB0] =	vst v0  }
0x3e: {  	[tilespmem:$0xABC0] =	vst v0  }
0x3f: {  	[tilespmem:$0xABD0] =	vst v0  }
0x40: {  	[tilespmem:$0xABE0] =	vst v0  }
0x41: {  	[tilespmem:$0xABF0] =	vst v0  }
0x42: {  	[tilespmem:$0xAC00] =	vst v0  }
0x43: {  	[tilespmem:$0xAC10] =	vst v0  }
0x44: {  	[tilespmem:$0xAC20] =	vst v0  }
0x45: {  	[tilespmem:$0xAC30] =	vst v0  }
0x46: {  	[tilespmem:$0xAC40] =	vst v0  }
0x47: {  	[tilespmem:$0xAC50] =	vst v0  }
0x48: {  	[tilespmem:$0xAC60] =	vst v0  }
0x49: {  	[tilespmem:$0xAC70] =	vst v0  }
0x4a: {  	[tilespmem:$0xAC80] =	vst v0  }
0x4b: {  	[tilespmem:$0xAC90] =	vst v0  }
0x4c: {  	[tilespmem:$0xACA0] =	vst v0  }
0x4d: {  	[tilespmem:$0xACB0] =	vst v0  }
0x4e: {  	[tilespmem:$0xACC0] =	vst v0  }
0x4f: {  	[tilespmem:$0xACD0] =	vst v0  }
0x50: {  	[tilespmem:$0xACE0] =	vst v0  }
0x51: {  	[tilespmem:$0xACF0] =	vst v0  }
0x52: {  	[tilespmem:s3], [sflag:$0x5] =	stream.linear.gather [hbm4b:s7+s3], $0x2800, $0x38;
	[tilespmem:$0x1E900] =	vst v63  }
0x53: {  	_ =	swait.ge [sflag:s14], $0x2800  }
0x54: {  	[sflag:s14] =	ssyncset.done $0x0  }
0x55: {  	s0 =	sadd.s32 $0x0, s8;
	[sflag:s14] =	ssyncadd.s32 $0xFFFFD800  }
0x56: {  	[spmem:s0] =	stream.linear.scatter [tilespmem:s15], [sflag:$0x5], $0x400, $0x38;
	[tilespmem:$0x1E900] =	vst v63  }
0x57: {  	s0 =	simm.s32 $0x1000;
	_ =	swait.ge [sflag:s14], $0x400  }
.LBB2_2:
0x58: {  	s1 =	sshra.s32 s0, $0x2;
	[sflag:s14] =	ssyncset.done $0x0;
	p1 =	sne.s32 s0, $0x4E000  }
.Ltmp0:
0x59: {  	s1 =	sadd.s32 s1, s8;
	[sflag:s14] =	ssyncadd.s32 $0xFFFFFC00;
	(pc) =	sbr.rel @p1 .LBB2_2-.Ltmp0, $3  }
0x5a: {  	[spmem:s1] =	stream.linear.scatter [tilespmem:s15], [sflag:$0x5], $0x400, $0x38;
	[tilespmem:$0x1E900] =	vst v63  }
0x5b: {  	s0 =	sadd.s32 $0x1000, s0;
	_ =	sdelay $0x1  }
0x5c: {  	_ =	swait.ge [sflag:s14], $0x400  }
0x5d: {  	[sflag:s14] =	ssyncset.done $0x0;
	s0 =	simm.s32 $0x0  }
0x5e: {  	s1 =	simm.s32 $0x80;
	[sflag:s14] =	ssyncadd.s32 $0xFFFFFC00;
	s0 =	sand.u32 $0x3C00, s0  }
0x5f: {  	s1 =	sand.u32 $0x380, s1;
	[bflag:$0x0] =	sbarrier.arrive $0xFFFF;
	s0 =	sadd.s32 s4, s0  }
0x60: {  	[tilespmem:s16], [sflag:$0x3] =	stream.linear.gather [hbm4b:s9+s3], $0x80, $0x38;
	[tilespmem:$0x1E900] =	vst v63  }
0x61: {  	s0 =	sor.u32 s0, s1  }
0x62: {  	s29 =	simm.s32 $0x80;
	s0 =	sshrl.u32 s0, $0x3  }
0x63: {  	[tilespmem:s17], [sflag:$0x1] =	stream.indirect.gather [hbm4b:s5+s29], $0x80, s3, s29, $0xb8;
	[tilespmem:$0x1E900] =	vst v63  }
0x64: {  	s0 =	sadd.s32 s6, s0  }
0x65: {  	[tilespmem:s18], [sflag:$0x4] =	stream.linear.gather [hbm4b:s0+s3], $0x80, $0x38;
	[tilespmem:$0x1E900] =	vst v63  }
0x66: {  	_ = 	snop  }
0x67: {  	[tilespmem:s20], [sflag:$0x2] =	stream.indirect.gather [hbm4b:s5+s19], $0x80, s29, s19, $0xb8;
	[tilespmem:$0x1E900] =	vst v63  }
0x68: {  	_ =	swait.ge [sflag:s21], $0x80  }
0x69: {  	[sflag:s21] =	ssyncset.done $0x0  }
0x6a: {  	[sflag:s21] =	ssyncadd.s32 $0xFFFFFF80  }
0x6b: {  	s0 =	simm.s32 $0x100;
	_ =	swait.ge [sflag:s22], $0x4000  }
0x6c: {  	s26 =	sand.u32 $0x7C00, s0;
	[sflag:s22] =	ssyncset.done $0x0  }
0x6d: {  	s0 =	sand.u32 $0x300, s0;
	s1 =	sadd.s32 s4, s26;
	[sflag:s22] =	ssyncadd.s32 $0xFFFFC000  }
0x6e: {  	[spmem:s2] =	stream.indirect.scatter.add.f32 [tilespmem:s17], [sflag:$0x5], $0x80, s16, s19, $0xb8;
	[tilespmem:$0x1E900] =	vst v63  }
0x6f: {  	s0 =	sor.u32 s0, s1;
	_ =	swait.ge [sflag:s14], $0x4000  }
0x70: {  	s0 =	sshrl.u32 s0, $0x3;
	[sflag:s14] =	ssyncset.done $0x0  }
0x71: {  	s0 =	sadd.s32 s6, s0;
	[sflag:s14] =	ssyncadd.s32 $0xFFFFC000  }
0x72: {  	[tilespmem:s16], [sflag:$0x3] =	stream.linear.gather [hbm4b:s0+s3], $0x80, $0x38;
	[tilespmem:$0x1E900] =	vst v63  }
0x73: {  	s26 =	simm.s32 $0x100  }
0x74: {  	[tilespmem:s17], [sflag:$0x1] =	stream.indirect.gather [hbm4b:s5+s19], $0x80, s26, s19, $0xb8;
	[tilespmem:$0x1E900] =	vst v63  }
0x75: {  	s1 =	simm.s32 $0x100;
	_ =	swait.ge [sflag:s23], $0x80  }
0x76: {  	s0 =	sand.u32 $0x3C00, s1;
	s26 =	simm.s32 $0x180;
	[sflag:s23] =	ssyncset.done $0x0  }
0x77: {  	s0 =	sadd.s32 s4, s0;
	s1 =	sand.u32 $0x380, s26;
	[sflag:s23] =	ssyncadd.s32 $0xFFFFFF80  }
0x78: {  	s30 =	simm.s32 $0x200;
	s0 =	sor.u32 s0, s1;
	_ =	swait.ge [sflag:s24], $0x4000  }
0x79: {  	s31 =	simm.s32 $0x300;
	s0 =	sshrl.u32 s0, $0x3;
	[sflag:s24] =	ssyncset.done $0x0  }
.LBB2_4:
0x7a: {  	[sflag:s24] =	ssyncadd.s32 $0xFFFFC000  }
0x7b: {  	s29 =	sadd.s32 $0x100, s29;
	s26 =	smov.u32 s31;
	s1 =	sadd.s32 $0x100, s31  }
0x7c: {  	[spmem:s2] =	stream.indirect.scatter.add.f32 [tilespmem:s20], [sflag:$0x5], $0x80, s18, s19, $0xb8;
	[tilespmem:$0x1E900] =	vst v63  }
0x7d: {  	p1 =	sne.s32 s31, $0x2700;
	_ =	swait.ge [sflag:s14], $0x4000  }
0x7e: {  	s0 =	sadd.s32 s6, s0;
	[sflag:s14] =	ssyncset.done $0x0  }
0x7f: {  	[sflag:s14] =	ssyncadd.s32 $0xFFFFC000  }
0x80: {  	[tilespmem:s18], [sflag:$0x4] =	stream.linear.gather [hbm4b:s0+s3], $0x80, $0x38;
	[tilespmem:$0x1E900] =	vst v63  }
0x81: {  	_ = 	snop  }
0x82: {  	[tilespmem:s20], [sflag:$0x2] =	stream.indirect.gather [hbm4b:s5+s19], $0x80, s29, s19, $0xb8;
	[tilespmem:$0x1E900] =	vst v63  }
0x83: {  	_ =	swait.ge [sflag:s21], $0x80  }
0x84: {  	[sflag:s21] =	ssyncset.done $0x0  }
0x85: {  	[sflag:s21] =	ssyncadd.s32 $0xFFFFFF80  }
0x86: {  	_ =	swait.ge [sflag:s22], $0x4000  }
0x87: {  	s0 =	sand.u32 $0x7C00, s30;
	[sflag:s22] =	ssyncset.done $0x0  }
0x88: {  	s30 =	sand.u32 $0x300, s30;
	s0 =	sadd.s32 s4, s0;
	[sflag:s22] =	ssyncadd.s32 $0xFFFFC000  }
0x89: {  	[spmem:s2] =	stream.indirect.scatter.add.f32 [tilespmem:s17], [sflag:$0x5], $0x80, s16, s19, $0xb8;
	[tilespmem:$0x1E900] =	vst v63  }
0x8a: {  	s0 =	sor.u32 s30, s0;
	s30 =	smov.u32 s26;
	_ =	swait.ge [sflag:s14], $0x4000  }
0x8b: {  	s0 =	sshrl.u32 s0, $0x3;
	[sflag:s14] =	ssyncset.done $0x0  }
0x8c: {  	s26 =	sadd.s32 $0x80, s29;
	s0 =	sadd.s32 s6, s0;
	[sflag:s14] =	ssyncadd.s32 $0xFFFFC000  }
0x8d: {  	[tilespmem:s16], [sflag:$0x3] =	stream.linear.gather [hbm4b:s0+s3], $0x80, $0x38;
	[tilespmem:$0x1E900] =	vst v63  }
0x8e: {  	_ = 	snop  }
0x8f: {  	[tilespmem:s17], [sflag:$0x1] =	stream.indirect.gather [hbm4b:s5+s19], $0x80, s26, s19, $0xb8;
	[tilespmem:$0x1E900] =	vst v63  }
.Ltmp1:
0x90: {  	s0 =	sadd.s32 $0xFFFFFF00, s30;
	_ =	swait.ge [sflag:s23], $0x80;
	(pc) =	sbr.rel @p1 .LBB2_4-.Ltmp1, $4  }
0x91: {  	s0 =	sand.u32 $0x3C00, s0;
	s26 =	sadd.s32 $0xFFFFFF80, s30;
	[sflag:s23] =	ssyncset.done $0x0  }
0x92: {  	s0 =	sadd.s32 s4, s0;
	s26 =	sand.u32 $0x380, s26;
	[sflag:s23] =	ssyncadd.s32 $0xFFFFFF80  }
0x93: {  	s0 =	sor.u32 s0, s26;
	_ =	swait.ge [sflag:s24], $0x4000  }
0x94: {  	s31 =	smov.u32 s1;
	s0 =	sshrl.u32 s0, $0x3;
	[sflag:s24] =	ssyncset.done $0x0  }
0x95: {  	[sflag:s24] =	ssyncadd.s32 $0xFFFFC000  }
0x96: {  	[spmem:s2] =	stream.indirect.scatter.add.f32 [tilespmem:s20], [sflag:$0x5], $0x80, s18, s19, $0xb8;
	[tilespmem:$0x1E900] =	vst v63  }
0x97: {  	_ =	swait.ge [sflag:s14], $0x4000  }
0x98: {  	[sflag:s14] =	ssyncset.done $0x0  }
0x99: {  	s0 =	sadd.s32 s6, s0;
	[sflag:s14] =	ssyncadd.s32 $0xFFFFC000  }
0x9a: {  	[tilespmem:s18], [sflag:$0x4] =	stream.linear.gather [hbm4b:s0+s3], $0x80, $0x38;
	[tilespmem:$0x1E900] =	vst v63  }
0x9b: {  	s29 =	sadd.s32 $0x100, s29  }
0x9c: {  	[tilespmem:s20], [sflag:$0x2] =	stream.indirect.gather [hbm4b:s5+s19], $0x80, s29, s19, $0xb8;
	[tilespmem:$0x1E900] =	vst v63  }
0x9d: {  	_ =	swait.ge [sflag:s21], $0x80  }
0x9e: {  	[sflag:s21] =	ssyncset.done $0x0  }
0x9f: {  	[sflag:s21] =	ssyncadd.s32 $0xFFFFFF80  }
0xa0: {  	_ =	swait.ge [sflag:s22], $0x4000  }
0xa1: {  	s1 =	sand.u32 $0x7C00, s30;
	[sflag:s22] =	ssyncset.done $0x0  }
0xa2: {  	s26 =	sand.u32 $0x300, s30;
	s1 =	sadd.s32 s4, s1;
	[sflag:s22] =	ssyncadd.s32 $0xFFFFC000  }
0xa3: {  	[spmem:s2] =	stream.indirect.scatter.add.f32 [tilespmem:s17], [sflag:$0x5], $0x80, s16, s19, $0xb8;
	[tilespmem:$0x1E900] =	vst v63  }
0xa4: {  	s1 =	sor.u32 s26, s1;
	_ =	swait.ge [sflag:s14], $0x4000  }
0xa5: {  	s1 =	sshrl.u32 s1, $0x3;
	[sflag:s14] =	ssyncset.done $0x0  }
0xa6: {  	s1 =	sadd.s32 s6, s1;
	[sflag:s14] =	ssyncadd.s32 $0xFFFFC000  }
0xa7: {  	[tilespmem:s16], [sflag:$0x3] =	stream.linear.gather [hbm4b:s1+s3], $0x80, $0x38;
	[tilespmem:$0x1E900] =	vst v63  }
0xa8: {  	s0 =	sadd.s32 $0x80, s29  }
0xa9: {  	[tilespmem:s17], [sflag:$0x1] =	stream.indirect.gather [hbm4b:s5+s19], $0x80, s0, s19, $0xb8;
	[tilespmem:$0x1E900] =	vst v63  }
0xaa: {  	_ =	swait.ge [sflag:s23], $0x80  }
0xab: {  	[sflag:s23] =	ssyncset.done $0x0  }
0xac: {  	[sflag:s23] =	ssyncadd.s32 $0xFFFFFF80  }
0xad: {  	_ =	swait.ge [sflag:s24], $0x4000  }
0xae: {  	[sflag:s24] =	ssyncset.done $0x0  }
0xaf: {  	[sflag:s24] =	ssyncadd.s32 $0xFFFFC000  }
0xb0: {  	[spmem:s2] =	stream.indirect.scatter.add.f32 [tilespmem:s20], [sflag:$0x5], $0x80, s18, s19, $0xb8;
	[tilespmem:$0x1E900] =	vst v63  }
0xb1: {  	_ =	swait.ge [sflag:s14], $0x4000  }
0xb2: {  	[sflag:s14] =	ssyncset.done $0x0  }
0xb3: {  	[sflag:s14] =	ssyncadd.s32 $0xFFFFC000  }
0xb4: {  	[tilespmem:s18], [sflag:$0x4] =	stream.linear.gather [hbm4b:s13+s3], $0x80, $0x38;
	[tilespmem:$0x1E900] =	vst v63  }
0xb5: {  	s31 =	simm.s32 $0x2780  }
0xb6: {  	[tilespmem:s20], [sflag:$0x2] =	stream.indirect.gather [hbm4b:s5+s19], $0x80, s31, s19, $0xb8;
	[tilespmem:$0x1E900] =	vst v63  }
0xb7: {  	_ =	swait.ge [sflag:s21], $0x80  }
0xb8: {  	[sflag:s21] =	ssyncset.done $0x0  }
0xb9: {  	[sflag:s21] =	ssyncadd.s32 $0xFFFFFF80  }
0xba: {  	_ =	swait.ge [sflag:s22], $0x4000  }
0xbb: {  	[sflag:s22] =	ssyncset.done $0x0  }
0xbc: {  	[sflag:s22] =	ssyncadd.s32 $0xFFFFC000  }
0xbd: {  	[spmem:s2] =	stream.indirect.scatter.add.f32 [tilespmem:s17], [sflag:$0x5], $0x80, s16, s19, $0xb8;
	[tilespmem:$0x1E900] =	vst v63  }
0xbe: {  	_ =	swait.ge [sflag:s14], $0x4000  }
0xbf: {  	[sflag:s14] =	ssyncset.done $0x0  }
0xc0: {  	[sflag:s14] =	ssyncadd.s32 $0xFFFFC000  }
0xc1: {  	_ =	swait.ge [sflag:s23], $0x80  }
0xc2: {  	[sflag:s23] =	ssyncset.done $0x0  }
0xc3: {  	[sflag:s23] =	ssyncadd.s32 $0xFFFFFF80  }
0xc4: {  	_ =	swait.ge [sflag:s24], $0x4000  }
0xc5: {  	[sflag:s24] =	ssyncset.done $0x0  }
0xc6: {  	[sflag:s24] =	ssyncadd.s32 $0xFFFFC000  }
0xc7: {  	[spmem:s2] =	stream.indirect.scatter.add.f32 [tilespmem:s20], [sflag:$0x5], $0x80, s18, s19, $0xb8;
	[tilespmem:$0x1E900] =	vst v63  }
0xc8: {  	_ =	swait.ge [sflag:s14], $0x4000  }
0xc9: {  	[sflag:s14] =	ssyncset.done $0x0  }
0xca: {  	[sflag:s14] =	ssyncadd.s32 $0xFFFFC000  }
0xcb: {  	s0 =	simm.s32 @p0 $0x1FC5;
	[bflag:$0x0] =	sbarrier.arrive $0xFFFF  }
0xcc: {  	[hbm:s11], [sflag:s0] =	dma.local @p0 [spmem:s25], $0x2080  }
0xcd: {  	s0 =	simm.s32 @p0 $0x5  }
0xce: {  	s28 =	sadd.s32 $0x1, s28;
	s1 =	stileid.u32;
	_ =	swait.ge @p0 [sflag:s0], $0x2080  }
0xcf: {  	p1 =	sne.s32 s28, s12;
	s1 =	sshll.u32 @!p0 s1, $0x6;
	[sflag:s0] =	ssyncset.done @p0 $0x0  }
0xd0: {  	[sflag:s0] =	ssyncadd.s32 @p0 $0xFFFFDF80;
	s0 =	sor.u32 @!p0 $0x1C05, s1;
	s1 =	sshrl.u32 @!p0 s8, $0x3  }
0xd1: {  	[hbm:s10], [sflag:s0] =	dma.local @!p0 [spmem:s1], $0x2780  }
.Ltmp2:
0xd2: {  	_ = 	snop;
	(pc) =	sbr.rel @p1 .LBB2_1-.Ltmp2, $4  }
0xd3: {  	s0 =	simm.s32 @!p0 $0x5  }
0xd4: {  	_ =	swait.ge @!p0 [sflag:s0], $0x2780  }
0xd5: {  	[sflag:s0] =	ssyncset.done @!p0 $0x0  }
0xd6: {  	[sflag:s0] =	ssyncadd.s32 @!p0 $0xFFFFD880  }
0xd7: {  	_ =	sfence.sel $0x180000  }
0xd8: {  	[bflag:$0x0] =	sbarrier.arrive $0xFFFF  }
0xd9: {  	_ =	strace $0x9000004D  }
0xda: {  	s0 =	stileid.u32;
	[bflag:$0x2] =	sbarrier.arrive $0xFFFF  }
0xdb: {  	p0 =	sne.s32 s0, $0x0;
	s0 =	rddreg [dreg:$0x2]  }
0xdc: {  	s0 =	sadd.s32 @!p0 $0x100000, s0  }
0xdd: {  	[sflag:s0] =	ssyncadd.tile.s32 @!p0 $0x1;
	_ =	shalt  }
.Lfunc_end2:
_tile_overlayer_lowered:
.L_overlay_start_2:
0xde: {  	(tag) =	ssettag $0x2  }
0xdf: {  	s0 =	rddreg [dreg:$0x0];
	s2 =	stileid.u32  }
0xe0: {  	s1 =	rddreg [dreg:$0x1];
	p0 =	sne.s32 s2, $0x0  }
0xe1: {  	s3 =	rddreg [dreg:$0x2];
	[bflag:$0x3] =	sbarrier.arrive $0xFFFF;
	s2 =	simm.s32 @!p0 $0x1C05  }
0xe2: {  	[timem:s3], [sflag:s2] =	dma.local @!p0 [hbm:s0], s1  }
0xe3: {  	s0 =	simm.s32 @!p0 $0x5  }
0xe4: {  	_ =	swait.ge @!p0 [sflag:s0], s1  }
0xe5: {  	s1 =	ssub.s32 @!p0 $0x0, s1;
	[sflag:s0] =	ssyncset.done @!p0 $0x0  }
0xe6: {  	[sflag:s0] =	ssyncadd.s32 @!p0 s1  }
0xe7: {  	[bflag:$0x3] =	sbarrier.arrive $0xFFFF  }
0xe8: {  	_ =	shalt  }

// kernel: kernel.20.cloned.1.call-start
scs
__scs_entry_jumppad:
0x0: {  	(pc) =	sbr.rel $0x88, $3  }
0x1: {  	(tag) =	ssettag $0x0;
	lr =	simm.s32 $0x1  }
0x2: {  	[smem:$0x3F91] =	sst lr;
	_ =	strace $0xD0000000  }
0x3: {  	_ = 	snop  }
0x4: {  	_ = 	snop  }
0x5: {  	_ = 	snop  }
0x6: {  	_ = 	snop  }
0x7: {  	_ = 	snop  }
__scs_overlays_trampoline_lowered:
0x8: {  	[smem:$0x3FA0] =	sst s0  }
0x9: {  	[smem:$0x3FA1] =	sst s1  }
0xa: {  	[smem:$0x3FA2] =	sst s2  }
0xb: {  	[smem:$0x3FA3] =	sst s3  }
0xc: {  	[smem:$0x3FA4] =	sst s4  }
0xd: {  	[smem:$0x3FA5] =	sst s5  }
0xe: {  	[smem:$0x3FA6] =	sst s6  }
0xf: {  	[smem:$0x3FA7] =	sst s7  }
0x10: {  	[smem:$0x3FA8] =	sst s8  }
0x11: {  	[smem:$0x3FA9] =	sst s9;
	s0 =	simm.s32 @!p0 $0x0  }
0x12: {  	s1 =	sld [smem:$0x3F8F];
	s0 =	simm.s32 @p0 $0x1  }
0x13: {  	[smem:$0x3FAA] =	sst s0;
	s0 =	simm.s32 @!p1 $0x0  }
0x14: {  	s2 =	sld [smem:$0x3F8E];
	s0 =	simm.s32 @p1 $0x1  }
0x15: {  	[smem:$0x3FAB] =	sst s0;
	s0 =	simm.s32 @!p2 $0x0  }
0x16: {  	s3 =	sld [smem:$0x3FDB];
	s0 =	simm.s32 @p2 $0x1  }
0x17: {  	s4 =	simm.s32 $0x1BF5;
	[smem:$0x3FAD] =	sst s0  }
0x18: {  	s0 =	sld [smem:$0x3F90];
	_ =	swait.ge [sflag:s4], $0x0  }
0x19: {  	s7 =	sld [smem:$0x3F91]  }
0x1a: {  	s8 =	sadd.s32 $0xFFFFE003, lr  }
0x1b: {  	s9 =	sadd.s32 $0xFFFFFEF7, lr;
	s5 =	simm.s32 $0xFFFFFFFF;
	p2 =	slt.u32 s8, $0xFFFFF086  }
0x1c: {  	p1 =	slt.u32 s9, $0xF7A;
	s5 =	simm.s32 @!p2 $0x0  }
0x1d: {  	s5 =	simm.s32 @p1 $0x1;
	p0 =	seq.s32 s7, s2  }
0x1e: {  	s7 =	smul.u32 @!p0 $0xF7A, s2;
	p2 =	seq.s32 @!p0 s5, $0x0  }
0x1f: {  	s9 =	smul.u32 $0xF7A, s1;
	s8 =	simm.s32 @!p0 $0x1BF5;
	p2 =	por !p2, p0  }
0x20: {  	[sflag:s8] =	ssyncset.s32 @!p0 $0xFFFFF086;
	s6 =	sadd.s32 @!p0 s3, s7;
	s7 =	simm.s32 @!p0 $0x108  }
0x21: {  	s3 =	sadd.s32 s3, s9;
	s6 =	sadd.s32 @!p0 $0x88, s6;
	s7 =	simm.s32 @p2 $0x1082  }
0x22: {  	[simem:s7], [sflag:s8] =	dma.local @!p0 [hbm:s6], $0xF7A  }
0x23: {  	s9 =	sor.u32 $0xD0000000, s2;
	s6 =	simm.s32 $0x108;
	_ =	swait.ge @!p0 [sflag:s8], $0x0  }
0x24: {  	s3 =	sadd.s32 $0x88, s3;
	s6 =	simm.s32 @!p1 $0x1082;
	[sflag:s4] =	ssyncset.s32 $0xFFFFF086  }
0x25: {  	[simem:s6], [sflag:s4] =	dma.local [hbm:s3], $0xF7A  }
0x26: {  	[smem:$0x3F91] =	sst s1;
	(tag) =	ssettag s2;
	_ =	strace s9  }
0x27: {  	s1 =	sld [smem:$0x3FA1]  }
0x28: {  	s2 =	sld [smem:$0x3FA2]  }
0x29: {  	s4 =	sld [smem:$0x3FA4]  }
0x2a: {  	p0 =	seq.s32 s5, $0x0;
	s5 =	sld [smem:$0x3FA5]  }
0x2b: {  	s6 =	sld [smem:$0x3FA6]  }
0x2c: {  	s7 =	sld [smem:$0x3FA7]  }
0x2d: {  	s3 =	simm.s32 $0x108;
	s8 =	sld [smem:$0x3FA8]  }
0x2e: {  	s3 =	simm.s32 @!p0 $0x1082;
	s9 =	sld [smem:$0x3FA9]  }
0x2f: {  	lr =	sadd.s32 s0, s3;
	s0 =	sld [smem:$0x3FA0]  }
0x30: {  	s3 =	sld [smem:$0x3FA3]  }
0x31: {  	[smem:$0x3FAC] =	sst s10  }
0x32: {  	s10 =	sld [smem:$0x3FAA];
	_ =	sdelay $0x3  }
0x33: {  	p0 =	seq.s32 s10, $0x1;
	s10 =	sld [smem:$0x3FAC];
	_ =	sdelay $0x3  }
0x34: {  	[smem:$0x3FAC] =	sst s10  }
0x35: {  	s10 =	sld [smem:$0x3FAB];
	_ =	sdelay $0x3  }
0x36: {  	p1 =	seq.s32 s10, $0x1;
	s10 =	sld [smem:$0x3FAC];
	_ =	sdelay $0x3  }
0x37: {  	[smem:$0x3FAC] =	sst s10  }
0x38: {  	s10 =	sld [smem:$0x3FAD]  }
0x39: {  	_ = 	snop;
	(pc) =	sbr.ind lr, $3  }
0x3a: {  	_ = 	snop  }
0x3b: {  	_ = 	snop  }
0x3c: {  	p2 =	seq.s32 s10, $0x1;
	s10 =	sld [smem:$0x3FAC]  }
0x3d: {  	_ =	shalt  }
0x3e: {  	_ =	shalt  }
0x3f: {  	_ =	shalt  }
0x40: {  	_ =	shalt  }
0x41: {  	_ =	shalt  }
0x42: {  	_ =	shalt  }
0x43: {  	_ =	shalt  }
0x44: {  	_ =	shalt  }
0x45: {  	_ =	shalt  }
0x46: {  	_ =	shalt  }
0x47: {  	_ =	shalt  }
0x48: {  	_ =	shalt  }
0x49: {  	_ =	shalt  }
0x4a: {  	_ =	shalt  }
0x4b: {  	_ =	shalt  }
0x4c: {  	_ =	shalt  }
0x4d: {  	_ =	shalt  }
0x4e: {  	_ =	shalt  }
0x4f: {  	_ =	shalt  }
0x50: {  	_ =	shalt  }
0x51: {  	_ =	shalt  }
0x52: {  	_ =	shalt  }
0x53: {  	_ =	shalt  }
0x54: {  	_ =	shalt  }
0x55: {  	_ =	shalt  }
0x56: {  	_ =	shalt  }
0x57: {  	_ =	shalt  }
0x58: {  	_ =	shalt  }
0x59: {  	_ =	shalt  }
0x5a: {  	_ =	shalt  }
0x5b: {  	_ =	shalt  }
0x5c: {  	_ =	shalt  }
0x5d: {  	_ =	shalt  }
0x5e: {  	_ =	shalt  }
0x5f: {  	_ =	shalt  }
0x60: {  	_ =	shalt  }
0x61: {  	_ =	shalt  }
0x62: {  	_ =	shalt  }
0x63: {  	_ =	shalt  }
0x64: {  	_ =	shalt  }
0x65: {  	_ =	shalt  }
0x66: {  	_ =	shalt  }
0x67: {  	_ =	shalt  }
0x68: {  	_ =	shalt  }
0x69: {  	_ =	shalt  }
0x6a: {  	_ =	shalt  }
0x6b: {  	_ =	shalt  }
0x6c: {  	_ =	shalt  }
0x6d: {  	_ =	shalt  }
0x6e: {  	_ =	shalt  }
0x6f: {  	_ =	shalt  }
0x70: {  	_ =	shalt  }
0x71: {  	_ =	shalt  }
0x72: {  	_ =	shalt  }
0x73: {  	_ =	shalt  }
0x74: {  	_ =	shalt  }
0x75: {  	_ =	shalt  }
0x76: {  	_ =	shalt  }
0x77: {  	_ =	shalt  }
0x78: {  	_ =	shalt  }
0x79: {  	_ =	shalt  }
0x7a: {  	_ =	shalt  }
0x7b: {  	_ =	shalt  }
0x7c: {  	_ =	shalt  }
0x7d: {  	_ =	shalt  }
0x7e: {  	_ =	shalt  }
0x7f: {  	_ =	shalt  }
0x80: {  	_ =	shalt  }
0x81: {  	_ =	shalt  }
0x82: {  	_ =	shalt  }
0x83: {  	_ =	shalt  }
0x84: {  	_ =	shalt  }
0x85: {  	_ =	shalt  }
0x86: {  	_ =	shalt  }
0x87: {  	_ =	shalt  }
.Lfunc_end0:
.L_simem_size_0:
called_computation.3_lowered:
.L_overlay_start_0:
0x88: {  	s2 =	sld [smem:$0x3FD9]  }
0x89: {  	s3 =	sld [smem:$0x3FFE];
	_ =	sdelay $0x1  }
0x8a: {  	s1 =	srdreg.scid  }
0x8b: {  	s0 =	sand.u32 $0x1, s1  }
0x8c: {  	s16 =	sshll.u32 s0, $0xA;
	s2 =	sadd.s32 s3, s2  }
0x8d: {  	s2 =	sadd.s32 s2, s16  }
0x8e: {  	[smem:$0x3FB8] =	sst s2  }
0x8f: {  	_ = 	snop  }
0x90: {  	(tm) =	ssettm $0x1  }
0x91: {  	s17 =	sld [smem:$0x3FFB];
	_ =	sdelay $0x3  }
0x92: {  	_ =	strace s17  }
0x93: {  	s2 =	sld [smem:$0x3FFC];
	_ =	sdelay $0x3  }
0x94: {  	_ =	strace s2  }
0x95: {  	s2 =	sld [smem:$0x3FFD];
	_ =	sdelay $0x3  }
0x96: {  	_ =	strace s2  }
0x97: {  	_ =	strace $0x8FFFFFFF  }
0x98: {  	s18 =	sld [smem:$0x3FDB];
	_ =	sdelay $0x1  }
0x99: {  	s19 =	simm.s32 $_scs_section_size  }
0x9a: {  	s4 =	simm.s32 $_size__tile_overlayer_lowered;
	s5 =	simm.s32 $_tile_overlayer_lowered  }
0x9b: {  	s22 =	simm.s32 $0x1BFF;
	s21 =	sshll.u32 s5, $0x1;
	s2 =	sadd.s32 s19, s18  }
0x9c: {  	s6 =	simm.s32 $0x0;
	s20 =	sshll.u32 s4, $0x1;
	s4 =	sadd.s32 s21, s2  }
0x9d: {  	[timem:s6], [sflag:s22] =	dma.local [hbm:s4], s20  }
0x9e: {  	_ =	swait.ge [sflag:s22], s20  }
0x9f: {  	s3 =	ssub.s32 $0x0, s20;
	[sflag:s22] =	ssyncset.done $0x0  }
0xa0: {  	[sflag:s22] =	ssyncadd.s32 s3;
	_ =	sdelay $0x1  }
0xa1: {  	s23 =	simm.s32 $0x1B8B  }
0xa2: {  	_ =	swait.ge [sflag:s23], $0x1  }
0xa3: {  	[sflag:s23] =	ssyncset.done $0x0  }
0xa4: {  	s25 =	simm.s32 $0x1B8E;
	s24 =	sld [smem:$0x3FFE];
	[sflag:s23] =	ssyncadd.s32 $0xFFFFFFFF  }
0xa5: {  	s26 =	simm.s32 $execute0_lowered;
	[smem:$0x3FD2] =	sst s25  }
0xa6: {  	s4 =	sshll.u32 s26, $0x1;
	_ =	strace $0x8000004F;
	[dreg:$0x1] =	wrdreg $0xFFFFFFFF  }
0xa7: {  	s28 =	simm.s32 $_size_execute0_lowered;
	s2 =	sadd.s32 s2, s4;
	[dreg:$0x0] =	wrdreg $0x0  }
0xa8: {  	s4 =	sshll.u32 s28, $0x1;
	[dreg:$0x2] =	wrdreg s2  }
0xa9: {  	[dreg:$0x3] =	wrdreg s4  }
0xaa: {  	[dreg:$0x4] =	wrdreg $0xC0  }
0xab: {  	_ =	task [dreg:s6], $0x5FFFF  }
0xac: {  	[dreg:$0x1] =	wrdreg $0xFFFFFFFF  }
0xad: {  	[dreg:$0x0] =	wrdreg $0x60  }
0xae: {  	[dreg:$0x2] =	wrdreg s24  }
0xaf: {  	[dreg:$0x3] =	wrdreg $0xAD000  }
0xb0: {  	[dreg:$0x4] =	wrdreg $0x9  }
0xb1: {  	_ =	task.clear_ibuf [dreg:s6], $0x5FFFF;
	_ =	strace $0x9000004F  }
0xb2: {  	s29 =	simm.s32 $0x9;
	_ =	strace $0x80000051  }
0xb3: {  	_ =	swait.ge [sflag:s29], $0x1  }
0xb4: {  	[sflag:s29] =	ssyncadd.s32 $0xFFFFFFFF  }
0xb5: {  	_ =	strace $0x90000051  }
0xb6: {  	_ =	sfence  }
0xb7: {  	s30 =	sld [smem:$0x0];
	_ =	sdelay $0x2  }
0xb8: {  	s31 =	sshll.u32 s1, $0xD;
	s1 =	sshrl.u32 s1, $0x2  }
0xb9: {  	s3 =	sand.u32 $0x4000, s31;
	s1 =	sadd.s32 s1, s30  }
0xba: {  	s0 =	sor.u32 s3, s0;
	s1 =	sshll.u32 s1, $0x11  }
0xbb: {  	s0 =	sor.u32 s1, s0  }
0xbc: {  	s0 =	sadd.s32 $0x8F2B, s0  }
0xbd: {  	[sflag:s0] =	ssyncadd.remote.s32 $0x1  }
0xbe: {  	_ =	sfence.sel $0xFFFF  }
0xbf: {  	[dreg:$0x0] =	wrdreg $0xFFFFFFFF;
	(pc) =	sbr.abs _section_cstart, $3  }
0xc0: {  	[dreg:$0x1] =	wrdreg $0xFFFFFFFF  }
0xc1: {  	_ =	task.clear_ibuf [dreg:s6], $0x2FFFF;
	_ =	strace $0x9FFFFFFF  }
0xc2: {  	(tm) =	ssettm $0x7FFFFFFF  }
0xc3: {  	_ =	shalt  }
tec
execute0_lowered:
.L_overlay_start_1:
0x0: {  	(tag) =	ssettag $0x1  }
0x1: {  	s0 =	srdreg.scid;
	s1 =	rddreg [dreg:$0x0]  }
0x2: {  	s2 =	rddreg [dreg:$0x1];
	s26 =	stileid.u32  }
0x3: {  	s3 =	simm.s32 $0x0;
	s15 =	simm.s32 $0xA900;
	s16 =	simm.s32 $0x2800  }
0x4: {  	s17 =	simm.s32 $0x2900;
	s18 =	simm.s32 $0x2880;
	s19 =	simm.s32 $0x80  }
0x5: {  	s20 =	simm.s32 $0x6900;
	s21 =	simm.s32 $0x3;
	s22 =	simm.s32 $0x1  }
0x6: {  	s23 =	simm.s32 $0x4;
	s24 =	simm.s32 $0x2;
	s28 =	simm.s32 $0x0  }
0x7: {  	s0 =	sand.u32 $0x1, s0;
	[smem:$0x7FF] =	sst s3;
	s7 =	smul.u32 $0x4F000, s26  }
0x8: {  	s5 =	sadd.s32 $0x18800, s1;
	s6 =	sadd.s32 $0x4800, s1;
	s12 =	smul.u32 $0x2780, s26  }
0x9: {  	s25 =	sadd.s32 $0x128400, s2;
	s4 =	sshll.u32 s0, $0x4;
	s10 =	smul.u32 $0x27100, s0  }
0xa: {  	s11 =	ssub.s32 $0x2, s0;
	s0 =	smul.u32 $0x138800, s0;
	s4 =	sor.u32 s26, s4  }
0xb: {  	p0 =	seq.s32 s26, $0xF;
	_ =	strace $0x80000050;
	s4 =	smul.u32 $0x2800, s4  }
0xc: {  	s25 =	sshrl.u32 @p0 s25, $0x3;
	s13 =	sshrl.u32 s11, $0x1;
	s14 =	sshrl.u32 s7, $0x2  }
0xd: {  	s13 =	ssub.s32 s11, s13;
	s10 =	sadd.s32 s12, s10;
	s9 =	sshrl.u32 s4, $0x3  }
0xe: {  	s0 =	sshrl.u32 s0, $0x3;
	s12 =	smax.u32 s13, $0x1;
	s8 =	sadd.s32 s9, s1  }
0xf: {  	s1 =	sadd.s32 $0x3FA00, s1;
	s9 =	sadd.s32 s6, s9;
	s7 =	sadd.s32 $0xE800, s8  }
0x10: {  	s8 =	sadd.s32 s14, s2;
	s10 =	sadd.s32 s1, s10;
	s0 =	sadd.s32 s1, s0  }
0x11: {  	v0 =	vimm.f32 $0.0e+00;
	s13 =	sadd.s32 $0x4F0, s9;
	s14 =	simm.s32 $0x5;
	s11 =	sadd.s32 $0x25080, s0  }
.LBB2_1:
0x12: {  	[tilespmem:$0xA900] =	vst v0  }
0x13: {  	[tilespmem:$0xA910] =	vst v0  }
0x14: {  	[tilespmem:$0xA920] =	vst v0  }
0x15: {  	[tilespmem:$0xA930] =	vst v0  }
0x16: {  	[tilespmem:$0xA940] =	vst v0  }
0x17: {  	[tilespmem:$0xA950] =	vst v0  }
0x18: {  	[tilespmem:$0xA960] =	vst v0  }
0x19: {  	[tilespmem:$0xA970] =	vst v0  }
0x1a: {  	[tilespmem:$0xA980] =	vst v0  }
0x1b: {  	[tilespmem:$0xA990] =	vst v0  }
0x1c: {  	[tilespmem:$0xA9A0] =	vst v0  }
0x1d: {  	[tilespmem:$0xA9B0] =	vst v0  }
0x1e: {  	[tilespmem:$0xA9C0] =	vst v0  }
0x1f: {  	[tilespmem:$0xA9D0] =	vst v0  }
0x20: {  	[tilespmem:$0xA9E0] =	vst v0  }
0x21: {  	[tilespmem:$0xA9F0] =	vst v0  }
0x22: {  	[tilespmem:$0xAA00] =	vst v0  }
0x23: {  	[tilespmem:$0xAA10] =	vst v0  }
0x24: {  	[tilespmem:$0xAA20] =	vst v0  }
0x25: {  	[tilespmem:$0xAA30] =	vst v0  }
0x26: {  	[tilespmem:$0xAA40] =	vst v0  }
0x27: {  	[tilespmem:$0xAA50] =	vst v0  }
0x28: {  	[tilespmem:$0xAA60] =	vst v0  }
0x29: {  	[tilespmem:$0xAA70] =	vst v0  }
0x2a: {  	[tilespmem:$0xAA80] =	vst v0  }
0x2b: {  	[tilespmem:$0xAA90] =	vst v0  }
0x2c: {  	[tilespmem:$0xAAA0] =	vst v0  }
0x2d: {  	[tilespmem:$0xAAB0] =	vst v0  }
0x2e: {  	[tilespmem:$0xAAC0] =	vst v0  }
0x2f: {  	[tilespmem:$0xAAD0] =	vst v0  }
0x30: {  	[tilespmem:$0xAAE0] =	vst v0  }
0x31: {  	[tilespmem:$0xAAF0] =	vst v0  }
0x32: {  	[tilespmem:$0xAB00] =	vst v0  }
0x33: {  	[tilespmem:$0xAB10] =	vst v0  }
0x34: {  	[tilespmem:$0xAB20] =	vst v0  }
0x35: {  	[tilespmem:$0xAB30] =	vst v0  }
0x36: {  	[tilespmem:$0xAB40] =	vst v0  }
0x37: {  	[tilespmem:$0xAB50] =	vst v0  }
0x38: {  	[tilespmem:$0xAB60] =	vst v0  }
0x39: {  	[tilespmem:$0xAB70] =	vst v0  }
0x3a: {  	[tilespmem:$0xAB80] =	vst v0  }
0x3b: {  	[tilespmem:$0xAB90] =	vst v0  }
0x3c: {  	[tilespmem:$0xABA0] =	vst v0  }
0x3d: {  	[tilespmem:$0xABB0] =	vst v0  }
0x3e: {  	[tilespmem:$0xABC0] =	vst v0  }
0x3f: {  	[tilespmem:$0xABD0] =	vst v0  }
0x40: {  	[tilespmem:$0xABE0] =	vst v0  }
0x41: {  	[tilespmem:$0xABF0] =	vst v0  }
0x42: {  	[tilespmem:$0xAC00] =	vst v0  }
0x43: {  	[tilespmem:$0xAC10] =	vst v0  }
0x44: {  	[tilespmem:$0xAC20] =	vst v0  }
0x45: {  	[tilespmem:$0xAC30] =	vst v0  }
0x46: {  	[tilespmem:$0xAC40] =	vst v0  }
0x47: {  	[tilespmem:$0xAC50] =	vst v0  }
0x48: {  	[tilespmem:$0xAC60] =	vst v0  }
0x49: {  	[tilespmem:$0xAC70] =	vst v0  }
0x4a: {  	[tilespmem:$0xAC80] =	vst v0  }
0x4b: {  	[tilespmem:$0xAC90] =	vst v0  }
0x4c: {  	[tilespmem:$0xACA0] =	vst v0  }
0x4d: {  	[tilespmem:$0xACB0] =	vst v0  }
0x4e: {  	[tilespmem:$0xACC0] =	vst v0  }
0x4f: {  	[tilespmem:$0xACD0] =	vst v0  }
0x50: {  	[tilespmem:$0xACE0] =	vst v0  }
0x51: {  	[tilespmem:$0xACF0] =	vst v0  }
0x52: {  	[tilespmem:s3], [sflag:$0x5] =	stream.linear.gather [hbm4b:s7+s3], $0x2800, $0x38;
	[tilespmem:$0x1E900] =	vst v63  }
0x53: {  	_ =	swait.ge [sflag:s14], $0x2800  }
0x54: {  	[sflag:s14] =	ssyncset.done $0x0  }
0x55: {  	s0 =	sadd.s32 $0x0, s8;
	[sflag:s14] =	ssyncadd.s32 $0xFFFFD800  }
0x56: {  	[spmem:s0] =	stream.linear.scatter [tilespmem:s15], [sflag:$0x5], $0x400, $0x38;
	[tilespmem:$0x1E900] =	vst v63  }
0x57: {  	s0 =	simm.s32 $0x1000;
	_ =	swait.ge [sflag:s14], $0x400  }
.LBB2_2:
0x58: {  	s1 =	sshra.s32 s0, $0x2;
	[sflag:s14] =	ssyncset.done $0x0;
	p1 =	sne.s32 s0, $0x4E000  }
.Ltmp0:
0x59: {  	s1 =	sadd.s32 s1, s8;
	[sflag:s14] =	ssyncadd.s32 $0xFFFFFC00;
	(pc) =	sbr.rel @p1 .LBB2_2-.Ltmp0, $3  }
0x5a: {  	[spmem:s1] =	stream.linear.scatter [tilespmem:s15], [sflag:$0x5], $0x400, $0x38;
	[tilespmem:$0x1E900] =	vst v63  }
0x5b: {  	s0 =	sadd.s32 $0x1000, s0;
	_ =	sdelay $0x1  }
0x5c: {  	_ =	swait.ge [sflag:s14], $0x400  }
0x5d: {  	[sflag:s14] =	ssyncset.done $0x0;
	s0 =	simm.s32 $0x0  }
0x5e: {  	s1 =	simm.s32 $0x80;
	[sflag:s14] =	ssyncadd.s32 $0xFFFFFC00;
	s0 =	sand.u32 $0x3C00, s0  }
0x5f: {  	s1 =	sand.u32 $0x380, s1;
	[bflag:$0x0] =	sbarrier.arrive $0xFFFF;
	s0 =	sadd.s32 s4, s0  }
0x60: {  	[tilespmem:s16], [sflag:$0x3] =	stream.linear.gather [hbm4b:s9+s3], $0x80, $0x38;
	[tilespmem:$0x1E900] =	vst v63  }
0x61: {  	s0 =	sor.u32 s0, s1  }
0x62: {  	s29 =	simm.s32 $0x80;
	s0 =	sshrl.u32 s0, $0x3  }
0x63: {  	[tilespmem:s17], [sflag:$0x1] =	stream.indirect.gather [hbm4b:s5+s29], $0x80, s3, s29, $0xb8;
	[tilespmem:$0x1E900] =	vst v63  }
0x64: {  	s0 =	sadd.s32 s6, s0  }
0x65: {  	[tilespmem:s18], [sflag:$0x4] =	stream.linear.gather [hbm4b:s0+s3], $0x80, $0x38;
	[tilespmem:$0x1E900] =	vst v63  }
0x66: {  	_ = 	snop  }
0x67: {  	[tilespmem:s20], [sflag:$0x2] =	stream.indirect.gather [hbm4b:s5+s19], $0x80, s29, s19, $0xb8;
	[tilespmem:$0x1E900] =	vst v63  }
0x68: {  	_ =	swait.ge [sflag:s21], $0x80  }
0x69: {  	[sflag:s21] =	ssyncset.done $0x0  }
0x6a: {  	[sflag:s21] =	ssyncadd.s32 $0xFFFFFF80  }
0x6b: {  	s0 =	simm.s32 $0x100;
	_ =	swait.ge [sflag:s22], $0x4000  }
0x6c: {  	s26 =	sand.u32 $0x7C00, s0;
	[sflag:s22] =	ssyncset.done $0x0  }
0x6d: {  	s0 =	sand.u32 $0x300, s0;
	s1 =	sadd.s32 s4, s26;
	[sflag:s22] =	ssyncadd.s32 $0xFFFFC000  }
0x6e: {  	[spmem:s2] =	stream.indirect.scatter.add.f32 [tilespmem:s17], [sflag:$0x5], $0x80, s16, s19, $0xb8;
	[tilespmem:$0x1E900] =	vst v63  }
0x6f: {  	s0 =	sor.u32 s0, s1;
	_ =	swait.ge [sflag:s14], $0x4000  }
0x70: {  	s0 =	sshrl.u32 s0, $0x3;
	[sflag:s14] =	ssyncset.done $0x0  }
0x71: {  	s0 =	sadd.s32 s6, s0;
	[sflag:s14] =	ssyncadd.s32 $0xFFFFC000  }
0x72: {  	[tilespmem:s16], [sflag:$0x3] =	stream.linear.gather [hbm4b:s0+s3], $0x80, $0x38;
	[tilespmem:$0x1E900] =	vst v63  }
0x73: {  	s26 =	simm.s32 $0x100  }
0x74: {  	[tilespmem:s17], [sflag:$0x1] =	stream.indirect.gather [hbm4b:s5+s19], $0x80, s26, s19, $0xb8;
	[tilespmem:$0x1E900] =	vst v63  }
0x75: {  	s1 =	simm.s32 $0x100;
	_ =	swait.ge [sflag:s23], $0x80  }
0x76: {  	s0 =	sand.u32 $0x3C00, s1;
	s26 =	simm.s32 $0x180;
	[sflag:s23] =	ssyncset.done $0x0  }
0x77: {  	s0 =	sadd.s32 s4, s0;
	s1 =	sand.u32 $0x380, s26;
	[sflag:s23] =	ssyncadd.s32 $0xFFFFFF80  }
0x78: {  	s30 =	simm.s32 $0x200;
	s0 =	sor.u32 s0, s1;
	_ =	swait.ge [sflag:s24], $0x4000  }
0x79: {  	s31 =	simm.s32 $0x300;
	s0 =	sshrl.u32 s0, $0x3;
	[sflag:s24] =	ssyncset.done $0x0  }
.LBB2_4:
0x7a: {  	[sflag:s24] =	ssyncadd.s32 $0xFFFFC000  }
0x7b: {  	s29 =	sadd.s32 $0x100, s29;
	s26 =	smov.u32 s31;
	s1 =	sadd.s32 $0x100, s31  }
0x7c: {  	[spmem:s2] =	stream.indirect.scatter.add.f32 [tilespmem:s20], [sflag:$0x5], $0x80, s18, s19, $0xb8;
	[tilespmem:$0x1E900] =	vst v63  }
0x7d: {  	p1 =	sne.s32 s31, $0x2700;
	_ =	swait.ge [sflag:s14], $0x4000  }
0x7e: {  	s0 =	sadd.s32 s6, s0;
	[sflag:s14] =	ssyncset.done $0x0  }
0x7f: {  	[sflag:s14] =	ssyncadd.s32 $0xFFFFC000  }
0x80: {  	[tilespmem:s18], [sflag:$0x4] =	stream.linear.gather [hbm4b:s0+s3], $0x80, $0x38;
	[tilespmem:$0x1E900] =	vst v63  }
0x81: {  	_ = 	snop  }
0x82: {  	[tilespmem:s20], [sflag:$0x2] =	stream.indirect.gather [hbm4b:s5+s19], $0x80, s29, s19, $0xb8;
	[tilespmem:$0x1E900] =	vst v63  }
0x83: {  	_ =	swait.ge [sflag:s21], $0x80  }
0x84: {  	[sflag:s21] =	ssyncset.done $0x0  }
0x85: {  	[sflag:s21] =	ssyncadd.s32 $0xFFFFFF80  }
0x86: {  	_ =	swait.ge [sflag:s22], $0x4000  }
0x87: {  	s0 =	sand.u32 $0x7C00, s30;
	[sflag:s22] =	ssyncset.done $0x0  }
0x88: {  	s30 =	sand.u32 $0x300, s30;
	s0 =	sadd.s32 s4, s0;
	[sflag:s22] =	ssyncadd.s32 $0xFFFFC000  }
0x89: {  	[spmem:s2] =	stream.indirect.scatter.add.f32 [tilespmem:s17], [sflag:$0x5], $0x80, s16, s19, $0xb8;
	[tilespmem:$0x1E900] =	vst v63  }
0x8a: {  	s0 =	sor.u32 s30, s0;
	s30 =	smov.u32 s26;
	_ =	swait.ge [sflag:s14], $0x4000  }
0x8b: {  	s0 =	sshrl.u32 s0, $0x3;
	[sflag:s14] =	ssyncset.done $0x0  }
0x8c: {  	s26 =	sadd.s32 $0x80, s29;
	s0 =	sadd.s32 s6, s0;
	[sflag:s14] =	ssyncadd.s32 $0xFFFFC000  }
0x8d: {  	[tilespmem:s16], [sflag:$0x3] =	stream.linear.gather [hbm4b:s0+s3], $0x80, $0x38;
	[tilespmem:$0x1E900] =	vst v63  }
0x8e: {  	_ = 	snop  }
0x8f: {  	[tilespmem:s17], [sflag:$0x1] =	stream.indirect.gather [hbm4b:s5+s19], $0x80, s26, s19, $0xb8;
	[tilespmem:$0x1E900] =	vst v63  }
.Ltmp1:
0x90: {  	s0 =	sadd.s32 $0xFFFFFF00, s30;
	_ =	swait.ge [sflag:s23], $0x80;
	(pc) =	sbr.rel @p1 .LBB2_4-.Ltmp1, $4  }
0x91: {  	s0 =	sand.u32 $0x3C00, s0;
	s26 =	sadd.s32 $0xFFFFFF80, s30;
	[sflag:s23] =	ssyncset.done $0x0  }
0x92: {  	s0 =	sadd.s32 s4, s0;
	s26 =	sand.u32 $0x380, s26;
	[sflag:s23] =	ssyncadd.s32 $0xFFFFFF80  }
0x93: {  	s0 =	sor.u32 s0, s26;
	_ =	swait.ge [sflag:s24], $0x4000  }
0x94: {  	s31 =	smov.u32 s1;
	s0 =	sshrl.u32 s0, $0x3;
	[sflag:s24] =	ssyncset.done $0x0  }
0x95: {  	[sflag:s24] =	ssyncadd.s32 $0xFFFFC000  }
0x96: {  	[spmem:s2] =	stream.indirect.scatter.add.f32 [tilespmem:s20], [sflag:$0x5], $0x80, s18, s19, $0xb8;
	[tilespmem:$0x1E900] =	vst v63  }
0x97: {  	_ =	swait.ge [sflag:s14], $0x4000  }
0x98: {  	[sflag:s14] =	ssyncset.done $0x0  }
0x99: {  	s0 =	sadd.s32 s6, s0;
	[sflag:s14] =	ssyncadd.s32 $0xFFFFC000  }
0x9a: {  	[tilespmem:s18], [sflag:$0x4] =	stream.linear.gather [hbm4b:s0+s3], $0x80, $0x38;
	[tilespmem:$0x1E900] =	vst v63  }
0x9b: {  	s29 =	sadd.s32 $0x100, s29  }
0x9c: {  	[tilespmem:s20], [sflag:$0x2] =	stream.indirect.gather [hbm4b:s5+s19], $0x80, s29, s19, $0xb8;
	[tilespmem:$0x1E900] =	vst v63  }
0x9d: {  	_ =	swait.ge [sflag:s21], $0x80  }
0x9e: {  	[sflag:s21] =	ssyncset.done $0x0  }
0x9f: {  	[sflag:s21] =	ssyncadd.s32 $0xFFFFFF80  }
0xa0: {  	_ =	swait.ge [sflag:s22], $0x4000  }
0xa1: {  	s1 =	sand.u32 $0x7C00, s30;
	[sflag:s22] =	ssyncset.done $0x0  }
0xa2: {  	s26 =	sand.u32 $0x300, s30;
	s1 =	sadd.s32 s4, s1;
	[sflag:s22] =	ssyncadd.s32 $0xFFFFC000  }
0xa3: {  	[spmem:s2] =	stream.indirect.scatter.add.f32 [tilespmem:s17], [sflag:$0x5], $0x80, s16, s19, $0xb8;
	[tilespmem:$0x1E900] =	vst v63  }
0xa4: {  	s1 =	sor.u32 s26, s1;
	_ =	swait.ge [sflag:s14], $0x4000  }
0xa5: {  	s1 =	sshrl.u32 s1, $0x3;
	[sflag:s14] =	ssyncset.done $0x0  }
0xa6: {  	s1 =	sadd.s32 s6, s1;
	[sflag:s14] =	ssyncadd.s32 $0xFFFFC000  }
0xa7: {  	[tilespmem:s16], [sflag:$0x3] =	stream.linear.gather [hbm4b:s1+s3], $0x80, $0x38;
	[tilespmem:$0x1E900] =	vst v63  }
0xa8: {  	s0 =	sadd.s32 $0x80, s29  }
0xa9: {  	[tilespmem:s17], [sflag:$0x1] =	stream.indirect.gather [hbm4b:s5+s19], $0x80, s0, s19, $0xb8;
	[tilespmem:$0x1E900] =	vst v63  }
0xaa: {  	_ =	swait.ge [sflag:s23], $0x80  }
0xab: {  	[sflag:s23] =	ssyncset.done $0x0  }
0xac: {  	[sflag:s23] =	ssyncadd.s32 $0xFFFFFF80  }
0xad: {  	_ =	swait.ge [sflag:s24], $0x4000  }
0xae: {  	[sflag:s24] =	ssyncset.done $0x0  }
0xaf: {  	[sflag:s24] =	ssyncadd.s32 $0xFFFFC000  }
0xb0: {  	[spmem:s2] =	stream.indirect.scatter.add.f32 [tilespmem:s20], [sflag:$0x5], $0x80, s18, s19, $0xb8;
	[tilespmem:$0x1E900] =	vst v63  }
0xb1: {  	_ =	swait.ge [sflag:s14], $0x4000  }
0xb2: {  	[sflag:s14] =	ssyncset.done $0x0  }
0xb3: {  	[sflag:s14] =	ssyncadd.s32 $0xFFFFC000  }
0xb4: {  	[tilespmem:s18], [sflag:$0x4] =	stream.linear.gather [hbm4b:s13+s3], $0x80, $0x38;
	[tilespmem:$0x1E900] =	vst v63  }
0xb5: {  	s31 =	simm.s32 $0x2780  }
0xb6: {  	[tilespmem:s20], [sflag:$0x2] =	stream.indirect.gather [hbm4b:s5+s19], $0x80, s31, s19, $0xb8;
	[tilespmem:$0x1E900] =	vst v63  }
0xb7: {  	_ =	swait.ge [sflag:s21], $0x80  }
0xb8: {  	[sflag:s21] =	ssyncset.done $0x0  }
0xb9: {  	[sflag:s21] =	ssyncadd.s32 $0xFFFFFF80  }
0xba: {  	_ =	swait.ge [sflag:s22], $0x4000  }
0xbb: {  	[sflag:s22] =	ssyncset.done $0x0  }
0xbc: {  	[sflag:s22] =	ssyncadd.s32 $0xFFFFC000  }
0xbd: {  	[spmem:s2] =	stream.indirect.scatter.add.f32 [tilespmem:s17], [sflag:$0x5], $0x80, s16, s19, $0xb8;
	[tilespmem:$0x1E900] =	vst v63  }
0xbe: {  	_ =	swait.ge [sflag:s14], $0x4000  }
0xbf: {  	[sflag:s14] =	ssyncset.done $0x0  }
0xc0: {  	[sflag:s14] =	ssyncadd.s32 $0xFFFFC000  }
0xc1: {  	_ =	swait.ge [sflag:s23], $0x80  }
0xc2: {  	[sflag:s23] =	ssyncset.done $0x0  }
0xc3: {  	[sflag:s23] =	ssyncadd.s32 $0xFFFFFF80  }
0xc4: {  	_ =	swait.ge [sflag:s24], $0x4000  }
0xc5: {  	[sflag:s24] =	ssyncset.done $0x0  }
0xc6: {  	[sflag:s24] =	ssyncadd.s32 $0xFFFFC000  }
0xc7: {  	[spmem:s2] =	stream.indirect.scatter.add.f32 [tilespmem:s20], [sflag:$0x5], $0x80, s18, s19, $0xb8;
	[tilespmem:$0x1E900] =	vst v63  }
0xc8: {  	_ =	swait.ge [sflag:s14], $0x4000  }
0xc9: {  	[sflag:s14] =	ssyncset.done $0x0  }
0xca: {  	[sflag:s14] =	ssyncadd.s32 $0xFFFFC000  }
0xcb: {  	s0 =	simm.s32 @p0 $0x1FC5;
	[bflag:$0x0] =	sbarrier.arrive $0xFFFF  }
0xcc: {  	[hbm:s11], [sflag:s0] =	dma.local @p0 [spmem:s25], $0x2080  }
0xcd: {  	s0 =	simm.s32 @p0 $0x5  }
0xce: {  	s28 =	sadd.s32 $0x1, s28;
	s1 =	stileid.u32;
	_ =	swait.ge @p0 [sflag:s0], $0x2080  }
0xcf: {  	p1 =	sne.s32 s28, s12;
	s1 =	sshll.u32 @!p0 s1, $0x6;
	[sflag:s0] =	ssyncset.done @p0 $0x0  }
0xd0: {  	[sflag:s0] =	ssyncadd.s32 @p0 $0xFFFFDF80;
	s0 =	sor.u32 @!p0 $0x1C05, s1;
	s1 =	sshrl.u32 @!p0 s8, $0x3  }
0xd1: {  	[hbm:s10], [sflag:s0] =	dma.local @!p0 [spmem:s1], $0x2780  }
.Ltmp2:
0xd2: {  	_ = 	snop;
	(pc) =	sbr.rel @p1 .LBB2_1-.Ltmp2, $4  }
0xd3: {  	s0 =	simm.s32 @!p0 $0x5  }
0xd4: {  	_ =	swait.ge @!p0 [sflag:s0], $0x2780  }
0xd5: {  	[sflag:s0] =	ssyncset.done @!p0 $0x0  }
0xd6: {  	[sflag:s0] =	ssyncadd.s32 @!p0 $0xFFFFD880  }
0xd7: {  	_ =	sfence.sel $0x180000  }
0xd8: {  	[bflag:$0x0] =	sbarrier.arrive $0xFFFF  }
0xd9: {  	_ =	strace $0x90000050  }
0xda: {  	s0 =	stileid.u32;
	[bflag:$0x2] =	sbarrier.arrive $0xFFFF  }
0xdb: {  	p0 =	sne.s32 s0, $0x0;
	s0 =	rddreg [dreg:$0x2]  }
0xdc: {  	s0 =	sadd.s32 @!p0 $0x100000, s0  }
0xdd: {  	[sflag:s0] =	ssyncadd.tile.s32 @!p0 $0x1;
	_ =	shalt  }
.Lfunc_end2:
_tile_overlayer_lowered:
.L_overlay_start_2:
0xde: {  	(tag) =	ssettag $0x2  }
0xdf: {  	s0 =	rddreg [dreg:$0x0];
	s2 =	stileid.u32  }
0xe0: {  	s1 =	rddreg [dreg:$0x1];
	p0 =	sne.s32 s2, $0x0  }
0xe1: {  	s3 =	rddreg [dreg:$0x2];
	[bflag:$0x3] =	sbarrier.arrive $0xFFFF;
	s2 =	simm.s32 @!p0 $0x1C05  }
0xe2: {  	[timem:s3], [sflag:s2] =	dma.local @!p0 [hbm:s0], s1  }
0xe3: {  	s0 =	simm.s32 @!p0 $0x5  }
0xe4: {  	_ =	swait.ge @!p0 [sflag:s0], s1  }
0xe5: {  	s1 =	ssub.s32 @!p0 $0x0, s1;
	[sflag:s0] =	ssyncset.done @!p0 $0x0  }
0xe6: {  	[sflag:s0] =	ssyncadd.s32 @!p0 s1  }
0xe7: {  	[bflag:$0x3] =	sbarrier.arrive $0xFFFF  }
0xe8: {  	_ =	shalt  }

</sc_bundles>
